<compile_context>
chip_gen: v7x
topology: tpu7x:2x2x1
jax: 0.10.2.dev20260603
libtpu: 0.0.44.dev20260713+nightly
codegen_flags: <defaults>
</compile_context>

<pallas_src>
import functools

import jax
import jax.numpy as jnp
from jax import lax
from jax.experimental import pallas as pl
from jax.experimental.pallas import tpu as pltpu
import jax.experimental.pallas.tpu_sc as plsc

N = 10000
NP = 10240
E = 320000
D_IN = 128
HID = 64
HEADS = 4
OUT = 64
NEG_SLOPE = 0.2

_BLK = 400
_R0 = 144
_R1 = 80
_NB = E // 128
_RPT = NP // 16


def _lrelu(x):
    return jnp.where(x > 0, x, NEG_SLOPE * x)



def _proj0_body(x_ref, Win_ref, bin_ref, fcW_ref, resW_ref, al_ref, ar_ref,
                F_ref, res_ref, erp_ref, gm_ref):
    i = pl.program_id(0)
    x = x_ref[...]
    h = jnp.dot(x, Win_ref[...], preferred_element_type=jnp.float32) + bin_ref[...]
    feat = jnp.dot(h, fcW_ref[...], preferred_element_type=jnp.float32)
    res_ref[...] = jnp.dot(h, resW_ref[...], preferred_element_type=jnp.float32)
    f = feat.reshape(_BLK, HEADS, HID)
    el = jnp.sum(f * al_ref[...][None], axis=-1)
    er = jnp.sum(f * ar_ref[...][None], axis=-1)
    zpad = jnp.zeros((_BLK, 16 - HEADS), jnp.float32)
    erp_ref[...] = jnp.concatenate([er, zpad], axis=1)
    @pl.when(i == 0)
    def _():
        gm_ref[...] = jnp.full((1, 16), -1e30, jnp.float32)
    gm_ref[...] = jnp.maximum(gm_ref[...], jnp.max(el))
    ones = jnp.ones((_BLK, 2), jnp.float32)
    fpad = jnp.zeros((_BLK, _R0 - 2 * HID - HEADS - 2), jnp.float32)
    F_ref[0] = jnp.concatenate([feat[:, :2 * HID], el, ones, fpad], axis=1)
    F_ref[1] = jnp.concatenate([feat[:, 2 * HID:], el, ones, fpad], axis=1)


def _proj0(x, W_in, b_in, fc_W0, res_W0, al0, ar0):
    return pl.pallas_call(
        _proj0_body,
        grid=(N // _BLK,),
        in_specs=[
            pl.BlockSpec((_BLK, D_IN), lambda i: (i, 0)),
            pl.BlockSpec((D_IN, HID), lambda i: (0, 0)),
            pl.BlockSpec((HID,), lambda i: (0,)),
            pl.BlockSpec((HID, HEADS * HID), lambda i: (0, 0)),
            pl.BlockSpec((HID, HEADS * HID), lambda i: (0, 0)),
            pl.BlockSpec((HEADS, HID), lambda i: (0, 0)),
            pl.BlockSpec((HEADS, HID), lambda i: (0, 0)),
        ],
        out_specs=[
            pl.BlockSpec((2, _BLK, _R0), lambda i: (0, i, 0)),
            pl.BlockSpec((_BLK, HEADS * HID), lambda i: (i, 0)),
            pl.BlockSpec((_BLK, 16), lambda i: (i, 0)),
            pl.BlockSpec((1, 16), lambda i: (0, 0)),
        ],
        out_shape=[
            jax.ShapeDtypeStruct((2, N, _R0), jnp.float32),
            jax.ShapeDtypeStruct((N, HEADS * HID), jnp.float32),
            jax.ShapeDtypeStruct((N, 16), jnp.float32),
            jax.ShapeDtypeStruct((1, 16), jnp.float32),
        ],
    )(x, W_in, b_in, fc_W0, res_W0, al0, ar0)


def _mid_body(Sp_ref, res_ref, bias_ref, lng_ref, lnb_ref,
              fcW1_ref, al1_ref, ar1_ref,
              F_ref, erp_ref, gm_ref):
    i = pl.program_id(0)
    Sa = Sp_ref[0]
    Sb = Sp_ref[1]
    dcol = 2 * HID + HEADS
    den = jnp.concatenate([Sa[:, dcol:dcol + 2],
                           Sb[:, dcol:dcol + 2]], axis=1)
    inv = 1.0 / jnp.maximum(den, 1e-9)
    inv = jnp.repeat(inv, HID, axis=1)
    S = jnp.concatenate([Sa[:, :2 * HID], Sb[:, :2 * HID]], axis=1)
    rst = S * inv + res_ref[...] + bias_ref[...]
    mu = jnp.mean(rst, axis=-1, keepdims=True)
    var = jnp.mean((rst - mu) ** 2, axis=-1, keepdims=True)
    hn = (rst - mu) / jnp.sqrt(var + 1e-5) * lng_ref[...] + lnb_ref[...]
    h = jnp.where(hn > 0, hn, jnp.exp(jnp.minimum(hn, 0.0)) - 1.0)
    feat = jnp.dot(h, fcW1_ref[...], preferred_element_type=jnp.float32)
    el = jnp.sum(feat * al1_ref[...], axis=-1, keepdims=True)
    er = jnp.sum(feat * ar1_ref[...], axis=-1, keepdims=True)
    zpad = jnp.zeros((_BLK, 15), jnp.float32)
    erp_ref[...] = jnp.concatenate([er, zpad], axis=1)
    @pl.when(i == 0)
    def _():
        gm_ref[...] = jnp.full((1, 16), -1e30, jnp.float32)
    gm_ref[...] = jnp.maximum(gm_ref[...], jnp.max(el))
    ones = jnp.ones((_BLK, 1), jnp.float32)
    fpad = jnp.zeros((_BLK, _R1 - OUT - 2), jnp.float32)
    F_ref[...] = jnp.concatenate([feat, el, ones, fpad], axis=1)


def _mid(S0p, res0, bias0, ln_g, ln_b, fc_W1, al1, ar1):
    return pl.pallas_call(
        _mid_body,
        grid=(N // _BLK,),
        in_specs=[
            pl.BlockSpec((2, _BLK, _R0), lambda i: (0, i, 0)),
            pl.BlockSpec((_BLK, HEADS * HID), lambda i: (i, 0)),
            pl.BlockSpec((1, HEADS * HID), lambda i: (0, 0)),
            pl.BlockSpec((1, HEADS * HID), lambda i: (0, 0)),
            pl.BlockSpec((1, HEADS * HID), lambda i: (0, 0)),
            pl.BlockSpec((HEADS * HID, OUT), lambda i: (0, 0)),
            pl.BlockSpec((1, OUT), lambda i: (0, 0)),
            pl.BlockSpec((1, OUT), lambda i: (0, 0)),
        ],
        out_specs=[
            pl.BlockSpec((_BLK, _R1), lambda i: (i, 0)),
            pl.BlockSpec((_BLK, 16), lambda i: (i, 0)),
            pl.BlockSpec((1, 16), lambda i: (0, 0)),
        ],
        out_shape=[
            jax.ShapeDtypeStruct((N, _R1), jnp.float32),
            jax.ShapeDtypeStruct((N, 16), jnp.float32),
            jax.ShapeDtypeStruct((1, 16), jnp.float32),
        ],
    )(S0p, res0, bias0, ln_g, ln_b, fc_W1, al1, ar1)


def _fin_body(Sp_ref, bias_ref, out_ref):
    agg = Sp_ref[0] + Sp_ref[1]
    den = jnp.maximum(agg[:, OUT + 1:OUT + 2], 1e-9)
    out_ref[...] = agg[:, :OUT] / den + bias_ref[...]


def _fin(S1p, bias1):
    return pl.pallas_call(
        _fin_body,
        grid=(N // _BLK,),
        in_specs=[
            pl.BlockSpec((2, _BLK, _R1), lambda i: (0, i, 0)),
            pl.BlockSpec((1, OUT), lambda i: (0, 0)),
        ],
        out_specs=pl.BlockSpec((_BLK, OUT), lambda i: (i, 0)),
        out_shape=jax.ShapeDtypeStruct((N, OUT), jnp.float32),
    )(S1p, bias1)



def _sc_mesh():
    return plsc.VectorSubcoreMesh(core_axis_name="c", subcore_axis_name="s")


_SC_PARAMS = pltpu.CompilerParams(use_tc_tiling_on_sc=False)


def _agg_kernel(r_width, heads_split, ch):
    nv = r_width // 16
    ng = ch // 16
    if heads_split:
        total_chunks = E // ch
    else:
        total_chunks = (E // 2) // ch
    nl = (total_chunks + 15) // 16
    nt2 = (nl + 1) // 2

    def body(src_hbm, dst_hbm, erp_hbm, gm_hbm, F_hbm, out_hbm,
             rows_v, er_v, src_v, dst_v, sdst_v, idx2, gm_v, S_sh,
             sl0, sl1, sg0, sg1, ss0, ss1):
        c = lax.axis_index("c")
        s = lax.axis_index("s")
        base = s * nl
        cnt = jnp.minimum(nl, total_chunks - s * nl)
        eoff0 = (0 if heads_split else c * (E // 2)) + base * ch
        sl = (sl0, sl1)
        sg = (sg0, sg1)
        ss = (ss0, ss1)

        def fire_lin(local, k):
            off = eoff0 + local * ch
            pltpu.async_copy(src_hbm.at[pl.ds(off, ch)], src_v.at[k], sl[k])
            pltpu.async_copy(dst_hbm.at[pl.ds(off, ch)], dst_v.at[k], sl[k])

        def drain_lin(k):
            pltpu.make_async_copy(src_hbm.at[pl.ds(0, ch)],
                                  src_v.at[k], sl[k]).wait()
            pltpu.make_async_copy(dst_hbm.at[pl.ds(0, ch)],
                                  dst_v.at[k], sl[k]).wait()

        def fire_gather(k):
            if heads_split:
                for g in range(ng):
                    sv = src_v[k, pl.ds(g * 16, 16)]
                    idx2[k, pl.ds(g * 16, 16)] = sv + c * N
                fidx = idx2.at[k]
            else:
                fidx = src_v.at[k]
            pltpu.async_copy(F_hbm.at[fidx], rows_v.at[k], sg[k])
            pltpu.async_copy(erp_hbm.at[dst_v.at[k]], er_v.at[k], sg[k])

        def drain_gather(k):
            pltpu.make_async_copy(F_hbm.at[pl.ds(0, ch), :],
                                  rows_v.at[k], sg[k]).wait()
            pltpu.make_async_copy(erp_hbm.at[pl.ds(0, ch), :],
                                  er_v.at[k], sg[k]).wait()

        def drain_scatter(k):
            pltpu.make_async_copy(rows_v.at[k], S_sh.at[sdst_v.at[k]],
                                  ss[k]).wait()

        def scale(k):
            def _scale_edge(j, carry):
                el = rows_v[k, j, pl.ds((nv - 1) * 16, 16)]
                er = er_v[k, j, :]
                ee = jnp.exp(_lrelu(el + er) - _lrelu(gs + er))
                if heads_split:
                    m0s = jnp.where(c == 0, ee[0], ee[2])
                    m1s = jnp.where(c == 0, ee[1], ee[3])
                    dl0, dl1 = HEADS, HEADS + 1
                else:
                    m0s = ee[0]
                    m1s = ee[0]
                    dl0, dl1 = 1, 1
                m0 = jnp.full((16,), m0s, jnp.float32)
                m1 = jnp.full((16,), m1s, jnp.float32)
                half = (nv - 1) // 2 if heads_split else nv - 1
                for w in range(nv - 1):
                    r = rows_v[k, j, pl.ds(w * 16, 16)]
                    rows_v[k, j, pl.ds(w * 16, 16)] = r * (m0 if w < half
                                                           else m1)
                io = lax.broadcasted_iota(jnp.int32, (16,), 0)
                mult = jnp.where(io == dl0, m0, jnp.where(io == dl1, m1, 0.0))
                rows_v[k, j, pl.ds((nv - 1) * 16, 16)] = el * mult
                return 0

            lax.fori_loop(0, ch, _scale_edge, 0)

        @pl.when(cnt > 0)
        def _():
            fire_lin(0, 0)

        @pl.when(cnt > 1)
        def _():
            fire_lin(1, 1)

        pltpu.sync_copy(gm_hbm, gm_v)
        gs = gm_v[0, :]

        @pl.when(cnt > 0)
        def _():
            drain_lin(0)
            fire_gather(0)

        def zrow(j, _):
            for v in range(nv):
                rows_v[1, j, pl.ds(v * 16, 16)] = jnp.zeros((16,), jnp.float32)
            return 0

        lax.fori_loop(0, ch, zrow, 0)
        for q in range(_RPT // ch):
            pltpu.sync_copy(rows_v.at[1],
                            S_sh.at[pl.ds(s * _RPT + q * ch, ch), :])
        plsc.subcore_barrier()

        def it(t, _):
            for k in (0, 1):
                local = t * 2 + k

                @pl.when((local >= 1) & (local < cnt))
                def _():
                    drain_scatter(1 - k)

                @pl.when(local + 1 < cnt)
                def _():
                    drain_lin(1 - k)
                    fire_gather(1 - k)

                @pl.when(local < cnt)
                def _():
                    drain_gather(k)
                    for g in range(ng):
                        sdst_v[k, pl.ds(g * 16, 16)] = \
                            dst_v[k, pl.ds(g * 16, 16)]

                @pl.when(local + 2 < cnt)
                def _():
                    fire_lin(local + 2, k)

                @pl.when(local < cnt)
                def _():
                    scale(k)
                    pltpu.async_copy(rows_v.at[k], S_sh.at[sdst_v.at[k]],
                                     ss[k], add=True)
            return 0

        lax.fori_loop(0, nt2, it, 0)
        for k in (0, 1):
            @pl.when((cnt >= 1) & (lax.rem(cnt - 1, 2) == k))
            def _():
                drain_scatter(k)
        plsc.subcore_barrier()
        pltpu.sync_copy(S_sh.at[pl.ds(s * _RPT, _RPT), :],
                        out_hbm.at[c, pl.ds(s * _RPT, _RPT), :])

    kern = functools.partial(
        pl.kernel, mesh=_sc_mesh(),
        out_type=jax.ShapeDtypeStruct((2, NP, r_width), jnp.float32),
        compiler_params=_SC_PARAMS,
        scratch_types=[
            pltpu.VMEM((2, ch, r_width), jnp.float32),
            pltpu.VMEM((2, ch, 16), jnp.float32),
            pltpu.VMEM((2, ch), jnp.int32),
            pltpu.VMEM((2, ch), jnp.int32),
            pltpu.VMEM((2, ch), jnp.int32),
            pltpu.VMEM((2, ch), jnp.int32),
            pltpu.VMEM((1, 16), jnp.float32),
            pltpu.VMEM_SHARED((NP, r_width), jnp.float32),
            pltpu.SemaphoreType.DMA,
            pltpu.SemaphoreType.DMA,
            pltpu.SemaphoreType.DMA,
            pltpu.SemaphoreType.DMA,
            pltpu.SemaphoreType.DMA,
            pltpu.SemaphoreType.DMA,
        ],
    )
    return kern(body)



def kernel(x, edge_index0, edge_index1, W_in, b_in, fc_W0, bias0, attn_l0,
           attn_r0, res_W0, ln_g, ln_b, fc_W1, bias1, attn_l1, attn_r1):
    src0, dst0 = edge_index0[0], edge_index0[1]
    src1, dst1 = edge_index1[0], edge_index1[1]

    F0, res0, erp0, gm0 = _proj0(x, W_in, b_in, fc_W0, res_W0,
                                 attn_l0, attn_r0)
    S0 = _agg_kernel(_R0, True, 80)(src0, dst0, erp0, gm0,
                                    F0.reshape(2 * N, _R0))
    F1, erp1, gm1 = _mid(S0, res0, bias0.reshape(1, HEADS * HID),
                         ln_g.reshape(1, -1), ln_b.reshape(1, -1),
                         fc_W1, attn_l1, attn_r1)
    S1 = _agg_kernel(_R1, False, 128)(src1, dst1, erp1, gm1, F1)
    out = _fin(S1, bias1.reshape(1, OUT))
    return out

# --- scband reference (transcript-rebuilt; emitter-appended) ---
"""Pipeline reference for scband-hetero-gat-63651415327105 (READ-ONLY COPY).

The authoritative reference and input builder live on the scoring server;
editing this copy changes nothing except your own understanding.
"""

import jax, jax.numpy as jnp
import numpy as np

N = 10000
E = 320000
D_IN = 128
HID = 64
HEADS = 4
OUT = 64
NEG_SLOPE = 0.2


def setup_inputs(seed: int = 0) -> dict:
    key = jax.random.key(seed)
    ks = jax.random.split(key, 18)
    inp = {}
    inp['x'] = jax.random.normal(ks[0], (N, D_IN), dtype=jnp.float32)
    inp['edge_index0'] = jax.random.randint(ks[1], (2, E), 0, N, dtype=jnp.int32)
    inp['edge_index1'] = jax.random.randint(ks[2], (2, E), 0, N, dtype=jnp.int32)
    # input projection for ntype 'node': Linear(D_IN -> HID)
    inp['W_in'] = jax.random.normal(ks[3], (D_IN, HID), dtype=jnp.float32) / np.sqrt(D_IN)
    inp['b_in'] = jnp.zeros((HID,), dtype=jnp.float32)
    # layer 0 GATConv: in=HID, out=HID, heads=HEADS, residual (HID != HEADS*HID -> linear res)
    inp['fc_W0'] = jax.random.normal(ks[4], (HID, HEADS * HID), dtype=jnp.float32) / np.sqrt(HID)
    inp['bias0'] = jnp.zeros((HEADS * HID,), dtype=jnp.float32)
    inp['attn_l0'] = jax.random.normal(ks[5], (HEADS, HID), dtype=jnp.float32) * 0.1
    inp['attn_r0'] = jax.random.normal(ks[6], (HEADS, HID), dtype=jnp.float32) * 0.1
    inp['res_W0'] = jax.random.normal(ks[7], (HID, HEADS * HID), dtype=jnp.float32) / np.sqrt(HID)
    # layernorm over HEADS*HID
    inp['ln_g'] = jnp.ones((HEADS * HID,), dtype=jnp.float32)
    inp['ln_b'] = jnp.zeros((HEADS * HID,), dtype=jnp.float32)
    # layer 1 GATConv (last): in=HEADS*HID, out=OUT, heads=1, no residual
    inp['fc_W1'] = jax.random.normal(ks[8], (HEADS * HID, OUT), dtype=jnp.float32) / np.sqrt(HEADS * HID)
    inp['bias1'] = jnp.zeros((OUT,), dtype=jnp.float32)
    inp['attn_l1'] = jax.random.normal(ks[9], (1, OUT), dtype=jnp.float32) * 0.1
    inp['attn_r1'] = jax.random.normal(ks[10], (1, OUT), dtype=jnp.float32) * 0.1
    return inp


def _gat_layer(h, src, dst, W, al, ar, bias, heads, out_dim, res_W):
    # DGL GATConv: fc (no bias) -> per-head attention -> edge_softmax by dst -> scatter-add -> residual -> bias
    feat = (h @ W).reshape(N, heads, out_dim)
    el = jnp.sum(feat * al[None, :, :], axis=-1)  # [N, H]
    er = jnp.sum(feat * ar[None, :, :], axis=-1)  # [N, H]
    e = jax.nn.leaky_relu(el[src] + er[dst], negative_slope=NEG_SLOPE)  # [E, H]
    emax = jax.ops.segment_max(e, dst, num_segments=N)
    emax = jnp.where(jnp.isfinite(emax), emax, 0.0)
    emax = jax.lax.stop_gradient(emax)
    ee = jnp.exp(e - emax[dst])
    denom = jax.ops.segment_sum(ee, dst, num_segments=N)
    alpha = ee / jnp.maximum(denom[dst], 1e-9)  # edge softmax
    msg = feat[src] * alpha[:, :, None]  # [E, H, D]
    rst = jax.ops.segment_sum(msg, dst, num_segments=N)  # [N, H, D]
    if res_W is not None:
        rst = rst + (h @ res_W).reshape(N, heads, out_dim)
    rst = rst + bias.reshape(1, heads, out_dim)
    return rst


def _layer_norm(x, g, b):
    mu = jnp.mean(x, axis=-1, keepdims=True)
    var = jnp.var(x, axis=-1, keepdims=True)
    return (x - mu) / jnp.sqrt(var + 1e-5) * g + b


def reference(x, edge_index0, edge_index1, W_in, b_in, fc_W0, bias0, attn_l0, attn_r0, res_W0, ln_g, ln_b, fc_W1, bias1, attn_l1, attn_r1):
    # input projection
    h = x @ W_in + b_in
    # layer 0 (HEADS heads, residual) over block 0
    src0, dst0 = edge_index0[0], edge_index0[1]
    h = _gat_layer(h, src0, dst0, fc_W0, attn_l0, attn_r0, bias0, HEADS, HID, res_W0)
    h = h.reshape(N, HEADS * HID)  # flatten(1)
    h = _layer_norm(h, ln_g, ln_b)
    h = jax.nn.elu(h)
    # dropout p=0.0 -> identity
    # layer 1 (1 head, no residual) over block 1
    src1, dst1 = edge_index1[0], edge_index1[1]
    h = _gat_layer(h, src1, dst1, fc_W1, attn_l1, attn_r1, bias1, 1, OUT, None)
    h = h.reshape(N, OUT)
    return h

if __name__ == "__main__":
    import jax
    _d = setup_inputs()
    print(jax.jit(kernel)(*tuple(_d.values())))

</pallas_src>

<mosaic_0001>
#map = affine_map<(d0, d1) -> (0)>
#map1 = affine_map<(d0, d1) -> (0, 0)>
#map2 = affine_map<(d0, d1) -> (0, 0, 0)>
module attributes {stable_mosaic.version = 14 : i64} {
  func.func @body(%arg0: i32, %arg1: i32, %arg2: memref<320000xi32, #tpu.memory_space<hbm>>, %arg3: memref<320000xi32, #tpu.memory_space<hbm>>, %arg4: memref<10000x16xf32, #tpu.memory_space<hbm>>, %arg5: memref<1x16xf32, #tpu.memory_space<hbm>>, %arg6: memref<20000x144xf32, #tpu.memory_space<hbm>>, %arg7: memref<2x10240x144xf32, #tpu.memory_space<hbm>>, %arg8: memref<2x80x144xf32, #tpu.memory_space<vmem>>, %arg9: memref<2x80x16xf32, #tpu.memory_space<vmem>>, %arg10: memref<2x80xi32, #tpu.memory_space<vmem>>, %arg11: memref<2x80xi32, #tpu.memory_space<vmem>>, %arg12: memref<2x80xi32, #tpu.memory_space<vmem>>, %arg13: memref<2x80xi32, #tpu.memory_space<vmem>>, %arg14: memref<1x16xf32, #tpu.memory_space<vmem>>, %arg15: memref<10240x144xf32, #tpu.memory_space<vmem_shared>>, %arg16: memref<!tpu.dma_semaphore, #tpu.memory_space<semaphore_mem>>, %arg17: memref<!tpu.dma_semaphore, #tpu.memory_space<semaphore_mem>>, %arg18: memref<!tpu.dma_semaphore, #tpu.memory_space<semaphore_mem>>, %arg19: memref<!tpu.dma_semaphore, #tpu.memory_space<semaphore_mem>>, %arg20: memref<!tpu.dma_semaphore, #tpu.memory_space<semaphore_mem>>, %arg21: memref<!tpu.dma_semaphore, #tpu.memory_space<semaphore_mem>>) attributes {dimension_semantics = [#tpu.dimension_semantics<core_parallel>, #tpu.dimension_semantics<subcore_parallel>], iteration_bounds = array<i64: 2, 16>, scalar_prefetch = 0 : i64, scratch_operands = 14 : i64, tpu.core_type = #tpu.core_type<sc_vector_subcore>, window_params = [{transform_indices = #map}, {transform_indices = #map}, {transform_indices = #map1}, {transform_indices = #map1}, {transform_indices = #map1}, {transform_indices = #map2}]} {
    %mul3A = arith.constant 250 : i32
    %mul3A_0 = arith.muli %arg1, %mul3A : i32
    %mul3A_1 = arith.constant 250 : i32
    %mul3A_2 = arith.muli %arg1, %mul3A_1 : i32
    %sub3A = arith.constant 4000 : i32
    %sub3A_3 = arith.subi %sub3A, %mul3A_2 : i32
    %min3A = arith.constant 250 : i32
    %min3A_4 = arith.minsi %min3A, %sub3A_3 : i32
    %mul3A_5 = arith.constant 80 : i32
    %mul3A_6 = arith.muli %mul3A_0, %mul3A_5 : i32
    %add3A = arith.constant 0 : i32
    %add3A_7 = arith.addi %add3A, %mul3A_6 : i32
    %gt3A = arith.constant 0 : i32
    %gt3A_8 = arith.cmpi sgt, %min3A_4, %gt3A : i32
    %convert_element_type3A = arith.extui %gt3A_8 : i1 to i32
    %cond3A = arith.constant 0 : i32
    %cond3A_9 = arith.cmpi ne, %convert_element_type3A, %cond3A : i32
    scf.if %cond3A_9 {
      %add3A_101 = arith.constant 0 : i32
      %add3A_102 = arith.addi %add3A_7, %add3A_101 : i32
      %dma_start3A = arith.constant 0 : i32
      %dma_start3A_103 = arith.constant 0 : i32
      %dma_start3A_104 = tpu.memref_slice %arg10[%dma_start3A, %dma_start3A_103] : memref<2x80xi32, #tpu.memory_space<vmem>> -> memref<1x80xi32, #tpu.memory_space<vmem>>
      %dma_start3A_105 = tpu.memref_squeeze %dma_start3A_104 : memref<1x80xi32, #tpu.memory_space<vmem>> -> memref<80xi32, #tpu.memory_space<vmem>>
      %dma_start3A_106 = tpu.memref_slice %arg2[%add3A_102] : memref<320000xi32, #tpu.memory_space<hbm>> -> memref<80xi32, #tpu.memory_space<hbm>>
      %dma_start3A_107 = arith.constant 0 : i32
      %dma_start3A_108 = tpu.memref_slice %arg10[%dma_start3A, %dma_start3A_107] : memref<2x80xi32, #tpu.memory_space<vmem>> -> memref<1x80xi32, #tpu.memory_space<vmem>>
      %dma_start3A_109 = tpu.memref_squeeze %dma_start3A_108 : memref<1x80xi32, #tpu.memory_space<vmem>> -> memref<80xi32, #tpu.memory_space<vmem>>
      %dma_start3A_110 = tpu.memref_slice %arg2[%add3A_102] : memref<320000xi32, #tpu.memory_space<hbm>> -> memref<80xi32, #tpu.memory_space<hbm>>
      tpu.enqueue_dma source(%dma_start3A_110 : memref<80xi32, #tpu.memory_space<hbm>>) target(%dma_start3A_109 : memref<80xi32, #tpu.memory_space<vmem>>) target_semaphore(%arg16 : memref<!tpu.dma_semaphore, #tpu.memory_space<semaphore_mem>>)
      %dma_start3A_111 = arith.constant 0 : i32
      %dma_start3A_112 = arith.constant 0 : i32
      %dma_start3A_113 = tpu.memref_slice %arg11[%dma_start3A_111, %dma_start3A_112] : memref<2x80xi32, #tpu.memory_space<vmem>> -> memref<1x80xi32, #tpu.memory_space<vmem>>
      %dma_start3A_114 = tpu.memref_squeeze %dma_start3A_113 : memref<1x80xi32, #tpu.memory_space<vmem>> -> memref<80xi32, #tpu.memory_space<vmem>>
      %dma_start3A_115 = tpu.memref_slice %arg3[%add3A_102] : memref<320000xi32, #tpu.memory_space<hbm>> -> memref<80xi32, #tpu.memory_space<hbm>>
      %dma_start3A_116 = arith.constant 0 : i32
      %dma_start3A_117 = tpu.memref_slice %arg11[%dma_start3A_111, %dma_start3A_116] : memref<2x80xi32, #tpu.memory_space<vmem>> -> memref<1x80xi32, #tpu.memory_space<vmem>>
      %dma_start3A_118 = tpu.memref_squeeze %dma_start3A_117 : memref<1x80xi32, #tpu.memory_space<vmem>> -> memref<80xi32, #tpu.memory_space<vmem>>
      %dma_start3A_119 = tpu.memref_slice %arg3[%add3A_102] : memref<320000xi32, #tpu.memory_space<hbm>> -> memref<80xi32, #tpu.memory_space<hbm>>
      tpu.enqueue_dma source(%dma_start3A_119 : memref<80xi32, #tpu.memory_space<hbm>>) target(%dma_start3A_118 : memref<80xi32, #tpu.memory_space<vmem>>) target_semaphore(%arg16 : memref<!tpu.dma_semaphore, #tpu.memory_space<semaphore_mem>>)
    } else {
    }
    %gt3A_10 = arith.constant 1 : i32
    %gt3A_11 = arith.cmpi sgt, %min3A_4, %gt3A_10 : i32
    %convert_element_type3A_12 = arith.extui %gt3A_11 : i1 to i32
    %cond3A_13 = arith.constant 0 : i32
    %cond3A_14 = arith.cmpi ne, %convert_element_type3A_12, %cond3A_13 : i32
    scf.if %cond3A_14 {
      %add3A_101 = arith.constant 80 : i32
      %add3A_102 = arith.addi %add3A_7, %add3A_101 : i32
      %dma_start3A = arith.constant 1 : i32
      %dma_start3A_103 = arith.constant 0 : i32
      %dma_start3A_104 = tpu.memref_slice %arg10[%dma_start3A, %dma_start3A_103] : memref<2x80xi32, #tpu.memory_space<vmem>> -> memref<1x80xi32, #tpu.memory_space<vmem>>
      %dma_start3A_105 = tpu.memref_squeeze %dma_start3A_104 : memref<1x80xi32, #tpu.memory_space<vmem>> -> memref<80xi32, #tpu.memory_space<vmem>>
      %dma_start3A_106 = tpu.memref_slice %arg2[%add3A_102] : memref<320000xi32, #tpu.memory_space<hbm>> -> memref<80xi32, #tpu.memory_space<hbm>>
      %dma_start3A_107 = arith.constant 0 : i32
      %dma_start3A_108 = tpu.memref_slice %arg10[%dma_start3A, %dma_start3A_107] : memref<2x80xi32, #tpu.memory_space<vmem>> -> memref<1x80xi32, #tpu.memory_space<vmem>>
      %dma_start3A_109 = tpu.memref_squeeze %dma_start3A_108 : memref<1x80xi32, #tpu.memory_space<vmem>> -> memref<80xi32, #tpu.memory_space<vmem>>
      %dma_start3A_110 = tpu.memref_slice %arg2[%add3A_102] : memref<320000xi32, #tpu.memory_space<hbm>> -> memref<80xi32, #tpu.memory_space<hbm>>
      tpu.enqueue_dma source(%dma_start3A_110 : memref<80xi32, #tpu.memory_space<hbm>>) target(%dma_start3A_109 : memref<80xi32, #tpu.memory_space<vmem>>) target_semaphore(%arg17 : memref<!tpu.dma_semaphore, #tpu.memory_space<semaphore_mem>>)
      %dma_start3A_111 = arith.constant 1 : i32
      %dma_start3A_112 = arith.constant 0 : i32
      %dma_start3A_113 = tpu.memref_slice %arg11[%dma_start3A_111, %dma_start3A_112] : memref<2x80xi32, #tpu.memory_space<vmem>> -> memref<1x80xi32, #tpu.memory_space<vmem>>
      %dma_start3A_114 = tpu.memref_squeeze %dma_start3A_113 : memref<1x80xi32, #tpu.memory_space<vmem>> -> memref<80xi32, #tpu.memory_space<vmem>>
      %dma_start3A_115 = tpu.memref_slice %arg3[%add3A_102] : memref<320000xi32, #tpu.memory_space<hbm>> -> memref<80xi32, #tpu.memory_space<hbm>>
      %dma_start3A_116 = arith.constant 0 : i32
      %dma_start3A_117 = tpu.memref_slice %arg11[%dma_start3A_111, %dma_start3A_116] : memref<2x80xi32, #tpu.memory_space<vmem>> -> memref<1x80xi32, #tpu.memory_space<vmem>>
      %dma_start3A_118 = tpu.memref_squeeze %dma_start3A_117 : memref<1x80xi32, #tpu.memory_space<vmem>> -> memref<80xi32, #tpu.memory_space<vmem>>
      %dma_start3A_119 = tpu.memref_slice %arg3[%add3A_102] : memref<320000xi32, #tpu.memory_space<hbm>> -> memref<80xi32, #tpu.memory_space<hbm>>
      tpu.enqueue_dma source(%dma_start3A_119 : memref<80xi32, #tpu.memory_space<hbm>>) target(%dma_start3A_118 : memref<80xi32, #tpu.memory_space<vmem>>) target_semaphore(%arg17 : memref<!tpu.dma_semaphore, #tpu.memory_space<semaphore_mem>>)
    } else {
    }
    "tpu.region"() ({
      %run_scoped3A_101 = tpu.sem_alloc : memref<!tpu.dma_semaphore, #tpu.memory_space<semaphore_mem>>
      tpu.enqueue_dma source(%arg5 : memref<1x16xf32, #tpu.memory_space<hbm>>) target(%arg14 : memref<1x16xf32, #tpu.memory_space<vmem>>) target_semaphore(%run_scoped3A_101 : memref<!tpu.dma_semaphore, #tpu.memory_space<semaphore_mem>>)
      tpu.wait_dma2 semaphore(%run_scoped3A_101 : memref<!tpu.dma_semaphore, #tpu.memory_space<semaphore_mem>>) src(%arg5 : memref<1x16xf32, #tpu.memory_space<hbm>>) dst(%arg14 : memref<1x16xf32, #tpu.memory_space<vmem>>)
      tpu.yield
    }) : () -> ()
    %get3A = arith.constant 0 : i32
    %get3A_15 = arith.index_cast %get3A : i32 to index
    %get3A_16 = arith.constant 0 : index
    %get3A_17 = tpu.vector_load %arg14[%get3A_15, %get3A_16] {strides = array<i32>} : memref<1x16xf32, #tpu.memory_space<vmem>>, vector<1x16xf32>,
    %get3A_18 = vector.shape_cast %get3A_17 : vector<1x16xf32> to vector<16xf32>
    %gt3A_19 = arith.constant 0 : i32
    %gt3A_20 = arith.cmpi sgt, %min3A_4, %gt3A_19 : i32
    %convert_element_type3A_21 = arith.extui %gt3A_20 : i1 to i32
    %cond3A_22 = arith.constant 0 : i32
    %cond3A_23 = arith.cmpi ne, %convert_element_type3A_21, %cond3A_22 : i32
    scf.if %cond3A_23 {
      %dma_wait3A = arith.constant 0 : i32
      %dma_wait3A_101 = arith.constant 0 : i32
      %dma_wait3A_102 = tpu.memref_slice %arg10[%dma_wait3A, %dma_wait3A_101] : memref<2x80xi32, #tpu.memory_space<vmem>> -> memref<1x80xi32, #tpu.memory_space<vmem>>
      %dma_wait3A_103 = tpu.memref_squeeze %dma_wait3A_102 : memref<1x80xi32, #tpu.memory_space<vmem>> -> memref<80xi32, #tpu.memory_space<vmem>>
      %dma_wait3A_104 = arith.constant 0 : i32
      %dma_wait3A_105 = tpu.memref_slice %arg2[%dma_wait3A_104] : memref<320000xi32, #tpu.memory_space<hbm>> -> memref<80xi32, #tpu.memory_space<hbm>>
      %dma_wait3A_106 = arith.constant 0 : i32
      %dma_wait3A_107 = tpu.memref_slice %arg10[%dma_wait3A, %dma_wait3A_106] : memref<2x80xi32, #tpu.memory_space<vmem>> -> memref<1x80xi32, #tpu.memory_space<vmem>>
      %dma_wait3A_108 = tpu.memref_squeeze %dma_wait3A_107 : memref<1x80xi32, #tpu.memory_space<vmem>> -> memref<80xi32, #tpu.memory_space<vmem>>
      %dma_wait3A_109 = arith.constant 0 : i32
      %dma_wait3A_110 = tpu.memref_slice %arg2[%dma_wait3A_109] : memref<320000xi32, #tpu.memory_space<hbm>> -> memref<80xi32, #tpu.memory_space<hbm>>
      tpu.wait_dma2 semaphore(%arg16 : memref<!tpu.dma_semaphore, #tpu.memory_space<semaphore_mem>>) src(%dma_wait3A_110 : memref<80xi32, #tpu.memory_space<hbm>>) dst(%dma_wait3A_108 : memref<80xi32, #tpu.memory_space<vmem>>)
      %dma_wait3A_111 = arith.constant 0 : i32
      %dma_wait3A_112 = arith.constant 0 : i32
      %dma_wait3A_113 = tpu.memref_slice %arg11[%dma_wait3A_111, %dma_wait3A_112] : memref<2x80xi32, #tpu.memory_space<vmem>> -> memref<1x80xi32, #tpu.memory_space<vmem>>
      %dma_wait3A_114 = tpu.memref_squeeze %dma_wait3A_113 : memref<1x80xi32, #tpu.memory_space<vmem>> -> memref<80xi32, #tpu.memory_space<vmem>>
      %dma_wait3A_115 = arith.constant 0 : i32
      %dma_wait3A_116 = tpu.memref_slice %arg3[%dma_wait3A_115] : memref<320000xi32, #tpu.memory_space<hbm>> -> memref<80xi32, #tpu.memory_space<hbm>>
      %dma_wait3A_117 = arith.constant 0 : i32
      %dma_wait3A_118 = tpu.memref_slice %arg11[%dma_wait3A_111, %dma_wait3A_117] : memref<2x80xi32, #tpu.memory_space<vmem>> -> memref<1x80xi32, #tpu.memory_space<vmem>>
      %dma_wait3A_119 = tpu.memref_squeeze %dma_wait3A_118 : memref<1x80xi32, #tpu.memory_space<vmem>> -> memref<80xi32, #tpu.memory_space<vmem>>
      %dma_wait3A_120 = arith.constant 0 : i32
      %dma_wait3A_121 = tpu.memref_slice %arg3[%dma_wait3A_120] : memref<320000xi32, #tpu.memory_space<hbm>> -> memref<80xi32, #tpu.memory_space<hbm>>
      tpu.wait_dma2 semaphore(%arg16 : memref<!tpu.dma_semaphore, #tpu.memory_space<semaphore_mem>>) src(%dma_wait3A_121 : memref<80xi32, #tpu.memory_space<hbm>>) dst(%dma_wait3A_119 : memref<80xi32, #tpu.memory_space<vmem>>)
      %get3A_122 = arith.constant 0 : i32
      %get3A_123 = arith.index_cast %get3A_122 : i32 to index
      %get3A_124 = arith.constant 0 : index
      %get3A_125 = tpu.vector_load %arg10[%get3A_123, %get3A_124] {strides = array<i32>} : memref<2x80xi32, #tpu.memory_space<vmem>>, vector<1x16xi32>,
      %get3A_126 = vector.shape_cast %get3A_125 : vector<1x16xi32> to vector<16xi32>
      %mul3A_127 = arith.constant 10000 : i32
      %mul3A_128 = arith.muli %arg0, %mul3A_127 : i32
      %add3A_129 = vector.broadcast %mul3A_128 : i32 to vector<16xi32>
      %add3A_130 = arith.addi %get3A_126, %add3A_129 : vector<16xi32>
      %swap3A = arith.constant 0 : i32
      %swap3A_131 = arith.index_cast %swap3A : i32 to index
      %swap3A_132 = arith.constant 0 : index
      %swap3A_133 = tpu.vector_load %arg13[%swap3A_131, %swap3A_132] {strides = array<i32>} : memref<2x80xi32, #tpu.memory_space<vmem>>, vector<1x16xi32>,
      %swap3A_134 = vector.shape_cast %swap3A_133 : vector<1x16xi32> to vector<16xi32>
      %swap3A_135 = vector.shape_cast %add3A_130 : vector<16xi32> to vector<1x16xi32>
      tpu.vector_store %arg13[%swap3A_131, %swap3A_132], %swap3A_135 {strides = array<i32>} : memref<2x80xi32, #tpu.memory_space<vmem>>, vector<1x16xi32>,
      %get3A_136 = arith.constant 0 : i32
      %get3A_137 = arith.index_cast %get3A_136 : i32 to index
      %get3A_138 = arith.constant 16 : index
      %get3A_139 = tpu.vector_load %arg10[%get3A_137, %get3A_138] {strides = array<i32>} : memref<2x80xi32, #tpu.memory_space<vmem>>, vector<1x16xi32>,
      %get3A_140 = vector.shape_cast %get3A_139 : vector<1x16xi32> to vector<16xi32>
      %mul3A_141 = arith.constant 10000 : i32
      %mul3A_142 = arith.muli %arg0, %mul3A_141 : i32
      %add3A_143 = vector.broadcast %mul3A_142 : i32 to vector<16xi32>
      %add3A_144 = arith.addi %get3A_140, %add3A_143 : vector<16xi32>
      %swap3A_145 = arith.constant 0 : i32
      %swap3A_146 = arith.index_cast %swap3A_145 : i32 to index
      %swap3A_147 = arith.constant 16 : index
      %swap3A_148 = tpu.vector_load %arg13[%swap3A_146, %swap3A_147] {strides = array<i32>} : memref<2x80xi32, #tpu.memory_space<vmem>>, vector<1x16xi32>,
      %swap3A_149 = vector.shape_cast %swap3A_148 : vector<1x16xi32> to vector<16xi32>
      %swap3A_150 = vector.shape_cast %add3A_144 : vector<16xi32> to vector<1x16xi32>
      tpu.vector_store %arg13[%swap3A_146, %swap3A_147], %swap3A_150 {strides = array<i32>} : memref<2x80xi32, #tpu.memory_space<vmem>>, vector<1x16xi32>,
      %get3A_151 = arith.constant 0 : i32
      %get3A_152 = arith.index_cast %get3A_151 : i32 to index
      %get3A_153 = arith.constant 32 : index
      %get3A_154 = tpu.vector_load %arg10[%get3A_152, %get3A_153] {strides = array<i32>} : memref<2x80xi32, #tpu.memory_space<vmem>>, vector<1x16xi32>,
      %get3A_155 = vector.shape_cast %get3A_154 : vector<1x16xi32> to vector<16xi32>
      %mul3A_156 = arith.constant 10000 : i32
      %mul3A_157 = arith.muli %arg0, %mul3A_156 : i32
      %add3A_158 = vector.broadcast %mul3A_157 : i32 to vector<16xi32>
      %add3A_159 = arith.addi %get3A_155, %add3A_158 : vector<16xi32>
      %swap3A_160 = arith.constant 0 : i32
      %swap3A_161 = arith.index_cast %swap3A_160 : i32 to index
      %swap3A_162 = arith.constant 32 : index
      %swap3A_163 = tpu.vector_load %arg13[%swap3A_161, %swap3A_162] {strides = array<i32>} : memref<2x80xi32, #tpu.memory_space<vmem>>, vector<1x16xi32>,
      %swap3A_164 = vector.shape_cast %swap3A_163 : vector<1x16xi32> to vector<16xi32>
      %swap3A_165 = vector.shape_cast %add3A_159 : vector<16xi32> to vector<1x16xi32>
      tpu.vector_store %arg13[%swap3A_161, %swap3A_162], %swap3A_165 {strides = array<i32>} : memref<2x80xi32, #tpu.memory_space<vmem>>, vector<1x16xi32>,
      %get3A_166 = arith.constant 0 : i32
      %get3A_167 = arith.index_cast %get3A_166 : i32 to index
      %get3A_168 = arith.constant 48 : index
      %get3A_169 = tpu.vector_load %arg10[%get3A_167, %get3A_168] {strides = array<i32>} : memref<2x80xi32, #tpu.memory_space<vmem>>, vector<1x16xi32>,
      %get3A_170 = vector.shape_cast %get3A_169 : vector<1x16xi32> to vector<16xi32>
      %mul3A_171 = arith.constant 10000 : i32
      %mul3A_172 = arith.muli %arg0, %mul3A_171 : i32
      %add3A_173 = vector.broadcast %mul3A_172 : i32 to vector<16xi32>
      %add3A_174 = arith.addi %get3A_170, %add3A_173 : vector<16xi32>
      %swap3A_175 = arith.constant 0 : i32
      %swap3A_176 = arith.index_cast %swap3A_175 : i32 to index
      %swap3A_177 = arith.constant 48 : index
      %swap3A_178 = tpu.vector_load %arg13[%swap3A_176, %swap3A_177] {strides = array<i32>} : memref<2x80xi32, #tpu.memory_space<vmem>>, vector<1x16xi32>,
      %swap3A_179 = vector.shape_cast %swap3A_178 : vector<1x16xi32> to vector<16xi32>
      %swap3A_180 = vector.shape_cast %add3A_174 : vector<16xi32> to vector<1x16xi32>
      tpu.vector_store %arg13[%swap3A_176, %swap3A_177], %swap3A_180 {strides = array<i32>} : memref<2x80xi32, #tpu.memory_space<vmem>>, vector<1x16xi32>,
      %get3A_181 = arith.constant 0 : i32
      %get3A_182 = arith.index_cast %get3A_181 : i32 to index
      %get3A_183 = arith.constant 64 : index
      %get3A_184 = tpu.vector_load %arg10[%get3A_182, %get3A_183] {strides = array<i32>} : memref<2x80xi32, #tpu.memory_space<vmem>>, vector<1x16xi32>,
      %get3A_185 = vector.shape_cast %get3A_184 : vector<1x16xi32> to vector<16xi32>
      %mul3A_186 = arith.constant 10000 : i32
      %mul3A_187 = arith.muli %arg0, %mul3A_186 : i32
      %add3A_188 = vector.broadcast %mul3A_187 : i32 to vector<16xi32>
      %add3A_189 = arith.addi %get3A_185, %add3A_188 : vector<16xi32>
      %swap3A_190 = arith.constant 0 : i32
      %swap3A_191 = arith.index_cast %swap3A_190 : i32 to index
      %swap3A_192 = arith.constant 64 : index
      %swap3A_193 = tpu.vector_load %arg13[%swap3A_191, %swap3A_192] {strides = array<i32>} : memref<2x80xi32, #tpu.memory_space<vmem>>, vector<1x16xi32>,
      %swap3A_194 = vector.shape_cast %swap3A_193 : vector<1x16xi32> to vector<16xi32>
      %swap3A_195 = vector.shape_cast %add3A_189 : vector<16xi32> to vector<1x16xi32>
      tpu.vector_store %arg13[%swap3A_191, %swap3A_192], %swap3A_195 {strides = array<i32>} : memref<2x80xi32, #tpu.memory_space<vmem>>, vector<1x16xi32>,
      %dma_start3A = arith.constant 0 : i32
      %dma_start3A_196 = arith.constant 0 : i32
      %dma_start3A_197 = arith.constant 0 : i32
      %dma_start3A_198 = arith.constant 0 : i32
      %dma_start3A_199 = tpu.memref_slice %arg8[%dma_start3A_196, %dma_start3A_197, %dma_start3A_198] : memref<2x80x144xf32, #tpu.memory_space<vmem>> -> memref<1x80x144xf32, #tpu.memory_space<vmem>>
      %dma_start3A_200 = tpu.memref_squeeze %dma_start3A_199 : memref<1x80x144xf32, #tpu.memory_space<vmem>> -> memref<80x144xf32, #tpu.memory_space<vmem>>
      %dma_start3A_201 = arith.constant 0 : i32
      %dma_start3A_202 = tpu.memref_slice %arg13[%dma_start3A, %dma_start3A_201] : memref<2x80xi32, #tpu.memory_space<vmem>> -> memref<1x80xi32, #tpu.memory_space<vmem>>
      %dma_start3A_203 = tpu.memref_squeeze %dma_start3A_202 : memref<1x80xi32, #tpu.memory_space<vmem>> -> memref<80xi32, #tpu.memory_space<vmem>>
      %dma_start3A_204 = arith.constant 0 : i32
      %dma_start3A_205 = arith.constant 0 : i32
      %dma_start3A_206 = tpu.memref_slice %arg6[%dma_start3A_204, %dma_start3A_205] : memref<20000x144xf32, #tpu.memory_space<hbm>> -> memref<20000x144xf32, #tpu.memory_space<hbm>>
      tpu.enqueue_indirect_dma source(%dma_start3A_206 : memref<20000x144xf32, #tpu.memory_space<hbm>>) target(%dma_start3A_200 : memref<80x144xf32, #tpu.memory_space<vmem>>) offsets(%dma_start3A_203 : memref<80xi32, #tpu.memory_space<vmem>>) semaphore(%arg18 : memref<!tpu.dma_semaphore, #tpu.memory_space<semaphore_mem>>)
      %dma_start3A_207 = arith.constant 0 : i32
      %dma_start3A_208 = arith.constant 0 : i32
      %dma_start3A_209 = arith.constant 0 : i32
      %dma_start3A_210 = arith.constant 0 : i32
      %dma_start3A_211 = tpu.memref_slice %arg9[%dma_start3A_208, %dma_start3A_209, %dma_start3A_210] : memref<2x80x16xf32, #tpu.memory_space<vmem>> -> memref<1x80x16xf32, #tpu.memory_space<vmem>>
      %dma_start3A_212 = tpu.memref_squeeze %dma_start3A_211 : memref<1x80x16xf32, #tpu.memory_space<vmem>> -> memref<80x16xf32, #tpu.memory_space<vmem>>
      %dma_start3A_213 = arith.constant 0 : i32
      %dma_start3A_214 = tpu.memref_slice %arg11[%dma_start3A_207, %dma_start3A_213] : memref<2x80xi32, #tpu.memory_space<vmem>> -> memref<1x80xi32, #tpu.memory_space<vmem>>
      %dma_start3A_215 = tpu.memref_squeeze %dma_start3A_214 : memref<1x80xi32, #tpu.memory_space<vmem>> -> memref<80xi32, #tpu.memory_space<vmem>>
      %dma_start3A_216 = arith.constant 0 : i32
      %dma_start3A_217 = arith.constant 0 : i32
      %dma_start3A_218 = tpu.memref_slice %arg4[%dma_start3A_216, %dma_start3A_217] : memref<10000x16xf32, #tpu.memory_space<hbm>> -> memref<10000x16xf32, #tpu.memory_space<hbm>>
      tpu.enqueue_indirect_dma source(%dma_start3A_218 : memref<10000x16xf32, #tpu.memory_space<hbm>>) target(%dma_start3A_212 : memref<80x16xf32, #tpu.memory_space<vmem>>) offsets(%dma_start3A_215 : memref<80xi32, #tpu.memory_space<vmem>>) semaphore(%arg18 : memref<!tpu.dma_semaphore, #tpu.memory_space<semaphore_mem>>)
    } else {
    }
    %scan3A = arith.constant 0 : i32
    %scan3A_24 = arith.constant 0 : i32
    %scan3A_25 = arith.constant 80 : i32
    %scan3A_26 = arith.addi %scan3A_24, %scan3A_25 : i32
    %scan3A_27 = arith.constant 1 : i32
    %scan3A_28 = scf.for %scan3A_101 = %scan3A_24 to %scan3A_26 step %scan3A_27 iter_args(%scan3A_102 = %scan3A) -> (i32)  : i32 {
      %broadcast_in_dim3A = arith.constant 0.000000e+00 : f32
      %broadcast_in_dim3A_103 = vector.broadcast %broadcast_in_dim3A : f32 to vector<16xf32>
      %swap3A = arith.constant 1 : i32
      %swap3A_104 = arith.index_cast %swap3A : i32 to index
      %swap3A_105 = arith.index_cast %scan3A_101 : i32 to index
      %swap3A_106 = arith.constant 0 : index
      %swap3A_107 = tpu.vector_load %arg8[%swap3A_104, %swap3A_105, %swap3A_106] {strides = array<i32>} : memref<2x80x144xf32, #tpu.memory_space<vmem>>, vector<1x1x16xf32>,
      %swap3A_108 = vector.shape_cast %swap3A_107 : vector<1x1x16xf32> to vector<16xf32>
      %swap3A_109 = vector.shape_cast %broadcast_in_dim3A_103 : vector<16xf32> to vector<1x1x16xf32>
      tpu.vector_store %arg8[%swap3A_104, %swap3A_105, %swap3A_106], %swap3A_109 {strides = array<i32>} : memref<2x80x144xf32, #tpu.memory_space<vmem>>, vector<1x1x16xf32>,
      %broadcast_in_dim3A_110 = arith.constant 0.000000e+00 : f32
      %broadcast_in_dim3A_111 = vector.broadcast %broadcast_in_dim3A_110 : f32 to vector<16xf32>
      %swap3A_112 = arith.constant 1 : i32
      %swap3A_113 = arith.index_cast %swap3A_112 : i32 to index
      %swap3A_114 = arith.index_cast %scan3A_101 : i32 to index
      %swap3A_115 = arith.constant 16 : index
      %swap3A_116 = tpu.vector_load %arg8[%swap3A_113, %swap3A_114, %swap3A_115] {strides = array<i32>} : memref<2x80x144xf32, #tpu.memory_space<vmem>>, vector<1x1x16xf32>,
      %swap3A_117 = vector.shape_cast %swap3A_116 : vector<1x1x16xf32> to vector<16xf32>
      %swap3A_118 = vector.shape_cast %broadcast_in_dim3A_111 : vector<16xf32> to vector<1x1x16xf32>
      tpu.vector_store %arg8[%swap3A_113, %swap3A_114, %swap3A_115], %swap3A_118 {strides = array<i32>} : memref<2x80x144xf32, #tpu.memory_space<vmem>>, vector<1x1x16xf32>,
      %broadcast_in_dim3A_119 = arith.constant 0.000000e+00 : f32
      %broadcast_in_dim3A_120 = vector.broadcast %broadcast_in_dim3A_119 : f32 to vector<16xf32>
      %swap3A_121 = arith.constant 1 : i32
      %swap3A_122 = arith.index_cast %swap3A_121 : i32 to index
      %swap3A_123 = arith.index_cast %scan3A_101 : i32 to index
      %swap3A_124 = arith.constant 32 : index
      %swap3A_125 = tpu.vector_load %arg8[%swap3A_122, %swap3A_123, %swap3A_124] {strides = array<i32>} : memref<2x80x144xf32, #tpu.memory_space<vmem>>, vector<1x1x16xf32>,
      %swap3A_126 = vector.shape_cast %swap3A_125 : vector<1x1x16xf32> to vector<16xf32>
      %swap3A_127 = vector.shape_cast %broadcast_in_dim3A_120 : vector<16xf32> to vector<1x1x16xf32>
      tpu.vector_store %arg8[%swap3A_122, %swap3A_123, %swap3A_124], %swap3A_127 {strides = array<i32>} : memref<2x80x144xf32, #tpu.memory_space<vmem>>, vector<1x1x16xf32>,
      %broadcast_in_dim3A_128 = arith.constant 0.000000e+00 : f32
      %broadcast_in_dim3A_129 = vector.broadcast %broadcast_in_dim3A_128 : f32 to vector<16xf32>
      %swap3A_130 = arith.constant 1 : i32
      %swap3A_131 = arith.index_cast %swap3A_130 : i32 to index
      %swap3A_132 = arith.index_cast %scan3A_101 : i32 to index
      %swap3A_133 = arith.constant 48 : index
      %swap3A_134 = tpu.vector_load %arg8[%swap3A_131, %swap3A_132, %swap3A_133] {strides = array<i32>} : memref<2x80x144xf32, #tpu.memory_space<vmem>>, vector<1x1x16xf32>,
      %swap3A_135 = vector.shape_cast %swap3A_134 : vector<1x1x16xf32> to vector<16xf32>
      %swap3A_136 = vector.shape_cast %broadcast_in_dim3A_129 : vector<16xf32> to vector<1x1x16xf32>
      tpu.vector_store %arg8[%swap3A_131, %swap3A_132, %swap3A_133], %swap3A_136 {strides = array<i32>} : memref<2x80x144xf32, #tpu.memory_space<vmem>>, vector<1x1x16xf32>,
      %broadcast_in_dim3A_137 = arith.constant 0.000000e+00 : f32
      %broadcast_in_dim3A_138 = vector.broadcast %broadcast_in_dim3A_137 : f32 to vector<16xf32>
      %swap3A_139 = arith.constant 1 : i32
      %swap3A_140 = arith.index_cast %swap3A_139 : i32 to index
      %swap3A_141 = arith.index_cast %scan3A_101 : i32 to index
      %swap3A_142 = arith.constant 64 : index
      %swap3A_143 = tpu.vector_load %arg8[%swap3A_140, %swap3A_141, %swap3A_142] {strides = array<i32>} : memref<2x80x144xf32, #tpu.memory_space<vmem>>, vector<1x1x16xf32>,
      %swap3A_144 = vector.shape_cast %swap3A_143 : vector<1x1x16xf32> to vector<16xf32>
      %swap3A_145 = vector.shape_cast %broadcast_in_dim3A_138 : vector<16xf32> to vector<1x1x16xf32>
      tpu.vector_store %arg8[%swap3A_140, %swap3A_141, %swap3A_142], %swap3A_145 {strides = array<i32>} : memref<2x80x144xf32, #tpu.memory_space<vmem>>, vector<1x1x16xf32>,
      %broadcast_in_dim3A_146 = arith.constant 0.000000e+00 : f32
      %broadcast_in_dim3A_147 = vector.broadcast %broadcast_in_dim3A_146 : f32 to vector<16xf32>
      %swap3A_148 = arith.constant 1 : i32
      %swap3A_149 = arith.index_cast %swap3A_148 : i32 to index
      %swap3A_150 = arith.index_cast %scan3A_101 : i32 to index
      %swap3A_151 = arith.constant 80 : index
      %swap3A_152 = tpu.vector_load %arg8[%swap3A_149, %swap3A_150, %swap3A_151] {strides = array<i32>} : memref<2x80x144xf32, #tpu.memory_space<vmem>>, vector<1x1x16xf32>,
      %swap3A_153 = vector.shape_cast %swap3A_152 : vector<1x1x16xf32> to vector<16xf32>
      %swap3A_154 = vector.shape_cast %broadcast_in_dim3A_147 : vector<16xf32> to vector<1x1x16xf32>
      tpu.vector_store %arg8[%swap3A_149, %swap3A_150, %swap3A_151], %swap3A_154 {strides = array<i32>} : memref<2x80x144xf32, #tpu.memory_space<vmem>>, vector<1x1x16xf32>,
      %broadcast_in_dim3A_155 = arith.constant 0.000000e+00 : f32
      %broadcast_in_dim3A_156 = vector.broadcast %broadcast_in_dim3A_155 : f32 to vector<16xf32>
      %swap3A_157 = arith.constant 1 : i32
      %swap3A_158 = arith.index_cast %swap3A_157 : i32 to index
      %swap3A_159 = arith.index_cast %scan3A_101 : i32 to index
      %swap3A_160 = arith.constant 96 : index
      %swap3A_161 = tpu.vector_load %arg8[%swap3A_158, %swap3A_159, %swap3A_160] {strides = array<i32>} : memref<2x80x144xf32, #tpu.memory_space<vmem>>, vector<1x1x16xf32>,
      %swap3A_162 = vector.shape_cast %swap3A_161 : vector<1x1x16xf32> to vector<16xf32>
      %swap3A_163 = vector.shape_cast %broadcast_in_dim3A_156 : vector<16xf32> to vector<1x1x16xf32>
      tpu.vector_store %arg8[%swap3A_158, %swap3A_159, %swap3A_160], %swap3A_163 {strides = array<i32>} : memref<2x80x144xf32, #tpu.memory_space<vmem>>, vector<1x1x16xf32>,
      %broadcast_in_dim3A_164 = arith.constant 0.000000e+00 : f32
      %broadcast_in_dim3A_165 = vector.broadcast %broadcast_in_dim3A_164 : f32 to vector<16xf32>
      %swap3A_166 = arith.constant 1 : i32
      %swap3A_167 = arith.index_cast %swap3A_166 : i32 to index
      %swap3A_168 = arith.index_cast %scan3A_101 : i32 to index
      %swap3A_169 = arith.constant 112 : index
      %swap3A_170 = tpu.vector_load %arg8[%swap3A_167, %swap3A_168, %swap3A_169] {strides = array<i32>} : memref<2x80x144xf32, #tpu.memory_space<vmem>>, vector<1x1x16xf32>,
      %swap3A_171 = vector.shape_cast %swap3A_170 : vector<1x1x16xf32> to vector<16xf32>
      %swap3A_172 = vector.shape_cast %broadcast_in_dim3A_165 : vector<16xf32> to vector<1x1x16xf32>
      tpu.vector_store %arg8[%swap3A_167, %swap3A_168, %swap3A_169], %swap3A_172 {strides = array<i32>} : memref<2x80x144xf32, #tpu.memory_space<vmem>>, vector<1x1x16xf32>,
      %broadcast_in_dim3A_173 = arith.constant 0.000000e+00 : f32
      %broadcast_in_dim3A_174 = vector.broadcast %broadcast_in_dim3A_173 : f32 to vector<16xf32>
      %swap3A_175 = arith.constant 1 : i32
      %swap3A_176 = arith.index_cast %swap3A_175 : i32 to index
      %swap3A_177 = arith.index_cast %scan3A_101 : i32 to index
      %swap3A_178 = arith.constant 128 : index
      %swap3A_179 = tpu.vector_load %arg8[%swap3A_176, %swap3A_177, %swap3A_178] {strides = array<i32>} : memref<2x80x144xf32, #tpu.memory_space<vmem>>, vector<1x1x16xf32>,
      %swap3A_180 = vector.shape_cast %swap3A_179 : vector<1x1x16xf32> to vector<16xf32>
      %swap3A_181 = vector.shape_cast %broadcast_in_dim3A_174 : vector<16xf32> to vector<1x1x16xf32>
      tpu.vector_store %arg8[%swap3A_176, %swap3A_177, %swap3A_178], %swap3A_181 {strides = array<i32>} : memref<2x80x144xf32, #tpu.memory_space<vmem>>, vector<1x1x16xf32>,
      %scan3A_182 = arith.constant 0 : i32
      scf.yield %scan3A_182 : i32
    }
    %scan3A_29 = arith.constant 80 : i32
    %mul3A_30 = arith.constant 640 : i32
    %mul3A_31 = arith.muli %arg1, %mul3A_30 : i32
    %add3A_32 = arith.constant 0 : i32
    %add3A_33 = arith.addi %mul3A_31, %add3A_32 : i32
    %run_scoped3A = arith.constant 1 : i32
    "tpu.region"() ({
      %run_scoped3A_101 = tpu.sem_alloc : memref<!tpu.dma_semaphore, #tpu.memory_space<semaphore_mem>>
      %dma_start3A = arith.constant 0 : i32
      %dma_start3A_102 = arith.constant 0 : i32
      %dma_start3A_103 = tpu.memref_slice %arg8[%run_scoped3A, %dma_start3A, %dma_start3A_102] : memref<2x80x144xf32, #tpu.memory_space<vmem>> -> memref<1x80x144xf32, #tpu.memory_space<vmem>>
      %dma_start3A_104 = tpu.memref_squeeze %dma_start3A_103 : memref<1x80x144xf32, #tpu.memory_space<vmem>> -> memref<80x144xf32, #tpu.memory_space<vmem>>
      %dma_start3A_105 = arith.constant 0 : i32
      %dma_start3A_106 = tpu.memref_slice %arg15[%add3A_33, %dma_start3A_105] : memref<10240x144xf32, #tpu.memory_space<vmem_shared>> -> memref<80x144xf32, #tpu.memory_space<vmem_shared>>
      %dma_start3A_107 = arith.constant 0 : i32
      %dma_start3A_108 = tpu.memref_slice %arg15[%add3A_33, %dma_start3A_107] : memref<10240x144xf32, #tpu.memory_space<vmem_shared>> -> memref<80x144xf32, #tpu.memory_space<vmem_shared>>
      %dma_start3A_109 = arith.constant 0 : i32
      %dma_start3A_110 = arith.constant 0 : i32
      %dma_start3A_111 = tpu.memref_slice %arg8[%run_scoped3A, %dma_start3A_109, %dma_start3A_110] : memref<2x80x144xf32, #tpu.memory_space<vmem>> -> memref<1x80x144xf32, #tpu.memory_space<vmem>>
      %dma_start3A_112 = tpu.memref_squeeze %dma_start3A_111 : memref<1x80x144xf32, #tpu.memory_space<vmem>> -> memref<80x144xf32, #tpu.memory_space<vmem>>
      tpu.enqueue_dma source(%dma_start3A_112 : memref<80x144xf32, #tpu.memory_space<vmem>>) target(%dma_start3A_108 : memref<80x144xf32, #tpu.memory_space<vmem_shared>>) target_semaphore(%run_scoped3A_101 : memref<!tpu.dma_semaphore, #tpu.memory_space<semaphore_mem>>)
      %dma_wait3A = arith.constant 0 : i32
      %dma_wait3A_113 = arith.constant 0 : i32
      %dma_wait3A_114 = tpu.memref_slice %arg8[%run_scoped3A, %dma_wait3A, %dma_wait3A_113] : memref<2x80x144xf32, #tpu.memory_space<vmem>> -> memref<1x80x144xf32, #tpu.memory_space<vmem>>
      %dma_wait3A_115 = tpu.memref_squeeze %dma_wait3A_114 : memref<1x80x144xf32, #tpu.memory_space<vmem>> -> memref<80x144xf32, #tpu.memory_space<vmem>>
      %dma_wait3A_116 = arith.constant 0 : i32
      %dma_wait3A_117 = tpu.memref_slice %arg15[%add3A_33, %dma_wait3A_116] : memref<10240x144xf32, #tpu.memory_space<vmem_shared>> -> memref<80x144xf32, #tpu.memory_space<vmem_shared>>
      %dma_wait3A_118 = arith.constant 0 : i32
      %dma_wait3A_119 = tpu.memref_slice %arg15[%add3A_33, %dma_wait3A_118] : memref<10240x144xf32, #tpu.memory_space<vmem_shared>> -> memref<80x144xf32, #tpu.memory_space<vmem_shared>>
      %dma_wait3A_120 = arith.constant 0 : i32
      %dma_wait3A_121 = arith.constant 0 : i32
      %dma_wait3A_122 = tpu.memref_slice %arg8[%run_scoped3A, %dma_wait3A_120, %dma_wait3A_121] : memref<2x80x144xf32, #tpu.memory_space<vmem>> -> memref<1x80x144xf32, #tpu.memory_space<vmem>>
      %dma_wait3A_123 = tpu.memref_squeeze %dma_wait3A_122 : memref<1x80x144xf32, #tpu.memory_space<vmem>> -> memref<80x144xf32, #tpu.memory_space<vmem>>
      tpu.wait_dma2 semaphore(%run_scoped3A_101 : memref<!tpu.dma_semaphore, #tpu.memory_space<semaphore_mem>>) src(%dma_wait3A_123 : memref<80x144xf32, #tpu.memory_space<vmem>>) dst(%dma_wait3A_119 : memref<80x144xf32, #tpu.memory_space<vmem_shared>>)
      tpu.yield
    }) : () -> ()
    %mul3A_34 = arith.constant 640 : i32
    %mul3A_35 = arith.muli %arg1, %mul3A_34 : i32
    %add3A_36 = arith.constant 80 : i32
    %add3A_37 = arith.addi %mul3A_35, %add3A_36 : i32
    %run_scoped3A_38 = arith.constant 1 : i32
    "tpu.region"() ({
      %run_scoped3A_101 = tpu.sem_alloc : memref<!tpu.dma_semaphore, #tpu.memory_space<semaphore_mem>>
      %dma_start3A = arith.constant 0 : i32
      %dma_start3A_102 = arith.constant 0 : i32
      %dma_start3A_103 = tpu.memref_slice %arg8[%run_scoped3A_38, %dma_start3A, %dma_start3A_102] : memref<2x80x144xf32, #tpu.memory_space<vmem>> -> memref<1x80x144xf32, #tpu.memory_space<vmem>>
      %dma_start3A_104 = tpu.memref_squeeze %dma_start3A_103 : memref<1x80x144xf32, #tpu.memory_space<vmem>> -> memref<80x144xf32, #tpu.memory_space<vmem>>
      %dma_start3A_105 = arith.constant 0 : i32
      %dma_start3A_106 = tpu.memref_slice %arg15[%add3A_37, %dma_start3A_105] : memref<10240x144xf32, #tpu.memory_space<vmem_shared>> -> memref<80x144xf32, #tpu.memory_space<vmem_shared>>
      %dma_start3A_107 = arith.constant 0 : i32
      %dma_start3A_108 = tpu.memref_slice %arg15[%add3A_37, %dma_start3A_107] : memref<10240x144xf32, #tpu.memory_space<vmem_shared>> -> memref<80x144xf32, #tpu.memory_space<vmem_shared>>
      %dma_start3A_109 = arith.constant 0 : i32
      %dma_start3A_110 = arith.constant 0 : i32
      %dma_start3A_111 = tpu.memref_slice %arg8[%run_scoped3A_38, %dma_start3A_109, %dma_start3A_110] : memref<2x80x144xf32, #tpu.memory_space<vmem>> -> memref<1x80x144xf32, #tpu.memory_space<vmem>>
      %dma_start3A_112 = tpu.memref_squeeze %dma_start3A_111 : memref<1x80x144xf32, #tpu.memory_space<vmem>> -> memref<80x144xf32, #tpu.memory_space<vmem>>
      tpu.enqueue_dma source(%dma_start3A_112 : memref<80x144xf32, #tpu.memory_space<vmem>>) target(%dma_start3A_108 : memref<80x144xf32, #tpu.memory_space<vmem_shared>>) target_semaphore(%run_scoped3A_101 : memref<!tpu.dma_semaphore, #tpu.memory_space<semaphore_mem>>)
      %dma_wait3A = arith.constant 0 : i32
      %dma_wait3A_113 = arith.constant 0 : i32
      %dma_wait3A_114 = tpu.memref_slice %arg8[%run_scoped3A_38, %dma_wait3A, %dma_wait3A_113] : memref<2x80x144xf32, #tpu.memory_space<vmem>> -> memref<1x80x144xf32, #tpu.memory_space<vmem>>
      %dma_wait3A_115 = tpu.memref_squeeze %dma_wait3A_114 : memref<1x80x144xf32, #tpu.memory_space<vmem>> -> memref<80x144xf32, #tpu.memory_space<vmem>>
      %dma_wait3A_116 = arith.constant 0 : i32
      %dma_wait3A_117 = tpu.memref_slice %arg15[%add3A_37, %dma_wait3A_116] : memref<10240x144xf32, #tpu.memory_space<vmem_shared>> -> memref<80x144xf32, #tpu.memory_space<vmem_shared>>
      %dma_wait3A_118 = arith.constant 0 : i32
      %dma_wait3A_119 = tpu.memref_slice %arg15[%add3A_37, %dma_wait3A_118] : memref<10240x144xf32, #tpu.memory_space<vmem_shared>> -> memref<80x144xf32, #tpu.memory_space<vmem_shared>>
      %dma_wait3A_120 = arith.constant 0 : i32
      %dma_wait3A_121 = arith.constant 0 : i32
      %dma_wait3A_122 = tpu.memref_slice %arg8[%run_scoped3A_38, %dma_wait3A_120, %dma_wait3A_121] : memref<2x80x144xf32, #tpu.memory_space<vmem>> -> memref<1x80x144xf32, #tpu.memory_space<vmem>>
      %dma_wait3A_123 = tpu.memref_squeeze %dma_wait3A_122 : memref<1x80x144xf32, #tpu.memory_space<vmem>> -> memref<80x144xf32, #tpu.memory_space<vmem>>
      tpu.wait_dma2 semaphore(%run_scoped3A_101 : memref<!tpu.dma_semaphore, #tpu.memory_space<semaphore_mem>>) src(%dma_wait3A_123 : memref<80x144xf32, #tpu.memory_space<vmem>>) dst(%dma_wait3A_119 : memref<80x144xf32, #tpu.memory_space<vmem_shared>>)
      tpu.yield
    }) : () -> ()
    %mul3A_39 = arith.constant 640 : i32
    %mul3A_40 = arith.muli %arg1, %mul3A_39 : i32
    %add3A_41 = arith.constant 160 : i32
    %add3A_42 = arith.addi %mul3A_40, %add3A_41 : i32
    %run_scoped3A_43 = arith.constant 1 : i32
    "tpu.region"() ({
      %run_scoped3A_101 = tpu.sem_alloc : memref<!tpu.dma_semaphore, #tpu.memory_space<semaphore_mem>>
      %dma_start3A = arith.constant 0 : i32
      %dma_start3A_102 = arith.constant 0 : i32
      %dma_start3A_103 = tpu.memref_slice %arg8[%run_scoped3A_43, %dma_start3A, %dma_start3A_102] : memref<2x80x144xf32, #tpu.memory_space<vmem>> -> memref<1x80x144xf32, #tpu.memory_space<vmem>>
      %dma_start3A_104 = tpu.memref_squeeze %dma_start3A_103 : memref<1x80x144xf32, #tpu.memory_space<vmem>> -> memref<80x144xf32, #tpu.memory_space<vmem>>
      %dma_start3A_105 = arith.constant 0 : i32
      %dma_start3A_106 = tpu.memref_slice %arg15[%add3A_42, %dma_start3A_105] : memref<10240x144xf32, #tpu.memory_space<vmem_shared>> -> memref<80x144xf32, #tpu.memory_space<vmem_shared>>
      %dma_start3A_107 = arith.constant 0 : i32
      %dma_start3A_108 = tpu.memref_slice %arg15[%add3A_42, %dma_start3A_107] : memref<10240x144xf32, #tpu.memory_space<vmem_shared>> -> memref<80x144xf32, #tpu.memory_space<vmem_shared>>
      %dma_start3A_109 = arith.constant 0 : i32
      %dma_start3A_110 = arith.constant 0 : i32
      %dma_start3A_111 = tpu.memref_slice %arg8[%run_scoped3A_43, %dma_start3A_109, %dma_start3A_110] : memref<2x80x144xf32, #tpu.memory_space<vmem>> -> memref<1x80x144xf32, #tpu.memory_space<vmem>>
      %dma_start3A_112 = tpu.memref_squeeze %dma_start3A_111 : memref<1x80x144xf32, #tpu.memory_space<vmem>> -> memref<80x144xf32, #tpu.memory_space<vmem>>
      tpu.enqueue_dma source(%dma_start3A_112 : memref<80x144xf32, #tpu.memory_space<vmem>>) target(%dma_start3A_108 : memref<80x144xf32, #tpu.memory_space<vmem_shared>>) target_semaphore(%run_scoped3A_101 : memref<!tpu.dma_semaphore, #tpu.memory_space<semaphore_mem>>)
      %dma_wait3A = arith.constant 0 : i32
      %dma_wait3A_113 = arith.constant 0 : i32
      %dma_wait3A_114 = tpu.memref_slice %arg8[%run_scoped3A_43, %dma_wait3A, %dma_wait3A_113] : memref<2x80x144xf32, #tpu.memory_space<vmem>> -> memref<1x80x144xf32, #tpu.memory_space<vmem>>
      %dma_wait3A_115 = tpu.memref_squeeze %dma_wait3A_114 : memref<1x80x144xf32, #tpu.memory_space<vmem>> -> memref<80x144xf32, #tpu.memory_space<vmem>>
      %dma_wait3A_116 = arith.constant 0 : i32
      %dma_wait3A_117 = tpu.memref_slice %arg15[%add3A_42, %dma_wait3A_116] : memref<10240x144xf32, #tpu.memory_space<vmem_shared>> -> memref<80x144xf32, #tpu.memory_space<vmem_shared>>
      %dma_wait3A_118 = arith.constant 0 : i32
      %dma_wait3A_119 = tpu.memref_slice %arg15[%add3A_42, %dma_wait3A_118] : memref<10240x144xf32, #tpu.memory_space<vmem_shared>> -> memref<80x144xf32, #tpu.memory_space<vmem_shared>>
      %dma_wait3A_120 = arith.constant 0 : i32
      %dma_wait3A_121 = arith.constant 0 : i32
      %dma_wait3A_122 = tpu.memref_slice %arg8[%run_scoped3A_43, %dma_wait3A_120, %dma_wait3A_121] : memref<2x80x144xf32, #tpu.memory_space<vmem>> -> memref<1x80x144xf32, #tpu.memory_space<vmem>>
      %dma_wait3A_123 = tpu.memref_squeeze %dma_wait3A_122 : memref<1x80x144xf32, #tpu.memory_space<vmem>> -> memref<80x144xf32, #tpu.memory_space<vmem>>
      tpu.wait_dma2 semaphore(%run_scoped3A_101 : memref<!tpu.dma_semaphore, #tpu.memory_space<semaphore_mem>>) src(%dma_wait3A_123 : memref<80x144xf32, #tpu.memory_space<vmem>>) dst(%dma_wait3A_119 : memref<80x144xf32, #tpu.memory_space<vmem_shared>>)
      tpu.yield
    }) : () -> ()
    %mul3A_44 = arith.constant 640 : i32
    %mul3A_45 = arith.muli %arg1, %mul3A_44 : i32
    %add3A_46 = arith.constant 240 : i32
    %add3A_47 = arith.addi %mul3A_45, %add3A_46 : i32
    %run_scoped3A_48 = arith.constant 1 : i32
    "tpu.region"() ({
      %run_scoped3A_101 = tpu.sem_alloc : memref<!tpu.dma_semaphore, #tpu.memory_space<semaphore_mem>>
      %dma_start3A = arith.constant 0 : i32
      %dma_start3A_102 = arith.constant 0 : i32
      %dma_start3A_103 = tpu.memref_slice %arg8[%run_scoped3A_48, %dma_start3A, %dma_start3A_102] : memref<2x80x144xf32, #tpu.memory_space<vmem>> -> memref<1x80x144xf32, #tpu.memory_space<vmem>>
      %dma_start3A_104 = tpu.memref_squeeze %dma_start3A_103 : memref<1x80x144xf32, #tpu.memory_space<vmem>> -> memref<80x144xf32, #tpu.memory_space<vmem>>
      %dma_start3A_105 = arith.constant 0 : i32
      %dma_start3A_106 = tpu.memref_slice %arg15[%add3A_47, %dma_start3A_105] : memref<10240x144xf32, #tpu.memory_space<vmem_shared>> -> memref<80x144xf32, #tpu.memory_space<vmem_shared>>
      %dma_start3A_107 = arith.constant 0 : i32
      %dma_start3A_108 = tpu.memref_slice %arg15[%add3A_47, %dma_start3A_107] : memref<10240x144xf32, #tpu.memory_space<vmem_shared>> -> memref<80x144xf32, #tpu.memory_space<vmem_shared>>
      %dma_start3A_109 = arith.constant 0 : i32
      %dma_start3A_110 = arith.constant 0 : i32
      %dma_start3A_111 = tpu.memref_slice %arg8[%run_scoped3A_48, %dma_start3A_109, %dma_start3A_110] : memref<2x80x144xf32, #tpu.memory_space<vmem>> -> memref<1x80x144xf32, #tpu.memory_space<vmem>>
      %dma_start3A_112 = tpu.memref_squeeze %dma_start3A_111 : memref<1x80x144xf32, #tpu.memory_space<vmem>> -> memref<80x144xf32, #tpu.memory_space<vmem>>
      tpu.enqueue_dma source(%dma_start3A_112 : memref<80x144xf32, #tpu.memory_space<vmem>>) target(%dma_start3A_108 : memref<80x144xf32, #tpu.memory_space<vmem_shared>>) target_semaphore(%run_scoped3A_101 : memref<!tpu.dma_semaphore, #tpu.memory_space<semaphore_mem>>)
      %dma_wait3A = arith.constant 0 : i32
      %dma_wait3A_113 = arith.constant 0 : i32
      %dma_wait3A_114 = tpu.memref_slice %arg8[%run_scoped3A_48, %dma_wait3A, %dma_wait3A_113] : memref<2x80x144xf32, #tpu.memory_space<vmem>> -> memref<1x80x144xf32, #tpu.memory_space<vmem>>
      %dma_wait3A_115 = tpu.memref_squeeze %dma_wait3A_114 : memref<1x80x144xf32, #tpu.memory_space<vmem>> -> memref<80x144xf32, #tpu.memory_space<vmem>>
      %dma_wait3A_116 = arith.constant 0 : i32
      %dma_wait3A_117 = tpu.memref_slice %arg15[%add3A_47, %dma_wait3A_116] : memref<10240x144xf32, #tpu.memory_space<vmem_shared>> -> memref<80x144xf32, #tpu.memory_space<vmem_shared>>
      %dma_wait3A_118 = arith.constant 0 : i32
      %dma_wait3A_119 = tpu.memref_slice %arg15[%add3A_47, %dma_wait3A_118] : memref<10240x144xf32, #tpu.memory_space<vmem_shared>> -> memref<80x144xf32, #tpu.memory_space<vmem_shared>>
      %dma_wait3A_120 = arith.constant 0 : i32
      %dma_wait3A_121 = arith.constant 0 : i32
      %dma_wait3A_122 = tpu.memref_slice %arg8[%run_scoped3A_48, %dma_wait3A_120, %dma_wait3A_121] : memref<2x80x144xf32, #tpu.memory_space<vmem>> -> memref<1x80x144xf32, #tpu.memory_space<vmem>>
      %dma_wait3A_123 = tpu.memref_squeeze %dma_wait3A_122 : memref<1x80x144xf32, #tpu.memory_space<vmem>> -> memref<80x144xf32, #tpu.memory_space<vmem>>
      tpu.wait_dma2 semaphore(%run_scoped3A_101 : memref<!tpu.dma_semaphore, #tpu.memory_space<semaphore_mem>>) src(%dma_wait3A_123 : memref<80x144xf32, #tpu.memory_space<vmem>>) dst(%dma_wait3A_119 : memref<80x144xf32, #tpu.memory_space<vmem_shared>>)
      tpu.yield
    }) : () -> ()
    %mul3A_49 = arith.constant 640 : i32
    %mul3A_50 = arith.muli %arg1, %mul3A_49 : i32
    %add3A_51 = arith.constant 320 : i32
    %add3A_52 = arith.addi %mul3A_50, %add3A_51 : i32
    %run_scoped3A_53 = arith.constant 1 : i32
    "tpu.region"() ({
      %run_scoped3A_101 = tpu.sem_alloc : memref<!tpu.dma_semaphore, #tpu.memory_space<semaphore_mem>>
      %dma_start3A = arith.constant 0 : i32
      %dma_start3A_102 = arith.constant 0 : i32
      %dma_start3A_103 = tpu.memref_slice %arg8[%run_scoped3A_53, %dma_start3A, %dma_start3A_102] : memref<2x80x144xf32, #tpu.memory_space<vmem>> -> memref<1x80x144xf32, #tpu.memory_space<vmem>>
      %dma_start3A_104 = tpu.memref_squeeze %dma_start3A_103 : memref<1x80x144xf32, #tpu.memory_space<vmem>> -> memref<80x144xf32, #tpu.memory_space<vmem>>
      %dma_start3A_105 = arith.constant 0 : i32
      %dma_start3A_106 = tpu.memref_slice %arg15[%add3A_52, %dma_start3A_105] : memref<10240x144xf32, #tpu.memory_space<vmem_shared>> -> memref<80x144xf32, #tpu.memory_space<vmem_shared>>
      %dma_start3A_107 = arith.constant 0 : i32
      %dma_start3A_108 = tpu.memref_slice %arg15[%add3A_52, %dma_start3A_107] : memref<10240x144xf32, #tpu.memory_space<vmem_shared>> -> memref<80x144xf32, #tpu.memory_space<vmem_shared>>
      %dma_start3A_109 = arith.constant 0 : i32
      %dma_start3A_110 = arith.constant 0 : i32
      %dma_start3A_111 = tpu.memref_slice %arg8[%run_scoped3A_53, %dma_start3A_109, %dma_start3A_110] : memref<2x80x144xf32, #tpu.memory_space<vmem>> -> memref<1x80x144xf32, #tpu.memory_space<vmem>>
      %dma_start3A_112 = tpu.memref_squeeze %dma_start3A_111 : memref<1x80x144xf32, #tpu.memory_space<vmem>> -> memref<80x144xf32, #tpu.memory_space<vmem>>
      tpu.enqueue_dma source(%dma_start3A_112 : memref<80x144xf32, #tpu.memory_space<vmem>>) target(%dma_start3A_108 : memref<80x144xf32, #tpu.memory_space<vmem_shared>>) target_semaphore(%run_scoped3A_101 : memref<!tpu.dma_semaphore, #tpu.memory_space<semaphore_mem>>)
      %dma_wait3A = arith.constant 0 : i32
      %dma_wait3A_113 = arith.constant 0 : i32
      %dma_wait3A_114 = tpu.memref_slice %arg8[%run_scoped3A_53, %dma_wait3A, %dma_wait3A_113] : memref<2x80x144xf32, #tpu.memory_space<vmem>> -> memref<1x80x144xf32, #tpu.memory_space<vmem>>
      %dma_wait3A_115 = tpu.memref_squeeze %dma_wait3A_114 : memref<1x80x144xf32, #tpu.memory_space<vmem>> -> memref<80x144xf32, #tpu.memory_space<vmem>>
      %dma_wait3A_116 = arith.constant 0 : i32
      %dma_wait3A_117 = tpu.memref_slice %arg15[%add3A_52, %dma_wait3A_116] : memref<10240x144xf32, #tpu.memory_space<vmem_shared>> -> memref<80x144xf32, #tpu.memory_space<vmem_shared>>
      %dma_wait3A_118 = arith.constant 0 : i32
      %dma_wait3A_119 = tpu.memref_slice %arg15[%add3A_52, %dma_wait3A_118] : memref<10240x144xf32, #tpu.memory_space<vmem_shared>> -> memref<80x144xf32, #tpu.memory_space<vmem_shared>>
      %dma_wait3A_120 = arith.constant 0 : i32
      %dma_wait3A_121 = arith.constant 0 : i32
      %dma_wait3A_122 = tpu.memref_slice %arg8[%run_scoped3A_53, %dma_wait3A_120, %dma_wait3A_121] : memref<2x80x144xf32, #tpu.memory_space<vmem>> -> memref<1x80x144xf32, #tpu.memory_space<vmem>>
      %dma_wait3A_123 = tpu.memref_squeeze %dma_wait3A_122 : memref<1x80x144xf32, #tpu.memory_space<vmem>> -> memref<80x144xf32, #tpu.memory_space<vmem>>
      tpu.wait_dma2 semaphore(%run_scoped3A_101 : memref<!tpu.dma_semaphore, #tpu.memory_space<semaphore_mem>>) src(%dma_wait3A_123 : memref<80x144xf32, #tpu.memory_space<vmem>>) dst(%dma_wait3A_119 : memref<80x144xf32, #tpu.memory_space<vmem_shared>>)
      tpu.yield
    }) : () -> ()
    %mul3A_54 = arith.constant 640 : i32
    %mul3A_55 = arith.muli %arg1, %mul3A_54 : i32
    %add3A_56 = arith.constant 400 : i32
    %add3A_57 = arith.addi %mul3A_55, %add3A_56 : i32
    %run_scoped3A_58 = arith.constant 1 : i32
    "tpu.region"() ({
      %run_scoped3A_101 = tpu.sem_alloc : memref<!tpu.dma_semaphore, #tpu.memory_space<semaphore_mem>>
      %dma_start3A = arith.constant 0 : i32
      %dma_start3A_102 = arith.constant 0 : i32
      %dma_start3A_103 = tpu.memref_slice %arg8[%run_scoped3A_58, %dma_start3A, %dma_start3A_102] : memref<2x80x144xf32, #tpu.memory_space<vmem>> -> memref<1x80x144xf32, #tpu.memory_space<vmem>>
      %dma_start3A_104 = tpu.memref_squeeze %dma_start3A_103 : memref<1x80x144xf32, #tpu.memory_space<vmem>> -> memref<80x144xf32, #tpu.memory_space<vmem>>
      %dma_start3A_105 = arith.constant 0 : i32
      %dma_start3A_106 = tpu.memref_slice %arg15[%add3A_57, %dma_start3A_105] : memref<10240x144xf32, #tpu.memory_space<vmem_shared>> -> memref<80x144xf32, #tpu.memory_space<vmem_shared>>
      %dma_start3A_107 = arith.constant 0 : i32
      %dma_start3A_108 = tpu.memref_slice %arg15[%add3A_57, %dma_start3A_107] : memref<10240x144xf32, #tpu.memory_space<vmem_shared>> -> memref<80x144xf32, #tpu.memory_space<vmem_shared>>
      %dma_start3A_109 = arith.constant 0 : i32
      %dma_start3A_110 = arith.constant 0 : i32
      %dma_start3A_111 = tpu.memref_slice %arg8[%run_scoped3A_58, %dma_start3A_109, %dma_start3A_110] : memref<2x80x144xf32, #tpu.memory_space<vmem>> -> memref<1x80x144xf32, #tpu.memory_space<vmem>>
      %dma_start3A_112 = tpu.memref_squeeze %dma_start3A_111 : memref<1x80x144xf32, #tpu.memory_space<vmem>> -> memref<80x144xf32, #tpu.memory_space<vmem>>
      tpu.enqueue_dma source(%dma_start3A_112 : memref<80x144xf32, #tpu.memory_space<vmem>>) target(%dma_start3A_108 : memref<80x144xf32, #tpu.memory_space<vmem_shared>>) target_semaphore(%run_scoped3A_101 : memref<!tpu.dma_semaphore, #tpu.memory_space<semaphore_mem>>)
      %dma_wait3A = arith.constant 0 : i32
      %dma_wait3A_113 = arith.constant 0 : i32
      %dma_wait3A_114 = tpu.memref_slice %arg8[%run_scoped3A_58, %dma_wait3A, %dma_wait3A_113] : memref<2x80x144xf32, #tpu.memory_space<vmem>> -> memref<1x80x144xf32, #tpu.memory_space<vmem>>
      %dma_wait3A_115 = tpu.memref_squeeze %dma_wait3A_114 : memref<1x80x144xf32, #tpu.memory_space<vmem>> -> memref<80x144xf32, #tpu.memory_space<vmem>>
      %dma_wait3A_116 = arith.constant 0 : i32
      %dma_wait3A_117 = tpu.memref_slice %arg15[%add3A_57, %dma_wait3A_116] : memref<10240x144xf32, #tpu.memory_space<vmem_shared>> -> memref<80x144xf32, #tpu.memory_space<vmem_shared>>
      %dma_wait3A_118 = arith.constant 0 : i32
      %dma_wait3A_119 = tpu.memref_slice %arg15[%add3A_57, %dma_wait3A_118] : memref<10240x144xf32, #tpu.memory_space<vmem_shared>> -> memref<80x144xf32, #tpu.memory_space<vmem_shared>>
      %dma_wait3A_120 = arith.constant 0 : i32
      %dma_wait3A_121 = arith.constant 0 : i32
      %dma_wait3A_122 = tpu.memref_slice %arg8[%run_scoped3A_58, %dma_wait3A_120, %dma_wait3A_121] : memref<2x80x144xf32, #tpu.memory_space<vmem>> -> memref<1x80x144xf32, #tpu.memory_space<vmem>>
      %dma_wait3A_123 = tpu.memref_squeeze %dma_wait3A_122 : memref<1x80x144xf32, #tpu.memory_space<vmem>> -> memref<80x144xf32, #tpu.memory_space<vmem>>
      tpu.wait_dma2 semaphore(%run_scoped3A_101 : memref<!tpu.dma_semaphore, #tpu.memory_space<semaphore_mem>>) src(%dma_wait3A_123 : memref<80x144xf32, #tpu.memory_space<vmem>>) dst(%dma_wait3A_119 : memref<80x144xf32, #tpu.memory_space<vmem_shared>>)
      tpu.yield
    }) : () -> ()
    %mul3A_59 = arith.constant 640 : i32
    %mul3A_60 = arith.muli %arg1, %mul3A_59 : i32
    %add3A_61 = arith.constant 480 : i32
    %add3A_62 = arith.addi %mul3A_60, %add3A_61 : i32
    %run_scoped3A_63 = arith.constant 1 : i32
    "tpu.region"() ({
      %run_scoped3A_101 = tpu.sem_alloc : memref<!tpu.dma_semaphore, #tpu.memory_space<semaphore_mem>>
      %dma_start3A = arith.constant 0 : i32
      %dma_start3A_102 = arith.constant 0 : i32
      %dma_start3A_103 = tpu.memref_slice %arg8[%run_scoped3A_63, %dma_start3A, %dma_start3A_102] : memref<2x80x144xf32, #tpu.memory_space<vmem>> -> memref<1x80x144xf32, #tpu.memory_space<vmem>>
      %dma_start3A_104 = tpu.memref_squeeze %dma_start3A_103 : memref<1x80x144xf32, #tpu.memory_space<vmem>> -> memref<80x144xf32, #tpu.memory_space<vmem>>
      %dma_start3A_105 = arith.constant 0 : i32
      %dma_start3A_106 = tpu.memref_slice %arg15[%add3A_62, %dma_start3A_105] : memref<10240x144xf32, #tpu.memory_space<vmem_shared>> -> memref<80x144xf32, #tpu.memory_space<vmem_shared>>
      %dma_start3A_107 = arith.constant 0 : i32
      %dma_start3A_108 = tpu.memref_slice %arg15[%add3A_62, %dma_start3A_107] : memref<10240x144xf32, #tpu.memory_space<vmem_shared>> -> memref<80x144xf32, #tpu.memory_space<vmem_shared>>
      %dma_start3A_109 = arith.constant 0 : i32
      %dma_start3A_110 = arith.constant 0 : i32
      %dma_start3A_111 = tpu.memref_slice %arg8[%run_scoped3A_63, %dma_start3A_109, %dma_start3A_110] : memref<2x80x144xf32, #tpu.memory_space<vmem>> -> memref<1x80x144xf32, #tpu.memory_space<vmem>>
      %dma_start3A_112 = tpu.memref_squeeze %dma_start3A_111 : memref<1x80x144xf32, #tpu.memory_space<vmem>> -> memref<80x144xf32, #tpu.memory_space<vmem>>
      tpu.enqueue_dma source(%dma_start3A_112 : memref<80x144xf32, #tpu.memory_space<vmem>>) target(%dma_start3A_108 : memref<80x144xf32, #tpu.memory_space<vmem_shared>>) target_semaphore(%run_scoped3A_101 : memref<!tpu.dma_semaphore, #tpu.memory_space<semaphore_mem>>)
      %dma_wait3A = arith.constant 0 : i32
      %dma_wait3A_113 = arith.constant 0 : i32
      %dma_wait3A_114 = tpu.memref_slice %arg8[%run_scoped3A_63, %dma_wait3A, %dma_wait3A_113] : memref<2x80x144xf32, #tpu.memory_space<vmem>> -> memref<1x80x144xf32, #tpu.memory_space<vmem>>
      %dma_wait3A_115 = tpu.memref_squeeze %dma_wait3A_114 : memref<1x80x144xf32, #tpu.memory_space<vmem>> -> memref<80x144xf32, #tpu.memory_space<vmem>>
      %dma_wait3A_116 = arith.constant 0 : i32
      %dma_wait3A_117 = tpu.memref_slice %arg15[%add3A_62, %dma_wait3A_116] : memref<10240x144xf32, #tpu.memory_space<vmem_shared>> -> memref<80x144xf32, #tpu.memory_space<vmem_shared>>
      %dma_wait3A_118 = arith.constant 0 : i32
      %dma_wait3A_119 = tpu.memref_slice %arg15[%add3A_62, %dma_wait3A_118] : memref<10240x144xf32, #tpu.memory_space<vmem_shared>> -> memref<80x144xf32, #tpu.memory_space<vmem_shared>>
      %dma_wait3A_120 = arith.constant 0 : i32
      %dma_wait3A_121 = arith.constant 0 : i32
      %dma_wait3A_122 = tpu.memref_slice %arg8[%run_scoped3A_63, %dma_wait3A_120, %dma_wait3A_121] : memref<2x80x144xf32, #tpu.memory_space<vmem>> -> memref<1x80x144xf32, #tpu.memory_space<vmem>>
      %dma_wait3A_123 = tpu.memref_squeeze %dma_wait3A_122 : memref<1x80x144xf32, #tpu.memory_space<vmem>> -> memref<80x144xf32, #tpu.memory_space<vmem>>
      tpu.wait_dma2 semaphore(%run_scoped3A_101 : memref<!tpu.dma_semaphore, #tpu.memory_space<semaphore_mem>>) src(%dma_wait3A_123 : memref<80x144xf32, #tpu.memory_space<vmem>>) dst(%dma_wait3A_119 : memref<80x144xf32, #tpu.memory_space<vmem_shared>>)
      tpu.yield
    }) : () -> ()
    %mul3A_64 = arith.constant 640 : i32
    %mul3A_65 = arith.muli %arg1, %mul3A_64 : i32
    %add3A_66 = arith.constant 560 : i32
    %add3A_67 = arith.addi %mul3A_65, %add3A_66 : i32
    %run_scoped3A_68 = arith.constant 1 : i32
    "tpu.region"() ({
      %run_scoped3A_101 = tpu.sem_alloc : memref<!tpu.dma_semaphore, #tpu.memory_space<semaphore_mem>>
      %dma_start3A = arith.constant 0 : i32
      %dma_start3A_102 = arith.constant 0 : i32
      %dma_start3A_103 = tpu.memref_slice %arg8[%run_scoped3A_68, %dma_start3A, %dma_start3A_102] : memref<2x80x144xf32, #tpu.memory_space<vmem>> -> memref<1x80x144xf32, #tpu.memory_space<vmem>>
      %dma_start3A_104 = tpu.memref_squeeze %dma_start3A_103 : memref<1x80x144xf32, #tpu.memory_space<vmem>> -> memref<80x144xf32, #tpu.memory_space<vmem>>
      %dma_start3A_105 = arith.constant 0 : i32
      %dma_start3A_106 = tpu.memref_slice %arg15[%add3A_67, %dma_start3A_105] : memref<10240x144xf32, #tpu.memory_space<vmem_shared>> -> memref<80x144xf32, #tpu.memory_space<vmem_shared>>
      %dma_start3A_107 = arith.constant 0 : i32
      %dma_start3A_108 = tpu.memref_slice %arg15[%add3A_67, %dma_start3A_107] : memref<10240x144xf32, #tpu.memory_space<vmem_shared>> -> memref<80x144xf32, #tpu.memory_space<vmem_shared>>
      %dma_start3A_109 = arith.constant 0 : i32
      %dma_start3A_110 = arith.constant 0 : i32
      %dma_start3A_111 = tpu.memref_slice %arg8[%run_scoped3A_68, %dma_start3A_109, %dma_start3A_110] : memref<2x80x144xf32, #tpu.memory_space<vmem>> -> memref<1x80x144xf32, #tpu.memory_space<vmem>>
      %dma_start3A_112 = tpu.memref_squeeze %dma_start3A_111 : memref<1x80x144xf32, #tpu.memory_space<vmem>> -> memref<80x144xf32, #tpu.memory_space<vmem>>
      tpu.enqueue_dma source(%dma_start3A_112 : memref<80x144xf32, #tpu.memory_space<vmem>>) target(%dma_start3A_108 : memref<80x144xf32, #tpu.memory_space<vmem_shared>>) target_semaphore(%run_scoped3A_101 : memref<!tpu.dma_semaphore, #tpu.memory_space<semaphore_mem>>)
      %dma_wait3A = arith.constant 0 : i32
      %dma_wait3A_113 = arith.constant 0 : i32
      %dma_wait3A_114 = tpu.memref_slice %arg8[%run_scoped3A_68, %dma_wait3A, %dma_wait3A_113] : memref<2x80x144xf32, #tpu.memory_space<vmem>> -> memref<1x80x144xf32, #tpu.memory_space<vmem>>
      %dma_wait3A_115 = tpu.memref_squeeze %dma_wait3A_114 : memref<1x80x144xf32, #tpu.memory_space<vmem>> -> memref<80x144xf32, #tpu.memory_space<vmem>>
      %dma_wait3A_116 = arith.constant 0 : i32
      %dma_wait3A_117 = tpu.memref_slice %arg15[%add3A_67, %dma_wait3A_116] : memref<10240x144xf32, #tpu.memory_space<vmem_shared>> -> memref<80x144xf32, #tpu.memory_space<vmem_shared>>
      %dma_wait3A_118 = arith.constant 0 : i32
      %dma_wait3A_119 = tpu.memref_slice %arg15[%add3A_67, %dma_wait3A_118] : memref<10240x144xf32, #tpu.memory_space<vmem_shared>> -> memref<80x144xf32, #tpu.memory_space<vmem_shared>>
      %dma_wait3A_120 = arith.constant 0 : i32
      %dma_wait3A_121 = arith.constant 0 : i32
      %dma_wait3A_122 = tpu.memref_slice %arg8[%run_scoped3A_68, %dma_wait3A_120, %dma_wait3A_121] : memref<2x80x144xf32, #tpu.memory_space<vmem>> -> memref<1x80x144xf32, #tpu.memory_space<vmem>>
      %dma_wait3A_123 = tpu.memref_squeeze %dma_wait3A_122 : memref<1x80x144xf32, #tpu.memory_space<vmem>> -> memref<80x144xf32, #tpu.memory_space<vmem>>
      tpu.wait_dma2 semaphore(%run_scoped3A_101 : memref<!tpu.dma_semaphore, #tpu.memory_space<semaphore_mem>>) src(%dma_wait3A_123 : memref<80x144xf32, #tpu.memory_space<vmem>>) dst(%dma_wait3A_119 : memref<80x144xf32, #tpu.memory_space<vmem_shared>>)
      tpu.yield
    }) : () -> ()
    %barrier3A = arith.constant 0 : index
    tpu.barrier barrier_id(%barrier3A)
    %scan3A_69 = arith.constant 0 : i32
    %scan3A_70 = arith.constant 0 : i32
    %scan3A_71 = arith.constant 125 : i32
    %scan3A_72 = arith.addi %scan3A_70, %scan3A_71 : i32
    %scan3A_73 = arith.constant 1 : i32
    %scan3A_74 = scf.for %scan3A_101 = %scan3A_70 to %scan3A_72 step %scan3A_73 iter_args(%scan3A_102 = %scan3A_69) -> (i32)  : i32 {
      %mul3A_103 = arith.constant 2 : i32
      %mul3A_104 = arith.muli %scan3A_101, %mul3A_103 : i32
      %add3A_105 = arith.constant 0 : i32
      %add3A_106 = arith.addi %mul3A_104, %add3A_105 : i32
      %ge3A_107 = arith.constant 1 : i32
      %ge3A_108 = arith.cmpi sge, %add3A_106, %ge3A_107 : i32
      %lt3A = arith.cmpi slt, %add3A_106, %min3A_4 : i32
      %and3A_109 = arith.andi %ge3A_108, %lt3A : i1
      %convert_element_type3A_110 = arith.extui %and3A_109 : i1 to i32
      %cond3A_111 = arith.constant 0 : i32
      %cond3A_112 = arith.cmpi ne, %convert_element_type3A_110, %cond3A_111 : i32
      scf.if %cond3A_112 {
        %dma_wait3A = arith.constant 1 : i32
        %dma_wait3A_165 = arith.constant 1 : i32
        %dma_wait3A_166 = arith.constant 0 : i32
        %dma_wait3A_167 = arith.constant 0 : i32
        %dma_wait3A_168 = tpu.memref_slice %arg8[%dma_wait3A, %dma_wait3A_166, %dma_wait3A_167] : memref<2x80x144xf32, #tpu.memory_space<vmem>> -> memref<1x80x144xf32, #tpu.memory_space<vmem>>
        %dma_wait3A_169 = tpu.memref_squeeze %dma_wait3A_168 : memref<1x80x144xf32, #tpu.memory_space<vmem>> -> memref<80x144xf32, #tpu.memory_space<vmem>>
        %dma_wait3A_170 = arith.constant 0 : i32
        %dma_wait3A_171 = tpu.memref_slice %arg12[%dma_wait3A_165, %dma_wait3A_170] : memref<2x80xi32, #tpu.memory_space<vmem>> -> memref<1x80xi32, #tpu.memory_space<vmem>>
        %dma_wait3A_172 = tpu.memref_squeeze %dma_wait3A_171 : memref<1x80xi32, #tpu.memory_space<vmem>> -> memref<80xi32, #tpu.memory_space<vmem>>
        %dma_wait3A_173 = arith.constant 0 : i32
        %dma_wait3A_174 = arith.constant 0 : i32
        %dma_wait3A_175 = tpu.memref_slice %arg15[%dma_wait3A_173, %dma_wait3A_174] : memref<10240x144xf32, #tpu.memory_space<vmem_shared>> -> memref<10240x144xf32, #tpu.memory_space<vmem_shared>>
        tpu.wait_indirect_dma semaphore(%arg21 : memref<!tpu.dma_semaphore, #tpu.memory_space<semaphore_mem>>) src(%dma_wait3A_169 : memref<80x144xf32, #tpu.memory_space<vmem>>) dst(%dma_wait3A_175 : memref<10240x144xf32, #tpu.memory_space<vmem_shared>>)
      } else {
      }
      %add3A_113 = arith.constant 1 : i32
      %add3A_114 = arith.addi %add3A_106, %add3A_113 : i32
      %lt3A_115 = arith.cmpi slt, %add3A_114, %min3A_4 : i32
      %convert_element_type3A_116 = arith.extui %lt3A_115 : i1 to i32
      %cond3A_117 = arith.constant 0 : i32
      %cond3A_118 = arith.cmpi ne, %convert_element_type3A_116, %cond3A_117 : i32
      scf.if %cond3A_118 {
        %dma_wait3A = arith.constant 1 : i32
        %dma_wait3A_165 = arith.constant 0 : i32
        %dma_wait3A_166 = tpu.memref_slice %arg10[%dma_wait3A, %dma_wait3A_165] : memref<2x80xi32, #tpu.memory_space<vmem>> -> memref<1x80xi32, #tpu.memory_space<vmem>>
        %dma_wait3A_167 = tpu.memref_squeeze %dma_wait3A_166 : memref<1x80xi32, #tpu.memory_space<vmem>> -> memref<80xi32, #tpu.memory_space<vmem>>
        %dma_wait3A_168 = arith.constant 0 : i32
        %dma_wait3A_169 = tpu.memref_slice %arg2[%dma_wait3A_168] : memref<320000xi32, #tpu.memory_space<hbm>> -> memref<80xi32, #tpu.memory_space<hbm>>
        %dma_wait3A_170 = arith.constant 0 : i32
        %dma_wait3A_171 = tpu.memref_slice %arg10[%dma_wait3A, %dma_wait3A_170] : memref<2x80xi32, #tpu.memory_space<vmem>> -> memref<1x80xi32, #tpu.memory_space<vmem>>
        %dma_wait3A_172 = tpu.memref_squeeze %dma_wait3A_171 : memref<1x80xi32, #tpu.memory_space<vmem>> -> memref<80xi32, #tpu.memory_space<vmem>>
        %dma_wait3A_173 = arith.constant 0 : i32
        %dma_wait3A_174 = tpu.memref_slice %arg2[%dma_wait3A_173] : memref<320000xi32, #tpu.memory_space<hbm>> -> memref<80xi32, #tpu.memory_space<hbm>>
        tpu.wait_dma2 semaphore(%arg17 : memref<!tpu.dma_semaphore, #tpu.memory_space<semaphore_mem>>) src(%dma_wait3A_174 : memref<80xi32, #tpu.memory_space<hbm>>) dst(%dma_wait3A_172 : memref<80xi32, #tpu.memory_space<vmem>>)
        %dma_wait3A_175 = arith.constant 1 : i32
        %dma_wait3A_176 = arith.constant 0 : i32
        %dma_wait3A_177 = tpu.memref_slice %arg11[%dma_wait3A_175, %dma_wait3A_176] : memref<2x80xi32, #tpu.memory_space<vmem>> -> memref<1x80xi32, #tpu.memory_space<vmem>>
        %dma_wait3A_178 = tpu.memref_squeeze %dma_wait3A_177 : memref<1x80xi32, #tpu.memory_space<vmem>> -> memref<80xi32, #tpu.memory_space<vmem>>
        %dma_wait3A_179 = arith.constant 0 : i32
        %dma_wait3A_180 = tpu.memref_slice %arg3[%dma_wait3A_179] : memref<320000xi32, #tpu.memory_space<hbm>> -> memref<80xi32, #tpu.memory_space<hbm>>
        %dma_wait3A_181 = arith.constant 0 : i32
        %dma_wait3A_182 = tpu.memref_slice %arg11[%dma_wait3A_175, %dma_wait3A_181] : memref<2x80xi32, #tpu.memory_space<vmem>> -> memref<1x80xi32, #tpu.memory_space<vmem>>
        %dma_wait3A_183 = tpu.memref_squeeze %dma_wait3A_182 : memref<1x80xi32, #tpu.memory_space<vmem>> -> memref<80xi32, #tpu.memory_space<vmem>>
        %dma_wait3A_184 = arith.constant 0 : i32
        %dma_wait3A_185 = tpu.memref_slice %arg3[%dma_wait3A_184] : memref<320000xi32, #tpu.memory_space<hbm>> -> memref<80xi32, #tpu.memory_space<hbm>>
        tpu.wait_dma2 semaphore(%arg17 : memref<!tpu.dma_semaphore, #tpu.memory_space<semaphore_mem>>) src(%dma_wait3A_185 : memref<80xi32, #tpu.memory_space<hbm>>) dst(%dma_wait3A_183 : memref<80xi32, #tpu.memory_space<vmem>>)
        %get3A_186 = arith.constant 1 : i32
        %get3A_187 = arith.index_cast %get3A_186 : i32 to index
        %get3A_188 = arith.constant 0 : index
        %get3A_189 = tpu.vector_load %arg10[%get3A_187, %get3A_188] {strides = array<i32>} : memref<2x80xi32, #tpu.memory_space<vmem>>, vector<1x16xi32>,
        %get3A_190 = vector.shape_cast %get3A_189 : vector<1x16xi32> to vector<16xi32>
        %mul3A_191 = arith.constant 10000 : i32
        %mul3A_192 = arith.muli %arg0, %mul3A_191 : i32
        %add3A_193 = vector.broadcast %mul3A_192 : i32 to vector<16xi32>
        %add3A_194 = arith.addi %get3A_190, %add3A_193 : vector<16xi32>
        %swap3A = arith.constant 1 : i32
        %swap3A_195 = arith.index_cast %swap3A : i32 to index
        %swap3A_196 = arith.constant 0 : index
        %swap3A_197 = tpu.vector_load %arg13[%swap3A_195, %swap3A_196] {strides = array<i32>} : memref<2x80xi32, #tpu.memory_space<vmem>>, vector<1x16xi32>,
        %swap3A_198 = vector.shape_cast %swap3A_197 : vector<1x16xi32> to vector<16xi32>
        %swap3A_199 = vector.shape_cast %add3A_194 : vector<16xi32> to vector<1x16xi32>
        tpu.vector_store %arg13[%swap3A_195, %swap3A_196], %swap3A_199 {strides = array<i32>} : memref<2x80xi32, #tpu.memory_space<vmem>>, vector<1x16xi32>,
        %get3A_200 = arith.constant 1 : i32
        %get3A_201 = arith.index_cast %get3A_200 : i32 to index
        %get3A_202 = arith.constant 16 : index
        %get3A_203 = tpu.vector_load %arg10[%get3A_201, %get3A_202] {strides = array<i32>} : memref<2x80xi32, #tpu.memory_space<vmem>>, vector<1x16xi32>,
        %get3A_204 = vector.shape_cast %get3A_203 : vector<1x16xi32> to vector<16xi32>
        %mul3A_205 = arith.constant 10000 : i32
        %mul3A_206 = arith.muli %arg0, %mul3A_205 : i32
        %add3A_207 = vector.broadcast %mul3A_206 : i32 to vector<16xi32>
        %add3A_208 = arith.addi %get3A_204, %add3A_207 : vector<16xi32>
        %swap3A_209 = arith.constant 1 : i32
        %swap3A_210 = arith.index_cast %swap3A_209 : i32 to index
        %swap3A_211 = arith.constant 16 : index
        %swap3A_212 = tpu.vector_load %arg13[%swap3A_210, %swap3A_211] {strides = array<i32>} : memref<2x80xi32, #tpu.memory_space<vmem>>, vector<1x16xi32>,
        %swap3A_213 = vector.shape_cast %swap3A_212 : vector<1x16xi32> to vector<16xi32>
        %swap3A_214 = vector.shape_cast %add3A_208 : vector<16xi32> to vector<1x16xi32>
        tpu.vector_store %arg13[%swap3A_210, %swap3A_211], %swap3A_214 {strides = array<i32>} : memref<2x80xi32, #tpu.memory_space<vmem>>, vector<1x16xi32>,
        %get3A_215 = arith.constant 1 : i32
        %get3A_216 = arith.index_cast %get3A_215 : i32 to index
        %get3A_217 = arith.constant 32 : index
        %get3A_218 = tpu.vector_load %arg10[%get3A_216, %get3A_217] {strides = array<i32>} : memref<2x80xi32, #tpu.memory_space<vmem>>, vector<1x16xi32>,
        %get3A_219 = vector.shape_cast %get3A_218 : vector<1x16xi32> to vector<16xi32>
        %mul3A_220 = arith.constant 10000 : i32
        %mul3A_221 = arith.muli %arg0, %mul3A_220 : i32
        %add3A_222 = vector.broadcast %mul3A_221 : i32 to vector<16xi32>
        %add3A_223 = arith.addi %get3A_219, %add3A_222 : vector<16xi32>
        %swap3A_224 = arith.constant 1 : i32
        %swap3A_225 = arith.index_cast %swap3A_224 : i32 to index
        %swap3A_226 = arith.constant 32 : index
        %swap3A_227 = tpu.vector_load %arg13[%swap3A_225, %swap3A_226] {strides = array<i32>} : memref<2x80xi32, #tpu.memory_space<vmem>>, vector<1x16xi32>,
        %swap3A_228 = vector.shape_cast %swap3A_227 : vector<1x16xi32> to vector<16xi32>
        %swap3A_229 = vector.shape_cast %add3A_223 : vector<16xi32> to vector<1x16xi32>
        tpu.vector_store %arg13[%swap3A_225, %swap3A_226], %swap3A_229 {strides = array<i32>} : memref<2x80xi32, #tpu.memory_space<vmem>>, vector<1x16xi32>,
        %get3A_230 = arith.constant 1 : i32
        %get3A_231 = arith.index_cast %get3A_230 : i32 to index
        %get3A_232 = arith.constant 48 : index
        %get3A_233 = tpu.vector_load %arg10[%get3A_231, %get3A_232] {strides = array<i32>} : memref<2x80xi32, #tpu.memory_space<vmem>>, vector<1x16xi32>,
        %get3A_234 = vector.shape_cast %get3A_233 : vector<1x16xi32> to vector<16xi32>
        %mul3A_235 = arith.constant 10000 : i32
        %mul3A_236 = arith.muli %arg0, %mul3A_235 : i32
        %add3A_237 = vector.broadcast %mul3A_236 : i32 to vector<16xi32>
        %add3A_238 = arith.addi %get3A_234, %add3A_237 : vector<16xi32>
        %swap3A_239 = arith.constant 1 : i32
        %swap3A_240 = arith.index_cast %swap3A_239 : i32 to index
        %swap3A_241 = arith.constant 48 : index
        %swap3A_242 = tpu.vector_load %arg13[%swap3A_240, %swap3A_241] {strides = array<i32>} : memref<2x80xi32, #tpu.memory_space<vmem>>, vector<1x16xi32>,
        %swap3A_243 = vector.shape_cast %swap3A_242 : vector<1x16xi32> to vector<16xi32>
        %swap3A_244 = vector.shape_cast %add3A_238 : vector<16xi32> to vector<1x16xi32>
        tpu.vector_store %arg13[%swap3A_240, %swap3A_241], %swap3A_244 {strides = array<i32>} : memref<2x80xi32, #tpu.memory_space<vmem>>, vector<1x16xi32>,
        %get3A_245 = arith.constant 1 : i32
        %get3A_246 = arith.index_cast %get3A_245 : i32 to index
        %get3A_247 = arith.constant 64 : index
        %get3A_248 = tpu.vector_load %arg10[%get3A_246, %get3A_247] {strides = array<i32>} : memref<2x80xi32, #tpu.memory_space<vmem>>, vector<1x16xi32>,
        %get3A_249 = vector.shape_cast %get3A_248 : vector<1x16xi32> to vector<16xi32>
        %mul3A_250 = arith.constant 10000 : i32
        %mul3A_251 = arith.muli %arg0, %mul3A_250 : i32
        %add3A_252 = vector.broadcast %mul3A_251 : i32 to vector<16xi32>
        %add3A_253 = arith.addi %get3A_249, %add3A_252 : vector<16xi32>
        %swap3A_254 = arith.constant 1 : i32
        %swap3A_255 = arith.index_cast %swap3A_254 : i32 to index
        %swap3A_256 = arith.constant 64 : index
        %swap3A_257 = tpu.vector_load %arg13[%swap3A_255, %swap3A_256] {strides = array<i32>} : memref<2x80xi32, #tpu.memory_space<vmem>>, vector<1x16xi32>,
        %swap3A_258 = vector.shape_cast %swap3A_257 : vector<1x16xi32> to vector<16xi32>
        %swap3A_259 = vector.shape_cast %add3A_253 : vector<16xi32> to vector<1x16xi32>
        tpu.vector_store %arg13[%swap3A_255, %swap3A_256], %swap3A_259 {strides = array<i32>} : memref<2x80xi32, #tpu.memory_space<vmem>>, vector<1x16xi32>,
        %dma_start3A = arith.constant 1 : i32
        %dma_start3A_260 = arith.constant 1 : i32
        %dma_start3A_261 = arith.constant 0 : i32
        %dma_start3A_262 = arith.constant 0 : i32
        %dma_start3A_263 = tpu.memref_slice %arg8[%dma_start3A_260, %dma_start3A_261, %dma_start3A_262] : memref<2x80x144xf32, #tpu.memory_space<vmem>> -> memref<1x80x144xf32, #tpu.memory_space<vmem>>
        %dma_start3A_264 = tpu.memref_squeeze %dma_start3A_263 : memref<1x80x144xf32, #tpu.memory_space<vmem>> -> memref<80x144xf32, #tpu.memory_space<vmem>>
        %dma_start3A_265 = arith.constant 0 : i32
        %dma_start3A_266 = tpu.memref_slice %arg13[%dma_start3A, %dma_start3A_265] : memref<2x80xi32, #tpu.memory_space<vmem>> -> memref<1x80xi32, #tpu.memory_space<vmem>>
        %dma_start3A_267 = tpu.memref_squeeze %dma_start3A_266 : memref<1x80xi32, #tpu.memory_space<vmem>> -> memref<80xi32, #tpu.memory_space<vmem>>
        %dma_start3A_268 = arith.constant 0 : i32
        %dma_start3A_269 = arith.constant 0 : i32
        %dma_start3A_270 = tpu.memref_slice %arg6[%dma_start3A_268, %dma_start3A_269] : memref<20000x144xf32, #tpu.memory_space<hbm>> -> memref<20000x144xf32, #tpu.memory_space<hbm>>
        tpu.enqueue_indirect_dma source(%dma_start3A_270 : memref<20000x144xf32, #tpu.memory_space<hbm>>) target(%dma_start3A_264 : memref<80x144xf32, #tpu.memory_space<vmem>>) offsets(%dma_start3A_267 : memref<80xi32, #tpu.memory_space<vmem>>) semaphore(%arg19 : memref<!tpu.dma_semaphore, #tpu.memory_space<semaphore_mem>>)
        %dma_start3A_271 = arith.constant 1 : i32
        %dma_start3A_272 = arith.constant 1 : i32
        %dma_start3A_273 = arith.constant 0 : i32
        %dma_start3A_274 = arith.constant 0 : i32
        %dma_start3A_275 = tpu.memref_slice %arg9[%dma_start3A_272, %dma_start3A_273, %dma_start3A_274] : memref<2x80x16xf32, #tpu.memory_space<vmem>> -> memref<1x80x16xf32, #tpu.memory_space<vmem>>
        %dma_start3A_276 = tpu.memref_squeeze %dma_start3A_275 : memref<1x80x16xf32, #tpu.memory_space<vmem>> -> memref<80x16xf32, #tpu.memory_space<vmem>>
        %dma_start3A_277 = arith.constant 0 : i32
        %dma_start3A_278 = tpu.memref_slice %arg11[%dma_start3A_271, %dma_start3A_277] : memref<2x80xi32, #tpu.memory_space<vmem>> -> memref<1x80xi32, #tpu.memory_space<vmem>>
        %dma_start3A_279 = tpu.memref_squeeze %dma_start3A_278 : memref<1x80xi32, #tpu.memory_space<vmem>> -> memref<80xi32, #tpu.memory_space<vmem>>
        %dma_start3A_280 = arith.constant 0 : i32
        %dma_start3A_281 = arith.constant 0 : i32
        %dma_start3A_282 = tpu.memref_slice %arg4[%dma_start3A_280, %dma_start3A_281] : memref<10000x16xf32, #tpu.memory_space<hbm>> -> memref<10000x16xf32, #tpu.memory_space<hbm>>
        tpu.enqueue_indirect_dma source(%dma_start3A_282 : memref<10000x16xf32, #tpu.memory_space<hbm>>) target(%dma_start3A_276 : memref<80x16xf32, #tpu.memory_space<vmem>>) offsets(%dma_start3A_279 : memref<80xi32, #tpu.memory_space<vmem>>) semaphore(%arg19 : memref<!tpu.dma_semaphore, #tpu.memory_space<semaphore_mem>>)
      } else {
      }
      %lt3A_119 = arith.cmpi slt, %add3A_106, %min3A_4 : i32
      %convert_element_type3A_120 = arith.extui %lt3A_119 : i1 to i32
      %cond3A_121 = arith.constant 0 : i32
      %cond3A_122 = arith.cmpi ne, %convert_element_type3A_120, %cond3A_121 : i32
      scf.if %cond3A_122 {
        %dma_wait3A = arith.constant 0 : i32
        %dma_wait3A_165 = arith.constant 0 : i32
        %dma_wait3A_166 = arith.constant 0 : i32
        %dma_wait3A_167 = tpu.memref_slice %arg8[%dma_wait3A, %dma_wait3A_165, %dma_wait3A_166] : memref<2x80x144xf32, #tpu.memory_space<vmem>> -> memref<1x80x144xf32, #tpu.memory_space<vmem>>
        %dma_wait3A_168 = tpu.memref_squeeze %dma_wait3A_167 : memref<1x80x144xf32, #tpu.memory_space<vmem>> -> memref<80x144xf32, #tpu.memory_space<vmem>>
        %dma_wait3A_169 = arith.constant 0 : i32
        %dma_wait3A_170 = arith.constant 0 : i32
        %dma_wait3A_171 = tpu.memref_slice %arg6[%dma_wait3A_169, %dma_wait3A_170] : memref<20000x144xf32, #tpu.memory_space<hbm>> -> memref<80x144xf32, #tpu.memory_space<hbm>>
        %dma_wait3A_172 = arith.constant 0 : i32
        %dma_wait3A_173 = arith.constant 0 : i32
        %dma_wait3A_174 = tpu.memref_slice %arg8[%dma_wait3A, %dma_wait3A_172, %dma_wait3A_173] : memref<2x80x144xf32, #tpu.memory_space<vmem>> -> memref<1x80x144xf32, #tpu.memory_space<vmem>>
        %dma_wait3A_175 = tpu.memref_squeeze %dma_wait3A_174 : memref<1x80x144xf32, #tpu.memory_space<vmem>> -> memref<80x144xf32, #tpu.memory_space<vmem>>
        %dma_wait3A_176 = arith.constant 0 : i32
        %dma_wait3A_177 = arith.constant 0 : i32
        %dma_wait3A_178 = tpu.memref_slice %arg6[%dma_wait3A_176, %dma_wait3A_177] : memref<20000x144xf32, #tpu.memory_space<hbm>> -> memref<80x144xf32, #tpu.memory_space<hbm>>
        tpu.wait_dma2 semaphore(%arg18 : memref<!tpu.dma_semaphore, #tpu.memory_space<semaphore_mem>>) src(%dma_wait3A_178 : memref<80x144xf32, #tpu.memory_space<hbm>>) dst(%dma_wait3A_175 : memref<80x144xf32, #tpu.memory_space<vmem>>)
        %dma_wait3A_179 = arith.constant 0 : i32
        %dma_wait3A_180 = arith.constant 0 : i32
        %dma_wait3A_181 = arith.constant 0 : i32
        %dma_wait3A_182 = tpu.memref_slice %arg9[%dma_wait3A_179, %dma_wait3A_180, %dma_wait3A_181] : memref<2x80x16xf32, #tpu.memory_space<vmem>> -> memref<1x80x16xf32, #tpu.memory_space<vmem>>
        %dma_wait3A_183 = tpu.memref_squeeze %dma_wait3A_182 : memref<1x80x16xf32, #tpu.memory_space<vmem>> -> memref<80x16xf32, #tpu.memory_space<vmem>>
        %dma_wait3A_184 = arith.constant 0 : i32
        %dma_wait3A_185 = arith.constant 0 : i32
        %dma_wait3A_186 = tpu.memref_slice %arg4[%dma_wait3A_184, %dma_wait3A_185] : memref<10000x16xf32, #tpu.memory_space<hbm>> -> memref<80x16xf32, #tpu.memory_space<hbm>>
        %dma_wait3A_187 = arith.constant 0 : i32
        %dma_wait3A_188 = arith.constant 0 : i32
        %dma_wait3A_189 = tpu.memref_slice %arg9[%dma_wait3A_179, %dma_wait3A_187, %dma_wait3A_188] : memref<2x80x16xf32, #tpu.memory_space<vmem>> -> memref<1x80x16xf32, #tpu.memory_space<vmem>>
        %dma_wait3A_190 = tpu.memref_squeeze %dma_wait3A_189 : memref<1x80x16xf32, #tpu.memory_space<vmem>> -> memref<80x16xf32, #tpu.memory_space<vmem>>
        %dma_wait3A_191 = arith.constant 0 : i32
        %dma_wait3A_192 = arith.constant 0 : i32
        %dma_wait3A_193 = tpu.memref_slice %arg4[%dma_wait3A_191, %dma_wait3A_192] : memref<10000x16xf32, #tpu.memory_space<hbm>> -> memref<80x16xf32, #tpu.memory_space<hbm>>
        tpu.wait_dma2 semaphore(%arg18 : memref<!tpu.dma_semaphore, #tpu.memory_space<semaphore_mem>>) src(%dma_wait3A_193 : memref<80x16xf32, #tpu.memory_space<hbm>>) dst(%dma_wait3A_190 : memref<80x16xf32, #tpu.memory_space<vmem>>)
        %get3A_194 = arith.constant 0 : i32
        %get3A_195 = arith.index_cast %get3A_194 : i32 to index
        %get3A_196 = arith.constant 0 : index
        %get3A_197 = tpu.vector_load %arg11[%get3A_195, %get3A_196] {strides = array<i32>} : memref<2x80xi32, #tpu.memory_space<vmem>>, vector<1x16xi32>,
        %get3A_198 = vector.shape_cast %get3A_197 : vector<1x16xi32> to vector<16xi32>
        %swap3A = arith.constant 0 : i32
        %swap3A_199 = arith.index_cast %swap3A : i32 to index
        %swap3A_200 = arith.constant 0 : index
        %swap3A_201 = tpu.vector_load %arg12[%swap3A_199, %swap3A_200] {strides = array<i32>} : memref<2x80xi32, #tpu.memory_space<vmem>>, vector<1x16xi32>,
        %swap3A_202 = vector.shape_cast %swap3A_201 : vector<1x16xi32> to vector<16xi32>
        %swap3A_203 = vector.shape_cast %get3A_198 : vector<16xi32> to vector<1x16xi32>
        tpu.vector_store %arg12[%swap3A_199, %swap3A_200], %swap3A_203 {strides = array<i32>} : memref<2x80xi32, #tpu.memory_space<vmem>>, vector<1x16xi32>,
        %get3A_204 = arith.constant 0 : i32
        %get3A_205 = arith.index_cast %get3A_204 : i32 to index
        %get3A_206 = arith.constant 16 : index
        %get3A_207 = tpu.vector_load %arg11[%get3A_205, %get3A_206] {strides = array<i32>} : memref<2x80xi32, #tpu.memory_space<vmem>>, vector<1x16xi32>,
        %get3A_208 = vector.shape_cast %get3A_207 : vector<1x16xi32> to vector<16xi32>
        %swap3A_209 = arith.constant 0 : i32
        %swap3A_210 = arith.index_cast %swap3A_209 : i32 to index
        %swap3A_211 = arith.constant 16 : index
        %swap3A_212 = tpu.vector_load %arg12[%swap3A_210, %swap3A_211] {strides = array<i32>} : memref<2x80xi32, #tpu.memory_space<vmem>>, vector<1x16xi32>,
        %swap3A_213 = vector.shape_cast %swap3A_212 : vector<1x16xi32> to vector<16xi32>
        %swap3A_214 = vector.shape_cast %get3A_208 : vector<16xi32> to vector<1x16xi32>
        tpu.vector_store %arg12[%swap3A_210, %swap3A_211], %swap3A_214 {strides = array<i32>} : memref<2x80xi32, #tpu.memory_space<vmem>>, vector<1x16xi32>,
        %get3A_215 = arith.constant 0 : i32
        %get3A_216 = arith.index_cast %get3A_215 : i32 to index
        %get3A_217 = arith.constant 32 : index
        %get3A_218 = tpu.vector_load %arg11[%get3A_216, %get3A_217] {strides = array<i32>} : memref<2x80xi32, #tpu.memory_space<vmem>>, vector<1x16xi32>,
        %get3A_219 = vector.shape_cast %get3A_218 : vector<1x16xi32> to vector<16xi32>
        %swap3A_220 = arith.constant 0 : i32
        %swap3A_221 = arith.index_cast %swap3A_220 : i32 to index
        %swap3A_222 = arith.constant 32 : index
        %swap3A_223 = tpu.vector_load %arg12[%swap3A_221, %swap3A_222] {strides = array<i32>} : memref<2x80xi32, #tpu.memory_space<vmem>>, vector<1x16xi32>,
        %swap3A_224 = vector.shape_cast %swap3A_223 : vector<1x16xi32> to vector<16xi32>
        %swap3A_225 = vector.shape_cast %get3A_219 : vector<16xi32> to vector<1x16xi32>
        tpu.vector_store %arg12[%swap3A_221, %swap3A_222], %swap3A_225 {strides = array<i32>} : memref<2x80xi32, #tpu.memory_space<vmem>>, vector<1x16xi32>,
        %get3A_226 = arith.constant 0 : i32
        %get3A_227 = arith.index_cast %get3A_226 : i32 to index
        %get3A_228 = arith.constant 48 : index
        %get3A_229 = tpu.vector_load %arg11[%get3A_227, %get3A_228] {strides = array<i32>} : memref<2x80xi32, #tpu.memory_space<vmem>>, vector<1x16xi32>,
        %get3A_230 = vector.shape_cast %get3A_229 : vector<1x16xi32> to vector<16xi32>
        %swap3A_231 = arith.constant 0 : i32
        %swap3A_232 = arith.index_cast %swap3A_231 : i32 to index
        %swap3A_233 = arith.constant 48 : index
        %swap3A_234 = tpu.vector_load %arg12[%swap3A_232, %swap3A_233] {strides = array<i32>} : memref<2x80xi32, #tpu.memory_space<vmem>>, vector<1x16xi32>,
        %swap3A_235 = vector.shape_cast %swap3A_234 : vector<1x16xi32> to vector<16xi32>
        %swap3A_236 = vector.shape_cast %get3A_230 : vector<16xi32> to vector<1x16xi32>
        tpu.vector_store %arg12[%swap3A_232, %swap3A_233], %swap3A_236 {strides = array<i32>} : memref<2x80xi32, #tpu.memory_space<vmem>>, vector<1x16xi32>,
        %get3A_237 = arith.constant 0 : i32
        %get3A_238 = arith.index_cast %get3A_237 : i32 to index
        %get3A_239 = arith.constant 64 : index
        %get3A_240 = tpu.vector_load %arg11[%get3A_238, %get3A_239] {strides = array<i32>} : memref<2x80xi32, #tpu.memory_space<vmem>>, vector<1x16xi32>,
        %get3A_241 = vector.shape_cast %get3A_240 : vector<1x16xi32> to vector<16xi32>
        %swap3A_242 = arith.constant 0 : i32
        %swap3A_243 = arith.index_cast %swap3A_242 : i32 to index
        %swap3A_244 = arith.constant 64 : index
        %swap3A_245 = tpu.vector_load %arg12[%swap3A_243, %swap3A_244] {strides = array<i32>} : memref<2x80xi32, #tpu.memory_space<vmem>>, vector<1x16xi32>,
        %swap3A_246 = vector.shape_cast %swap3A_245 : vector<1x16xi32> to vector<16xi32>
        %swap3A_247 = vector.shape_cast %get3A_241 : vector<16xi32> to vector<1x16xi32>
        tpu.vector_store %arg12[%swap3A_243, %swap3A_244], %swap3A_247 {strides = array<i32>} : memref<2x80xi32, #tpu.memory_space<vmem>>, vector<1x16xi32>,
      } else {
      }
      %add3A_123 = arith.constant 2 : i32
      %add3A_124 = arith.addi %add3A_106, %add3A_123 : i32
      %lt3A_125 = arith.cmpi slt, %add3A_124, %min3A_4 : i32
      %convert_element_type3A_126 = arith.extui %lt3A_125 : i1 to i32
      %cond3A_127 = arith.constant 0 : i32
      %cond3A_128 = arith.cmpi ne, %convert_element_type3A_126, %cond3A_127 : i32
      scf.if %cond3A_128 {
        %add3A_165 = arith.constant 2 : i32
        %add3A_166 = arith.addi %add3A_106, %add3A_165 : i32
        %mul3A_167 = arith.constant 80 : i32
        %mul3A_168 = arith.muli %add3A_166, %mul3A_167 : i32
        %add3A_169 = arith.addi %add3A_7, %mul3A_168 : i32
        %dma_start3A = arith.constant 0 : i32
        %dma_start3A_170 = arith.constant 0 : i32
        %dma_start3A_171 = tpu.memref_slice %arg10[%dma_start3A, %dma_start3A_170] : memref<2x80xi32, #tpu.memory_space<vmem>> -> memref<1x80xi32, #tpu.memory_space<vmem>>
        %dma_start3A_172 = tpu.memref_squeeze %dma_start3A_171 : memref<1x80xi32, #tpu.memory_space<vmem>> -> memref<80xi32, #tpu.memory_space<vmem>>
        %dma_start3A_173 = tpu.memref_slice %arg2[%add3A_169] : memref<320000xi32, #tpu.memory_space<hbm>> -> memref<80xi32, #tpu.memory_space<hbm>>
        %dma_start3A_174 = arith.constant 0 : i32
        %dma_start3A_175 = tpu.memref_slice %arg10[%dma_start3A, %dma_start3A_174] : memref<2x80xi32, #tpu.memory_space<vmem>> -> memref<1x80xi32, #tpu.memory_space<vmem>>
        %dma_start3A_176 = tpu.memref_squeeze %dma_start3A_175 : memref<1x80xi32, #tpu.memory_space<vmem>> -> memref<80xi32, #tpu.memory_space<vmem>>
        %dma_start3A_177 = tpu.memref_slice %arg2[%add3A_169] : memref<320000xi32, #tpu.memory_space<hbm>> -> memref<80xi32, #tpu.memory_space<hbm>>
        tpu.enqueue_dma source(%dma_start3A_177 : memref<80xi32, #tpu.memory_space<hbm>>) target(%dma_start3A_176 : memref<80xi32, #tpu.memory_space<vmem>>) target_semaphore(%arg16 : memref<!tpu.dma_semaphore, #tpu.memory_space<semaphore_mem>>)
        %dma_start3A_178 = arith.constant 0 : i32
        %dma_start3A_179 = arith.constant 0 : i32
        %dma_start3A_180 = tpu.memref_slice %arg11[%dma_start3A_178, %dma_start3A_179] : memref<2x80xi32, #tpu.memory_space<vmem>> -> memref<1x80xi32, #tpu.memory_space<vmem>>
        %dma_start3A_181 = tpu.memref_squeeze %dma_start3A_180 : memref<1x80xi32, #tpu.memory_space<vmem>> -> memref<80xi32, #tpu.memory_space<vmem>>
        %dma_start3A_182 = tpu.memref_slice %arg3[%add3A_169] : memref<320000xi32, #tpu.memory_space<hbm>> -> memref<80xi32, #tpu.memory_space<hbm>>
        %dma_start3A_183 = arith.constant 0 : i32
        %dma_start3A_184 = tpu.memref_slice %arg11[%dma_start3A_178, %dma_start3A_183] : memref<2x80xi32, #tpu.memory_space<vmem>> -> memref<1x80xi32, #tpu.memory_space<vmem>>
        %dma_start3A_185 = tpu.memref_squeeze %dma_start3A_184 : memref<1x80xi32, #tpu.memory_space<vmem>> -> memref<80xi32, #tpu.memory_space<vmem>>
        %dma_start3A_186 = tpu.memref_slice %arg3[%add3A_169] : memref<320000xi32, #tpu.memory_space<hbm>> -> memref<80xi32, #tpu.memory_space<hbm>>
        tpu.enqueue_dma source(%dma_start3A_186 : memref<80xi32, #tpu.memory_space<hbm>>) target(%dma_start3A_185 : memref<80xi32, #tpu.memory_space<vmem>>) target_semaphore(%arg16 : memref<!tpu.dma_semaphore, #tpu.memory_space<semaphore_mem>>)
      } else {
      }
      %lt3A_129 = arith.cmpi slt, %add3A_106, %min3A_4 : i32
      %convert_element_type3A_130 = arith.extui %lt3A_129 : i1 to i32
      %cond3A_131 = arith.constant 0 : i32
      %cond3A_132 = arith.cmpi ne, %convert_element_type3A_130, %cond3A_131 : i32
      scf.if %cond3A_132 {
        %scan3A_165 = arith.constant 0 : i32
        %scan3A_166 = arith.constant 0 : i32
        %scan3A_167 = arith.constant 80 : i32
        %scan3A_168 = arith.addi %scan3A_166, %scan3A_167 : i32
        %scan3A_169 = arith.constant 1 : i32
        %scan3A_170 = scf.for %scan3A_183 = %scan3A_166 to %scan3A_168 step %scan3A_169 iter_args(%scan3A_184 = %scan3A_165) -> (i32)  : i32 {
          %get3A_185 = arith.constant 0 : i32
          %get3A_186 = arith.index_cast %get3A_185 : i32 to index
          %get3A_187 = arith.index_cast %scan3A_183 : i32 to index
          %get3A_188 = arith.constant 128 : index
          %get3A_189 = tpu.vector_load %arg8[%get3A_186, %get3A_187, %get3A_188] {strides = array<i32>} : memref<2x80x144xf32, #tpu.memory_space<vmem>>, vector<1x1x16xf32>,
          %get3A_190 = vector.shape_cast %get3A_189 : vector<1x1x16xf32> to vector<16xf32>
          %get3A_191 = arith.constant 0 : i32
          %get3A_192 = arith.index_cast %get3A_191 : i32 to index
          %get3A_193 = arith.index_cast %scan3A_183 : i32 to index
          %get3A_194 = arith.constant 0 : index
          %get3A_195 = tpu.vector_load %arg9[%get3A_192, %get3A_193, %get3A_194] {strides = array<i32>} : memref<2x80x16xf32, #tpu.memory_space<vmem>>, vector<1x1x16xf32>,
          %get3A_196 = vector.shape_cast %get3A_195 : vector<1x1x16xf32> to vector<16xf32>
          %add3A_197 = arith.addf %get3A_190, %get3A_196 : vector<16xf32>
          %gt3A_198 = arith.constant 0.000000e+00 : f32
          %gt3A_199 = vector.broadcast %gt3A_198 : f32 to vector<16xf32>
          %gt3A_200 = arith.cmpf ogt, %add3A_197, %gt3A_199 : vector<16xf32>
          %mul3A_201 = arith.constant 2.000000e-01 : f32
          %mul3A_202 = vector.broadcast %mul3A_201 : f32 to vector<16xf32>
          %mul3A_203 = arith.mulf %mul3A_202, %add3A_197 : vector<16xf32>
          %select_n3A = arith.select %gt3A_200, %add3A_197, %mul3A_203 : vector<16xi1>, vector<16xf32>
          %add3A_204 = arith.addf %get3A_18, %get3A_196 : vector<16xf32>
          %gt3A_205 = arith.constant 0.000000e+00 : f32
          %gt3A_206 = vector.broadcast %gt3A_205 : f32 to vector<16xf32>
          %gt3A_207 = arith.cmpf ogt, %add3A_204, %gt3A_206 : vector<16xf32>
          %mul3A_208 = arith.constant 2.000000e-01 : f32
          %mul3A_209 = vector.broadcast %mul3A_208 : f32 to vector<16xf32>
          %mul3A_210 = arith.mulf %mul3A_209, %add3A_204 : vector<16xf32>
          %select_n3A_211 = arith.select %gt3A_207, %add3A_204, %mul3A_210 : vector<16xi1>, vector<16xf32>
          %sub3A_212 = arith.subf %select_n3A, %select_n3A_211 : vector<16xf32>
          %exp3A = math.exp %sub3A_212 : vector<16xf32>
          %eq3A_213 = arith.constant 0 : i32
          %eq3A_214 = arith.cmpi eq, %arg0, %eq3A_213 : i32
          %slice3A = vector.extract_strided_slice %exp3A {offsets = [0], sizes = [1], strides = [1]} : vector<16xf32> to vector<1xf32>
          %squeeze3A = vector.extract %slice3A[0] : f32 from vector<1xf32>
          %slice3A_215 = vector.extract_strided_slice %exp3A {offsets = [2], sizes = [1], strides = [1]} : vector<16xf32> to vector<1xf32>
          %squeeze3A_216 = vector.extract %slice3A_215[0] : f32 from vector<1xf32>
          %select_n3A_217 = arith.select %eq3A_214, %squeeze3A, %squeeze3A_216 : f32
          %eq3A_218 = arith.constant 0 : i32
          %eq3A_219 = arith.cmpi eq, %arg0, %eq3A_218 : i32
          %slice3A_220 = vector.extract_strided_slice %exp3A {offsets = [1], sizes = [1], strides = [1]} : vector<16xf32> to vector<1xf32>
          %squeeze3A_221 = vector.extract %slice3A_220[0] : f32 from vector<1xf32>
          %slice3A_222 = vector.extract_strided_slice %exp3A {offsets = [3], sizes = [1], strides = [1]} : vector<16xf32> to vector<1xf32>
          %squeeze3A_223 = vector.extract %slice3A_222[0] : f32 from vector<1xf32>
          %select_n3A_224 = arith.select %eq3A_219, %squeeze3A_221, %squeeze3A_223 : f32
          %broadcast_in_dim3A = vector.broadcast %select_n3A_217 : f32 to vector<16xf32>
          %broadcast_in_dim3A_225 = vector.broadcast %select_n3A_224 : f32 to vector<16xf32>
          %get3A_226 = arith.constant 0 : i32
          %get3A_227 = arith.index_cast %get3A_226 : i32 to index
          %get3A_228 = arith.index_cast %scan3A_183 : i32 to index
          %get3A_229 = arith.constant 0 : index
          %get3A_230 = tpu.vector_load %arg8[%get3A_227, %get3A_228, %get3A_229] {strides = array<i32>} : memref<2x80x144xf32, #tpu.memory_space<vmem>>, vector<1x1x16xf32>,
          %get3A_231 = vector.shape_cast %get3A_230 : vector<1x1x16xf32> to vector<16xf32>
          %mul3A_232 = arith.mulf %get3A_231, %broadcast_in_dim3A : vector<16xf32>
          %swap3A = arith.constant 0 : i32
          %swap3A_233 = arith.index_cast %swap3A : i32 to index
          %swap3A_234 = arith.index_cast %scan3A_183 : i32 to index
          %swap3A_235 = arith.constant 0 : index
          %swap3A_236 = tpu.vector_load %arg8[%swap3A_233, %swap3A_234, %swap3A_235] {strides = array<i32>} : memref<2x80x144xf32, #tpu.memory_space<vmem>>, vector<1x1x16xf32>,
          %swap3A_237 = vector.shape_cast %swap3A_236 : vector<1x1x16xf32> to vector<16xf32>
          %swap3A_238 = vector.shape_cast %mul3A_232 : vector<16xf32> to vector<1x1x16xf32>
          tpu.vector_store %arg8[%swap3A_233, %swap3A_234, %swap3A_235], %swap3A_238 {strides = array<i32>} : memref<2x80x144xf32, #tpu.memory_space<vmem>>, vector<1x1x16xf32>,
          %get3A_239 = arith.constant 0 : i32
          %get3A_240 = arith.index_cast %get3A_239 : i32 to index
          %get3A_241 = arith.index_cast %scan3A_183 : i32 to index
          %get3A_242 = arith.constant 16 : index
          %get3A_243 = tpu.vector_load %arg8[%get3A_240, %get3A_241, %get3A_242] {strides = array<i32>} : memref<2x80x144xf32, #tpu.memory_space<vmem>>, vector<1x1x16xf32>,
          %get3A_244 = vector.shape_cast %get3A_243 : vector<1x1x16xf32> to vector<16xf32>
          %mul3A_245 = arith.mulf %get3A_244, %broadcast_in_dim3A : vector<16xf32>
          %swap3A_246 = arith.constant 0 : i32
          %swap3A_247 = arith.index_cast %swap3A_246 : i32 to index
          %swap3A_248 = arith.index_cast %scan3A_183 : i32 to index
          %swap3A_249 = arith.constant 16 : index
          %swap3A_250 = tpu.vector_load %arg8[%swap3A_247, %swap3A_248, %swap3A_249] {strides = array<i32>} : memref<2x80x144xf32, #tpu.memory_space<vmem>>, vector<1x1x16xf32>,
          %swap3A_251 = vector.shape_cast %swap3A_250 : vector<1x1x16xf32> to vector<16xf32>
          %swap3A_252 = vector.shape_cast %mul3A_245 : vector<16xf32> to vector<1x1x16xf32>
          tpu.vector_store %arg8[%swap3A_247, %swap3A_248, %swap3A_249], %swap3A_252 {strides = array<i32>} : memref<2x80x144xf32, #tpu.memory_space<vmem>>, vector<1x1x16xf32>,
          %get3A_253 = arith.constant 0 : i32
          %get3A_254 = arith.index_cast %get3A_253 : i32 to index
          %get3A_255 = arith.index_cast %scan3A_183 : i32 to index
          %get3A_256 = arith.constant 32 : index
          %get3A_257 = tpu.vector_load %arg8[%get3A_254, %get3A_255, %get3A_256] {strides = array<i32>} : memref<2x80x144xf32, #tpu.memory_space<vmem>>, vector<1x1x16xf32>,
          %get3A_258 = vector.shape_cast %get3A_257 : vector<1x1x16xf32> to vector<16xf32>
          %mul3A_259 = arith.mulf %get3A_258, %broadcast_in_dim3A : vector<16xf32>
          %swap3A_260 = arith.constant 0 : i32
          %swap3A_261 = arith.index_cast %swap3A_260 : i32 to index
          %swap3A_262 = arith.index_cast %scan3A_183 : i32 to index
          %swap3A_263 = arith.constant 32 : index
          %swap3A_264 = tpu.vector_load %arg8[%swap3A_261, %swap3A_262, %swap3A_263] {strides = array<i32>} : memref<2x80x144xf32, #tpu.memory_space<vmem>>, vector<1x1x16xf32>,
          %swap3A_265 = vector.shape_cast %swap3A_264 : vector<1x1x16xf32> to vector<16xf32>
          %swap3A_266 = vector.shape_cast %mul3A_259 : vector<16xf32> to vector<1x1x16xf32>
          tpu.vector_store %arg8[%swap3A_261, %swap3A_262, %swap3A_263], %swap3A_266 {strides = array<i32>} : memref<2x80x144xf32, #tpu.memory_space<vmem>>, vector<1x1x16xf32>,
          %get3A_267 = arith.constant 0 : i32
          %get3A_268 = arith.index_cast %get3A_267 : i32 to index
          %get3A_269 = arith.index_cast %scan3A_183 : i32 to index
          %get3A_270 = arith.constant 48 : index
          %get3A_271 = tpu.vector_load %arg8[%get3A_268, %get3A_269, %get3A_270] {strides = array<i32>} : memref<2x80x144xf32, #tpu.memory_space<vmem>>, vector<1x1x16xf32>,
          %get3A_272 = vector.shape_cast %get3A_271 : vector<1x1x16xf32> to vector<16xf32>
          %mul3A_273 = arith.mulf %get3A_272, %broadcast_in_dim3A : vector<16xf32>
          %swap3A_274 = arith.constant 0 : i32
          %swap3A_275 = arith.index_cast %swap3A_274 : i32 to index
          %swap3A_276 = arith.index_cast %scan3A_183 : i32 to index
          %swap3A_277 = arith.constant 48 : index
          %swap3A_278 = tpu.vector_load %arg8[%swap3A_275, %swap3A_276, %swap3A_277] {strides = array<i32>} : memref<2x80x144xf32, #tpu.memory_space<vmem>>, vector<1x1x16xf32>,
          %swap3A_279 = vector.shape_cast %swap3A_278 : vector<1x1x16xf32> to vector<16xf32>
          %swap3A_280 = vector.shape_cast %mul3A_273 : vector<16xf32> to vector<1x1x16xf32>
          tpu.vector_store %arg8[%swap3A_275, %swap3A_276, %swap3A_277], %swap3A_280 {strides = array<i32>} : memref<2x80x144xf32, #tpu.memory_space<vmem>>, vector<1x1x16xf32>,
          %get3A_281 = arith.constant 0 : i32
          %get3A_282 = arith.index_cast %get3A_281 : i32 to index
          %get3A_283 = arith.index_cast %scan3A_183 : i32 to index
          %get3A_284 = arith.constant 64 : index
          %get3A_285 = tpu.vector_load %arg8[%get3A_282, %get3A_283, %get3A_284] {strides = array<i32>} : memref<2x80x144xf32, #tpu.memory_space<vmem>>, vector<1x1x16xf32>,
          %get3A_286 = vector.shape_cast %get3A_285 : vector<1x1x16xf32> to vector<16xf32>
          %mul3A_287 = arith.mulf %get3A_286, %broadcast_in_dim3A_225 : vector<16xf32>
          %swap3A_288 = arith.constant 0 : i32
          %swap3A_289 = arith.index_cast %swap3A_288 : i32 to index
          %swap3A_290 = arith.index_cast %scan3A_183 : i32 to index
          %swap3A_291 = arith.constant 64 : index
          %swap3A_292 = tpu.vector_load %arg8[%swap3A_289, %swap3A_290, %swap3A_291] {strides = array<i32>} : memref<2x80x144xf32, #tpu.memory_space<vmem>>, vector<1x1x16xf32>,
          %swap3A_293 = vector.shape_cast %swap3A_292 : vector<1x1x16xf32> to vector<16xf32>
          %swap3A_294 = vector.shape_cast %mul3A_287 : vector<16xf32> to vector<1x1x16xf32>
          tpu.vector_store %arg8[%swap3A_289, %swap3A_290, %swap3A_291], %swap3A_294 {strides = array<i32>} : memref<2x80x144xf32, #tpu.memory_space<vmem>>, vector<1x1x16xf32>,
          %get3A_295 = arith.constant 0 : i32
          %get3A_296 = arith.index_cast %get3A_295 : i32 to index
          %get3A_297 = arith.index_cast %scan3A_183 : i32 to index
          %get3A_298 = arith.constant 80 : index
          %get3A_299 = tpu.vector_load %arg8[%get3A_296, %get3A_297, %get3A_298] {strides = array<i32>} : memref<2x80x144xf32, #tpu.memory_space<vmem>>, vector<1x1x16xf32>,
          %get3A_300 = vector.shape_cast %get3A_299 : vector<1x1x16xf32> to vector<16xf32>
          %mul3A_301 = arith.mulf %get3A_300, %broadcast_in_dim3A_225 : vector<16xf32>
          %swap3A_302 = arith.constant 0 : i32
          %swap3A_303 = arith.index_cast %swap3A_302 : i32 to index
          %swap3A_304 = arith.index_cast %scan3A_183 : i32 to index
          %swap3A_305 = arith.constant 80 : index
          %swap3A_306 = tpu.vector_load %arg8[%swap3A_303, %swap3A_304, %swap3A_305] {strides = array<i32>} : memref<2x80x144xf32, #tpu.memory_space<vmem>>, vector<1x1x16xf32>,
          %swap3A_307 = vector.shape_cast %swap3A_306 : vector<1x1x16xf32> to vector<16xf32>
          %swap3A_308 = vector.shape_cast %mul3A_301 : vector<16xf32> to vector<1x1x16xf32>
          tpu.vector_store %arg8[%swap3A_303, %swap3A_304, %swap3A_305], %swap3A_308 {strides = array<i32>} : memref<2x80x144xf32, #tpu.memory_space<vmem>>, vector<1x1x16xf32>,
          %get3A_309 = arith.constant 0 : i32
          %get3A_310 = arith.index_cast %get3A_309 : i32 to index
          %get3A_311 = arith.index_cast %scan3A_183 : i32 to index
          %get3A_312 = arith.constant 96 : index
          %get3A_313 = tpu.vector_load %arg8[%get3A_310, %get3A_311, %get3A_312] {strides = array<i32>} : memref<2x80x144xf32, #tpu.memory_space<vmem>>, vector<1x1x16xf32>,
          %get3A_314 = vector.shape_cast %get3A_313 : vector<1x1x16xf32> to vector<16xf32>
          %mul3A_315 = arith.mulf %get3A_314, %broadcast_in_dim3A_225 : vector<16xf32>
          %swap3A_316 = arith.constant 0 : i32
          %swap3A_317 = arith.index_cast %swap3A_316 : i32 to index
          %swap3A_318 = arith.index_cast %scan3A_183 : i32 to index
          %swap3A_319 = arith.constant 96 : index
          %swap3A_320 = tpu.vector_load %arg8[%swap3A_317, %swap3A_318, %swap3A_319] {strides = array<i32>} : memref<2x80x144xf32, #tpu.memory_space<vmem>>, vector<1x1x16xf32>,
          %swap3A_321 = vector.shape_cast %swap3A_320 : vector<1x1x16xf32> to vector<16xf32>
          %swap3A_322 = vector.shape_cast %mul3A_315 : vector<16xf32> to vector<1x1x16xf32>
          tpu.vector_store %arg8[%swap3A_317, %swap3A_318, %swap3A_319], %swap3A_322 {strides = array<i32>} : memref<2x80x144xf32, #tpu.memory_space<vmem>>, vector<1x1x16xf32>,
          %get3A_323 = arith.constant 0 : i32
          %get3A_324 = arith.index_cast %get3A_323 : i32 to index
          %get3A_325 = arith.index_cast %scan3A_183 : i32 to index
          %get3A_326 = arith.constant 112 : index
          %get3A_327 = tpu.vector_load %arg8[%get3A_324, %get3A_325, %get3A_326] {strides = array<i32>} : memref<2x80x144xf32, #tpu.memory_space<vmem>>, vector<1x1x16xf32>,
          %get3A_328 = vector.shape_cast %get3A_327 : vector<1x1x16xf32> to vector<16xf32>
          %mul3A_329 = arith.mulf %get3A_328, %broadcast_in_dim3A_225 : vector<16xf32>
          %swap3A_330 = arith.constant 0 : i32
          %swap3A_331 = arith.index_cast %swap3A_330 : i32 to index
          %swap3A_332 = arith.index_cast %scan3A_183 : i32 to index
          %swap3A_333 = arith.constant 112 : index
          %swap3A_334 = tpu.vector_load %arg8[%swap3A_331, %swap3A_332, %swap3A_333] {strides = array<i32>} : memref<2x80x144xf32, #tpu.memory_space<vmem>>, vector<1x1x16xf32>,
          %swap3A_335 = vector.shape_cast %swap3A_334 : vector<1x1x16xf32> to vector<16xf32>
          %swap3A_336 = vector.shape_cast %mul3A_329 : vector<16xf32> to vector<1x1x16xf32>
          tpu.vector_store %arg8[%swap3A_331, %swap3A_332, %swap3A_333], %swap3A_336 {strides = array<i32>} : memref<2x80x144xf32, #tpu.memory_space<vmem>>, vector<1x1x16xf32>,
          %iota3A = tpu.iota {dimensions = array<i32: 0>} : vector<16xi32>
          %eq3A_337 = arith.constant 4 : i32
          %eq3A_338 = vector.broadcast %eq3A_337 : i32 to vector<16xi32>
          %eq3A_339 = arith.cmpi eq, %iota3A, %eq3A_338 : vector<16xi32>
          %eq3A_340 = arith.constant 5 : i32
          %eq3A_341 = vector.broadcast %eq3A_340 : i32 to vector<16xi32>
          %eq3A_342 = arith.cmpi eq, %iota3A, %eq3A_341 : vector<16xi32>
          %jit3A = arith.constant 0.000000e+00 : f32
          %broadcast_in_dim3A_343 = vector.broadcast %jit3A : f32 to vector<16xf32>
          %select_n3A_344 = arith.select %eq3A_342, %broadcast_in_dim3A_225, %broadcast_in_dim3A_343 : vector<16xi1>, vector<16xf32>
          %select_n3A_345 = arith.select %eq3A_339, %broadcast_in_dim3A, %select_n3A_344 : vector<16xi1>, vector<16xf32>
          %mul3A_346 = arith.mulf %get3A_190, %select_n3A_345 : vector<16xf32>
          %swap3A_347 = arith.constant 0 : i32
          %swap3A_348 = arith.index_cast %swap3A_347 : i32 to index
          %swap3A_349 = arith.index_cast %scan3A_183 : i32 to index
          %swap3A_350 = arith.constant 128 : index
          %swap3A_351 = tpu.vector_load %arg8[%swap3A_348, %swap3A_349, %swap3A_350] {strides = array<i32>} : memref<2x80x144xf32, #tpu.memory_space<vmem>>, vector<1x1x16xf32>,
          %swap3A_352 = vector.shape_cast %swap3A_351 : vector<1x1x16xf32> to vector<16xf32>
          %swap3A_353 = vector.shape_cast %mul3A_346 : vector<16xf32> to vector<1x1x16xf32>
          tpu.vector_store %arg8[%swap3A_348, %swap3A_349, %swap3A_350], %swap3A_353 {strides = array<i32>} : memref<2x80x144xf32, #tpu.memory_space<vmem>>, vector<1x1x16xf32>,
          %scan3A_354 = arith.constant 0 : i32
          scf.yield %scan3A_354 : i32
        }
        %scan3A_171 = arith.constant 80 : i32
        %dma_start3A = arith.constant 0 : i32
        %dma_start3A_172 = arith.constant 0 : i32
        %dma_start3A_173 = arith.constant 0 : i32
        %dma_start3A_174 = arith.constant 0 : i32
        %dma_start3A_175 = tpu.memref_slice %arg8[%dma_start3A, %dma_start3A_173, %dma_start3A_174] : memref<2x80x144xf32, #tpu.memory_space<vmem>> -> memref<1x80x144xf32, #tpu.memory_space<vmem>>
        %dma_start3A_176 = tpu.memref_squeeze %dma_start3A_175 : memref<1x80x144xf32, #tpu.memory_space<vmem>> -> memref<80x144xf32, #tpu.memory_space<vmem>>
        %dma_start3A_177 = arith.constant 0 : i32
        %dma_start3A_178 = tpu.memref_slice %arg12[%dma_start3A_172, %dma_start3A_177] : memref<2x80xi32, #tpu.memory_space<vmem>> -> memref<1x80xi32, #tpu.memory_space<vmem>>
        %dma_start3A_179 = tpu.memref_squeeze %dma_start3A_178 : memref<1x80xi32, #tpu.memory_space<vmem>> -> memref<80xi32, #tpu.memory_space<vmem>>
        %dma_start3A_180 = arith.constant 0 : i32
        %dma_start3A_181 = arith.constant 0 : i32
        %dma_start3A_182 = tpu.memref_slice %arg15[%dma_start3A_180, %dma_start3A_181] : memref<10240x144xf32, #tpu.memory_space<vmem_shared>> -> memref<10240x144xf32, #tpu.memory_space<vmem_shared>>
        tpu.enqueue_indirect_dma source(%dma_start3A_176 : memref<80x144xf32, #tpu.memory_space<vmem>>) target(%dma_start3A_182 : memref<10240x144xf32, #tpu.memory_space<vmem_shared>>) offsets(%dma_start3A_179 : memref<80xi32, #tpu.memory_space<vmem>>) semaphore(%arg20 : memref<!tpu.dma_semaphore, #tpu.memory_space<semaphore_mem>>) {add = true}
      } else {
      }
      %mul3A_133 = arith.constant 2 : i32
      %mul3A_134 = arith.muli %scan3A_101, %mul3A_133 : i32
      %add3A_135 = arith.constant 1 : i32
      %add3A_136 = arith.addi %mul3A_134, %add3A_135 : i32
      %ge3A_137 = arith.constant 1 : i32
      %ge3A_138 = arith.cmpi sge, %add3A_136, %ge3A_137 : i32
      %lt3A_139 = arith.cmpi slt, %add3A_136, %min3A_4 : i32
      %and3A_140 = arith.andi %ge3A_138, %lt3A_139 : i1
      %convert_element_type3A_141 = arith.extui %and3A_140 : i1 to i32
      %cond3A_142 = arith.constant 0 : i32
      %cond3A_143 = arith.cmpi ne, %convert_element_type3A_141, %cond3A_142 : i32
      scf.if %cond3A_143 {
        %dma_wait3A = arith.constant 0 : i32
        %dma_wait3A_165 = arith.constant 0 : i32
        %dma_wait3A_166 = arith.constant 0 : i32
        %dma_wait3A_167 = arith.constant 0 : i32
        %dma_wait3A_168 = tpu.memref_slice %arg8[%dma_wait3A, %dma_wait3A_166, %dma_wait3A_167] : memref<2x80x144xf32, #tpu.memory_space<vmem>> -> memref<1x80x144xf32, #tpu.memory_space<vmem>>
        %dma_wait3A_169 = tpu.memref_squeeze %dma_wait3A_168 : memref<1x80x144xf32, #tpu.memory_space<vmem>> -> memref<80x144xf32, #tpu.memory_space<vmem>>
        %dma_wait3A_170 = arith.constant 0 : i32
        %dma_wait3A_171 = tpu.memref_slice %arg12[%dma_wait3A_165, %dma_wait3A_170] : memref<2x80xi32, #tpu.memory_space<vmem>> -> memref<1x80xi32, #tpu.memory_space<vmem>>
        %dma_wait3A_172 = tpu.memref_squeeze %dma_wait3A_171 : memref<1x80xi32, #tpu.memory_space<vmem>> -> memref<80xi32, #tpu.memory_space<vmem>>
        %dma_wait3A_173 = arith.constant 0 : i32
        %dma_wait3A_174 = arith.constant 0 : i32
        %dma_wait3A_175 = tpu.memref_slice %arg15[%dma_wait3A_173, %dma_wait3A_174] : memref<10240x144xf32, #tpu.memory_space<vmem_shared>> -> memref<10240x144xf32, #tpu.memory_space<vmem_shared>>
        tpu.wait_indirect_dma semaphore(%arg20 : memref<!tpu.dma_semaphore, #tpu.memory_space<semaphore_mem>>) src(%dma_wait3A_169 : memref<80x144xf32, #tpu.memory_space<vmem>>) dst(%dma_wait3A_175 : memref<10240x144xf32, #tpu.memory_space<vmem_shared>>)
      } else {
      }
      %add3A_144 = arith.constant 1 : i32
      %add3A_145 = arith.addi %add3A_136, %add3A_144 : i32
      %lt3A_146 = arith.cmpi slt, %add3A_145, %min3A_4 : i32
      %convert_element_type3A_147 = arith.extui %lt3A_146 : i1 to i32
      %cond3A_148 = arith.constant 0 : i32
      %cond3A_149 = arith.cmpi ne, %convert_element_type3A_147, %cond3A_148 : i32
      scf.if %cond3A_149 {
        %dma_wait3A = arith.constant 0 : i32
        %dma_wait3A_165 = arith.constant 0 : i32
        %dma_wait3A_166 = tpu.memref_slice %arg10[%dma_wait3A, %dma_wait3A_165] : memref<2x80xi32, #tpu.memory_space<vmem>> -> memref<1x80xi32, #tpu.memory_space<vmem>>
        %dma_wait3A_167 = tpu.memref_squeeze %dma_wait3A_166 : memref<1x80xi32, #tpu.memory_space<vmem>> -> memref<80xi32, #tpu.memory_space<vmem>>
        %dma_wait3A_168 = arith.constant 0 : i32
        %dma_wait3A_169 = tpu.memref_slice %arg2[%dma_wait3A_168] : memref<320000xi32, #tpu.memory_space<hbm>> -> memref<80xi32, #tpu.memory_space<hbm>>
        %dma_wait3A_170 = arith.constant 0 : i32
        %dma_wait3A_171 = tpu.memref_slice %arg10[%dma_wait3A, %dma_wait3A_170] : memref<2x80xi32, #tpu.memory_space<vmem>> -> memref<1x80xi32, #tpu.memory_space<vmem>>
        %dma_wait3A_172 = tpu.memref_squeeze %dma_wait3A_171 : memref<1x80xi32, #tpu.memory_space<vmem>> -> memref<80xi32, #tpu.memory_space<vmem>>
        %dma_wait3A_173 = arith.constant 0 : i32
        %dma_wait3A_174 = tpu.memref_slice %arg2[%dma_wait3A_173] : memref<320000xi32, #tpu.memory_space<hbm>> -> memref<80xi32, #tpu.memory_space<hbm>>
        tpu.wait_dma2 semaphore(%arg16 : memref<!tpu.dma_semaphore, #tpu.memory_space<semaphore_mem>>) src(%dma_wait3A_174 : memref<80xi32, #tpu.memory_space<hbm>>) dst(%dma_wait3A_172 : memref<80xi32, #tpu.memory_space<vmem>>)
        %dma_wait3A_175 = arith.constant 0 : i32
        %dma_wait3A_176 = arith.constant 0 : i32
        %dma_wait3A_177 = tpu.memref_slice %arg11[%dma_wait3A_175, %dma_wait3A_176] : memref<2x80xi32, #tpu.memory_space<vmem>> -> memref<1x80xi32, #tpu.memory_space<vmem>>
        %dma_wait3A_178 = tpu.memref_squeeze %dma_wait3A_177 : memref<1x80xi32, #tpu.memory_space<vmem>> -> memref<80xi32, #tpu.memory_space<vmem>>
        %dma_wait3A_179 = arith.constant 0 : i32
        %dma_wait3A_180 = tpu.memref_slice %arg3[%dma_wait3A_179] : memref<320000xi32, #tpu.memory_space<hbm>> -> memref<80xi32, #tpu.memory_space<hbm>>
        %dma_wait3A_181 = arith.constant 0 : i32
        %dma_wait3A_182 = tpu.memref_slice %arg11[%dma_wait3A_175, %dma_wait3A_181] : memref<2x80xi32, #tpu.memory_space<vmem>> -> memref<1x80xi32, #tpu.memory_space<vmem>>
        %dma_wait3A_183 = tpu.memref_squeeze %dma_wait3A_182 : memref<1x80xi32, #tpu.memory_space<vmem>> -> memref<80xi32, #tpu.memory_space<vmem>>
        %dma_wait3A_184 = arith.constant 0 : i32
        %dma_wait3A_185 = tpu.memref_slice %arg3[%dma_wait3A_184] : memref<320000xi32, #tpu.memory_space<hbm>> -> memref<80xi32, #tpu.memory_space<hbm>>
        tpu.wait_dma2 semaphore(%arg16 : memref<!tpu.dma_semaphore, #tpu.memory_space<semaphore_mem>>) src(%dma_wait3A_185 : memref<80xi32, #tpu.memory_space<hbm>>) dst(%dma_wait3A_183 : memref<80xi32, #tpu.memory_space<vmem>>)
        %get3A_186 = arith.constant 0 : i32
        %get3A_187 = arith.index_cast %get3A_186 : i32 to index
        %get3A_188 = arith.constant 0 : index
        %get3A_189 = tpu.vector_load %arg10[%get3A_187, %get3A_188] {strides = array<i32>} : memref<2x80xi32, #tpu.memory_space<vmem>>, vector<1x16xi32>,
        %get3A_190 = vector.shape_cast %get3A_189 : vector<1x16xi32> to vector<16xi32>
        %mul3A_191 = arith.constant 10000 : i32
        %mul3A_192 = arith.muli %arg0, %mul3A_191 : i32
        %add3A_193 = vector.broadcast %mul3A_192 : i32 to vector<16xi32>
        %add3A_194 = arith.addi %get3A_190, %add3A_193 : vector<16xi32>
        %swap3A = arith.constant 0 : i32
        %swap3A_195 = arith.index_cast %swap3A : i32 to index
        %swap3A_196 = arith.constant 0 : index
        %swap3A_197 = tpu.vector_load %arg13[%swap3A_195, %swap3A_196] {strides = array<i32>} : memref<2x80xi32, #tpu.memory_space<vmem>>, vector<1x16xi32>,
        %swap3A_198 = vector.shape_cast %swap3A_197 : vector<1x16xi32> to vector<16xi32>
        %swap3A_199 = vector.shape_cast %add3A_194 : vector<16xi32> to vector<1x16xi32>
        tpu.vector_store %arg13[%swap3A_195, %swap3A_196], %swap3A_199 {strides = array<i32>} : memref<2x80xi32, #tpu.memory_space<vmem>>, vector<1x16xi32>,
        %get3A_200 = arith.constant 0 : i32
        %get3A_201 = arith.index_cast %get3A_200 : i32 to index
        %get3A_202 = arith.constant 16 : index
        %get3A_203 = tpu.vector_load %arg10[%get3A_201, %get3A_202] {strides = array<i32>} : memref<2x80xi32, #tpu.memory_space<vmem>>, vector<1x16xi32>,
        %get3A_204 = vector.shape_cast %get3A_203 : vector<1x16xi32> to vector<16xi32>
        %mul3A_205 = arith.constant 10000 : i32
        %mul3A_206 = arith.muli %arg0, %mul3A_205 : i32
        %add3A_207 = vector.broadcast %mul3A_206 : i32 to vector<16xi32>
        %add3A_208 = arith.addi %get3A_204, %add3A_207 : vector<16xi32>
        %swap3A_209 = arith.constant 0 : i32
        %swap3A_210 = arith.index_cast %swap3A_209 : i32 to index
        %swap3A_211 = arith.constant 16 : index
        %swap3A_212 = tpu.vector_load %arg13[%swap3A_210, %swap3A_211] {strides = array<i32>} : memref<2x80xi32, #tpu.memory_space<vmem>>, vector<1x16xi32>,
        %swap3A_213 = vector.shape_cast %swap3A_212 : vector<1x16xi32> to vector<16xi32>
        %swap3A_214 = vector.shape_cast %add3A_208 : vector<16xi32> to vector<1x16xi32>
        tpu.vector_store %arg13[%swap3A_210, %swap3A_211], %swap3A_214 {strides = array<i32>} : memref<2x80xi32, #tpu.memory_space<vmem>>, vector<1x16xi32>,
        %get3A_215 = arith.constant 0 : i32
        %get3A_216 = arith.index_cast %get3A_215 : i32 to index
        %get3A_217 = arith.constant 32 : index
        %get3A_218 = tpu.vector_load %arg10[%get3A_216, %get3A_217] {strides = array<i32>} : memref<2x80xi32, #tpu.memory_space<vmem>>, vector<1x16xi32>,
        %get3A_219 = vector.shape_cast %get3A_218 : vector<1x16xi32> to vector<16xi32>
        %mul3A_220 = arith.constant 10000 : i32
        %mul3A_221 = arith.muli %arg0, %mul3A_220 : i32
        %add3A_222 = vector.broadcast %mul3A_221 : i32 to vector<16xi32>
        %add3A_223 = arith.addi %get3A_219, %add3A_222 : vector<16xi32>
        %swap3A_224 = arith.constant 0 : i32
        %swap3A_225 = arith.index_cast %swap3A_224 : i32 to index
        %swap3A_226 = arith.constant 32 : index
        %swap3A_227 = tpu.vector_load %arg13[%swap3A_225, %swap3A_226] {strides = array<i32>} : memref<2x80xi32, #tpu.memory_space<vmem>>, vector<1x16xi32>,
        %swap3A_228 = vector.shape_cast %swap3A_227 : vector<1x16xi32> to vector<16xi32>
        %swap3A_229 = vector.shape_cast %add3A_223 : vector<16xi32> to vector<1x16xi32>
        tpu.vector_store %arg13[%swap3A_225, %swap3A_226], %swap3A_229 {strides = array<i32>} : memref<2x80xi32, #tpu.memory_space<vmem>>, vector<1x16xi32>,
        %get3A_230 = arith.constant 0 : i32
        %get3A_231 = arith.index_cast %get3A_230 : i32 to index
        %get3A_232 = arith.constant 48 : index
        %get3A_233 = tpu.vector_load %arg10[%get3A_231, %get3A_232] {strides = array<i32>} : memref<2x80xi32, #tpu.memory_space<vmem>>, vector<1x16xi32>,
        %get3A_234 = vector.shape_cast %get3A_233 : vector<1x16xi32> to vector<16xi32>
        %mul3A_235 = arith.constant 10000 : i32
        %mul3A_236 = arith.muli %arg0, %mul3A_235 : i32
        %add3A_237 = vector.broadcast %mul3A_236 : i32 to vector<16xi32>
        %add3A_238 = arith.addi %get3A_234, %add3A_237 : vector<16xi32>
        %swap3A_239 = arith.constant 0 : i32
        %swap3A_240 = arith.index_cast %swap3A_239 : i32 to index
        %swap3A_241 = arith.constant 48 : index
        %swap3A_242 = tpu.vector_load %arg13[%swap3A_240, %swap3A_241] {strides = array<i32>} : memref<2x80xi32, #tpu.memory_space<vmem>>, vector<1x16xi32>,
        %swap3A_243 = vector.shape_cast %swap3A_242 : vector<1x16xi32> to vector<16xi32>
        %swap3A_244 = vector.shape_cast %add3A_238 : vector<16xi32> to vector<1x16xi32>
        tpu.vector_store %arg13[%swap3A_240, %swap3A_241], %swap3A_244 {strides = array<i32>} : memref<2x80xi32, #tpu.memory_space<vmem>>, vector<1x16xi32>,
        %get3A_245 = arith.constant 0 : i32
        %get3A_246 = arith.index_cast %get3A_245 : i32 to index
        %get3A_247 = arith.constant 64 : index
        %get3A_248 = tpu.vector_load %arg10[%get3A_246, %get3A_247] {strides = array<i32>} : memref<2x80xi32, #tpu.memory_space<vmem>>, vector<1x16xi32>,
        %get3A_249 = vector.shape_cast %get3A_248 : vector<1x16xi32> to vector<16xi32>
        %mul3A_250 = arith.constant 10000 : i32
        %mul3A_251 = arith.muli %arg0, %mul3A_250 : i32
        %add3A_252 = vector.broadcast %mul3A_251 : i32 to vector<16xi32>
        %add3A_253 = arith.addi %get3A_249, %add3A_252 : vector<16xi32>
        %swap3A_254 = arith.constant 0 : i32
        %swap3A_255 = arith.index_cast %swap3A_254 : i32 to index
        %swap3A_256 = arith.constant 64 : index
        %swap3A_257 = tpu.vector_load %arg13[%swap3A_255, %swap3A_256] {strides = array<i32>} : memref<2x80xi32, #tpu.memory_space<vmem>>, vector<1x16xi32>,
        %swap3A_258 = vector.shape_cast %swap3A_257 : vector<1x16xi32> to vector<16xi32>
        %swap3A_259 = vector.shape_cast %add3A_253 : vector<16xi32> to vector<1x16xi32>
        tpu.vector_store %arg13[%swap3A_255, %swap3A_256], %swap3A_259 {strides = array<i32>} : memref<2x80xi32, #tpu.memory_space<vmem>>, vector<1x16xi32>,
        %dma_start3A = arith.constant 0 : i32
        %dma_start3A_260 = arith.constant 0 : i32
        %dma_start3A_261 = arith.constant 0 : i32
        %dma_start3A_262 = arith.constant 0 : i32
        %dma_start3A_263 = tpu.memref_slice %arg8[%dma_start3A_260, %dma_start3A_261, %dma_start3A_262] : memref<2x80x144xf32, #tpu.memory_space<vmem>> -> memref<1x80x144xf32, #tpu.memory_space<vmem>>
        %dma_start3A_264 = tpu.memref_squeeze %dma_start3A_263 : memref<1x80x144xf32, #tpu.memory_space<vmem>> -> memref<80x144xf32, #tpu.memory_space<vmem>>
        %dma_start3A_265 = arith.constant 0 : i32
        %dma_start3A_266 = tpu.memref_slice %arg13[%dma_start3A, %dma_start3A_265] : memref<2x80xi32, #tpu.memory_space<vmem>> -> memref<1x80xi32, #tpu.memory_space<vmem>>
        %dma_start3A_267 = tpu.memref_squeeze %dma_start3A_266 : memref<1x80xi32, #tpu.memory_space<vmem>> -> memref<80xi32, #tpu.memory_space<vmem>>
        %dma_start3A_268 = arith.constant 0 : i32
        %dma_start3A_269 = arith.constant 0 : i32
        %dma_start3A_270 = tpu.memref_slice %arg6[%dma_start3A_268, %dma_start3A_269] : memref<20000x144xf32, #tpu.memory_space<hbm>> -> memref<20000x144xf32, #tpu.memory_space<hbm>>
        tpu.enqueue_indirect_dma source(%dma_start3A_270 : memref<20000x144xf32, #tpu.memory_space<hbm>>) target(%dma_start3A_264 : memref<80x144xf32, #tpu.memory_space<vmem>>) offsets(%dma_start3A_267 : memref<80xi32, #tpu.memory_space<vmem>>) semaphore(%arg18 : memref<!tpu.dma_semaphore, #tpu.memory_space<semaphore_mem>>)
        %dma_start3A_271 = arith.constant 0 : i32
        %dma_start3A_272 = arith.constant 0 : i32
        %dma_start3A_273 = arith.constant 0 : i32
        %dma_start3A_274 = arith.constant 0 : i32
        %dma_start3A_275 = tpu.memref_slice %arg9[%dma_start3A_272, %dma_start3A_273, %dma_start3A_274] : memref<2x80x16xf32, #tpu.memory_space<vmem>> -> memref<1x80x16xf32, #tpu.memory_space<vmem>>
        %dma_start3A_276 = tpu.memref_squeeze %dma_start3A_275 : memref<1x80x16xf32, #tpu.memory_space<vmem>> -> memref<80x16xf32, #tpu.memory_space<vmem>>
        %dma_start3A_277 = arith.constant 0 : i32
        %dma_start3A_278 = tpu.memref_slice %arg11[%dma_start3A_271, %dma_start3A_277] : memref<2x80xi32, #tpu.memory_space<vmem>> -> memref<1x80xi32, #tpu.memory_space<vmem>>
        %dma_start3A_279 = tpu.memref_squeeze %dma_start3A_278 : memref<1x80xi32, #tpu.memory_space<vmem>> -> memref<80xi32, #tpu.memory_space<vmem>>
        %dma_start3A_280 = arith.constant 0 : i32
        %dma_start3A_281 = arith.constant 0 : i32
        %dma_start3A_282 = tpu.memref_slice %arg4[%dma_start3A_280, %dma_start3A_281] : memref<10000x16xf32, #tpu.memory_space<hbm>> -> memref<10000x16xf32, #tpu.memory_space<hbm>>
        tpu.enqueue_indirect_dma source(%dma_start3A_282 : memref<10000x16xf32, #tpu.memory_space<hbm>>) target(%dma_start3A_276 : memref<80x16xf32, #tpu.memory_space<vmem>>) offsets(%dma_start3A_279 : memref<80xi32, #tpu.memory_space<vmem>>) semaphore(%arg18 : memref<!tpu.dma_semaphore, #tpu.memory_space<semaphore_mem>>)
      } else {
      }
      %lt3A_150 = arith.cmpi slt, %add3A_136, %min3A_4 : i32
      %convert_element_type3A_151 = arith.extui %lt3A_150 : i1 to i32
      %cond3A_152 = arith.constant 0 : i32
      %cond3A_153 = arith.cmpi ne, %convert_element_type3A_151, %cond3A_152 : i32
      scf.if %cond3A_153 {
        %dma_wait3A = arith.constant 1 : i32
        %dma_wait3A_165 = arith.constant 0 : i32
        %dma_wait3A_166 = arith.constant 0 : i32
        %dma_wait3A_167 = tpu.memref_slice %arg8[%dma_wait3A, %dma_wait3A_165, %dma_wait3A_166] : memref<2x80x144xf32, #tpu.memory_space<vmem>> -> memref<1x80x144xf32, #tpu.memory_space<vmem>>
        %dma_wait3A_168 = tpu.memref_squeeze %dma_wait3A_167 : memref<1x80x144xf32, #tpu.memory_space<vmem>> -> memref<80x144xf32, #tpu.memory_space<vmem>>
        %dma_wait3A_169 = arith.constant 0 : i32
        %dma_wait3A_170 = arith.constant 0 : i32
        %dma_wait3A_171 = tpu.memref_slice %arg6[%dma_wait3A_169, %dma_wait3A_170] : memref<20000x144xf32, #tpu.memory_space<hbm>> -> memref<80x144xf32, #tpu.memory_space<hbm>>
        %dma_wait3A_172 = arith.constant 0 : i32
        %dma_wait3A_173 = arith.constant 0 : i32
        %dma_wait3A_174 = tpu.memref_slice %arg8[%dma_wait3A, %dma_wait3A_172, %dma_wait3A_173] : memref<2x80x144xf32, #tpu.memory_space<vmem>> -> memref<1x80x144xf32, #tpu.memory_space<vmem>>
        %dma_wait3A_175 = tpu.memref_squeeze %dma_wait3A_174 : memref<1x80x144xf32, #tpu.memory_space<vmem>> -> memref<80x144xf32, #tpu.memory_space<vmem>>
        %dma_wait3A_176 = arith.constant 0 : i32
        %dma_wait3A_177 = arith.constant 0 : i32
        %dma_wait3A_178 = tpu.memref_slice %arg6[%dma_wait3A_176, %dma_wait3A_177] : memref<20000x144xf32, #tpu.memory_space<hbm>> -> memref<80x144xf32, #tpu.memory_space<hbm>>
        tpu.wait_dma2 semaphore(%arg19 : memref<!tpu.dma_semaphore, #tpu.memory_space<semaphore_mem>>) src(%dma_wait3A_178 : memref<80x144xf32, #tpu.memory_space<hbm>>) dst(%dma_wait3A_175 : memref<80x144xf32, #tpu.memory_space<vmem>>)
        %dma_wait3A_179 = arith.constant 1 : i32
        %dma_wait3A_180 = arith.constant 0 : i32
        %dma_wait3A_181 = arith.constant 0 : i32
        %dma_wait3A_182 = tpu.memref_slice %arg9[%dma_wait3A_179, %dma_wait3A_180, %dma_wait3A_181] : memref<2x80x16xf32, #tpu.memory_space<vmem>> -> memref<1x80x16xf32, #tpu.memory_space<vmem>>
        %dma_wait3A_183 = tpu.memref_squeeze %dma_wait3A_182 : memref<1x80x16xf32, #tpu.memory_space<vmem>> -> memref<80x16xf32, #tpu.memory_space<vmem>>
        %dma_wait3A_184 = arith.constant 0 : i32
        %dma_wait3A_185 = arith.constant 0 : i32
        %dma_wait3A_186 = tpu.memref_slice %arg4[%dma_wait3A_184, %dma_wait3A_185] : memref<10000x16xf32, #tpu.memory_space<hbm>> -> memref<80x16xf32, #tpu.memory_space<hbm>>
        %dma_wait3A_187 = arith.constant 0 : i32
        %dma_wait3A_188 = arith.constant 0 : i32
        %dma_wait3A_189 = tpu.memref_slice %arg9[%dma_wait3A_179, %dma_wait3A_187, %dma_wait3A_188] : memref<2x80x16xf32, #tpu.memory_space<vmem>> -> memref<1x80x16xf32, #tpu.memory_space<vmem>>
        %dma_wait3A_190 = tpu.memref_squeeze %dma_wait3A_189 : memref<1x80x16xf32, #tpu.memory_space<vmem>> -> memref<80x16xf32, #tpu.memory_space<vmem>>
        %dma_wait3A_191 = arith.constant 0 : i32
        %dma_wait3A_192 = arith.constant 0 : i32
        %dma_wait3A_193 = tpu.memref_slice %arg4[%dma_wait3A_191, %dma_wait3A_192] : memref<10000x16xf32, #tpu.memory_space<hbm>> -> memref<80x16xf32, #tpu.memory_space<hbm>>
        tpu.wait_dma2 semaphore(%arg19 : memref<!tpu.dma_semaphore, #tpu.memory_space<semaphore_mem>>) src(%dma_wait3A_193 : memref<80x16xf32, #tpu.memory_space<hbm>>) dst(%dma_wait3A_190 : memref<80x16xf32, #tpu.memory_space<vmem>>)
        %get3A_194 = arith.constant 1 : i32
        %get3A_195 = arith.index_cast %get3A_194 : i32 to index
        %get3A_196 = arith.constant 0 : index
        %get3A_197 = tpu.vector_load %arg11[%get3A_195, %get3A_196] {strides = array<i32>} : memref<2x80xi32, #tpu.memory_space<vmem>>, vector<1x16xi32>,
        %get3A_198 = vector.shape_cast %get3A_197 : vector<1x16xi32> to vector<16xi32>
        %swap3A = arith.constant 1 : i32
        %swap3A_199 = arith.index_cast %swap3A : i32 to index
        %swap3A_200 = arith.constant 0 : index
        %swap3A_201 = tpu.vector_load %arg12[%swap3A_199, %swap3A_200] {strides = array<i32>} : memref<2x80xi32, #tpu.memory_space<vmem>>, vector<1x16xi32>,
        %swap3A_202 = vector.shape_cast %swap3A_201 : vector<1x16xi32> to vector<16xi32>
        %swap3A_203 = vector.shape_cast %get3A_198 : vector<16xi32> to vector<1x16xi32>
        tpu.vector_store %arg12[%swap3A_199, %swap3A_200], %swap3A_203 {strides = array<i32>} : memref<2x80xi32, #tpu.memory_space<vmem>>, vector<1x16xi32>,
        %get3A_204 = arith.constant 1 : i32
        %get3A_205 = arith.index_cast %get3A_204 : i32 to index
        %get3A_206 = arith.constant 16 : index
        %get3A_207 = tpu.vector_load %arg11[%get3A_205, %get3A_206] {strides = array<i32>} : memref<2x80xi32, #tpu.memory_space<vmem>>, vector<1x16xi32>,
        %get3A_208 = vector.shape_cast %get3A_207 : vector<1x16xi32> to vector<16xi32>
        %swap3A_209 = arith.constant 1 : i32
        %swap3A_210 = arith.index_cast %swap3A_209 : i32 to index
        %swap3A_211 = arith.constant 16 : index
        %swap3A_212 = tpu.vector_load %arg12[%swap3A_210, %swap3A_211] {strides = array<i32>} : memref<2x80xi32, #tpu.memory_space<vmem>>, vector<1x16xi32>,
        %swap3A_213 = vector.shape_cast %swap3A_212 : vector<1x16xi32> to vector<16xi32>
        %swap3A_214 = vector.shape_cast %get3A_208 : vector<16xi32> to vector<1x16xi32>
        tpu.vector_store %arg12[%swap3A_210, %swap3A_211], %swap3A_214 {strides = array<i32>} : memref<2x80xi32, #tpu.memory_space<vmem>>, vector<1x16xi32>,
        %get3A_215 = arith.constant 1 : i32
        %get3A_216 = arith.index_cast %get3A_215 : i32 to index
        %get3A_217 = arith.constant 32 : index
        %get3A_218 = tpu.vector_load %arg11[%get3A_216, %get3A_217] {strides = array<i32>} : memref<2x80xi32, #tpu.memory_space<vmem>>, vector<1x16xi32>,
        %get3A_219 = vector.shape_cast %get3A_218 : vector<1x16xi32> to vector<16xi32>
        %swap3A_220 = arith.constant 1 : i32
        %swap3A_221 = arith.index_cast %swap3A_220 : i32 to index
        %swap3A_222 = arith.constant 32 : index
        %swap3A_223 = tpu.vector_load %arg12[%swap3A_221, %swap3A_222] {strides = array<i32>} : memref<2x80xi32, #tpu.memory_space<vmem>>, vector<1x16xi32>,
        %swap3A_224 = vector.shape_cast %swap3A_223 : vector<1x16xi32> to vector<16xi32>
        %swap3A_225 = vector.shape_cast %get3A_219 : vector<16xi32> to vector<1x16xi32>
        tpu.vector_store %arg12[%swap3A_221, %swap3A_222], %swap3A_225 {strides = array<i32>} : memref<2x80xi32, #tpu.memory_space<vmem>>, vector<1x16xi32>,
        %get3A_226 = arith.constant 1 : i32
        %get3A_227 = arith.index_cast %get3A_226 : i32 to index
        %get3A_228 = arith.constant 48 : index
        %get3A_229 = tpu.vector_load %arg11[%get3A_227, %get3A_228] {strides = array<i32>} : memref<2x80xi32, #tpu.memory_space<vmem>>, vector<1x16xi32>,
        %get3A_230 = vector.shape_cast %get3A_229 : vector<1x16xi32> to vector<16xi32>
        %swap3A_231 = arith.constant 1 : i32
        %swap3A_232 = arith.index_cast %swap3A_231 : i32 to index
        %swap3A_233 = arith.constant 48 : index
        %swap3A_234 = tpu.vector_load %arg12[%swap3A_232, %swap3A_233] {strides = array<i32>} : memref<2x80xi32, #tpu.memory_space<vmem>>, vector<1x16xi32>,
        %swap3A_235 = vector.shape_cast %swap3A_234 : vector<1x16xi32> to vector<16xi32>
        %swap3A_236 = vector.shape_cast %get3A_230 : vector<16xi32> to vector<1x16xi32>
        tpu.vector_store %arg12[%swap3A_232, %swap3A_233], %swap3A_236 {strides = array<i32>} : memref<2x80xi32, #tpu.memory_space<vmem>>, vector<1x16xi32>,
        %get3A_237 = arith.constant 1 : i32
        %get3A_238 = arith.index_cast %get3A_237 : i32 to index
        %get3A_239 = arith.constant 64 : index
        %get3A_240 = tpu.vector_load %arg11[%get3A_238, %get3A_239] {strides = array<i32>} : memref<2x80xi32, #tpu.memory_space<vmem>>, vector<1x16xi32>,
        %get3A_241 = vector.shape_cast %get3A_240 : vector<1x16xi32> to vector<16xi32>
        %swap3A_242 = arith.constant 1 : i32
        %swap3A_243 = arith.index_cast %swap3A_242 : i32 to index
        %swap3A_244 = arith.constant 64 : index
        %swap3A_245 = tpu.vector_load %arg12[%swap3A_243, %swap3A_244] {strides = array<i32>} : memref<2x80xi32, #tpu.memory_space<vmem>>, vector<1x16xi32>,
        %swap3A_246 = vector.shape_cast %swap3A_245 : vector<1x16xi32> to vector<16xi32>
        %swap3A_247 = vector.shape_cast %get3A_241 : vector<16xi32> to vector<1x16xi32>
        tpu.vector_store %arg12[%swap3A_243, %swap3A_244], %swap3A_247 {strides = array<i32>} : memref<2x80xi32, #tpu.memory_space<vmem>>, vector<1x16xi32>,
      } else {
      }
      %add3A_154 = arith.constant 2 : i32
      %add3A_155 = arith.addi %add3A_136, %add3A_154 : i32
      %lt3A_156 = arith.cmpi slt, %add3A_155, %min3A_4 : i32
      %convert_element_type3A_157 = arith.extui %lt3A_156 : i1 to i32
      %cond3A_158 = arith.constant 0 : i32
      %cond3A_159 = arith.cmpi ne, %convert_element_type3A_157, %cond3A_158 : i32
      scf.if %cond3A_159 {
        %add3A_165 = arith.constant 2 : i32
        %add3A_166 = arith.addi %add3A_136, %add3A_165 : i32
        %mul3A_167 = arith.constant 80 : i32
        %mul3A_168 = arith.muli %add3A_166, %mul3A_167 : i32
        %add3A_169 = arith.addi %add3A_7, %mul3A_168 : i32
        %dma_start3A = arith.constant 1 : i32
        %dma_start3A_170 = arith.constant 0 : i32
        %dma_start3A_171 = tpu.memref_slice %arg10[%dma_start3A, %dma_start3A_170] : memref<2x80xi32, #tpu.memory_space<vmem>> -> memref<1x80xi32, #tpu.memory_space<vmem>>
        %dma_start3A_172 = tpu.memref_squeeze %dma_start3A_171 : memref<1x80xi32, #tpu.memory_space<vmem>> -> memref<80xi32, #tpu.memory_space<vmem>>
        %dma_start3A_173 = tpu.memref_slice %arg2[%add3A_169] : memref<320000xi32, #tpu.memory_space<hbm>> -> memref<80xi32, #tpu.memory_space<hbm>>
        %dma_start3A_174 = arith.constant 0 : i32
        %dma_start3A_175 = tpu.memref_slice %arg10[%dma_start3A, %dma_start3A_174] : memref<2x80xi32, #tpu.memory_space<vmem>> -> memref<1x80xi32, #tpu.memory_space<vmem>>
        %dma_start3A_176 = tpu.memref_squeeze %dma_start3A_175 : memref<1x80xi32, #tpu.memory_space<vmem>> -> memref<80xi32, #tpu.memory_space<vmem>>
        %dma_start3A_177 = tpu.memref_slice %arg2[%add3A_169] : memref<320000xi32, #tpu.memory_space<hbm>> -> memref<80xi32, #tpu.memory_space<hbm>>
        tpu.enqueue_dma source(%dma_start3A_177 : memref<80xi32, #tpu.memory_space<hbm>>) target(%dma_start3A_176 : memref<80xi32, #tpu.memory_space<vmem>>) target_semaphore(%arg17 : memref<!tpu.dma_semaphore, #tpu.memory_space<semaphore_mem>>)
        %dma_start3A_178 = arith.constant 1 : i32
        %dma_start3A_179 = arith.constant 0 : i32
        %dma_start3A_180 = tpu.memref_slice %arg11[%dma_start3A_178, %dma_start3A_179] : memref<2x80xi32, #tpu.memory_space<vmem>> -> memref<1x80xi32, #tpu.memory_space<vmem>>
        %dma_start3A_181 = tpu.memref_squeeze %dma_start3A_180 : memref<1x80xi32, #tpu.memory_space<vmem>> -> memref<80xi32, #tpu.memory_space<vmem>>
        %dma_start3A_182 = tpu.memref_slice %arg3[%add3A_169] : memref<320000xi32, #tpu.memory_space<hbm>> -> memref<80xi32, #tpu.memory_space<hbm>>
        %dma_start3A_183 = arith.constant 0 : i32
        %dma_start3A_184 = tpu.memref_slice %arg11[%dma_start3A_178, %dma_start3A_183] : memref<2x80xi32, #tpu.memory_space<vmem>> -> memref<1x80xi32, #tpu.memory_space<vmem>>
        %dma_start3A_185 = tpu.memref_squeeze %dma_start3A_184 : memref<1x80xi32, #tpu.memory_space<vmem>> -> memref<80xi32, #tpu.memory_space<vmem>>
        %dma_start3A_186 = tpu.memref_slice %arg3[%add3A_169] : memref<320000xi32, #tpu.memory_space<hbm>> -> memref<80xi32, #tpu.memory_space<hbm>>
        tpu.enqueue_dma source(%dma_start3A_186 : memref<80xi32, #tpu.memory_space<hbm>>) target(%dma_start3A_185 : memref<80xi32, #tpu.memory_space<vmem>>) target_semaphore(%arg17 : memref<!tpu.dma_semaphore, #tpu.memory_space<semaphore_mem>>)
      } else {
      }
      %lt3A_160 = arith.cmpi slt, %add3A_136, %min3A_4 : i32
      %convert_element_type3A_161 = arith.extui %lt3A_160 : i1 to i32
      %cond3A_162 = arith.constant 0 : i32
      %cond3A_163 = arith.cmpi ne, %convert_element_type3A_161, %cond3A_162 : i32
      scf.if %cond3A_163 {
        %scan3A_165 = arith.constant 0 : i32
        %scan3A_166 = arith.constant 0 : i32
        %scan3A_167 = arith.constant 80 : i32
        %scan3A_168 = arith.addi %scan3A_166, %scan3A_167 : i32
        %scan3A_169 = arith.constant 1 : i32
        %scan3A_170 = scf.for %scan3A_183 = %scan3A_166 to %scan3A_168 step %scan3A_169 iter_args(%scan3A_184 = %scan3A_165) -> (i32)  : i32 {
          %get3A_185 = arith.constant 1 : i32
          %get3A_186 = arith.index_cast %get3A_185 : i32 to index
          %get3A_187 = arith.index_cast %scan3A_183 : i32 to index
          %get3A_188 = arith.constant 128 : index
          %get3A_189 = tpu.vector_load %arg8[%get3A_186, %get3A_187, %get3A_188] {strides = array<i32>} : memref<2x80x144xf32, #tpu.memory_space<vmem>>, vector<1x1x16xf32>,
          %get3A_190 = vector.shape_cast %get3A_189 : vector<1x1x16xf32> to vector<16xf32>
          %get3A_191 = arith.constant 1 : i32
          %get3A_192 = arith.index_cast %get3A_191 : i32 to index
          %get3A_193 = arith.index_cast %scan3A_183 : i32 to index
          %get3A_194 = arith.constant 0 : index
          %get3A_195 = tpu.vector_load %arg9[%get3A_192, %get3A_193, %get3A_194] {strides = array<i32>} : memref<2x80x16xf32, #tpu.memory_space<vmem>>, vector<1x1x16xf32>,
          %get3A_196 = vector.shape_cast %get3A_195 : vector<1x1x16xf32> to vector<16xf32>
          %add3A_197 = arith.addf %get3A_190, %get3A_196 : vector<16xf32>
          %gt3A_198 = arith.constant 0.000000e+00 : f32
          %gt3A_199 = vector.broadcast %gt3A_198 : f32 to vector<16xf32>
          %gt3A_200 = arith.cmpf ogt, %add3A_197, %gt3A_199 : vector<16xf32>
          %mul3A_201 = arith.constant 2.000000e-01 : f32
          %mul3A_202 = vector.broadcast %mul3A_201 : f32 to vector<16xf32>
          %mul3A_203 = arith.mulf %mul3A_202, %add3A_197 : vector<16xf32>
          %select_n3A = arith.select %gt3A_200, %add3A_197, %mul3A_203 : vector<16xi1>, vector<16xf32>
          %add3A_204 = arith.addf %get3A_18, %get3A_196 : vector<16xf32>
          %gt3A_205 = arith.constant 0.000000e+00 : f32
          %gt3A_206 = vector.broadcast %gt3A_205 : f32 to vector<16xf32>
          %gt3A_207 = arith.cmpf ogt, %add3A_204, %gt3A_206 : vector<16xf32>
          %mul3A_208 = arith.constant 2.000000e-01 : f32
          %mul3A_209 = vector.broadcast %mul3A_208 : f32 to vector<16xf32>
          %mul3A_210 = arith.mulf %mul3A_209, %add3A_204 : vector<16xf32>
          %select_n3A_211 = arith.select %gt3A_207, %add3A_204, %mul3A_210 : vector<16xi1>, vector<16xf32>
          %sub3A_212 = arith.subf %select_n3A, %select_n3A_211 : vector<16xf32>
          %exp3A = math.exp %sub3A_212 : vector<16xf32>
          %eq3A_213 = arith.constant 0 : i32
          %eq3A_214 = arith.cmpi eq, %arg0, %eq3A_213 : i32
          %slice3A = vector.extract_strided_slice %exp3A {offsets = [0], sizes = [1], strides = [1]} : vector<16xf32> to vector<1xf32>
          %squeeze3A = vector.extract %slice3A[0] : f32 from vector<1xf32>
          %slice3A_215 = vector.extract_strided_slice %exp3A {offsets = [2], sizes = [1], strides = [1]} : vector<16xf32> to vector<1xf32>
          %squeeze3A_216 = vector.extract %slice3A_215[0] : f32 from vector<1xf32>
          %select_n3A_217 = arith.select %eq3A_214, %squeeze3A, %squeeze3A_216 : f32
          %eq3A_218 = arith.constant 0 : i32
          %eq3A_219 = arith.cmpi eq, %arg0, %eq3A_218 : i32
          %slice3A_220 = vector.extract_strided_slice %exp3A {offsets = [1], sizes = [1], strides = [1]} : vector<16xf32> to vector<1xf32>
          %squeeze3A_221 = vector.extract %slice3A_220[0] : f32 from vector<1xf32>
          %slice3A_222 = vector.extract_strided_slice %exp3A {offsets = [3], sizes = [1], strides = [1]} : vector<16xf32> to vector<1xf32>
          %squeeze3A_223 = vector.extract %slice3A_222[0] : f32 from vector<1xf32>
          %select_n3A_224 = arith.select %eq3A_219, %squeeze3A_221, %squeeze3A_223 : f32
          %broadcast_in_dim3A = vector.broadcast %select_n3A_217 : f32 to vector<16xf32>
          %broadcast_in_dim3A_225 = vector.broadcast %select_n3A_224 : f32 to vector<16xf32>
          %get3A_226 = arith.constant 1 : i32
          %get3A_227 = arith.index_cast %get3A_226 : i32 to index
          %get3A_228 = arith.index_cast %scan3A_183 : i32 to index
          %get3A_229 = arith.constant 0 : index
          %get3A_230 = tpu.vector_load %arg8[%get3A_227, %get3A_228, %get3A_229] {strides = array<i32>} : memref<2x80x144xf32, #tpu.memory_space<vmem>>, vector<1x1x16xf32>,
          %get3A_231 = vector.shape_cast %get3A_230 : vector<1x1x16xf32> to vector<16xf32>
          %mul3A_232 = arith.mulf %get3A_231, %broadcast_in_dim3A : vector<16xf32>
          %swap3A = arith.constant 1 : i32
          %swap3A_233 = arith.index_cast %swap3A : i32 to index
          %swap3A_234 = arith.index_cast %scan3A_183 : i32 to index
          %swap3A_235 = arith.constant 0 : index
          %swap3A_236 = tpu.vector_load %arg8[%swap3A_233, %swap3A_234, %swap3A_235] {strides = array<i32>} : memref<2x80x144xf32, #tpu.memory_space<vmem>>, vector<1x1x16xf32>,
          %swap3A_237 = vector.shape_cast %swap3A_236 : vector<1x1x16xf32> to vector<16xf32>
          %swap3A_238 = vector.shape_cast %mul3A_232 : vector<16xf32> to vector<1x1x16xf32>
          tpu.vector_store %arg8[%swap3A_233, %swap3A_234, %swap3A_235], %swap3A_238 {strides = array<i32>} : memref<2x80x144xf32, #tpu.memory_space<vmem>>, vector<1x1x16xf32>,
          %get3A_239 = arith.constant 1 : i32
          %get3A_240 = arith.index_cast %get3A_239 : i32 to index
          %get3A_241 = arith.index_cast %scan3A_183 : i32 to index
          %get3A_242 = arith.constant 16 : index
          %get3A_243 = tpu.vector_load %arg8[%get3A_240, %get3A_241, %get3A_242] {strides = array<i32>} : memref<2x80x144xf32, #tpu.memory_space<vmem>>, vector<1x1x16xf32>,
          %get3A_244 = vector.shape_cast %get3A_243 : vector<1x1x16xf32> to vector<16xf32>
          %mul3A_245 = arith.mulf %get3A_244, %broadcast_in_dim3A : vector<16xf32>
          %swap3A_246 = arith.constant 1 : i32
          %swap3A_247 = arith.index_cast %swap3A_246 : i32 to index
          %swap3A_248 = arith.index_cast %scan3A_183 : i32 to index
          %swap3A_249 = arith.constant 16 : index
          %swap3A_250 = tpu.vector_load %arg8[%swap3A_247, %swap3A_248, %swap3A_249] {strides = array<i32>} : memref<2x80x144xf32, #tpu.memory_space<vmem>>, vector<1x1x16xf32>,
          %swap3A_251 = vector.shape_cast %swap3A_250 : vector<1x1x16xf32> to vector<16xf32>
          %swap3A_252 = vector.shape_cast %mul3A_245 : vector<16xf32> to vector<1x1x16xf32>
          tpu.vector_store %arg8[%swap3A_247, %swap3A_248, %swap3A_249], %swap3A_252 {strides = array<i32>} : memref<2x80x144xf32, #tpu.memory_space<vmem>>, vector<1x1x16xf32>,
          %get3A_253 = arith.constant 1 : i32
          %get3A_254 = arith.index_cast %get3A_253 : i32 to index
          %get3A_255 = arith.index_cast %scan3A_183 : i32 to index
          %get3A_256 = arith.constant 32 : index
          %get3A_257 = tpu.vector_load %arg8[%get3A_254, %get3A_255, %get3A_256] {strides = array<i32>} : memref<2x80x144xf32, #tpu.memory_space<vmem>>, vector<1x1x16xf32>,
          %get3A_258 = vector.shape_cast %get3A_257 : vector<1x1x16xf32> to vector<16xf32>
          %mul3A_259 = arith.mulf %get3A_258, %broadcast_in_dim3A : vector<16xf32>
          %swap3A_260 = arith.constant 1 : i32
          %swap3A_261 = arith.index_cast %swap3A_260 : i32 to index
          %swap3A_262 = arith.index_cast %scan3A_183 : i32 to index
          %swap3A_263 = arith.constant 32 : index
          %swap3A_264 = tpu.vector_load %arg8[%swap3A_261, %swap3A_262, %swap3A_263] {strides = array<i32>} : memref<2x80x144xf32, #tpu.memory_space<vmem>>, vector<1x1x16xf32>,
          %swap3A_265 = vector.shape_cast %swap3A_264 : vector<1x1x16xf32> to vector<16xf32>
          %swap3A_266 = vector.shape_cast %mul3A_259 : vector<16xf32> to vector<1x1x16xf32>
          tpu.vector_store %arg8[%swap3A_261, %swap3A_262, %swap3A_263], %swap3A_266 {strides = array<i32>} : memref<2x80x144xf32, #tpu.memory_space<vmem>>, vector<1x1x16xf32>,
          %get3A_267 = arith.constant 1 : i32
          %get3A_268 = arith.index_cast %get3A_267 : i32 to index
          %get3A_269 = arith.index_cast %scan3A_183 : i32 to index
          %get3A_270 = arith.constant 48 : index
          %get3A_271 = tpu.vector_load %arg8[%get3A_268, %get3A_269, %get3A_270] {strides = array<i32>} : memref<2x80x144xf32, #tpu.memory_space<vmem>>, vector<1x1x16xf32>,
          %get3A_272 = vector.shape_cast %get3A_271 : vector<1x1x16xf32> to vector<16xf32>
          %mul3A_273 = arith.mulf %get3A_272, %broadcast_in_dim3A : vector<16xf32>
          %swap3A_274 = arith.constant 1 : i32
          %swap3A_275 = arith.index_cast %swap3A_274 : i32 to index
          %swap3A_276 = arith.index_cast %scan3A_183 : i32 to index
          %swap3A_277 = arith.constant 48 : index
          %swap3A_278 = tpu.vector_load %arg8[%swap3A_275, %swap3A_276, %swap3A_277] {strides = array<i32>} : memref<2x80x144xf32, #tpu.memory_space<vmem>>, vector<1x1x16xf32>,
          %swap3A_279 = vector.shape_cast %swap3A_278 : vector<1x1x16xf32> to vector<16xf32>
          %swap3A_280 = vector.shape_cast %mul3A_273 : vector<16xf32> to vector<1x1x16xf32>
          tpu.vector_store %arg8[%swap3A_275, %swap3A_276, %swap3A_277], %swap3A_280 {strides = array<i32>} : memref<2x80x144xf32, #tpu.memory_space<vmem>>, vector<1x1x16xf32>,
          %get3A_281 = arith.constant 1 : i32
          %get3A_282 = arith.index_cast %get3A_281 : i32 to index
          %get3A_283 = arith.index_cast %scan3A_183 : i32 to index
          %get3A_284 = arith.constant 64 : index
          %get3A_285 = tpu.vector_load %arg8[%get3A_282, %get3A_283, %get3A_284] {strides = array<i32>} : memref<2x80x144xf32, #tpu.memory_space<vmem>>, vector<1x1x16xf32>,
          %get3A_286 = vector.shape_cast %get3A_285 : vector<1x1x16xf32> to vector<16xf32>
          %mul3A_287 = arith.mulf %get3A_286, %broadcast_in_dim3A_225 : vector<16xf32>
          %swap3A_288 = arith.constant 1 : i32
          %swap3A_289 = arith.index_cast %swap3A_288 : i32 to index
          %swap3A_290 = arith.index_cast %scan3A_183 : i32 to index
          %swap3A_291 = arith.constant 64 : index
          %swap3A_292 = tpu.vector_load %arg8[%swap3A_289, %swap3A_290, %swap3A_291] {strides = array<i32>} : memref<2x80x144xf32, #tpu.memory_space<vmem>>, vector<1x1x16xf32>,
          %swap3A_293 = vector.shape_cast %swap3A_292 : vector<1x1x16xf32> to vector<16xf32>
          %swap3A_294 = vector.shape_cast %mul3A_287 : vector<16xf32> to vector<1x1x16xf32>
          tpu.vector_store %arg8[%swap3A_289, %swap3A_290, %swap3A_291], %swap3A_294 {strides = array<i32>} : memref<2x80x144xf32, #tpu.memory_space<vmem>>, vector<1x1x16xf32>,
          %get3A_295 = arith.constant 1 : i32
          %get3A_296 = arith.index_cast %get3A_295 : i32 to index
          %get3A_297 = arith.index_cast %scan3A_183 : i32 to index
          %get3A_298 = arith.constant 80 : index
          %get3A_299 = tpu.vector_load %arg8[%get3A_296, %get3A_297, %get3A_298] {strides = array<i32>} : memref<2x80x144xf32, #tpu.memory_space<vmem>>, vector<1x1x16xf32>,
          %get3A_300 = vector.shape_cast %get3A_299 : vector<1x1x16xf32> to vector<16xf32>
          %mul3A_301 = arith.mulf %get3A_300, %broadcast_in_dim3A_225 : vector<16xf32>
          %swap3A_302 = arith.constant 1 : i32
          %swap3A_303 = arith.index_cast %swap3A_302 : i32 to index
          %swap3A_304 = arith.index_cast %scan3A_183 : i32 to index
          %swap3A_305 = arith.constant 80 : index
          %swap3A_306 = tpu.vector_load %arg8[%swap3A_303, %swap3A_304, %swap3A_305] {strides = array<i32>} : memref<2x80x144xf32, #tpu.memory_space<vmem>>, vector<1x1x16xf32>,
          %swap3A_307 = vector.shape_cast %swap3A_306 : vector<1x1x16xf32> to vector<16xf32>
          %swap3A_308 = vector.shape_cast %mul3A_301 : vector<16xf32> to vector<1x1x16xf32>
          tpu.vector_store %arg8[%swap3A_303, %swap3A_304, %swap3A_305], %swap3A_308 {strides = array<i32>} : memref<2x80x144xf32, #tpu.memory_space<vmem>>, vector<1x1x16xf32>,
          %get3A_309 = arith.constant 1 : i32
          %get3A_310 = arith.index_cast %get3A_309 : i32 to index
          %get3A_311 = arith.index_cast %scan3A_183 : i32 to index
          %get3A_312 = arith.constant 96 : index
          %get3A_313 = tpu.vector_load %arg8[%get3A_310, %get3A_311, %get3A_312] {strides = array<i32>} : memref<2x80x144xf32, #tpu.memory_space<vmem>>, vector<1x1x16xf32>,
          %get3A_314 = vector.shape_cast %get3A_313 : vector<1x1x16xf32> to vector<16xf32>
          %mul3A_315 = arith.mulf %get3A_314, %broadcast_in_dim3A_225 : vector<16xf32>
          %swap3A_316 = arith.constant 1 : i32
          %swap3A_317 = arith.index_cast %swap3A_316 : i32 to index
          %swap3A_318 = arith.index_cast %scan3A_183 : i32 to index
          %swap3A_319 = arith.constant 96 : index
          %swap3A_320 = tpu.vector_load %arg8[%swap3A_317, %swap3A_318, %swap3A_319] {strides = array<i32>} : memref<2x80x144xf32, #tpu.memory_space<vmem>>, vector<1x1x16xf32>,
          %swap3A_321 = vector.shape_cast %swap3A_320 : vector<1x1x16xf32> to vector<16xf32>
          %swap3A_322 = vector.shape_cast %mul3A_315 : vector<16xf32> to vector<1x1x16xf32>
          tpu.vector_store %arg8[%swap3A_317, %swap3A_318, %swap3A_319], %swap3A_322 {strides = array<i32>} : memref<2x80x144xf32, #tpu.memory_space<vmem>>, vector<1x1x16xf32>,
          %get3A_323 = arith.constant 1 : i32
          %get3A_324 = arith.index_cast %get3A_323 : i32 to index
          %get3A_325 = arith.index_cast %scan3A_183 : i32 to index
          %get3A_326 = arith.constant 112 : index
          %get3A_327 = tpu.vector_load %arg8[%get3A_324, %get3A_325, %get3A_326] {strides = array<i32>} : memref<2x80x144xf32, #tpu.memory_space<vmem>>, vector<1x1x16xf32>,
          %get3A_328 = vector.shape_cast %get3A_327 : vector<1x1x16xf32> to vector<16xf32>
          %mul3A_329 = arith.mulf %get3A_328, %broadcast_in_dim3A_225 : vector<16xf32>
          %swap3A_330 = arith.constant 1 : i32
          %swap3A_331 = arith.index_cast %swap3A_330 : i32 to index
          %swap3A_332 = arith.index_cast %scan3A_183 : i32 to index
          %swap3A_333 = arith.constant 112 : index
          %swap3A_334 = tpu.vector_load %arg8[%swap3A_331, %swap3A_332, %swap3A_333] {strides = array<i32>} : memref<2x80x144xf32, #tpu.memory_space<vmem>>, vector<1x1x16xf32>,
          %swap3A_335 = vector.shape_cast %swap3A_334 : vector<1x1x16xf32> to vector<16xf32>
          %swap3A_336 = vector.shape_cast %mul3A_329 : vector<16xf32> to vector<1x1x16xf32>
          tpu.vector_store %arg8[%swap3A_331, %swap3A_332, %swap3A_333], %swap3A_336 {strides = array<i32>} : memref<2x80x144xf32, #tpu.memory_space<vmem>>, vector<1x1x16xf32>,
          %iota3A = tpu.iota {dimensions = array<i32: 0>} : vector<16xi32>
          %eq3A_337 = arith.constant 4 : i32
          %eq3A_338 = vector.broadcast %eq3A_337 : i32 to vector<16xi32>
          %eq3A_339 = arith.cmpi eq, %iota3A, %eq3A_338 : vector<16xi32>
          %eq3A_340 = arith.constant 5 : i32
          %eq3A_341 = vector.broadcast %eq3A_340 : i32 to vector<16xi32>
          %eq3A_342 = arith.cmpi eq, %iota3A, %eq3A_341 : vector<16xi32>
          %jit3A = arith.constant 0.000000e+00 : f32
          %broadcast_in_dim3A_343 = vector.broadcast %jit3A : f32 to vector<16xf32>
          %select_n3A_344 = arith.select %eq3A_342, %broadcast_in_dim3A_225, %broadcast_in_dim3A_343 : vector<16xi1>, vector<16xf32>
          %select_n3A_345 = arith.select %eq3A_339, %broadcast_in_dim3A, %select_n3A_344 : vector<16xi1>, vector<16xf32>
          %mul3A_346 = arith.mulf %get3A_190, %select_n3A_345 : vector<16xf32>
          %swap3A_347 = arith.constant 1 : i32
          %swap3A_348 = arith.index_cast %swap3A_347 : i32 to index
          %swap3A_349 = arith.index_cast %scan3A_183 : i32 to index
          %swap3A_350 = arith.constant 128 : index
          %swap3A_351 = tpu.vector_load %arg8[%swap3A_348, %swap3A_349, %swap3A_350] {strides = array<i32>} : memref<2x80x144xf32, #tpu.memory_space<vmem>>, vector<1x1x16xf32>,
          %swap3A_352 = vector.shape_cast %swap3A_351 : vector<1x1x16xf32> to vector<16xf32>
          %swap3A_353 = vector.shape_cast %mul3A_346 : vector<16xf32> to vector<1x1x16xf32>
          tpu.vector_store %arg8[%swap3A_348, %swap3A_349, %swap3A_350], %swap3A_353 {strides = array<i32>} : memref<2x80x144xf32, #tpu.memory_space<vmem>>, vector<1x1x16xf32>,
          %scan3A_354 = arith.constant 0 : i32
          scf.yield %scan3A_354 : i32
        }
        %scan3A_171 = arith.constant 80 : i32
        %dma_start3A = arith.constant 1 : i32
        %dma_start3A_172 = arith.constant 1 : i32
        %dma_start3A_173 = arith.constant 0 : i32
        %dma_start3A_174 = arith.constant 0 : i32
        %dma_start3A_175 = tpu.memref_slice %arg8[%dma_start3A, %dma_start3A_173, %dma_start3A_174] : memref<2x80x144xf32, #tpu.memory_space<vmem>> -> memref<1x80x144xf32, #tpu.memory_space<vmem>>
        %dma_start3A_176 = tpu.memref_squeeze %dma_start3A_175 : memref<1x80x144xf32, #tpu.memory_space<vmem>> -> memref<80x144xf32, #tpu.memory_space<vmem>>
        %dma_start3A_177 = arith.constant 0 : i32
        %dma_start3A_178 = tpu.memref_slice %arg12[%dma_start3A_172, %dma_start3A_177] : memref<2x80xi32, #tpu.memory_space<vmem>> -> memref<1x80xi32, #tpu.memory_space<vmem>>
        %dma_start3A_179 = tpu.memref_squeeze %dma_start3A_178 : memref<1x80xi32, #tpu.memory_space<vmem>> -> memref<80xi32, #tpu.memory_space<vmem>>
        %dma_start3A_180 = arith.constant 0 : i32
        %dma_start3A_181 = arith.constant 0 : i32
        %dma_start3A_182 = tpu.memref_slice %arg15[%dma_start3A_180, %dma_start3A_181] : memref<10240x144xf32, #tpu.memory_space<vmem_shared>> -> memref<10240x144xf32, #tpu.memory_space<vmem_shared>>
        tpu.enqueue_indirect_dma source(%dma_start3A_176 : memref<80x144xf32, #tpu.memory_space<vmem>>) target(%dma_start3A_182 : memref<10240x144xf32, #tpu.memory_space<vmem_shared>>) offsets(%dma_start3A_179 : memref<80xi32, #tpu.memory_space<vmem>>) semaphore(%arg21 : memref<!tpu.dma_semaphore, #tpu.memory_space<semaphore_mem>>) {add = true}
      } else {
      }
      %scan3A_164 = arith.constant 0 : i32
      scf.yield %scan3A_164 : i32
    }
    %scan3A_75 = arith.constant 125 : i32
    %ge3A = arith.constant 1 : i32
    %ge3A_76 = arith.cmpi sge, %min3A_4, %ge3A : i32
    %sub3A_77 = arith.constant 1 : i32
    %sub3A_78 = arith.subi %min3A_4, %sub3A_77 : i32
    %rem3A = arith.constant 2 : i32
    %rem3A_79 = arith.remsi %sub3A_78, %rem3A : i32
    %eq3A = arith.constant 0 : i32
    %eq3A_80 = arith.cmpi eq, %rem3A_79, %eq3A : i32
    %and3A = arith.andi %ge3A_76, %eq3A_80 : i1
    %convert_element_type3A_81 = arith.extui %and3A : i1 to i32
    %cond3A_82 = arith.constant 0 : i32
    %cond3A_83 = arith.cmpi ne, %convert_element_type3A_81, %cond3A_82 : i32
    scf.if %cond3A_83 {
      %dma_wait3A = arith.constant 0 : i32
      %dma_wait3A_101 = arith.constant 0 : i32
      %dma_wait3A_102 = arith.constant 0 : i32
      %dma_wait3A_103 = arith.constant 0 : i32
      %dma_wait3A_104 = tpu.memref_slice %arg8[%dma_wait3A, %dma_wait3A_102, %dma_wait3A_103] : memref<2x80x144xf32, #tpu.memory_space<vmem>> -> memref<1x80x144xf32, #tpu.memory_space<vmem>>
      %dma_wait3A_105 = tpu.memref_squeeze %dma_wait3A_104 : memref<1x80x144xf32, #tpu.memory_space<vmem>> -> memref<80x144xf32, #tpu.memory_space<vmem>>
      %dma_wait3A_106 = arith.constant 0 : i32
      %dma_wait3A_107 = tpu.memref_slice %arg12[%dma_wait3A_101, %dma_wait3A_106] : memref<2x80xi32, #tpu.memory_space<vmem>> -> memref<1x80xi32, #tpu.memory_space<vmem>>
      %dma_wait3A_108 = tpu.memref_squeeze %dma_wait3A_107 : memref<1x80xi32, #tpu.memory_space<vmem>> -> memref<80xi32, #tpu.memory_space<vmem>>
      %dma_wait3A_109 = arith.constant 0 : i32
      %dma_wait3A_110 = arith.constant 0 : i32
      %dma_wait3A_111 = tpu.memref_slice %arg15[%dma_wait3A_109, %dma_wait3A_110] : memref<10240x144xf32, #tpu.memory_space<vmem_shared>> -> memref<10240x144xf32, #tpu.memory_space<vmem_shared>>
      tpu.wait_indirect_dma semaphore(%arg20 : memref<!tpu.dma_semaphore, #tpu.memory_space<semaphore_mem>>) src(%dma_wait3A_105 : memref<80x144xf32, #tpu.memory_space<vmem>>) dst(%dma_wait3A_111 : memref<10240x144xf32, #tpu.memory_space<vmem_shared>>)
    } else {
    }
    %ge3A_84 = arith.constant 1 : i32
    %ge3A_85 = arith.cmpi sge, %min3A_4, %ge3A_84 : i32
    %sub3A_86 = arith.constant 1 : i32
    %sub3A_87 = arith.subi %min3A_4, %sub3A_86 : i32
    %rem3A_88 = arith.constant 2 : i32
    %rem3A_89 = arith.remsi %sub3A_87, %rem3A_88 : i32
    %eq3A_90 = arith.constant 1 : i32
    %eq3A_91 = arith.cmpi eq, %rem3A_89, %eq3A_90 : i32
    %and3A_92 = arith.andi %ge3A_85, %eq3A_91 : i1
    %convert_element_type3A_93 = arith.extui %and3A_92 : i1 to i32
    %cond3A_94 = arith.constant 0 : i32
    %cond3A_95 = arith.cmpi ne, %convert_element_type3A_93, %cond3A_94 : i32
    scf.if %cond3A_95 {
      %dma_wait3A = arith.constant 1 : i32
      %dma_wait3A_101 = arith.constant 1 : i32
      %dma_wait3A_102 = arith.constant 0 : i32
      %dma_wait3A_103 = arith.constant 0 : i32
      %dma_wait3A_104 = tpu.memref_slice %arg8[%dma_wait3A, %dma_wait3A_102, %dma_wait3A_103] : memref<2x80x144xf32, #tpu.memory_space<vmem>> -> memref<1x80x144xf32, #tpu.memory_space<vmem>>
      %dma_wait3A_105 = tpu.memref_squeeze %dma_wait3A_104 : memref<1x80x144xf32, #tpu.memory_space<vmem>> -> memref<80x144xf32, #tpu.memory_space<vmem>>
      %dma_wait3A_106 = arith.constant 0 : i32
      %dma_wait3A_107 = tpu.memref_slice %arg12[%dma_wait3A_101, %dma_wait3A_106] : memref<2x80xi32, #tpu.memory_space<vmem>> -> memref<1x80xi32, #tpu.memory_space<vmem>>
      %dma_wait3A_108 = tpu.memref_squeeze %dma_wait3A_107 : memref<1x80xi32, #tpu.memory_space<vmem>> -> memref<80xi32, #tpu.memory_space<vmem>>
      %dma_wait3A_109 = arith.constant 0 : i32
      %dma_wait3A_110 = arith.constant 0 : i32
      %dma_wait3A_111 = tpu.memref_slice %arg15[%dma_wait3A_109, %dma_wait3A_110] : memref<10240x144xf32, #tpu.memory_space<vmem_shared>> -> memref<10240x144xf32, #tpu.memory_space<vmem_shared>>
      tpu.wait_indirect_dma semaphore(%arg21 : memref<!tpu.dma_semaphore, #tpu.memory_space<semaphore_mem>>) src(%dma_wait3A_105 : memref<80x144xf32, #tpu.memory_space<vmem>>) dst(%dma_wait3A_111 : memref<10240x144xf32, #tpu.memory_space<vmem_shared>>)
    } else {
    }
    %barrier3A_96 = arith.constant 0 : index
    tpu.barrier barrier_id(%barrier3A_96)
    %mul3A_97 = arith.constant 640 : i32
    %mul3A_98 = arith.muli %arg1, %mul3A_97 : i32
    %mul3A_99 = arith.constant 640 : i32
    %mul3A_100 = arith.muli %arg1, %mul3A_99 : i32
    "tpu.region"() ({
      %run_scoped3A_101 = tpu.sem_alloc : memref<!tpu.dma_semaphore, #tpu.memory_space<semaphore_mem>>
      %dma_start3A = arith.constant 0 : i32
      %dma_start3A_102 = tpu.memref_slice %arg7[%arg0, %mul3A_100, %dma_start3A] : memref<2x10240x144xf32, #tpu.memory_space<hbm>> -> memref<1x640x144xf32, #tpu.memory_space<hbm>>
      %dma_start3A_103 = tpu.memref_squeeze %dma_start3A_102 : memref<1x640x144xf32, #tpu.memory_space<hbm>> -> memref<640x144xf32, #tpu.memory_space<hbm>>
      %dma_start3A_104 = arith.constant 0 : i32
      %dma_start3A_105 = tpu.memref_slice %arg15[%mul3A_98, %dma_start3A_104] : memref<10240x144xf32, #tpu.memory_space<vmem_shared>> -> memref<640x144xf32, #tpu.memory_space<vmem_shared>>
      tpu.enqueue_dma source(%dma_start3A_105 : memref<640x144xf32, #tpu.memory_space<vmem_shared>>) target(%dma_start3A_103 : memref<640x144xf32, #tpu.memory_space<hbm>>) target_semaphore(%run_scoped3A_101 : memref<!tpu.dma_semaphore, #tpu.memory_space<semaphore_mem>>)
      %dma_wait3A = arith.constant 0 : i32
      %dma_wait3A_106 = tpu.memref_slice %arg7[%arg0, %mul3A_100, %dma_wait3A] : memref<2x10240x144xf32, #tpu.memory_space<hbm>> -> memref<1x640x144xf32, #tpu.memory_space<hbm>>
      %dma_wait3A_107 = tpu.memref_squeeze %dma_wait3A_106 : memref<1x640x144xf32, #tpu.memory_space<hbm>> -> memref<640x144xf32, #tpu.memory_space<hbm>>
      %dma_wait3A_108 = arith.constant 0 : i32
      %dma_wait3A_109 = tpu.memref_slice %arg15[%mul3A_98, %dma_wait3A_108] : memref<10240x144xf32, #tpu.memory_space<vmem_shared>> -> memref<640x144xf32, #tpu.memory_space<vmem_shared>>
      tpu.wait_dma2 semaphore(%run_scoped3A_101 : memref<!tpu.dma_semaphore, #tpu.memory_space<semaphore_mem>>) src(%dma_wait3A_109 : memref<640x144xf32, #tpu.memory_space<vmem_shared>>) dst(%dma_wait3A_107 : memref<640x144xf32, #tpu.memory_space<hbm>>)
      tpu.yield
    }) : () -> ()
    return
  }
}

#map = affine_map<(d0, d1) -> (0)>
#map1 = affine_map<(d0, d1) -> (0, 0)>
#map2 = affine_map<(d0, d1) -> (0, 0, 0)>
module attributes {stable_mosaic.version = 14 : i64} {
  func.func @body(%arg0: i32, %arg1: i32, %arg2: memref<320000xi32, #tpu.memory_space<hbm>>, %arg3: memref<320000xi32, #tpu.memory_space<hbm>>, %arg4: memref<10000x16xf32, #tpu.memory_space<hbm>>, %arg5: memref<1x16xf32, #tpu.memory_space<hbm>>, %arg6: memref<10000x80xf32, #tpu.memory_space<hbm>>, %arg7: memref<2x10240x80xf32, #tpu.memory_space<hbm>>, %arg8: memref<2x128x80xf32, #tpu.memory_space<vmem>>, %arg9: memref<2x128x16xf32, #tpu.memory_space<vmem>>, %arg10: memref<2x128xi32, #tpu.memory_space<vmem>>, %arg11: memref<2x128xi32, #tpu.memory_space<vmem>>, %arg12: memref<2x128xi32, #tpu.memory_space<vmem>>, %arg13: memref<2x128xi32, #tpu.memory_space<vmem>>, %arg14: memref<1x16xf32, #tpu.memory_space<vmem>>, %arg15: memref<10240x80xf32, #tpu.memory_space<vmem_shared>>, %arg16: memref<!tpu.dma_semaphore, #tpu.memory_space<semaphore_mem>>, %arg17: memref<!tpu.dma_semaphore, #tpu.memory_space<semaphore_mem>>, %arg18: memref<!tpu.dma_semaphore, #tpu.memory_space<semaphore_mem>>, %arg19: memref<!tpu.dma_semaphore, #tpu.memory_space<semaphore_mem>>, %arg20: memref<!tpu.dma_semaphore, #tpu.memory_space<semaphore_mem>>, %arg21: memref<!tpu.dma_semaphore, #tpu.memory_space<semaphore_mem>>) attributes {dimension_semantics = [#tpu.dimension_semantics<core_parallel>, #tpu.dimension_semantics<subcore_parallel>], iteration_bounds = array<i64: 2, 16>, scalar_prefetch = 0 : i64, scratch_operands = 14 : i64, tpu.core_type = #tpu.core_type<sc_vector_subcore>, window_params = [{transform_indices = #map}, {transform_indices = #map}, {transform_indices = #map1}, {transform_indices = #map1}, {transform_indices = #map1}, {transform_indices = #map2}]} {
    %mul3A = arith.constant 79 : i32
    %mul3A_0 = arith.muli %arg1, %mul3A : i32
    %mul3A_1 = arith.constant 79 : i32
    %mul3A_2 = arith.muli %arg1, %mul3A_1 : i32
    %sub3A = arith.constant 1250 : i32
    %sub3A_3 = arith.subi %sub3A, %mul3A_2 : i32
    %min3A = arith.constant 79 : i32
    %min3A_4 = arith.minsi %min3A, %sub3A_3 : i32
    %mul3A_5 = arith.constant 160000 : i32
    %mul3A_6 = arith.muli %arg0, %mul3A_5 : i32
    %mul3A_7 = arith.constant 128 : i32
    %mul3A_8 = arith.muli %mul3A_0, %mul3A_7 : i32
    %add3A = arith.addi %mul3A_6, %mul3A_8 : i32
    %gt3A = arith.constant 0 : i32
    %gt3A_9 = arith.cmpi sgt, %min3A_4, %gt3A : i32
    %convert_element_type3A = arith.extui %gt3A_9 : i1 to i32
    %cond3A = arith.constant 0 : i32
    %cond3A_10 = arith.cmpi ne, %convert_element_type3A, %cond3A : i32
    scf.if %cond3A_10 {
      %add3A_87 = arith.constant 0 : i32
      %add3A_88 = arith.addi %add3A, %add3A_87 : i32
      %dma_start3A = arith.constant 0 : i32
      %dma_start3A_89 = arith.constant 0 : i32
      %dma_start3A_90 = tpu.memref_slice %arg10[%dma_start3A, %dma_start3A_89] : memref<2x128xi32, #tpu.memory_space<vmem>> -> memref<1x128xi32, #tpu.memory_space<vmem>>
      %dma_start3A_91 = tpu.memref_squeeze %dma_start3A_90 : memref<1x128xi32, #tpu.memory_space<vmem>> -> memref<128xi32, #tpu.memory_space<vmem>>
      %dma_start3A_92 = tpu.memref_slice %arg2[%add3A_88] : memref<320000xi32, #tpu.memory_space<hbm>> -> memref<128xi32, #tpu.memory_space<hbm>>
      %dma_start3A_93 = arith.constant 0 : i32
      %dma_start3A_94 = tpu.memref_slice %arg10[%dma_start3A, %dma_start3A_93] : memref<2x128xi32, #tpu.memory_space<vmem>> -> memref<1x128xi32, #tpu.memory_space<vmem>>
      %dma_start3A_95 = tpu.memref_squeeze %dma_start3A_94 : memref<1x128xi32, #tpu.memory_space<vmem>> -> memref<128xi32, #tpu.memory_space<vmem>>
      %dma_start3A_96 = tpu.memref_slice %arg2[%add3A_88] : memref<320000xi32, #tpu.memory_space<hbm>> -> memref<128xi32, #tpu.memory_space<hbm>>
      tpu.enqueue_dma source(%dma_start3A_96 : memref<128xi32, #tpu.memory_space<hbm>>) target(%dma_start3A_95 : memref<128xi32, #tpu.memory_space<vmem>>) target_semaphore(%arg16 : memref<!tpu.dma_semaphore, #tpu.memory_space<semaphore_mem>>)
      %dma_start3A_97 = arith.constant 0 : i32
      %dma_start3A_98 = arith.constant 0 : i32
      %dma_start3A_99 = tpu.memref_slice %arg11[%dma_start3A_97, %dma_start3A_98] : memref<2x128xi32, #tpu.memory_space<vmem>> -> memref<1x128xi32, #tpu.memory_space<vmem>>
      %dma_start3A_100 = tpu.memref_squeeze %dma_start3A_99 : memref<1x128xi32, #tpu.memory_space<vmem>> -> memref<128xi32, #tpu.memory_space<vmem>>
      %dma_start3A_101 = tpu.memref_slice %arg3[%add3A_88] : memref<320000xi32, #tpu.memory_space<hbm>> -> memref<128xi32, #tpu.memory_space<hbm>>
      %dma_start3A_102 = arith.constant 0 : i32
      %dma_start3A_103 = tpu.memref_slice %arg11[%dma_start3A_97, %dma_start3A_102] : memref<2x128xi32, #tpu.memory_space<vmem>> -> memref<1x128xi32, #tpu.memory_space<vmem>>
      %dma_start3A_104 = tpu.memref_squeeze %dma_start3A_103 : memref<1x128xi32, #tpu.memory_space<vmem>> -> memref<128xi32, #tpu.memory_space<vmem>>
      %dma_start3A_105 = tpu.memref_slice %arg3[%add3A_88] : memref<320000xi32, #tpu.memory_space<hbm>> -> memref<128xi32, #tpu.memory_space<hbm>>
      tpu.enqueue_dma source(%dma_start3A_105 : memref<128xi32, #tpu.memory_space<hbm>>) target(%dma_start3A_104 : memref<128xi32, #tpu.memory_space<vmem>>) target_semaphore(%arg16 : memref<!tpu.dma_semaphore, #tpu.memory_space<semaphore_mem>>)
    } else {
    }
    %gt3A_11 = arith.constant 1 : i32
    %gt3A_12 = arith.cmpi sgt, %min3A_4, %gt3A_11 : i32
    %convert_element_type3A_13 = arith.extui %gt3A_12 : i1 to i32
    %cond3A_14 = arith.constant 0 : i32
    %cond3A_15 = arith.cmpi ne, %convert_element_type3A_13, %cond3A_14 : i32
    scf.if %cond3A_15 {
      %add3A_87 = arith.constant 128 : i32
      %add3A_88 = arith.addi %add3A, %add3A_87 : i32
      %dma_start3A = arith.constant 1 : i32
      %dma_start3A_89 = arith.constant 0 : i32
      %dma_start3A_90 = tpu.memref_slice %arg10[%dma_start3A, %dma_start3A_89] : memref<2x128xi32, #tpu.memory_space<vmem>> -> memref<1x128xi32, #tpu.memory_space<vmem>>
      %dma_start3A_91 = tpu.memref_squeeze %dma_start3A_90 : memref<1x128xi32, #tpu.memory_space<vmem>> -> memref<128xi32, #tpu.memory_space<vmem>>
      %dma_start3A_92 = tpu.memref_slice %arg2[%add3A_88] : memref<320000xi32, #tpu.memory_space<hbm>> -> memref<128xi32, #tpu.memory_space<hbm>>
      %dma_start3A_93 = arith.constant 0 : i32
      %dma_start3A_94 = tpu.memref_slice %arg10[%dma_start3A, %dma_start3A_93] : memref<2x128xi32, #tpu.memory_space<vmem>> -> memref<1x128xi32, #tpu.memory_space<vmem>>
      %dma_start3A_95 = tpu.memref_squeeze %dma_start3A_94 : memref<1x128xi32, #tpu.memory_space<vmem>> -> memref<128xi32, #tpu.memory_space<vmem>>
      %dma_start3A_96 = tpu.memref_slice %arg2[%add3A_88] : memref<320000xi32, #tpu.memory_space<hbm>> -> memref<128xi32, #tpu.memory_space<hbm>>
      tpu.enqueue_dma source(%dma_start3A_96 : memref<128xi32, #tpu.memory_space<hbm>>) target(%dma_start3A_95 : memref<128xi32, #tpu.memory_space<vmem>>) target_semaphore(%arg17 : memref<!tpu.dma_semaphore, #tpu.memory_space<semaphore_mem>>)
      %dma_start3A_97 = arith.constant 1 : i32
      %dma_start3A_98 = arith.constant 0 : i32
      %dma_start3A_99 = tpu.memref_slice %arg11[%dma_start3A_97, %dma_start3A_98] : memref<2x128xi32, #tpu.memory_space<vmem>> -> memref<1x128xi32, #tpu.memory_space<vmem>>
      %dma_start3A_100 = tpu.memref_squeeze %dma_start3A_99 : memref<1x128xi32, #tpu.memory_space<vmem>> -> memref<128xi32, #tpu.memory_space<vmem>>
      %dma_start3A_101 = tpu.memref_slice %arg3[%add3A_88] : memref<320000xi32, #tpu.memory_space<hbm>> -> memref<128xi32, #tpu.memory_space<hbm>>
      %dma_start3A_102 = arith.constant 0 : i32
      %dma_start3A_103 = tpu.memref_slice %arg11[%dma_start3A_97, %dma_start3A_102] : memref<2x128xi32, #tpu.memory_space<vmem>> -> memref<1x128xi32, #tpu.memory_space<vmem>>
      %dma_start3A_104 = tpu.memref_squeeze %dma_start3A_103 : memref<1x128xi32, #tpu.memory_space<vmem>> -> memref<128xi32, #tpu.memory_space<vmem>>
      %dma_start3A_105 = tpu.memref_slice %arg3[%add3A_88] : memref<320000xi32, #tpu.memory_space<hbm>> -> memref<128xi32, #tpu.memory_space<hbm>>
      tpu.enqueue_dma source(%dma_start3A_105 : memref<128xi32, #tpu.memory_space<hbm>>) target(%dma_start3A_104 : memref<128xi32, #tpu.memory_space<vmem>>) target_semaphore(%arg17 : memref<!tpu.dma_semaphore, #tpu.memory_space<semaphore_mem>>)
    } else {
    }
    "tpu.region"() ({
      %run_scoped3A_87 = tpu.sem_alloc : memref<!tpu.dma_semaphore, #tpu.memory_space<semaphore_mem>>
      tpu.enqueue_dma source(%arg5 : memref<1x16xf32, #tpu.memory_space<hbm>>) target(%arg14 : memref<1x16xf32, #tpu.memory_space<vmem>>) target_semaphore(%run_scoped3A_87 : memref<!tpu.dma_semaphore, #tpu.memory_space<semaphore_mem>>)
      tpu.wait_dma2 semaphore(%run_scoped3A_87 : memref<!tpu.dma_semaphore, #tpu.memory_space<semaphore_mem>>) src(%arg5 : memref<1x16xf32, #tpu.memory_space<hbm>>) dst(%arg14 : memref<1x16xf32, #tpu.memory_space<vmem>>)
      tpu.yield
    }) : () -> ()
    %get3A = arith.constant 0 : i32
    %get3A_16 = arith.index_cast %get3A : i32 to index
    %get3A_17 = arith.constant 0 : index
    %get3A_18 = tpu.vector_load %arg14[%get3A_16, %get3A_17] {strides = array<i32>} : memref<1x16xf32, #tpu.memory_space<vmem>>, vector<1x16xf32>,
    %get3A_19 = vector.shape_cast %get3A_18 : vector<1x16xf32> to vector<16xf32>
    %gt3A_20 = arith.constant 0 : i32
    %gt3A_21 = arith.cmpi sgt, %min3A_4, %gt3A_20 : i32
    %convert_element_type3A_22 = arith.extui %gt3A_21 : i1 to i32
    %cond3A_23 = arith.constant 0 : i32
    %cond3A_24 = arith.cmpi ne, %convert_element_type3A_22, %cond3A_23 : i32
    scf.if %cond3A_24 {
      %dma_wait3A = arith.constant 0 : i32
      %dma_wait3A_87 = arith.constant 0 : i32
      %dma_wait3A_88 = tpu.memref_slice %arg10[%dma_wait3A, %dma_wait3A_87] : memref<2x128xi32, #tpu.memory_space<vmem>> -> memref<1x128xi32, #tpu.memory_space<vmem>>
      %dma_wait3A_89 = tpu.memref_squeeze %dma_wait3A_88 : memref<1x128xi32, #tpu.memory_space<vmem>> -> memref<128xi32, #tpu.memory_space<vmem>>
      %dma_wait3A_90 = arith.constant 0 : i32
      %dma_wait3A_91 = tpu.memref_slice %arg2[%dma_wait3A_90] : memref<320000xi32, #tpu.memory_space<hbm>> -> memref<128xi32, #tpu.memory_space<hbm>>
      %dma_wait3A_92 = arith.constant 0 : i32
      %dma_wait3A_93 = tpu.memref_slice %arg10[%dma_wait3A, %dma_wait3A_92] : memref<2x128xi32, #tpu.memory_space<vmem>> -> memref<1x128xi32, #tpu.memory_space<vmem>>
      %dma_wait3A_94 = tpu.memref_squeeze %dma_wait3A_93 : memref<1x128xi32, #tpu.memory_space<vmem>> -> memref<128xi32, #tpu.memory_space<vmem>>
      %dma_wait3A_95 = arith.constant 0 : i32
      %dma_wait3A_96 = tpu.memref_slice %arg2[%dma_wait3A_95] : memref<320000xi32, #tpu.memory_space<hbm>> -> memref<128xi32, #tpu.memory_space<hbm>>
      tpu.wait_dma2 semaphore(%arg16 : memref<!tpu.dma_semaphore, #tpu.memory_space<semaphore_mem>>) src(%dma_wait3A_96 : memref<128xi32, #tpu.memory_space<hbm>>) dst(%dma_wait3A_94 : memref<128xi32, #tpu.memory_space<vmem>>)
      %dma_wait3A_97 = arith.constant 0 : i32
      %dma_wait3A_98 = arith.constant 0 : i32
      %dma_wait3A_99 = tpu.memref_slice %arg11[%dma_wait3A_97, %dma_wait3A_98] : memref<2x128xi32, #tpu.memory_space<vmem>> -> memref<1x128xi32, #tpu.memory_space<vmem>>
      %dma_wait3A_100 = tpu.memref_squeeze %dma_wait3A_99 : memref<1x128xi32, #tpu.memory_space<vmem>> -> memref<128xi32, #tpu.memory_space<vmem>>
      %dma_wait3A_101 = arith.constant 0 : i32
      %dma_wait3A_102 = tpu.memref_slice %arg3[%dma_wait3A_101] : memref<320000xi32, #tpu.memory_space<hbm>> -> memref<128xi32, #tpu.memory_space<hbm>>
      %dma_wait3A_103 = arith.constant 0 : i32
      %dma_wait3A_104 = tpu.memref_slice %arg11[%dma_wait3A_97, %dma_wait3A_103] : memref<2x128xi32, #tpu.memory_space<vmem>> -> memref<1x128xi32, #tpu.memory_space<vmem>>
      %dma_wait3A_105 = tpu.memref_squeeze %dma_wait3A_104 : memref<1x128xi32, #tpu.memory_space<vmem>> -> memref<128xi32, #tpu.memory_space<vmem>>
      %dma_wait3A_106 = arith.constant 0 : i32
      %dma_wait3A_107 = tpu.memref_slice %arg3[%dma_wait3A_106] : memref<320000xi32, #tpu.memory_space<hbm>> -> memref<128xi32, #tpu.memory_space<hbm>>
      tpu.wait_dma2 semaphore(%arg16 : memref<!tpu.dma_semaphore, #tpu.memory_space<semaphore_mem>>) src(%dma_wait3A_107 : memref<128xi32, #tpu.memory_space<hbm>>) dst(%dma_wait3A_105 : memref<128xi32, #tpu.memory_space<vmem>>)
      %dma_start3A = arith.constant 0 : i32
      %dma_start3A_108 = arith.constant 0 : i32
      %dma_start3A_109 = arith.constant 0 : i32
      %dma_start3A_110 = arith.constant 0 : i32
      %dma_start3A_111 = tpu.memref_slice %arg8[%dma_start3A_108, %dma_start3A_109, %dma_start3A_110] : memref<2x128x80xf32, #tpu.memory_space<vmem>> -> memref<1x128x80xf32, #tpu.memory_space<vmem>>
      %dma_start3A_112 = tpu.memref_squeeze %dma_start3A_111 : memref<1x128x80xf32, #tpu.memory_space<vmem>> -> memref<128x80xf32, #tpu.memory_space<vmem>>
      %dma_start3A_113 = arith.constant 0 : i32
      %dma_start3A_114 = tpu.memref_slice %arg10[%dma_start3A, %dma_start3A_113] : memref<2x128xi32, #tpu.memory_space<vmem>> -> memref<1x128xi32, #tpu.memory_space<vmem>>
      %dma_start3A_115 = tpu.memref_squeeze %dma_start3A_114 : memref<1x128xi32, #tpu.memory_space<vmem>> -> memref<128xi32, #tpu.memory_space<vmem>>
      %dma_start3A_116 = arith.constant 0 : i32
      %dma_start3A_117 = arith.constant 0 : i32
      %dma_start3A_118 = tpu.memref_slice %arg6[%dma_start3A_116, %dma_start3A_117] : memref<10000x80xf32, #tpu.memory_space<hbm>> -> memref<10000x80xf32, #tpu.memory_space<hbm>>
      tpu.enqueue_indirect_dma source(%dma_start3A_118 : memref<10000x80xf32, #tpu.memory_space<hbm>>) target(%dma_start3A_112 : memref<128x80xf32, #tpu.memory_space<vmem>>) offsets(%dma_start3A_115 : memref<128xi32, #tpu.memory_space<vmem>>) semaphore(%arg18 : memref<!tpu.dma_semaphore, #tpu.memory_space<semaphore_mem>>)
      %dma_start3A_119 = arith.constant 0 : i32
      %dma_start3A_120 = arith.constant 0 : i32
      %dma_start3A_121 = arith.constant 0 : i32
      %dma_start3A_122 = arith.constant 0 : i32
      %dma_start3A_123 = tpu.memref_slice %arg9[%dma_start3A_120, %dma_start3A_121, %dma_start3A_122] : memref<2x128x16xf32, #tpu.memory_space<vmem>> -> memref<1x128x16xf32, #tpu.memory_space<vmem>>
      %dma_start3A_124 = tpu.memref_squeeze %dma_start3A_123 : memref<1x128x16xf32, #tpu.memory_space<vmem>> -> memref<128x16xf32, #tpu.memory_space<vmem>>
      %dma_start3A_125 = arith.constant 0 : i32
      %dma_start3A_126 = tpu.memref_slice %arg11[%dma_start3A_119, %dma_start3A_125] : memref<2x128xi32, #tpu.memory_space<vmem>> -> memref<1x128xi32, #tpu.memory_space<vmem>>
      %dma_start3A_127 = tpu.memref_squeeze %dma_start3A_126 : memref<1x128xi32, #tpu.memory_space<vmem>> -> memref<128xi32, #tpu.memory_space<vmem>>
      %dma_start3A_128 = arith.constant 0 : i32
      %dma_start3A_129 = arith.constant 0 : i32
      %dma_start3A_130 = tpu.memref_slice %arg4[%dma_start3A_128, %dma_start3A_129] : memref<10000x16xf32, #tpu.memory_space<hbm>> -> memref<10000x16xf32, #tpu.memory_space<hbm>>
      tpu.enqueue_indirect_dma source(%dma_start3A_130 : memref<10000x16xf32, #tpu.memory_space<hbm>>) target(%dma_start3A_124 : memref<128x16xf32, #tpu.memory_space<vmem>>) offsets(%dma_start3A_127 : memref<128xi32, #tpu.memory_space<vmem>>) semaphore(%arg18 : memref<!tpu.dma_semaphore, #tpu.memory_space<semaphore_mem>>)
    } else {
    }
    %scan3A = arith.constant 0 : i32
    %scan3A_25 = arith.constant 0 : i32
    %scan3A_26 = arith.constant 128 : i32
    %scan3A_27 = arith.addi %scan3A_25, %scan3A_26 : i32
    %scan3A_28 = arith.constant 1 : i32
    %scan3A_29 = scf.for %scan3A_87 = %scan3A_25 to %scan3A_27 step %scan3A_28 iter_args(%scan3A_88 = %scan3A) -> (i32)  : i32 {
      %broadcast_in_dim3A = arith.constant 0.000000e+00 : f32
      %broadcast_in_dim3A_89 = vector.broadcast %broadcast_in_dim3A : f32 to vector<16xf32>
      %swap3A = arith.constant 1 : i32
      %swap3A_90 = arith.index_cast %swap3A : i32 to index
      %swap3A_91 = arith.index_cast %scan3A_87 : i32 to index
      %swap3A_92 = arith.constant 0 : index
      %swap3A_93 = tpu.vector_load %arg8[%swap3A_90, %swap3A_91, %swap3A_92] {strides = array<i32>} : memref<2x128x80xf32, #tpu.memory_space<vmem>>, vector<1x1x16xf32>,
      %swap3A_94 = vector.shape_cast %swap3A_93 : vector<1x1x16xf32> to vector<16xf32>
      %swap3A_95 = vector.shape_cast %broadcast_in_dim3A_89 : vector<16xf32> to vector<1x1x16xf32>
      tpu.vector_store %arg8[%swap3A_90, %swap3A_91, %swap3A_92], %swap3A_95 {strides = array<i32>} : memref<2x128x80xf32, #tpu.memory_space<vmem>>, vector<1x1x16xf32>,
      %broadcast_in_dim3A_96 = arith.constant 0.000000e+00 : f32
      %broadcast_in_dim3A_97 = vector.broadcast %broadcast_in_dim3A_96 : f32 to vector<16xf32>
      %swap3A_98 = arith.constant 1 : i32
      %swap3A_99 = arith.index_cast %swap3A_98 : i32 to index
      %swap3A_100 = arith.index_cast %scan3A_87 : i32 to index
      %swap3A_101 = arith.constant 16 : index
      %swap3A_102 = tpu.vector_load %arg8[%swap3A_99, %swap3A_100, %swap3A_101] {strides = array<i32>} : memref<2x128x80xf32, #tpu.memory_space<vmem>>, vector<1x1x16xf32>,
      %swap3A_103 = vector.shape_cast %swap3A_102 : vector<1x1x16xf32> to vector<16xf32>
      %swap3A_104 = vector.shape_cast %broadcast_in_dim3A_97 : vector<16xf32> to vector<1x1x16xf32>
      tpu.vector_store %arg8[%swap3A_99, %swap3A_100, %swap3A_101], %swap3A_104 {strides = array<i32>} : memref<2x128x80xf32, #tpu.memory_space<vmem>>, vector<1x1x16xf32>,
      %broadcast_in_dim3A_105 = arith.constant 0.000000e+00 : f32
      %broadcast_in_dim3A_106 = vector.broadcast %broadcast_in_dim3A_105 : f32 to vector<16xf32>
      %swap3A_107 = arith.constant 1 : i32
      %swap3A_108 = arith.index_cast %swap3A_107 : i32 to index
      %swap3A_109 = arith.index_cast %scan3A_87 : i32 to index
      %swap3A_110 = arith.constant 32 : index
      %swap3A_111 = tpu.vector_load %arg8[%swap3A_108, %swap3A_109, %swap3A_110] {strides = array<i32>} : memref<2x128x80xf32, #tpu.memory_space<vmem>>, vector<1x1x16xf32>,
      %swap3A_112 = vector.shape_cast %swap3A_111 : vector<1x1x16xf32> to vector<16xf32>
      %swap3A_113 = vector.shape_cast %broadcast_in_dim3A_106 : vector<16xf32> to vector<1x1x16xf32>
      tpu.vector_store %arg8[%swap3A_108, %swap3A_109, %swap3A_110], %swap3A_113 {strides = array<i32>} : memref<2x128x80xf32, #tpu.memory_space<vmem>>, vector<1x1x16xf32>,
      %broadcast_in_dim3A_114 = arith.constant 0.000000e+00 : f32
      %broadcast_in_dim3A_115 = vector.broadcast %broadcast_in_dim3A_114 : f32 to vector<16xf32>
      %swap3A_116 = arith.constant 1 : i32
      %swap3A_117 = arith.index_cast %swap3A_116 : i32 to index
      %swap3A_118 = arith.index_cast %scan3A_87 : i32 to index
      %swap3A_119 = arith.constant 48 : index
      %swap3A_120 = tpu.vector_load %arg8[%swap3A_117, %swap3A_118, %swap3A_119] {strides = array<i32>} : memref<2x128x80xf32, #tpu.memory_space<vmem>>, vector<1x1x16xf32>,
      %swap3A_121 = vector.shape_cast %swap3A_120 : vector<1x1x16xf32> to vector<16xf32>
      %swap3A_122 = vector.shape_cast %broadcast_in_dim3A_115 : vector<16xf32> to vector<1x1x16xf32>
      tpu.vector_store %arg8[%swap3A_117, %swap3A_118, %swap3A_119], %swap3A_122 {strides = array<i32>} : memref<2x128x80xf32, #tpu.memory_space<vmem>>, vector<1x1x16xf32>,
      %broadcast_in_dim3A_123 = arith.constant 0.000000e+00 : f32
      %broadcast_in_dim3A_124 = vector.broadcast %broadcast_in_dim3A_123 : f32 to vector<16xf32>
      %swap3A_125 = arith.constant 1 : i32
      %swap3A_126 = arith.index_cast %swap3A_125 : i32 to index
      %swap3A_127 = arith.index_cast %scan3A_87 : i32 to index
      %swap3A_128 = arith.constant 64 : index
      %swap3A_129 = tpu.vector_load %arg8[%swap3A_126, %swap3A_127, %swap3A_128] {strides = array<i32>} : memref<2x128x80xf32, #tpu.memory_space<vmem>>, vector<1x1x16xf32>,
      %swap3A_130 = vector.shape_cast %swap3A_129 : vector<1x1x16xf32> to vector<16xf32>
      %swap3A_131 = vector.shape_cast %broadcast_in_dim3A_124 : vector<16xf32> to vector<1x1x16xf32>
      tpu.vector_store %arg8[%swap3A_126, %swap3A_127, %swap3A_128], %swap3A_131 {strides = array<i32>} : memref<2x128x80xf32, #tpu.memory_space<vmem>>, vector<1x1x16xf32>,
      %scan3A_132 = arith.constant 0 : i32
      scf.yield %scan3A_132 : i32
    }
    %scan3A_30 = arith.constant 128 : i32
    %mul3A_31 = arith.constant 640 : i32
    %mul3A_32 = arith.muli %arg1, %mul3A_31 : i32
    %add3A_33 = arith.constant 0 : i32
    %add3A_34 = arith.addi %mul3A_32, %add3A_33 : i32
    %run_scoped3A = arith.constant 1 : i32
    "tpu.region"() ({
      %run_scoped3A_87 = tpu.sem_alloc : memref<!tpu.dma_semaphore, #tpu.memory_space<semaphore_mem>>
      %dma_start3A = arith.constant 0 : i32
      %dma_start3A_88 = arith.constant 0 : i32
      %dma_start3A_89 = tpu.memref_slice %arg8[%run_scoped3A, %dma_start3A, %dma_start3A_88] : memref<2x128x80xf32, #tpu.memory_space<vmem>> -> memref<1x128x80xf32, #tpu.memory_space<vmem>>
      %dma_start3A_90 = tpu.memref_squeeze %dma_start3A_89 : memref<1x128x80xf32, #tpu.memory_space<vmem>> -> memref<128x80xf32, #tpu.memory_space<vmem>>
      %dma_start3A_91 = arith.constant 0 : i32
      %dma_start3A_92 = tpu.memref_slice %arg15[%add3A_34, %dma_start3A_91] : memref<10240x80xf32, #tpu.memory_space<vmem_shared>> -> memref<128x80xf32, #tpu.memory_space<vmem_shared>>
      %dma_start3A_93 = arith.constant 0 : i32
      %dma_start3A_94 = tpu.memref_slice %arg15[%add3A_34, %dma_start3A_93] : memref<10240x80xf32, #tpu.memory_space<vmem_shared>> -> memref<128x80xf32, #tpu.memory_space<vmem_shared>>
      %dma_start3A_95 = arith.constant 0 : i32
      %dma_start3A_96 = arith.constant 0 : i32
      %dma_start3A_97 = tpu.memref_slice %arg8[%run_scoped3A, %dma_start3A_95, %dma_start3A_96] : memref<2x128x80xf32, #tpu.memory_space<vmem>> -> memref<1x128x80xf32, #tpu.memory_space<vmem>>
      %dma_start3A_98 = tpu.memref_squeeze %dma_start3A_97 : memref<1x128x80xf32, #tpu.memory_space<vmem>> -> memref<128x80xf32, #tpu.memory_space<vmem>>
      tpu.enqueue_dma source(%dma_start3A_98 : memref<128x80xf32, #tpu.memory_space<vmem>>) target(%dma_start3A_94 : memref<128x80xf32, #tpu.memory_space<vmem_shared>>) target_semaphore(%run_scoped3A_87 : memref<!tpu.dma_semaphore, #tpu.memory_space<semaphore_mem>>)
      %dma_wait3A = arith.constant 0 : i32
      %dma_wait3A_99 = arith.constant 0 : i32
      %dma_wait3A_100 = tpu.memref_slice %arg8[%run_scoped3A, %dma_wait3A, %dma_wait3A_99] : memref<2x128x80xf32, #tpu.memory_space<vmem>> -> memref<1x128x80xf32, #tpu.memory_space<vmem>>
      %dma_wait3A_101 = tpu.memref_squeeze %dma_wait3A_100 : memref<1x128x80xf32, #tpu.memory_space<vmem>> -> memref<128x80xf32, #tpu.memory_space<vmem>>
      %dma_wait3A_102 = arith.constant 0 : i32
      %dma_wait3A_103 = tpu.memref_slice %arg15[%add3A_34, %dma_wait3A_102] : memref<10240x80xf32, #tpu.memory_space<vmem_shared>> -> memref<128x80xf32, #tpu.memory_space<vmem_shared>>
      %dma_wait3A_104 = arith.constant 0 : i32
      %dma_wait3A_105 = tpu.memref_slice %arg15[%add3A_34, %dma_wait3A_104] : memref<10240x80xf32, #tpu.memory_space<vmem_shared>> -> memref<128x80xf32, #tpu.memory_space<vmem_shared>>
      %dma_wait3A_106 = arith.constant 0 : i32
      %dma_wait3A_107 = arith.constant 0 : i32
      %dma_wait3A_108 = tpu.memref_slice %arg8[%run_scoped3A, %dma_wait3A_106, %dma_wait3A_107] : memref<2x128x80xf32, #tpu.memory_space<vmem>> -> memref<1x128x80xf32, #tpu.memory_space<vmem>>
      %dma_wait3A_109 = tpu.memref_squeeze %dma_wait3A_108 : memref<1x128x80xf32, #tpu.memory_space<vmem>> -> memref<128x80xf32, #tpu.memory_space<vmem>>
      tpu.wait_dma2 semaphore(%run_scoped3A_87 : memref<!tpu.dma_semaphore, #tpu.memory_space<semaphore_mem>>) src(%dma_wait3A_109 : memref<128x80xf32, #tpu.memory_space<vmem>>) dst(%dma_wait3A_105 : memref<128x80xf32, #tpu.memory_space<vmem_shared>>)
      tpu.yield
    }) : () -> ()
    %mul3A_35 = arith.constant 640 : i32
    %mul3A_36 = arith.muli %arg1, %mul3A_35 : i32
    %add3A_37 = arith.constant 128 : i32
    %add3A_38 = arith.addi %mul3A_36, %add3A_37 : i32
    %run_scoped3A_39 = arith.constant 1 : i32
    "tpu.region"() ({
      %run_scoped3A_87 = tpu.sem_alloc : memref<!tpu.dma_semaphore, #tpu.memory_space<semaphore_mem>>
      %dma_start3A = arith.constant 0 : i32
      %dma_start3A_88 = arith.constant 0 : i32
      %dma_start3A_89 = tpu.memref_slice %arg8[%run_scoped3A_39, %dma_start3A, %dma_start3A_88] : memref<2x128x80xf32, #tpu.memory_space<vmem>> -> memref<1x128x80xf32, #tpu.memory_space<vmem>>
      %dma_start3A_90 = tpu.memref_squeeze %dma_start3A_89 : memref<1x128x80xf32, #tpu.memory_space<vmem>> -> memref<128x80xf32, #tpu.memory_space<vmem>>
      %dma_start3A_91 = arith.constant 0 : i32
      %dma_start3A_92 = tpu.memref_slice %arg15[%add3A_38, %dma_start3A_91] : memref<10240x80xf32, #tpu.memory_space<vmem_shared>> -> memref<128x80xf32, #tpu.memory_space<vmem_shared>>
      %dma_start3A_93 = arith.constant 0 : i32
      %dma_start3A_94 = tpu.memref_slice %arg15[%add3A_38, %dma_start3A_93] : memref<10240x80xf32, #tpu.memory_space<vmem_shared>> -> memref<128x80xf32, #tpu.memory_space<vmem_shared>>
      %dma_start3A_95 = arith.constant 0 : i32
      %dma_start3A_96 = arith.constant 0 : i32
      %dma_start3A_97 = tpu.memref_slice %arg8[%run_scoped3A_39, %dma_start3A_95, %dma_start3A_96] : memref<2x128x80xf32, #tpu.memory_space<vmem>> -> memref<1x128x80xf32, #tpu.memory_space<vmem>>
      %dma_start3A_98 = tpu.memref_squeeze %dma_start3A_97 : memref<1x128x80xf32, #tpu.memory_space<vmem>> -> memref<128x80xf32, #tpu.memory_space<vmem>>
      tpu.enqueue_dma source(%dma_start3A_98 : memref<128x80xf32, #tpu.memory_space<vmem>>) target(%dma_start3A_94 : memref<128x80xf32, #tpu.memory_space<vmem_shared>>) target_semaphore(%run_scoped3A_87 : memref<!tpu.dma_semaphore, #tpu.memory_space<semaphore_mem>>)
      %dma_wait3A = arith.constant 0 : i32
      %dma_wait3A_99 = arith.constant 0 : i32
      %dma_wait3A_100 = tpu.memref_slice %arg8[%run_scoped3A_39, %dma_wait3A, %dma_wait3A_99] : memref<2x128x80xf32, #tpu.memory_space<vmem>> -> memref<1x128x80xf32, #tpu.memory_space<vmem>>
      %dma_wait3A_101 = tpu.memref_squeeze %dma_wait3A_100 : memref<1x128x80xf32, #tpu.memory_space<vmem>> -> memref<128x80xf32, #tpu.memory_space<vmem>>
      %dma_wait3A_102 = arith.constant 0 : i32
      %dma_wait3A_103 = tpu.memref_slice %arg15[%add3A_38, %dma_wait3A_102] : memref<10240x80xf32, #tpu.memory_space<vmem_shared>> -> memref<128x80xf32, #tpu.memory_space<vmem_shared>>
      %dma_wait3A_104 = arith.constant 0 : i32
      %dma_wait3A_105 = tpu.memref_slice %arg15[%add3A_38, %dma_wait3A_104] : memref<10240x80xf32, #tpu.memory_space<vmem_shared>> -> memref<128x80xf32, #tpu.memory_space<vmem_shared>>
      %dma_wait3A_106 = arith.constant 0 : i32
      %dma_wait3A_107 = arith.constant 0 : i32
      %dma_wait3A_108 = tpu.memref_slice %arg8[%run_scoped3A_39, %dma_wait3A_106, %dma_wait3A_107] : memref<2x128x80xf32, #tpu.memory_space<vmem>> -> memref<1x128x80xf32, #tpu.memory_space<vmem>>
      %dma_wait3A_109 = tpu.memref_squeeze %dma_wait3A_108 : memref<1x128x80xf32, #tpu.memory_space<vmem>> -> memref<128x80xf32, #tpu.memory_space<vmem>>
      tpu.wait_dma2 semaphore(%run_scoped3A_87 : memref<!tpu.dma_semaphore, #tpu.memory_space<semaphore_mem>>) src(%dma_wait3A_109 : memref<128x80xf32, #tpu.memory_space<vmem>>) dst(%dma_wait3A_105 : memref<128x80xf32, #tpu.memory_space<vmem_shared>>)
      tpu.yield
    }) : () -> ()
    %mul3A_40 = arith.constant 640 : i32
    %mul3A_41 = arith.muli %arg1, %mul3A_40 : i32
    %add3A_42 = arith.constant 256 : i32
    %add3A_43 = arith.addi %mul3A_41, %add3A_42 : i32
    %run_scoped3A_44 = arith.constant 1 : i32
    "tpu.region"() ({
      %run_scoped3A_87 = tpu.sem_alloc : memref<!tpu.dma_semaphore, #tpu.memory_space<semaphore_mem>>
      %dma_start3A = arith.constant 0 : i32
      %dma_start3A_88 = arith.constant 0 : i32
      %dma_start3A_89 = tpu.memref_slice %arg8[%run_scoped3A_44, %dma_start3A, %dma_start3A_88] : memref<2x128x80xf32, #tpu.memory_space<vmem>> -> memref<1x128x80xf32, #tpu.memory_space<vmem>>
      %dma_start3A_90 = tpu.memref_squeeze %dma_start3A_89 : memref<1x128x80xf32, #tpu.memory_space<vmem>> -> memref<128x80xf32, #tpu.memory_space<vmem>>
      %dma_start3A_91 = arith.constant 0 : i32
      %dma_start3A_92 = tpu.memref_slice %arg15[%add3A_43, %dma_start3A_91] : memref<10240x80xf32, #tpu.memory_space<vmem_shared>> -> memref<128x80xf32, #tpu.memory_space<vmem_shared>>
      %dma_start3A_93 = arith.constant 0 : i32
      %dma_start3A_94 = tpu.memref_slice %arg15[%add3A_43, %dma_start3A_93] : memref<10240x80xf32, #tpu.memory_space<vmem_shared>> -> memref<128x80xf32, #tpu.memory_space<vmem_shared>>
      %dma_start3A_95 = arith.constant 0 : i32
      %dma_start3A_96 = arith.constant 0 : i32
      %dma_start3A_97 = tpu.memref_slice %arg8[%run_scoped3A_44, %dma_start3A_95, %dma_start3A_96] : memref<2x128x80xf32, #tpu.memory_space<vmem>> -> memref<1x128x80xf32, #tpu.memory_space<vmem>>
      %dma_start3A_98 = tpu.memref_squeeze %dma_start3A_97 : memref<1x128x80xf32, #tpu.memory_space<vmem>> -> memref<128x80xf32, #tpu.memory_space<vmem>>
      tpu.enqueue_dma source(%dma_start3A_98 : memref<128x80xf32, #tpu.memory_space<vmem>>) target(%dma_start3A_94 : memref<128x80xf32, #tpu.memory_space<vmem_shared>>) target_semaphore(%run_scoped3A_87 : memref<!tpu.dma_semaphore, #tpu.memory_space<semaphore_mem>>)
      %dma_wait3A = arith.constant 0 : i32
      %dma_wait3A_99 = arith.constant 0 : i32
      %dma_wait3A_100 = tpu.memref_slice %arg8[%run_scoped3A_44, %dma_wait3A, %dma_wait3A_99] : memref<2x128x80xf32, #tpu.memory_space<vmem>> -> memref<1x128x80xf32, #tpu.memory_space<vmem>>
      %dma_wait3A_101 = tpu.memref_squeeze %dma_wait3A_100 : memref<1x128x80xf32, #tpu.memory_space<vmem>> -> memref<128x80xf32, #tpu.memory_space<vmem>>
      %dma_wait3A_102 = arith.constant 0 : i32
      %dma_wait3A_103 = tpu.memref_slice %arg15[%add3A_43, %dma_wait3A_102] : memref<10240x80xf32, #tpu.memory_space<vmem_shared>> -> memref<128x80xf32, #tpu.memory_space<vmem_shared>>
      %dma_wait3A_104 = arith.constant 0 : i32
      %dma_wait3A_105 = tpu.memref_slice %arg15[%add3A_43, %dma_wait3A_104] : memref<10240x80xf32, #tpu.memory_space<vmem_shared>> -> memref<128x80xf32, #tpu.memory_space<vmem_shared>>
      %dma_wait3A_106 = arith.constant 0 : i32
      %dma_wait3A_107 = arith.constant 0 : i32
      %dma_wait3A_108 = tpu.memref_slice %arg8[%run_scoped3A_44, %dma_wait3A_106, %dma_wait3A_107] : memref<2x128x80xf32, #tpu.memory_space<vmem>> -> memref<1x128x80xf32, #tpu.memory_space<vmem>>
      %dma_wait3A_109 = tpu.memref_squeeze %dma_wait3A_108 : memref<1x128x80xf32, #tpu.memory_space<vmem>> -> memref<128x80xf32, #tpu.memory_space<vmem>>
      tpu.wait_dma2 semaphore(%run_scoped3A_87 : memref<!tpu.dma_semaphore, #tpu.memory_space<semaphore_mem>>) src(%dma_wait3A_109 : memref<128x80xf32, #tpu.memory_space<vmem>>) dst(%dma_wait3A_105 : memref<128x80xf32, #tpu.memory_space<vmem_shared>>)
      tpu.yield
    }) : () -> ()
    %mul3A_45 = arith.constant 640 : i32
    %mul3A_46 = arith.muli %arg1, %mul3A_45 : i32
    %add3A_47 = arith.constant 384 : i32
    %add3A_48 = arith.addi %mul3A_46, %add3A_47 : i32
    %run_scoped3A_49 = arith.constant 1 : i32
    "tpu.region"() ({
      %run_scoped3A_87 = tpu.sem_alloc : memref<!tpu.dma_semaphore, #tpu.memory_space<semaphore_mem>>
      %dma_start3A = arith.constant 0 : i32
      %dma_start3A_88 = arith.constant 0 : i32
      %dma_start3A_89 = tpu.memref_slice %arg8[%run_scoped3A_49, %dma_start3A, %dma_start3A_88] : memref<2x128x80xf32, #tpu.memory_space<vmem>> -> memref<1x128x80xf32, #tpu.memory_space<vmem>>
      %dma_start3A_90 = tpu.memref_squeeze %dma_start3A_89 : memref<1x128x80xf32, #tpu.memory_space<vmem>> -> memref<128x80xf32, #tpu.memory_space<vmem>>
      %dma_start3A_91 = arith.constant 0 : i32
      %dma_start3A_92 = tpu.memref_slice %arg15[%add3A_48, %dma_start3A_91] : memref<10240x80xf32, #tpu.memory_space<vmem_shared>> -> memref<128x80xf32, #tpu.memory_space<vmem_shared>>
      %dma_start3A_93 = arith.constant 0 : i32
      %dma_start3A_94 = tpu.memref_slice %arg15[%add3A_48, %dma_start3A_93] : memref<10240x80xf32, #tpu.memory_space<vmem_shared>> -> memref<128x80xf32, #tpu.memory_space<vmem_shared>>
      %dma_start3A_95 = arith.constant 0 : i32
      %dma_start3A_96 = arith.constant 0 : i32
      %dma_start3A_97 = tpu.memref_slice %arg8[%run_scoped3A_49, %dma_start3A_95, %dma_start3A_96] : memref<2x128x80xf32, #tpu.memory_space<vmem>> -> memref<1x128x80xf32, #tpu.memory_space<vmem>>
      %dma_start3A_98 = tpu.memref_squeeze %dma_start3A_97 : memref<1x128x80xf32, #tpu.memory_space<vmem>> -> memref<128x80xf32, #tpu.memory_space<vmem>>
      tpu.enqueue_dma source(%dma_start3A_98 : memref<128x80xf32, #tpu.memory_space<vmem>>) target(%dma_start3A_94 : memref<128x80xf32, #tpu.memory_space<vmem_shared>>) target_semaphore(%run_scoped3A_87 : memref<!tpu.dma_semaphore, #tpu.memory_space<semaphore_mem>>)
      %dma_wait3A = arith.constant 0 : i32
      %dma_wait3A_99 = arith.constant 0 : i32
      %dma_wait3A_100 = tpu.memref_slice %arg8[%run_scoped3A_49, %dma_wait3A, %dma_wait3A_99] : memref<2x128x80xf32, #tpu.memory_space<vmem>> -> memref<1x128x80xf32, #tpu.memory_space<vmem>>
      %dma_wait3A_101 = tpu.memref_squeeze %dma_wait3A_100 : memref<1x128x80xf32, #tpu.memory_space<vmem>> -> memref<128x80xf32, #tpu.memory_space<vmem>>
      %dma_wait3A_102 = arith.constant 0 : i32
      %dma_wait3A_103 = tpu.memref_slice %arg15[%add3A_48, %dma_wait3A_102] : memref<10240x80xf32, #tpu.memory_space<vmem_shared>> -> memref<128x80xf32, #tpu.memory_space<vmem_shared>>
      %dma_wait3A_104 = arith.constant 0 : i32
      %dma_wait3A_105 = tpu.memref_slice %arg15[%add3A_48, %dma_wait3A_104] : memref<10240x80xf32, #tpu.memory_space<vmem_shared>> -> memref<128x80xf32, #tpu.memory_space<vmem_shared>>
      %dma_wait3A_106 = arith.constant 0 : i32
      %dma_wait3A_107 = arith.constant 0 : i32
      %dma_wait3A_108 = tpu.memref_slice %arg8[%run_scoped3A_49, %dma_wait3A_106, %dma_wait3A_107] : memref<2x128x80xf32, #tpu.memory_space<vmem>> -> memref<1x128x80xf32, #tpu.memory_space<vmem>>
      %dma_wait3A_109 = tpu.memref_squeeze %dma_wait3A_108 : memref<1x128x80xf32, #tpu.memory_space<vmem>> -> memref<128x80xf32, #tpu.memory_space<vmem>>
      tpu.wait_dma2 semaphore(%run_scoped3A_87 : memref<!tpu.dma_semaphore, #tpu.memory_space<semaphore_mem>>) src(%dma_wait3A_109 : memref<128x80xf32, #tpu.memory_space<vmem>>) dst(%dma_wait3A_105 : memref<128x80xf32, #tpu.memory_space<vmem_shared>>)
      tpu.yield
    }) : () -> ()
    %mul3A_50 = arith.constant 640 : i32
    %mul3A_51 = arith.muli %arg1, %mul3A_50 : i32
    %add3A_52 = arith.constant 512 : i32
    %add3A_53 = arith.addi %mul3A_51, %add3A_52 : i32
    %run_scoped3A_54 = arith.constant 1 : i32
    "tpu.region"() ({
      %run_scoped3A_87 = tpu.sem_alloc : memref<!tpu.dma_semaphore, #tpu.memory_space<semaphore_mem>>
      %dma_start3A = arith.constant 0 : i32
      %dma_start3A_88 = arith.constant 0 : i32
      %dma_start3A_89 = tpu.memref_slice %arg8[%run_scoped3A_54, %dma_start3A, %dma_start3A_88] : memref<2x128x80xf32, #tpu.memory_space<vmem>> -> memref<1x128x80xf32, #tpu.memory_space<vmem>>
      %dma_start3A_90 = tpu.memref_squeeze %dma_start3A_89 : memref<1x128x80xf32, #tpu.memory_space<vmem>> -> memref<128x80xf32, #tpu.memory_space<vmem>>
      %dma_start3A_91 = arith.constant 0 : i32
      %dma_start3A_92 = tpu.memref_slice %arg15[%add3A_53, %dma_start3A_91] : memref<10240x80xf32, #tpu.memory_space<vmem_shared>> -> memref<128x80xf32, #tpu.memory_space<vmem_shared>>
      %dma_start3A_93 = arith.constant 0 : i32
      %dma_start3A_94 = tpu.memref_slice %arg15[%add3A_53, %dma_start3A_93] : memref<10240x80xf32, #tpu.memory_space<vmem_shared>> -> memref<128x80xf32, #tpu.memory_space<vmem_shared>>
      %dma_start3A_95 = arith.constant 0 : i32
      %dma_start3A_96 = arith.constant 0 : i32
      %dma_start3A_97 = tpu.memref_slice %arg8[%run_scoped3A_54, %dma_start3A_95, %dma_start3A_96] : memref<2x128x80xf32, #tpu.memory_space<vmem>> -> memref<1x128x80xf32, #tpu.memory_space<vmem>>
      %dma_start3A_98 = tpu.memref_squeeze %dma_start3A_97 : memref<1x128x80xf32, #tpu.memory_space<vmem>> -> memref<128x80xf32, #tpu.memory_space<vmem>>
      tpu.enqueue_dma source(%dma_start3A_98 : memref<128x80xf32, #tpu.memory_space<vmem>>) target(%dma_start3A_94 : memref<128x80xf32, #tpu.memory_space<vmem_shared>>) target_semaphore(%run_scoped3A_87 : memref<!tpu.dma_semaphore, #tpu.memory_space<semaphore_mem>>)
      %dma_wait3A = arith.constant 0 : i32
      %dma_wait3A_99 = arith.constant 0 : i32
      %dma_wait3A_100 = tpu.memref_slice %arg8[%run_scoped3A_54, %dma_wait3A, %dma_wait3A_99] : memref<2x128x80xf32, #tpu.memory_space<vmem>> -> memref<1x128x80xf32, #tpu.memory_space<vmem>>
      %dma_wait3A_101 = tpu.memref_squeeze %dma_wait3A_100 : memref<1x128x80xf32, #tpu.memory_space<vmem>> -> memref<128x80xf32, #tpu.memory_space<vmem>>
      %dma_wait3A_102 = arith.constant 0 : i32
      %dma_wait3A_103 = tpu.memref_slice %arg15[%add3A_53, %dma_wait3A_102] : memref<10240x80xf32, #tpu.memory_space<vmem_shared>> -> memref<128x80xf32, #tpu.memory_space<vmem_shared>>
      %dma_wait3A_104 = arith.constant 0 : i32
      %dma_wait3A_105 = tpu.memref_slice %arg15[%add3A_53, %dma_wait3A_104] : memref<10240x80xf32, #tpu.memory_space<vmem_shared>> -> memref<128x80xf32, #tpu.memory_space<vmem_shared>>
      %dma_wait3A_106 = arith.constant 0 : i32
      %dma_wait3A_107 = arith.constant 0 : i32
      %dma_wait3A_108 = tpu.memref_slice %arg8[%run_scoped3A_54, %dma_wait3A_106, %dma_wait3A_107] : memref<2x128x80xf32, #tpu.memory_space<vmem>> -> memref<1x128x80xf32, #tpu.memory_space<vmem>>
      %dma_wait3A_109 = tpu.memref_squeeze %dma_wait3A_108 : memref<1x128x80xf32, #tpu.memory_space<vmem>> -> memref<128x80xf32, #tpu.memory_space<vmem>>
      tpu.wait_dma2 semaphore(%run_scoped3A_87 : memref<!tpu.dma_semaphore, #tpu.memory_space<semaphore_mem>>) src(%dma_wait3A_109 : memref<128x80xf32, #tpu.memory_space<vmem>>) dst(%dma_wait3A_105 : memref<128x80xf32, #tpu.memory_space<vmem_shared>>)
      tpu.yield
    }) : () -> ()
    %barrier3A = arith.constant 0 : index
    tpu.barrier barrier_id(%barrier3A)
    %scan3A_55 = arith.constant 0 : i32
    %scan3A_56 = arith.constant 0 : i32
    %scan3A_57 = arith.constant 40 : i32
    %scan3A_58 = arith.addi %scan3A_56, %scan3A_57 : i32
    %scan3A_59 = arith.constant 1 : i32
    %scan3A_60 = scf.for %scan3A_87 = %scan3A_56 to %scan3A_58 step %scan3A_59 iter_args(%scan3A_88 = %scan3A_55) -> (i32)  : i32 {
      %mul3A_89 = arith.constant 2 : i32
      %mul3A_90 = arith.muli %scan3A_87, %mul3A_89 : i32
      %add3A_91 = arith.constant 0 : i32
      %add3A_92 = arith.addi %mul3A_90, %add3A_91 : i32
      %ge3A_93 = arith.constant 1 : i32
      %ge3A_94 = arith.cmpi sge, %add3A_92, %ge3A_93 : i32
      %lt3A = arith.cmpi slt, %add3A_92, %min3A_4 : i32
      %and3A_95 = arith.andi %ge3A_94, %lt3A : i1
      %convert_element_type3A_96 = arith.extui %and3A_95 : i1 to i32
      %cond3A_97 = arith.constant 0 : i32
      %cond3A_98 = arith.cmpi ne, %convert_element_type3A_96, %cond3A_97 : i32
      scf.if %cond3A_98 {
        %dma_wait3A = arith.constant 1 : i32
        %dma_wait3A_151 = arith.constant 1 : i32
        %dma_wait3A_152 = arith.constant 0 : i32
        %dma_wait3A_153 = arith.constant 0 : i32
        %dma_wait3A_154 = tpu.memref_slice %arg8[%dma_wait3A, %dma_wait3A_152, %dma_wait3A_153] : memref<2x128x80xf32, #tpu.memory_space<vmem>> -> memref<1x128x80xf32, #tpu.memory_space<vmem>>
        %dma_wait3A_155 = tpu.memref_squeeze %dma_wait3A_154 : memref<1x128x80xf32, #tpu.memory_space<vmem>> -> memref<128x80xf32, #tpu.memory_space<vmem>>
        %dma_wait3A_156 = arith.constant 0 : i32
        %dma_wait3A_157 = tpu.memref_slice %arg12[%dma_wait3A_151, %dma_wait3A_156] : memref<2x128xi32, #tpu.memory_space<vmem>> -> memref<1x128xi32, #tpu.memory_space<vmem>>
        %dma_wait3A_158 = tpu.memref_squeeze %dma_wait3A_157 : memref<1x128xi32, #tpu.memory_space<vmem>> -> memref<128xi32, #tpu.memory_space<vmem>>
        %dma_wait3A_159 = arith.constant 0 : i32
        %dma_wait3A_160 = arith.constant 0 : i32
        %dma_wait3A_161 = tpu.memref_slice %arg15[%dma_wait3A_159, %dma_wait3A_160] : memref<10240x80xf32, #tpu.memory_space<vmem_shared>> -> memref<10240x80xf32, #tpu.memory_space<vmem_shared>>
        tpu.wait_indirect_dma semaphore(%arg21 : memref<!tpu.dma_semaphore, #tpu.memory_space<semaphore_mem>>) src(%dma_wait3A_155 : memref<128x80xf32, #tpu.memory_space<vmem>>) dst(%dma_wait3A_161 : memref<10240x80xf32, #tpu.memory_space<vmem_shared>>)
      } else {
      }
      %add3A_99 = arith.constant 1 : i32
      %add3A_100 = arith.addi %add3A_92, %add3A_99 : i32
      %lt3A_101 = arith.cmpi slt, %add3A_100, %min3A_4 : i32
      %convert_element_type3A_102 = arith.extui %lt3A_101 : i1 to i32
      %cond3A_103 = arith.constant 0 : i32
      %cond3A_104 = arith.cmpi ne, %convert_element_type3A_102, %cond3A_103 : i32
      scf.if %cond3A_104 {
        %dma_wait3A = arith.constant 1 : i32
        %dma_wait3A_151 = arith.constant 0 : i32
        %dma_wait3A_152 = tpu.memref_slice %arg10[%dma_wait3A, %dma_wait3A_151] : memref<2x128xi32, #tpu.memory_space<vmem>> -> memref<1x128xi32, #tpu.memory_space<vmem>>
        %dma_wait3A_153 = tpu.memref_squeeze %dma_wait3A_152 : memref<1x128xi32, #tpu.memory_space<vmem>> -> memref<128xi32, #tpu.memory_space<vmem>>
        %dma_wait3A_154 = arith.constant 0 : i32
        %dma_wait3A_155 = tpu.memref_slice %arg2[%dma_wait3A_154] : memref<320000xi32, #tpu.memory_space<hbm>> -> memref<128xi32, #tpu.memory_space<hbm>>
        %dma_wait3A_156 = arith.constant 0 : i32
        %dma_wait3A_157 = tpu.memref_slice %arg10[%dma_wait3A, %dma_wait3A_156] : memref<2x128xi32, #tpu.memory_space<vmem>> -> memref<1x128xi32, #tpu.memory_space<vmem>>
        %dma_wait3A_158 = tpu.memref_squeeze %dma_wait3A_157 : memref<1x128xi32, #tpu.memory_space<vmem>> -> memref<128xi32, #tpu.memory_space<vmem>>
        %dma_wait3A_159 = arith.constant 0 : i32
        %dma_wait3A_160 = tpu.memref_slice %arg2[%dma_wait3A_159] : memref<320000xi32, #tpu.memory_space<hbm>> -> memref<128xi32, #tpu.memory_space<hbm>>
        tpu.wait_dma2 semaphore(%arg17 : memref<!tpu.dma_semaphore, #tpu.memory_space<semaphore_mem>>) src(%dma_wait3A_160 : memref<128xi32, #tpu.memory_space<hbm>>) dst(%dma_wait3A_158 : memref<128xi32, #tpu.memory_space<vmem>>)
        %dma_wait3A_161 = arith.constant 1 : i32
        %dma_wait3A_162 = arith.constant 0 : i32
        %dma_wait3A_163 = tpu.memref_slice %arg11[%dma_wait3A_161, %dma_wait3A_162] : memref<2x128xi32, #tpu.memory_space<vmem>> -> memref<1x128xi32, #tpu.memory_space<vmem>>
        %dma_wait3A_164 = tpu.memref_squeeze %dma_wait3A_163 : memref<1x128xi32, #tpu.memory_space<vmem>> -> memref<128xi32, #tpu.memory_space<vmem>>
        %dma_wait3A_165 = arith.constant 0 : i32
        %dma_wait3A_166 = tpu.memref_slice %arg3[%dma_wait3A_165] : memref<320000xi32, #tpu.memory_space<hbm>> -> memref<128xi32, #tpu.memory_space<hbm>>
        %dma_wait3A_167 = arith.constant 0 : i32
        %dma_wait3A_168 = tpu.memref_slice %arg11[%dma_wait3A_161, %dma_wait3A_167] : memref<2x128xi32, #tpu.memory_space<vmem>> -> memref<1x128xi32, #tpu.memory_space<vmem>>
        %dma_wait3A_169 = tpu.memref_squeeze %dma_wait3A_168 : memref<1x128xi32, #tpu.memory_space<vmem>> -> memref<128xi32, #tpu.memory_space<vmem>>
        %dma_wait3A_170 = arith.constant 0 : i32
        %dma_wait3A_171 = tpu.memref_slice %arg3[%dma_wait3A_170] : memref<320000xi32, #tpu.memory_space<hbm>> -> memref<128xi32, #tpu.memory_space<hbm>>
        tpu.wait_dma2 semaphore(%arg17 : memref<!tpu.dma_semaphore, #tpu.memory_space<semaphore_mem>>) src(%dma_wait3A_171 : memref<128xi32, #tpu.memory_space<hbm>>) dst(%dma_wait3A_169 : memref<128xi32, #tpu.memory_space<vmem>>)
        %dma_start3A = arith.constant 1 : i32
        %dma_start3A_172 = arith.constant 1 : i32
        %dma_start3A_173 = arith.constant 0 : i32
        %dma_start3A_174 = arith.constant 0 : i32
        %dma_start3A_175 = tpu.memref_slice %arg8[%dma_start3A_172, %dma_start3A_173, %dma_start3A_174] : memref<2x128x80xf32, #tpu.memory_space<vmem>> -> memref<1x128x80xf32, #tpu.memory_space<vmem>>
        %dma_start3A_176 = tpu.memref_squeeze %dma_start3A_175 : memref<1x128x80xf32, #tpu.memory_space<vmem>> -> memref<128x80xf32, #tpu.memory_space<vmem>>
        %dma_start3A_177 = arith.constant 0 : i32
        %dma_start3A_178 = tpu.memref_slice %arg10[%dma_start3A, %dma_start3A_177] : memref<2x128xi32, #tpu.memory_space<vmem>> -> memref<1x128xi32, #tpu.memory_space<vmem>>
        %dma_start3A_179 = tpu.memref_squeeze %dma_start3A_178 : memref<1x128xi32, #tpu.memory_space<vmem>> -> memref<128xi32, #tpu.memory_space<vmem>>
        %dma_start3A_180 = arith.constant 0 : i32
        %dma_start3A_181 = arith.constant 0 : i32
        %dma_start3A_182 = tpu.memref_slice %arg6[%dma_start3A_180, %dma_start3A_181] : memref<10000x80xf32, #tpu.memory_space<hbm>> -> memref<10000x80xf32, #tpu.memory_space<hbm>>
        tpu.enqueue_indirect_dma source(%dma_start3A_182 : memref<10000x80xf32, #tpu.memory_space<hbm>>) target(%dma_start3A_176 : memref<128x80xf32, #tpu.memory_space<vmem>>) offsets(%dma_start3A_179 : memref<128xi32, #tpu.memory_space<vmem>>) semaphore(%arg19 : memref<!tpu.dma_semaphore, #tpu.memory_space<semaphore_mem>>)
        %dma_start3A_183 = arith.constant 1 : i32
        %dma_start3A_184 = arith.constant 1 : i32
        %dma_start3A_185 = arith.constant 0 : i32
        %dma_start3A_186 = arith.constant 0 : i32
        %dma_start3A_187 = tpu.memref_slice %arg9[%dma_start3A_184, %dma_start3A_185, %dma_start3A_186] : memref<2x128x16xf32, #tpu.memory_space<vmem>> -> memref<1x128x16xf32, #tpu.memory_space<vmem>>
        %dma_start3A_188 = tpu.memref_squeeze %dma_start3A_187 : memref<1x128x16xf32, #tpu.memory_space<vmem>> -> memref<128x16xf32, #tpu.memory_space<vmem>>
        %dma_start3A_189 = arith.constant 0 : i32
        %dma_start3A_190 = tpu.memref_slice %arg11[%dma_start3A_183, %dma_start3A_189] : memref<2x128xi32, #tpu.memory_space<vmem>> -> memref<1x128xi32, #tpu.memory_space<vmem>>
        %dma_start3A_191 = tpu.memref_squeeze %dma_start3A_190 : memref<1x128xi32, #tpu.memory_space<vmem>> -> memref<128xi32, #tpu.memory_space<vmem>>
        %dma_start3A_192 = arith.constant 0 : i32
        %dma_start3A_193 = arith.constant 0 : i32
        %dma_start3A_194 = tpu.memref_slice %arg4[%dma_start3A_192, %dma_start3A_193] : memref<10000x16xf32, #tpu.memory_space<hbm>> -> memref<10000x16xf32, #tpu.memory_space<hbm>>
        tpu.enqueue_indirect_dma source(%dma_start3A_194 : memref<10000x16xf32, #tpu.memory_space<hbm>>) target(%dma_start3A_188 : memref<128x16xf32, #tpu.memory_space<vmem>>) offsets(%dma_start3A_191 : memref<128xi32, #tpu.memory_space<vmem>>) semaphore(%arg19 : memref<!tpu.dma_semaphore, #tpu.memory_space<semaphore_mem>>)
      } else {
      }
      %lt3A_105 = arith.cmpi slt, %add3A_92, %min3A_4 : i32
      %convert_element_type3A_106 = arith.extui %lt3A_105 : i1 to i32
      %cond3A_107 = arith.constant 0 : i32
      %cond3A_108 = arith.cmpi ne, %convert_element_type3A_106, %cond3A_107 : i32
      scf.if %cond3A_108 {
        %dma_wait3A = arith.constant 0 : i32
        %dma_wait3A_151 = arith.constant 0 : i32
        %dma_wait3A_152 = arith.constant 0 : i32
        %dma_wait3A_153 = tpu.memref_slice %arg8[%dma_wait3A, %dma_wait3A_151, %dma_wait3A_152] : memref<2x128x80xf32, #tpu.memory_space<vmem>> -> memref<1x128x80xf32, #tpu.memory_space<vmem>>
        %dma_wait3A_154 = tpu.memref_squeeze %dma_wait3A_153 : memref<1x128x80xf32, #tpu.memory_space<vmem>> -> memref<128x80xf32, #tpu.memory_space<vmem>>
        %dma_wait3A_155 = arith.constant 0 : i32
        %dma_wait3A_156 = arith.constant 0 : i32
        %dma_wait3A_157 = tpu.memref_slice %arg6[%dma_wait3A_155, %dma_wait3A_156] : memref<10000x80xf32, #tpu.memory_space<hbm>> -> memref<128x80xf32, #tpu.memory_space<hbm>>
        %dma_wait3A_158 = arith.constant 0 : i32
        %dma_wait3A_159 = arith.constant 0 : i32
        %dma_wait3A_160 = tpu.memref_slice %arg8[%dma_wait3A, %dma_wait3A_158, %dma_wait3A_159] : memref<2x128x80xf32, #tpu.memory_space<vmem>> -> memref<1x128x80xf32, #tpu.memory_space<vmem>>
        %dma_wait3A_161 = tpu.memref_squeeze %dma_wait3A_160 : memref<1x128x80xf32, #tpu.memory_space<vmem>> -> memref<128x80xf32, #tpu.memory_space<vmem>>
        %dma_wait3A_162 = arith.constant 0 : i32
        %dma_wait3A_163 = arith.constant 0 : i32
        %dma_wait3A_164 = tpu.memref_slice %arg6[%dma_wait3A_162, %dma_wait3A_163] : memref<10000x80xf32, #tpu.memory_space<hbm>> -> memref<128x80xf32, #tpu.memory_space<hbm>>
        tpu.wait_dma2 semaphore(%arg18 : memref<!tpu.dma_semaphore, #tpu.memory_space<semaphore_mem>>) src(%dma_wait3A_164 : memref<128x80xf32, #tpu.memory_space<hbm>>) dst(%dma_wait3A_161 : memref<128x80xf32, #tpu.memory_space<vmem>>)
        %dma_wait3A_165 = arith.constant 0 : i32
        %dma_wait3A_166 = arith.constant 0 : i32
        %dma_wait3A_167 = arith.constant 0 : i32
        %dma_wait3A_168 = tpu.memref_slice %arg9[%dma_wait3A_165, %dma_wait3A_166, %dma_wait3A_167] : memref<2x128x16xf32, #tpu.memory_space<vmem>> -> memref<1x128x16xf32, #tpu.memory_space<vmem>>
        %dma_wait3A_169 = tpu.memref_squeeze %dma_wait3A_168 : memref<1x128x16xf32, #tpu.memory_space<vmem>> -> memref<128x16xf32, #tpu.memory_space<vmem>>
        %dma_wait3A_170 = arith.constant 0 : i32
        %dma_wait3A_171 = arith.constant 0 : i32
        %dma_wait3A_172 = tpu.memref_slice %arg4[%dma_wait3A_170, %dma_wait3A_171] : memref<10000x16xf32, #tpu.memory_space<hbm>> -> memref<128x16xf32, #tpu.memory_space<hbm>>
        %dma_wait3A_173 = arith.constant 0 : i32
        %dma_wait3A_174 = arith.constant 0 : i32
        %dma_wait3A_175 = tpu.memref_slice %arg9[%dma_wait3A_165, %dma_wait3A_173, %dma_wait3A_174] : memref<2x128x16xf32, #tpu.memory_space<vmem>> -> memref<1x128x16xf32, #tpu.memory_space<vmem>>
        %dma_wait3A_176 = tpu.memref_squeeze %dma_wait3A_175 : memref<1x128x16xf32, #tpu.memory_space<vmem>> -> memref<128x16xf32, #tpu.memory_space<vmem>>
        %dma_wait3A_177 = arith.constant 0 : i32
        %dma_wait3A_178 = arith.constant 0 : i32
        %dma_wait3A_179 = tpu.memref_slice %arg4[%dma_wait3A_177, %dma_wait3A_178] : memref<10000x16xf32, #tpu.memory_space<hbm>> -> memref<128x16xf32, #tpu.memory_space<hbm>>
        tpu.wait_dma2 semaphore(%arg18 : memref<!tpu.dma_semaphore, #tpu.memory_space<semaphore_mem>>) src(%dma_wait3A_179 : memref<128x16xf32, #tpu.memory_space<hbm>>) dst(%dma_wait3A_176 : memref<128x16xf32, #tpu.memory_space<vmem>>)
        %get3A_180 = arith.constant 0 : i32
        %get3A_181 = arith.index_cast %get3A_180 : i32 to index
        %get3A_182 = arith.constant 0 : index
        %get3A_183 = tpu.vector_load %arg11[%get3A_181, %get3A_182] {strides = array<i32>} : memref<2x128xi32, #tpu.memory_space<vmem>>, vector<1x16xi32>,
        %get3A_184 = vector.shape_cast %get3A_183 : vector<1x16xi32> to vector<16xi32>
        %swap3A = arith.constant 0 : i32
        %swap3A_185 = arith.index_cast %swap3A : i32 to index
        %swap3A_186 = arith.constant 0 : index
        %swap3A_187 = tpu.vector_load %arg12[%swap3A_185, %swap3A_186] {strides = array<i32>} : memref<2x128xi32, #tpu.memory_space<vmem>>, vector<1x16xi32>,
        %swap3A_188 = vector.shape_cast %swap3A_187 : vector<1x16xi32> to vector<16xi32>
        %swap3A_189 = vector.shape_cast %get3A_184 : vector<16xi32> to vector<1x16xi32>
        tpu.vector_store %arg12[%swap3A_185, %swap3A_186], %swap3A_189 {strides = array<i32>} : memref<2x128xi32, #tpu.memory_space<vmem>>, vector<1x16xi32>,
        %get3A_190 = arith.constant 0 : i32
        %get3A_191 = arith.index_cast %get3A_190 : i32 to index
        %get3A_192 = arith.constant 16 : index
        %get3A_193 = tpu.vector_load %arg11[%get3A_191, %get3A_192] {strides = array<i32>} : memref<2x128xi32, #tpu.memory_space<vmem>>, vector<1x16xi32>,
        %get3A_194 = vector.shape_cast %get3A_193 : vector<1x16xi32> to vector<16xi32>
        %swap3A_195 = arith.constant 0 : i32
        %swap3A_196 = arith.index_cast %swap3A_195 : i32 to index
        %swap3A_197 = arith.constant 16 : index
        %swap3A_198 = tpu.vector_load %arg12[%swap3A_196, %swap3A_197] {strides = array<i32>} : memref<2x128xi32, #tpu.memory_space<vmem>>, vector<1x16xi32>,
        %swap3A_199 = vector.shape_cast %swap3A_198 : vector<1x16xi32> to vector<16xi32>
        %swap3A_200 = vector.shape_cast %get3A_194 : vector<16xi32> to vector<1x16xi32>
        tpu.vector_store %arg12[%swap3A_196, %swap3A_197], %swap3A_200 {strides = array<i32>} : memref<2x128xi32, #tpu.memory_space<vmem>>, vector<1x16xi32>,
        %get3A_201 = arith.constant 0 : i32
        %get3A_202 = arith.index_cast %get3A_201 : i32 to index
        %get3A_203 = arith.constant 32 : index
        %get3A_204 = tpu.vector_load %arg11[%get3A_202, %get3A_203] {strides = array<i32>} : memref<2x128xi32, #tpu.memory_space<vmem>>, vector<1x16xi32>,
        %get3A_205 = vector.shape_cast %get3A_204 : vector<1x16xi32> to vector<16xi32>
        %swap3A_206 = arith.constant 0 : i32
        %swap3A_207 = arith.index_cast %swap3A_206 : i32 to index
        %swap3A_208 = arith.constant 32 : index
        %swap3A_209 = tpu.vector_load %arg12[%swap3A_207, %swap3A_208] {strides = array<i32>} : memref<2x128xi32, #tpu.memory_space<vmem>>, vector<1x16xi32>,
        %swap3A_210 = vector.shape_cast %swap3A_209 : vector<1x16xi32> to vector<16xi32>
        %swap3A_211 = vector.shape_cast %get3A_205 : vector<16xi32> to vector<1x16xi32>
        tpu.vector_store %arg12[%swap3A_207, %swap3A_208], %swap3A_211 {strides = array<i32>} : memref<2x128xi32, #tpu.memory_space<vmem>>, vector<1x16xi32>,
        %get3A_212 = arith.constant 0 : i32
        %get3A_213 = arith.index_cast %get3A_212 : i32 to index
        %get3A_214 = arith.constant 48 : index
        %get3A_215 = tpu.vector_load %arg11[%get3A_213, %get3A_214] {strides = array<i32>} : memref<2x128xi32, #tpu.memory_space<vmem>>, vector<1x16xi32>,
        %get3A_216 = vector.shape_cast %get3A_215 : vector<1x16xi32> to vector<16xi32>
        %swap3A_217 = arith.constant 0 : i32
        %swap3A_218 = arith.index_cast %swap3A_217 : i32 to index
        %swap3A_219 = arith.constant 48 : index
        %swap3A_220 = tpu.vector_load %arg12[%swap3A_218, %swap3A_219] {strides = array<i32>} : memref<2x128xi32, #tpu.memory_space<vmem>>, vector<1x16xi32>,
        %swap3A_221 = vector.shape_cast %swap3A_220 : vector<1x16xi32> to vector<16xi32>
        %swap3A_222 = vector.shape_cast %get3A_216 : vector<16xi32> to vector<1x16xi32>
        tpu.vector_store %arg12[%swap3A_218, %swap3A_219], %swap3A_222 {strides = array<i32>} : memref<2x128xi32, #tpu.memory_space<vmem>>, vector<1x16xi32>,
        %get3A_223 = arith.constant 0 : i32
        %get3A_224 = arith.index_cast %get3A_223 : i32 to index
        %get3A_225 = arith.constant 64 : index
        %get3A_226 = tpu.vector_load %arg11[%get3A_224, %get3A_225] {strides = array<i32>} : memref<2x128xi32, #tpu.memory_space<vmem>>, vector<1x16xi32>,
        %get3A_227 = vector.shape_cast %get3A_226 : vector<1x16xi32> to vector<16xi32>
        %swap3A_228 = arith.constant 0 : i32
        %swap3A_229 = arith.index_cast %swap3A_228 : i32 to index
        %swap3A_230 = arith.constant 64 : index
        %swap3A_231 = tpu.vector_load %arg12[%swap3A_229, %swap3A_230] {strides = array<i32>} : memref<2x128xi32, #tpu.memory_space<vmem>>, vector<1x16xi32>,
        %swap3A_232 = vector.shape_cast %swap3A_231 : vector<1x16xi32> to vector<16xi32>
        %swap3A_233 = vector.shape_cast %get3A_227 : vector<16xi32> to vector<1x16xi32>
        tpu.vector_store %arg12[%swap3A_229, %swap3A_230], %swap3A_233 {strides = array<i32>} : memref<2x128xi32, #tpu.memory_space<vmem>>, vector<1x16xi32>,
        %get3A_234 = arith.constant 0 : i32
        %get3A_235 = arith.index_cast %get3A_234 : i32 to index
        %get3A_236 = arith.constant 80 : index
        %get3A_237 = tpu.vector_load %arg11[%get3A_235, %get3A_236] {strides = array<i32>} : memref<2x128xi32, #tpu.memory_space<vmem>>, vector<1x16xi32>,
        %get3A_238 = vector.shape_cast %get3A_237 : vector<1x16xi32> to vector<16xi32>
        %swap3A_239 = arith.constant 0 : i32
        %swap3A_240 = arith.index_cast %swap3A_239 : i32 to index
        %swap3A_241 = arith.constant 80 : index
        %swap3A_242 = tpu.vector_load %arg12[%swap3A_240, %swap3A_241] {strides = array<i32>} : memref<2x128xi32, #tpu.memory_space<vmem>>, vector<1x16xi32>,
        %swap3A_243 = vector.shape_cast %swap3A_242 : vector<1x16xi32> to vector<16xi32>
        %swap3A_244 = vector.shape_cast %get3A_238 : vector<16xi32> to vector<1x16xi32>
        tpu.vector_store %arg12[%swap3A_240, %swap3A_241], %swap3A_244 {strides = array<i32>} : memref<2x128xi32, #tpu.memory_space<vmem>>, vector<1x16xi32>,
        %get3A_245 = arith.constant 0 : i32
        %get3A_246 = arith.index_cast %get3A_245 : i32 to index
        %get3A_247 = arith.constant 96 : index
        %get3A_248 = tpu.vector_load %arg11[%get3A_246, %get3A_247] {strides = array<i32>} : memref<2x128xi32, #tpu.memory_space<vmem>>, vector<1x16xi32>,
        %get3A_249 = vector.shape_cast %get3A_248 : vector<1x16xi32> to vector<16xi32>
        %swap3A_250 = arith.constant 0 : i32
        %swap3A_251 = arith.index_cast %swap3A_250 : i32 to index
        %swap3A_252 = arith.constant 96 : index
        %swap3A_253 = tpu.vector_load %arg12[%swap3A_251, %swap3A_252] {strides = array<i32>} : memref<2x128xi32, #tpu.memory_space<vmem>>, vector<1x16xi32>,
        %swap3A_254 = vector.shape_cast %swap3A_253 : vector<1x16xi32> to vector<16xi32>
        %swap3A_255 = vector.shape_cast %get3A_249 : vector<16xi32> to vector<1x16xi32>
        tpu.vector_store %arg12[%swap3A_251, %swap3A_252], %swap3A_255 {strides = array<i32>} : memref<2x128xi32, #tpu.memory_space<vmem>>, vector<1x16xi32>,
        %get3A_256 = arith.constant 0 : i32
        %get3A_257 = arith.index_cast %get3A_256 : i32 to index
        %get3A_258 = arith.constant 112 : index
        %get3A_259 = tpu.vector_load %arg11[%get3A_257, %get3A_258] {strides = array<i32>} : memref<2x128xi32, #tpu.memory_space<vmem>>, vector<1x16xi32>,
        %get3A_260 = vector.shape_cast %get3A_259 : vector<1x16xi32> to vector<16xi32>
        %swap3A_261 = arith.constant 0 : i32
        %swap3A_262 = arith.index_cast %swap3A_261 : i32 to index
        %swap3A_263 = arith.constant 112 : index
        %swap3A_264 = tpu.vector_load %arg12[%swap3A_262, %swap3A_263] {strides = array<i32>} : memref<2x128xi32, #tpu.memory_space<vmem>>, vector<1x16xi32>,
        %swap3A_265 = vector.shape_cast %swap3A_264 : vector<1x16xi32> to vector<16xi32>
        %swap3A_266 = vector.shape_cast %get3A_260 : vector<16xi32> to vector<1x16xi32>
        tpu.vector_store %arg12[%swap3A_262, %swap3A_263], %swap3A_266 {strides = array<i32>} : memref<2x128xi32, #tpu.memory_space<vmem>>, vector<1x16xi32>,
      } else {
      }
      %add3A_109 = arith.constant 2 : i32
      %add3A_110 = arith.addi %add3A_92, %add3A_109 : i32
      %lt3A_111 = arith.cmpi slt, %add3A_110, %min3A_4 : i32
      %convert_element_type3A_112 = arith.extui %lt3A_111 : i1 to i32
      %cond3A_113 = arith.constant 0 : i32
      %cond3A_114 = arith.cmpi ne, %convert_element_type3A_112, %cond3A_113 : i32
      scf.if %cond3A_114 {
        %add3A_151 = arith.constant 2 : i32
        %add3A_152 = arith.addi %add3A_92, %add3A_151 : i32
        %mul3A_153 = arith.constant 128 : i32
        %mul3A_154 = arith.muli %add3A_152, %mul3A_153 : i32
        %add3A_155 = arith.addi %add3A, %mul3A_154 : i32
        %dma_start3A = arith.constant 0 : i32
        %dma_start3A_156 = arith.constant 0 : i32
        %dma_start3A_157 = tpu.memref_slice %arg10[%dma_start3A, %dma_start3A_156] : memref<2x128xi32, #tpu.memory_space<vmem>> -> memref<1x128xi32, #tpu.memory_space<vmem>>
        %dma_start3A_158 = tpu.memref_squeeze %dma_start3A_157 : memref<1x128xi32, #tpu.memory_space<vmem>> -> memref<128xi32, #tpu.memory_space<vmem>>
        %dma_start3A_159 = tpu.memref_slice %arg2[%add3A_155] : memref<320000xi32, #tpu.memory_space<hbm>> -> memref<128xi32, #tpu.memory_space<hbm>>
        %dma_start3A_160 = arith.constant 0 : i32
        %dma_start3A_161 = tpu.memref_slice %arg10[%dma_start3A, %dma_start3A_160] : memref<2x128xi32, #tpu.memory_space<vmem>> -> memref<1x128xi32, #tpu.memory_space<vmem>>
        %dma_start3A_162 = tpu.memref_squeeze %dma_start3A_161 : memref<1x128xi32, #tpu.memory_space<vmem>> -> memref<128xi32, #tpu.memory_space<vmem>>
        %dma_start3A_163 = tpu.memref_slice %arg2[%add3A_155] : memref<320000xi32, #tpu.memory_space<hbm>> -> memref<128xi32, #tpu.memory_space<hbm>>
        tpu.enqueue_dma source(%dma_start3A_163 : memref<128xi32, #tpu.memory_space<hbm>>) target(%dma_start3A_162 : memref<128xi32, #tpu.memory_space<vmem>>) target_semaphore(%arg16 : memref<!tpu.dma_semaphore, #tpu.memory_space<semaphore_mem>>)
        %dma_start3A_164 = arith.constant 0 : i32
        %dma_start3A_165 = arith.constant 0 : i32
        %dma_start3A_166 = tpu.memref_slice %arg11[%dma_start3A_164, %dma_start3A_165] : memref<2x128xi32, #tpu.memory_space<vmem>> -> memref<1x128xi32, #tpu.memory_space<vmem>>
        %dma_start3A_167 = tpu.memref_squeeze %dma_start3A_166 : memref<1x128xi32, #tpu.memory_space<vmem>> -> memref<128xi32, #tpu.memory_space<vmem>>
        %dma_start3A_168 = tpu.memref_slice %arg3[%add3A_155] : memref<320000xi32, #tpu.memory_space<hbm>> -> memref<128xi32, #tpu.memory_space<hbm>>
        %dma_start3A_169 = arith.constant 0 : i32
        %dma_start3A_170 = tpu.memref_slice %arg11[%dma_start3A_164, %dma_start3A_169] : memref<2x128xi32, #tpu.memory_space<vmem>> -> memref<1x128xi32, #tpu.memory_space<vmem>>
        %dma_start3A_171 = tpu.memref_squeeze %dma_start3A_170 : memref<1x128xi32, #tpu.memory_space<vmem>> -> memref<128xi32, #tpu.memory_space<vmem>>
        %dma_start3A_172 = tpu.memref_slice %arg3[%add3A_155] : memref<320000xi32, #tpu.memory_space<hbm>> -> memref<128xi32, #tpu.memory_space<hbm>>
        tpu.enqueue_dma source(%dma_start3A_172 : memref<128xi32, #tpu.memory_space<hbm>>) target(%dma_start3A_171 : memref<128xi32, #tpu.memory_space<vmem>>) target_semaphore(%arg16 : memref<!tpu.dma_semaphore, #tpu.memory_space<semaphore_mem>>)
      } else {
      }
      %lt3A_115 = arith.cmpi slt, %add3A_92, %min3A_4 : i32
      %convert_element_type3A_116 = arith.extui %lt3A_115 : i1 to i32
      %cond3A_117 = arith.constant 0 : i32
      %cond3A_118 = arith.cmpi ne, %convert_element_type3A_116, %cond3A_117 : i32
      scf.if %cond3A_118 {
        %scan3A_151 = arith.constant 0 : i32
        %scan3A_152 = arith.constant 0 : i32
        %scan3A_153 = arith.constant 128 : i32
        %scan3A_154 = arith.addi %scan3A_152, %scan3A_153 : i32
        %scan3A_155 = arith.constant 1 : i32
        %scan3A_156 = scf.for %scan3A_169 = %scan3A_152 to %scan3A_154 step %scan3A_155 iter_args(%scan3A_170 = %scan3A_151) -> (i32)  : i32 {
          %get3A_171 = arith.constant 0 : i32
          %get3A_172 = arith.index_cast %get3A_171 : i32 to index
          %get3A_173 = arith.index_cast %scan3A_169 : i32 to index
          %get3A_174 = arith.constant 64 : index
          %get3A_175 = tpu.vector_load %arg8[%get3A_172, %get3A_173, %get3A_174] {strides = array<i32>} : memref<2x128x80xf32, #tpu.memory_space<vmem>>, vector<1x1x16xf32>,
          %get3A_176 = vector.shape_cast %get3A_175 : vector<1x1x16xf32> to vector<16xf32>
          %get3A_177 = arith.constant 0 : i32
          %get3A_178 = arith.index_cast %get3A_177 : i32 to index
          %get3A_179 = arith.index_cast %scan3A_169 : i32 to index
          %get3A_180 = arith.constant 0 : index
          %get3A_181 = tpu.vector_load %arg9[%get3A_178, %get3A_179, %get3A_180] {strides = array<i32>} : memref<2x128x16xf32, #tpu.memory_space<vmem>>, vector<1x1x16xf32>,
          %get3A_182 = vector.shape_cast %get3A_181 : vector<1x1x16xf32> to vector<16xf32>
          %add3A_183 = arith.addf %get3A_176, %get3A_182 : vector<16xf32>
          %gt3A_184 = arith.constant 0.000000e+00 : f32
          %gt3A_185 = vector.broadcast %gt3A_184 : f32 to vector<16xf32>
          %gt3A_186 = arith.cmpf ogt, %add3A_183, %gt3A_185 : vector<16xf32>
          %mul3A_187 = arith.constant 2.000000e-01 : f32
          %mul3A_188 = vector.broadcast %mul3A_187 : f32 to vector<16xf32>
          %mul3A_189 = arith.mulf %mul3A_188, %add3A_183 : vector<16xf32>
          %select_n3A = arith.select %gt3A_186, %add3A_183, %mul3A_189 : vector<16xi1>, vector<16xf32>
          %add3A_190 = arith.addf %get3A_19, %get3A_182 : vector<16xf32>
          %gt3A_191 = arith.constant 0.000000e+00 : f32
          %gt3A_192 = vector.broadcast %gt3A_191 : f32 to vector<16xf32>
          %gt3A_193 = arith.cmpf ogt, %add3A_190, %gt3A_192 : vector<16xf32>
          %mul3A_194 = arith.constant 2.000000e-01 : f32
          %mul3A_195 = vector.broadcast %mul3A_194 : f32 to vector<16xf32>
          %mul3A_196 = arith.mulf %mul3A_195, %add3A_190 : vector<16xf32>
          %select_n3A_197 = arith.select %gt3A_193, %add3A_190, %mul3A_196 : vector<16xi1>, vector<16xf32>
          %sub3A_198 = arith.subf %select_n3A, %select_n3A_197 : vector<16xf32>
          %exp3A = math.exp %sub3A_198 : vector<16xf32>
          %slice3A = vector.extract_strided_slice %exp3A {offsets = [0], sizes = [1], strides = [1]} : vector<16xf32> to vector<1xf32>
          %squeeze3A = vector.extract %slice3A[0] : f32 from vector<1xf32>
          %slice3A_199 = vector.extract_strided_slice %exp3A {offsets = [0], sizes = [1], strides = [1]} : vector<16xf32> to vector<1xf32>
          %squeeze3A_200 = vector.extract %slice3A_199[0] : f32 from vector<1xf32>
          %broadcast_in_dim3A = vector.broadcast %squeeze3A : f32 to vector<16xf32>
          %broadcast_in_dim3A_201 = vector.broadcast %squeeze3A_200 : f32 to vector<16xf32>
          %get3A_202 = arith.constant 0 : i32
          %get3A_203 = arith.index_cast %get3A_202 : i32 to index
          %get3A_204 = arith.index_cast %scan3A_169 : i32 to index
          %get3A_205 = arith.constant 0 : index
          %get3A_206 = tpu.vector_load %arg8[%get3A_203, %get3A_204, %get3A_205] {strides = array<i32>} : memref<2x128x80xf32, #tpu.memory_space<vmem>>, vector<1x1x16xf32>,
          %get3A_207 = vector.shape_cast %get3A_206 : vector<1x1x16xf32> to vector<16xf32>
          %mul3A_208 = arith.mulf %get3A_207, %broadcast_in_dim3A : vector<16xf32>
          %swap3A = arith.constant 0 : i32
          %swap3A_209 = arith.index_cast %swap3A : i32 to index
          %swap3A_210 = arith.index_cast %scan3A_169 : i32 to index
          %swap3A_211 = arith.constant 0 : index
          %swap3A_212 = tpu.vector_load %arg8[%swap3A_209, %swap3A_210, %swap3A_211] {strides = array<i32>} : memref<2x128x80xf32, #tpu.memory_space<vmem>>, vector<1x1x16xf32>,
          %swap3A_213 = vector.shape_cast %swap3A_212 : vector<1x1x16xf32> to vector<16xf32>
          %swap3A_214 = vector.shape_cast %mul3A_208 : vector<16xf32> to vector<1x1x16xf32>
          tpu.vector_store %arg8[%swap3A_209, %swap3A_210, %swap3A_211], %swap3A_214 {strides = array<i32>} : memref<2x128x80xf32, #tpu.memory_space<vmem>>, vector<1x1x16xf32>,
          %get3A_215 = arith.constant 0 : i32
          %get3A_216 = arith.index_cast %get3A_215 : i32 to index
          %get3A_217 = arith.index_cast %scan3A_169 : i32 to index
          %get3A_218 = arith.constant 16 : index
          %get3A_219 = tpu.vector_load %arg8[%get3A_216, %get3A_217, %get3A_218] {strides = array<i32>} : memref<2x128x80xf32, #tpu.memory_space<vmem>>, vector<1x1x16xf32>,
          %get3A_220 = vector.shape_cast %get3A_219 : vector<1x1x16xf32> to vector<16xf32>
          %mul3A_221 = arith.mulf %get3A_220, %broadcast_in_dim3A : vector<16xf32>
          %swap3A_222 = arith.constant 0 : i32
          %swap3A_223 = arith.index_cast %swap3A_222 : i32 to index
          %swap3A_224 = arith.index_cast %scan3A_169 : i32 to index
          %swap3A_225 = arith.constant 16 : index
          %swap3A_226 = tpu.vector_load %arg8[%swap3A_223, %swap3A_224, %swap3A_225] {strides = array<i32>} : memref<2x128x80xf32, #tpu.memory_space<vmem>>, vector<1x1x16xf32>,
          %swap3A_227 = vector.shape_cast %swap3A_226 : vector<1x1x16xf32> to vector<16xf32>
          %swap3A_228 = vector.shape_cast %mul3A_221 : vector<16xf32> to vector<1x1x16xf32>
          tpu.vector_store %arg8[%swap3A_223, %swap3A_224, %swap3A_225], %swap3A_228 {strides = array<i32>} : memref<2x128x80xf32, #tpu.memory_space<vmem>>, vector<1x1x16xf32>,
          %get3A_229 = arith.constant 0 : i32
          %get3A_230 = arith.index_cast %get3A_229 : i32 to index
          %get3A_231 = arith.index_cast %scan3A_169 : i32 to index
          %get3A_232 = arith.constant 32 : index
          %get3A_233 = tpu.vector_load %arg8[%get3A_230, %get3A_231, %get3A_232] {strides = array<i32>} : memref<2x128x80xf32, #tpu.memory_space<vmem>>, vector<1x1x16xf32>,
          %get3A_234 = vector.shape_cast %get3A_233 : vector<1x1x16xf32> to vector<16xf32>
          %mul3A_235 = arith.mulf %get3A_234, %broadcast_in_dim3A : vector<16xf32>
          %swap3A_236 = arith.constant 0 : i32
          %swap3A_237 = arith.index_cast %swap3A_236 : i32 to index
          %swap3A_238 = arith.index_cast %scan3A_169 : i32 to index
          %swap3A_239 = arith.constant 32 : index
          %swap3A_240 = tpu.vector_load %arg8[%swap3A_237, %swap3A_238, %swap3A_239] {strides = array<i32>} : memref<2x128x80xf32, #tpu.memory_space<vmem>>, vector<1x1x16xf32>,
          %swap3A_241 = vector.shape_cast %swap3A_240 : vector<1x1x16xf32> to vector<16xf32>
          %swap3A_242 = vector.shape_cast %mul3A_235 : vector<16xf32> to vector<1x1x16xf32>
          tpu.vector_store %arg8[%swap3A_237, %swap3A_238, %swap3A_239], %swap3A_242 {strides = array<i32>} : memref<2x128x80xf32, #tpu.memory_space<vmem>>, vector<1x1x16xf32>,
          %get3A_243 = arith.constant 0 : i32
          %get3A_244 = arith.index_cast %get3A_243 : i32 to index
          %get3A_245 = arith.index_cast %scan3A_169 : i32 to index
          %get3A_246 = arith.constant 48 : index
          %get3A_247 = tpu.vector_load %arg8[%get3A_244, %get3A_245, %get3A_246] {strides = array<i32>} : memref<2x128x80xf32, #tpu.memory_space<vmem>>, vector<1x1x16xf32>,
          %get3A_248 = vector.shape_cast %get3A_247 : vector<1x1x16xf32> to vector<16xf32>
          %mul3A_249 = arith.mulf %get3A_248, %broadcast_in_dim3A : vector<16xf32>
          %swap3A_250 = arith.constant 0 : i32
          %swap3A_251 = arith.index_cast %swap3A_250 : i32 to index
          %swap3A_252 = arith.index_cast %scan3A_169 : i32 to index
          %swap3A_253 = arith.constant 48 : index
          %swap3A_254 = tpu.vector_load %arg8[%swap3A_251, %swap3A_252, %swap3A_253] {strides = array<i32>} : memref<2x128x80xf32, #tpu.memory_space<vmem>>, vector<1x1x16xf32>,
          %swap3A_255 = vector.shape_cast %swap3A_254 : vector<1x1x16xf32> to vector<16xf32>
          %swap3A_256 = vector.shape_cast %mul3A_249 : vector<16xf32> to vector<1x1x16xf32>
          tpu.vector_store %arg8[%swap3A_251, %swap3A_252, %swap3A_253], %swap3A_256 {strides = array<i32>} : memref<2x128x80xf32, #tpu.memory_space<vmem>>, vector<1x1x16xf32>,
          %iota3A = tpu.iota {dimensions = array<i32: 0>} : vector<16xi32>
          %eq3A_257 = arith.constant 1 : i32
          %eq3A_258 = vector.broadcast %eq3A_257 : i32 to vector<16xi32>
          %eq3A_259 = arith.cmpi eq, %iota3A, %eq3A_258 : vector<16xi32>
          %eq3A_260 = arith.constant 1 : i32
          %eq3A_261 = vector.broadcast %eq3A_260 : i32 to vector<16xi32>
          %eq3A_262 = arith.cmpi eq, %iota3A, %eq3A_261 : vector<16xi32>
          %jit3A = arith.constant 0.000000e+00 : f32
          %broadcast_in_dim3A_263 = vector.broadcast %jit3A : f32 to vector<16xf32>
          %select_n3A_264 = arith.select %eq3A_262, %broadcast_in_dim3A_201, %broadcast_in_dim3A_263 : vector<16xi1>, vector<16xf32>
          %select_n3A_265 = arith.select %eq3A_259, %broadcast_in_dim3A, %select_n3A_264 : vector<16xi1>, vector<16xf32>
          %mul3A_266 = arith.mulf %get3A_176, %select_n3A_265 : vector<16xf32>
          %swap3A_267 = arith.constant 0 : i32
          %swap3A_268 = arith.index_cast %swap3A_267 : i32 to index
          %swap3A_269 = arith.index_cast %scan3A_169 : i32 to index
          %swap3A_270 = arith.constant 64 : index
          %swap3A_271 = tpu.vector_load %arg8[%swap3A_268, %swap3A_269, %swap3A_270] {strides = array<i32>} : memref<2x128x80xf32, #tpu.memory_space<vmem>>, vector<1x1x16xf32>,
          %swap3A_272 = vector.shape_cast %swap3A_271 : vector<1x1x16xf32> to vector<16xf32>
          %swap3A_273 = vector.shape_cast %mul3A_266 : vector<16xf32> to vector<1x1x16xf32>
          tpu.vector_store %arg8[%swap3A_268, %swap3A_269, %swap3A_270], %swap3A_273 {strides = array<i32>} : memref<2x128x80xf32, #tpu.memory_space<vmem>>, vector<1x1x16xf32>,
          %scan3A_274 = arith.constant 0 : i32
          scf.yield %scan3A_274 : i32
        }
        %scan3A_157 = arith.constant 128 : i32
        %dma_start3A = arith.constant 0 : i32
        %dma_start3A_158 = arith.constant 0 : i32
        %dma_start3A_159 = arith.constant 0 : i32
        %dma_start3A_160 = arith.constant 0 : i32
        %dma_start3A_161 = tpu.memref_slice %arg8[%dma_start3A, %dma_start3A_159, %dma_start3A_160] : memref<2x128x80xf32, #tpu.memory_space<vmem>> -> memref<1x128x80xf32, #tpu.memory_space<vmem>>
        %dma_start3A_162 = tpu.memref_squeeze %dma_start3A_161 : memref<1x128x80xf32, #tpu.memory_space<vmem>> -> memref<128x80xf32, #tpu.memory_space<vmem>>
        %dma_start3A_163 = arith.constant 0 : i32
        %dma_start3A_164 = tpu.memref_slice %arg12[%dma_start3A_158, %dma_start3A_163] : memref<2x128xi32, #tpu.memory_space<vmem>> -> memref<1x128xi32, #tpu.memory_space<vmem>>
        %dma_start3A_165 = tpu.memref_squeeze %dma_start3A_164 : memref<1x128xi32, #tpu.memory_space<vmem>> -> memref<128xi32, #tpu.memory_space<vmem>>
        %dma_start3A_166 = arith.constant 0 : i32
        %dma_start3A_167 = arith.constant 0 : i32
        %dma_start3A_168 = tpu.memref_slice %arg15[%dma_start3A_166, %dma_start3A_167] : memref<10240x80xf32, #tpu.memory_space<vmem_shared>> -> memref<10240x80xf32, #tpu.memory_space<vmem_shared>>
        tpu.enqueue_indirect_dma source(%dma_start3A_162 : memref<128x80xf32, #tpu.memory_space<vmem>>) target(%dma_start3A_168 : memref<10240x80xf32, #tpu.memory_space<vmem_shared>>) offsets(%dma_start3A_165 : memref<128xi32, #tpu.memory_space<vmem>>) semaphore(%arg20 : memref<!tpu.dma_semaphore, #tpu.memory_space<semaphore_mem>>) {add = true}
      } else {
      }
      %mul3A_119 = arith.constant 2 : i32
      %mul3A_120 = arith.muli %scan3A_87, %mul3A_119 : i32
      %add3A_121 = arith.constant 1 : i32
      %add3A_122 = arith.addi %mul3A_120, %add3A_121 : i32
      %ge3A_123 = arith.constant 1 : i32
      %ge3A_124 = arith.cmpi sge, %add3A_122, %ge3A_123 : i32
      %lt3A_125 = arith.cmpi slt, %add3A_122, %min3A_4 : i32
      %and3A_126 = arith.andi %ge3A_124, %lt3A_125 : i1
      %convert_element_type3A_127 = arith.extui %and3A_126 : i1 to i32
      %cond3A_128 = arith.constant 0 : i32
      %cond3A_129 = arith.cmpi ne, %convert_element_type3A_127, %cond3A_128 : i32
      scf.if %cond3A_129 {
        %dma_wait3A = arith.constant 0 : i32
        %dma_wait3A_151 = arith.constant 0 : i32
        %dma_wait3A_152 = arith.constant 0 : i32
        %dma_wait3A_153 = arith.constant 0 : i32
        %dma_wait3A_154 = tpu.memref_slice %arg8[%dma_wait3A, %dma_wait3A_152, %dma_wait3A_153] : memref<2x128x80xf32, #tpu.memory_space<vmem>> -> memref<1x128x80xf32, #tpu.memory_space<vmem>>
        %dma_wait3A_155 = tpu.memref_squeeze %dma_wait3A_154 : memref<1x128x80xf32, #tpu.memory_space<vmem>> -> memref<128x80xf32, #tpu.memory_space<vmem>>
        %dma_wait3A_156 = arith.constant 0 : i32
        %dma_wait3A_157 = tpu.memref_slice %arg12[%dma_wait3A_151, %dma_wait3A_156] : memref<2x128xi32, #tpu.memory_space<vmem>> -> memref<1x128xi32, #tpu.memory_space<vmem>>
        %dma_wait3A_158 = tpu.memref_squeeze %dma_wait3A_157 : memref<1x128xi32, #tpu.memory_space<vmem>> -> memref<128xi32, #tpu.memory_space<vmem>>
        %dma_wait3A_159 = arith.constant 0 : i32
        %dma_wait3A_160 = arith.constant 0 : i32
        %dma_wait3A_161 = tpu.memref_slice %arg15[%dma_wait3A_159, %dma_wait3A_160] : memref<10240x80xf32, #tpu.memory_space<vmem_shared>> -> memref<10240x80xf32, #tpu.memory_space<vmem_shared>>
        tpu.wait_indirect_dma semaphore(%arg20 : memref<!tpu.dma_semaphore, #tpu.memory_space<semaphore_mem>>) src(%dma_wait3A_155 : memref<128x80xf32, #tpu.memory_space<vmem>>) dst(%dma_wait3A_161 : memref<10240x80xf32, #tpu.memory_space<vmem_shared>>)
      } else {
      }
      %add3A_130 = arith.constant 1 : i32
      %add3A_131 = arith.addi %add3A_122, %add3A_130 : i32
      %lt3A_132 = arith.cmpi slt, %add3A_131, %min3A_4 : i32
      %convert_element_type3A_133 = arith.extui %lt3A_132 : i1 to i32
      %cond3A_134 = arith.constant 0 : i32
      %cond3A_135 = arith.cmpi ne, %convert_element_type3A_133, %cond3A_134 : i32
      scf.if %cond3A_135 {
        %dma_wait3A = arith.constant 0 : i32
        %dma_wait3A_151 = arith.constant 0 : i32
        %dma_wait3A_152 = tpu.memref_slice %arg10[%dma_wait3A, %dma_wait3A_151] : memref<2x128xi32, #tpu.memory_space<vmem>> -> memref<1x128xi32, #tpu.memory_space<vmem>>
        %dma_wait3A_153 = tpu.memref_squeeze %dma_wait3A_152 : memref<1x128xi32, #tpu.memory_space<vmem>> -> memref<128xi32, #tpu.memory_space<vmem>>
        %dma_wait3A_154 = arith.constant 0 : i32
        %dma_wait3A_155 = tpu.memref_slice %arg2[%dma_wait3A_154] : memref<320000xi32, #tpu.memory_space<hbm>> -> memref<128xi32, #tpu.memory_space<hbm>>
        %dma_wait3A_156 = arith.constant 0 : i32
        %dma_wait3A_157 = tpu.memref_slice %arg10[%dma_wait3A, %dma_wait3A_156] : memref<2x128xi32, #tpu.memory_space<vmem>> -> memref<1x128xi32, #tpu.memory_space<vmem>>
        %dma_wait3A_158 = tpu.memref_squeeze %dma_wait3A_157 : memref<1x128xi32, #tpu.memory_space<vmem>> -> memref<128xi32, #tpu.memory_space<vmem>>
        %dma_wait3A_159 = arith.constant 0 : i32
        %dma_wait3A_160 = tpu.memref_slice %arg2[%dma_wait3A_159] : memref<320000xi32, #tpu.memory_space<hbm>> -> memref<128xi32, #tpu.memory_space<hbm>>
        tpu.wait_dma2 semaphore(%arg16 : memref<!tpu.dma_semaphore, #tpu.memory_space<semaphore_mem>>) src(%dma_wait3A_160 : memref<128xi32, #tpu.memory_space<hbm>>) dst(%dma_wait3A_158 : memref<128xi32, #tpu.memory_space<vmem>>)
        %dma_wait3A_161 = arith.constant 0 : i32
        %dma_wait3A_162 = arith.constant 0 : i32
        %dma_wait3A_163 = tpu.memref_slice %arg11[%dma_wait3A_161, %dma_wait3A_162] : memref<2x128xi32, #tpu.memory_space<vmem>> -> memref<1x128xi32, #tpu.memory_space<vmem>>
        %dma_wait3A_164 = tpu.memref_squeeze %dma_wait3A_163 : memref<1x128xi32, #tpu.memory_space<vmem>> -> memref<128xi32, #tpu.memory_space<vmem>>
        %dma_wait3A_165 = arith.constant 0 : i32
        %dma_wait3A_166 = tpu.memref_slice %arg3[%dma_wait3A_165] : memref<320000xi32, #tpu.memory_space<hbm>> -> memref<128xi32, #tpu.memory_space<hbm>>
        %dma_wait3A_167 = arith.constant 0 : i32
        %dma_wait3A_168 = tpu.memref_slice %arg11[%dma_wait3A_161, %dma_wait3A_167] : memref<2x128xi32, #tpu.memory_space<vmem>> -> memref<1x128xi32, #tpu.memory_space<vmem>>
        %dma_wait3A_169 = tpu.memref_squeeze %dma_wait3A_168 : memref<1x128xi32, #tpu.memory_space<vmem>> -> memref<128xi32, #tpu.memory_space<vmem>>
        %dma_wait3A_170 = arith.constant 0 : i32
        %dma_wait3A_171 = tpu.memref_slice %arg3[%dma_wait3A_170] : memref<320000xi32, #tpu.memory_space<hbm>> -> memref<128xi32, #tpu.memory_space<hbm>>
        tpu.wait_dma2 semaphore(%arg16 : memref<!tpu.dma_semaphore, #tpu.memory_space<semaphore_mem>>) src(%dma_wait3A_171 : memref<128xi32, #tpu.memory_space<hbm>>) dst(%dma_wait3A_169 : memref<128xi32, #tpu.memory_space<vmem>>)
        %dma_start3A = arith.constant 0 : i32
        %dma_start3A_172 = arith.constant 0 : i32
        %dma_start3A_173 = arith.constant 0 : i32
        %dma_start3A_174 = arith.constant 0 : i32
        %dma_start3A_175 = tpu.memref_slice %arg8[%dma_start3A_172, %dma_start3A_173, %dma_start3A_174] : memref<2x128x80xf32, #tpu.memory_space<vmem>> -> memref<1x128x80xf32, #tpu.memory_space<vmem>>
        %dma_start3A_176 = tpu.memref_squeeze %dma_start3A_175 : memref<1x128x80xf32, #tpu.memory_space<vmem>> -> memref<128x80xf32, #tpu.memory_space<vmem>>
        %dma_start3A_177 = arith.constant 0 : i32
        %dma_start3A_178 = tpu.memref_slice %arg10[%dma_start3A, %dma_start3A_177] : memref<2x128xi32, #tpu.memory_space<vmem>> -> memref<1x128xi32, #tpu.memory_space<vmem>>
        %dma_start3A_179 = tpu.memref_squeeze %dma_start3A_178 : memref<1x128xi32, #tpu.memory_space<vmem>> -> memref<128xi32, #tpu.memory_space<vmem>>
        %dma_start3A_180 = arith.constant 0 : i32
        %dma_start3A_181 = arith.constant 0 : i32
        %dma_start3A_182 = tpu.memref_slice %arg6[%dma_start3A_180, %dma_start3A_181] : memref<10000x80xf32, #tpu.memory_space<hbm>> -> memref<10000x80xf32, #tpu.memory_space<hbm>>
        tpu.enqueue_indirect_dma source(%dma_start3A_182 : memref<10000x80xf32, #tpu.memory_space<hbm>>) target(%dma_start3A_176 : memref<128x80xf32, #tpu.memory_space<vmem>>) offsets(%dma_start3A_179 : memref<128xi32, #tpu.memory_space<vmem>>) semaphore(%arg18 : memref<!tpu.dma_semaphore, #tpu.memory_space<semaphore_mem>>)
        %dma_start3A_183 = arith.constant 0 : i32
        %dma_start3A_184 = arith.constant 0 : i32
        %dma_start3A_185 = arith.constant 0 : i32
        %dma_start3A_186 = arith.constant 0 : i32
        %dma_start3A_187 = tpu.memref_slice %arg9[%dma_start3A_184, %dma_start3A_185, %dma_start3A_186] : memref<2x128x16xf32, #tpu.memory_space<vmem>> -> memref<1x128x16xf32, #tpu.memory_space<vmem>>
        %dma_start3A_188 = tpu.memref_squeeze %dma_start3A_187 : memref<1x128x16xf32, #tpu.memory_space<vmem>> -> memref<128x16xf32, #tpu.memory_space<vmem>>
        %dma_start3A_189 = arith.constant 0 : i32
        %dma_start3A_190 = tpu.memref_slice %arg11[%dma_start3A_183, %dma_start3A_189] : memref<2x128xi32, #tpu.memory_space<vmem>> -> memref<1x128xi32, #tpu.memory_space<vmem>>
        %dma_start3A_191 = tpu.memref_squeeze %dma_start3A_190 : memref<1x128xi32, #tpu.memory_space<vmem>> -> memref<128xi32, #tpu.memory_space<vmem>>
        %dma_start3A_192 = arith.constant 0 : i32
        %dma_start3A_193 = arith.constant 0 : i32
        %dma_start3A_194 = tpu.memref_slice %arg4[%dma_start3A_192, %dma_start3A_193] : memref<10000x16xf32, #tpu.memory_space<hbm>> -> memref<10000x16xf32, #tpu.memory_space<hbm>>
        tpu.enqueue_indirect_dma source(%dma_start3A_194 : memref<10000x16xf32, #tpu.memory_space<hbm>>) target(%dma_start3A_188 : memref<128x16xf32, #tpu.memory_space<vmem>>) offsets(%dma_start3A_191 : memref<128xi32, #tpu.memory_space<vmem>>) semaphore(%arg18 : memref<!tpu.dma_semaphore, #tpu.memory_space<semaphore_mem>>)
      } else {
      }
      %lt3A_136 = arith.cmpi slt, %add3A_122, %min3A_4 : i32
      %convert_element_type3A_137 = arith.extui %lt3A_136 : i1 to i32
      %cond3A_138 = arith.constant 0 : i32
      %cond3A_139 = arith.cmpi ne, %convert_element_type3A_137, %cond3A_138 : i32
      scf.if %cond3A_139 {
        %dma_wait3A = arith.constant 1 : i32
        %dma_wait3A_151 = arith.constant 0 : i32
        %dma_wait3A_152 = arith.constant 0 : i32
        %dma_wait3A_153 = tpu.memref_slice %arg8[%dma_wait3A, %dma_wait3A_151, %dma_wait3A_152] : memref<2x128x80xf32, #tpu.memory_space<vmem>> -> memref<1x128x80xf32, #tpu.memory_space<vmem>>
        %dma_wait3A_154 = tpu.memref_squeeze %dma_wait3A_153 : memref<1x128x80xf32, #tpu.memory_space<vmem>> -> memref<128x80xf32, #tpu.memory_space<vmem>>
        %dma_wait3A_155 = arith.constant 0 : i32
        %dma_wait3A_156 = arith.constant 0 : i32
        %dma_wait3A_157 = tpu.memref_slice %arg6[%dma_wait3A_155, %dma_wait3A_156] : memref<10000x80xf32, #tpu.memory_space<hbm>> -> memref<128x80xf32, #tpu.memory_space<hbm>>
        %dma_wait3A_158 = arith.constant 0 : i32
        %dma_wait3A_159 = arith.constant 0 : i32
        %dma_wait3A_160 = tpu.memref_slice %arg8[%dma_wait3A, %dma_wait3A_158, %dma_wait3A_159] : memref<2x128x80xf32, #tpu.memory_space<vmem>> -> memref<1x128x80xf32, #tpu.memory_space<vmem>>
        %dma_wait3A_161 = tpu.memref_squeeze %dma_wait3A_160 : memref<1x128x80xf32, #tpu.memory_space<vmem>> -> memref<128x80xf32, #tpu.memory_space<vmem>>
        %dma_wait3A_162 = arith.constant 0 : i32
        %dma_wait3A_163 = arith.constant 0 : i32
        %dma_wait3A_164 = tpu.memref_slice %arg6[%dma_wait3A_162, %dma_wait3A_163] : memref<10000x80xf32, #tpu.memory_space<hbm>> -> memref<128x80xf32, #tpu.memory_space<hbm>>
        tpu.wait_dma2 semaphore(%arg19 : memref<!tpu.dma_semaphore, #tpu.memory_space<semaphore_mem>>) src(%dma_wait3A_164 : memref<128x80xf32, #tpu.memory_space<hbm>>) dst(%dma_wait3A_161 : memref<128x80xf32, #tpu.memory_space<vmem>>)
        %dma_wait3A_165 = arith.constant 1 : i32
        %dma_wait3A_166 = arith.constant 0 : i32
        %dma_wait3A_167 = arith.constant 0 : i32
        %dma_wait3A_168 = tpu.memref_slice %arg9[%dma_wait3A_165, %dma_wait3A_166, %dma_wait3A_167] : memref<2x128x16xf32, #tpu.memory_space<vmem>> -> memref<1x128x16xf32, #tpu.memory_space<vmem>>
        %dma_wait3A_169 = tpu.memref_squeeze %dma_wait3A_168 : memref<1x128x16xf32, #tpu.memory_space<vmem>> -> memref<128x16xf32, #tpu.memory_space<vmem>>
        %dma_wait3A_170 = arith.constant 0 : i32
        %dma_wait3A_171 = arith.constant 0 : i32
        %dma_wait3A_172 = tpu.memref_slice %arg4[%dma_wait3A_170, %dma_wait3A_171] : memref<10000x16xf32, #tpu.memory_space<hbm>> -> memref<128x16xf32, #tpu.memory_space<hbm>>
        %dma_wait3A_173 = arith.constant 0 : i32
        %dma_wait3A_174 = arith.constant 0 : i32
        %dma_wait3A_175 = tpu.memref_slice %arg9[%dma_wait3A_165, %dma_wait3A_173, %dma_wait3A_174] : memref<2x128x16xf32, #tpu.memory_space<vmem>> -> memref<1x128x16xf32, #tpu.memory_space<vmem>>
        %dma_wait3A_176 = tpu.memref_squeeze %dma_wait3A_175 : memref<1x128x16xf32, #tpu.memory_space<vmem>> -> memref<128x16xf32, #tpu.memory_space<vmem>>
        %dma_wait3A_177 = arith.constant 0 : i32
        %dma_wait3A_178 = arith.constant 0 : i32
        %dma_wait3A_179 = tpu.memref_slice %arg4[%dma_wait3A_177, %dma_wait3A_178] : memref<10000x16xf32, #tpu.memory_space<hbm>> -> memref<128x16xf32, #tpu.memory_space<hbm>>
        tpu.wait_dma2 semaphore(%arg19 : memref<!tpu.dma_semaphore, #tpu.memory_space<semaphore_mem>>) src(%dma_wait3A_179 : memref<128x16xf32, #tpu.memory_space<hbm>>) dst(%dma_wait3A_176 : memref<128x16xf32, #tpu.memory_space<vmem>>)
        %get3A_180 = arith.constant 1 : i32
        %get3A_181 = arith.index_cast %get3A_180 : i32 to index
        %get3A_182 = arith.constant 0 : index
        %get3A_183 = tpu.vector_load %arg11[%get3A_181, %get3A_182] {strides = array<i32>} : memref<2x128xi32, #tpu.memory_space<vmem>>, vector<1x16xi32>,
        %get3A_184 = vector.shape_cast %get3A_183 : vector<1x16xi32> to vector<16xi32>
        %swap3A = arith.constant 1 : i32
        %swap3A_185 = arith.index_cast %swap3A : i32 to index
        %swap3A_186 = arith.constant 0 : index
        %swap3A_187 = tpu.vector_load %arg12[%swap3A_185, %swap3A_186] {strides = array<i32>} : memref<2x128xi32, #tpu.memory_space<vmem>>, vector<1x16xi32>,
        %swap3A_188 = vector.shape_cast %swap3A_187 : vector<1x16xi32> to vector<16xi32>
        %swap3A_189 = vector.shape_cast %get3A_184 : vector<16xi32> to vector<1x16xi32>
        tpu.vector_store %arg12[%swap3A_185, %swap3A_186], %swap3A_189 {strides = array<i32>} : memref<2x128xi32, #tpu.memory_space<vmem>>, vector<1x16xi32>,
        %get3A_190 = arith.constant 1 : i32
        %get3A_191 = arith.index_cast %get3A_190 : i32 to index
        %get3A_192 = arith.constant 16 : index
        %get3A_193 = tpu.vector_load %arg11[%get3A_191, %get3A_192] {strides = array<i32>} : memref<2x128xi32, #tpu.memory_space<vmem>>, vector<1x16xi32>,
        %get3A_194 = vector.shape_cast %get3A_193 : vector<1x16xi32> to vector<16xi32>
        %swap3A_195 = arith.constant 1 : i32
        %swap3A_196 = arith.index_cast %swap3A_195 : i32 to index
        %swap3A_197 = arith.constant 16 : index
        %swap3A_198 = tpu.vector_load %arg12[%swap3A_196, %swap3A_197] {strides = array<i32>} : memref<2x128xi32, #tpu.memory_space<vmem>>, vector<1x16xi32>,
        %swap3A_199 = vector.shape_cast %swap3A_198 : vector<1x16xi32> to vector<16xi32>
        %swap3A_200 = vector.shape_cast %get3A_194 : vector<16xi32> to vector<1x16xi32>
        tpu.vector_store %arg12[%swap3A_196, %swap3A_197], %swap3A_200 {strides = array<i32>} : memref<2x128xi32, #tpu.memory_space<vmem>>, vector<1x16xi32>,
        %get3A_201 = arith.constant 1 : i32
        %get3A_202 = arith.index_cast %get3A_201 : i32 to index
        %get3A_203 = arith.constant 32 : index
        %get3A_204 = tpu.vector_load %arg11[%get3A_202, %get3A_203] {strides = array<i32>} : memref<2x128xi32, #tpu.memory_space<vmem>>, vector<1x16xi32>,
        %get3A_205 = vector.shape_cast %get3A_204 : vector<1x16xi32> to vector<16xi32>
        %swap3A_206 = arith.constant 1 : i32
        %swap3A_207 = arith.index_cast %swap3A_206 : i32 to index
        %swap3A_208 = arith.constant 32 : index
        %swap3A_209 = tpu.vector_load %arg12[%swap3A_207, %swap3A_208] {strides = array<i32>} : memref<2x128xi32, #tpu.memory_space<vmem>>, vector<1x16xi32>,
        %swap3A_210 = vector.shape_cast %swap3A_209 : vector<1x16xi32> to vector<16xi32>
        %swap3A_211 = vector.shape_cast %get3A_205 : vector<16xi32> to vector<1x16xi32>
        tpu.vector_store %arg12[%swap3A_207, %swap3A_208], %swap3A_211 {strides = array<i32>} : memref<2x128xi32, #tpu.memory_space<vmem>>, vector<1x16xi32>,
        %get3A_212 = arith.constant 1 : i32
        %get3A_213 = arith.index_cast %get3A_212 : i32 to index
        %get3A_214 = arith.constant 48 : index
        %get3A_215 = tpu.vector_load %arg11[%get3A_213, %get3A_214] {strides = array<i32>} : memref<2x128xi32, #tpu.memory_space<vmem>>, vector<1x16xi32>,
        %get3A_216 = vector.shape_cast %get3A_215 : vector<1x16xi32> to vector<16xi32>
        %swap3A_217 = arith.constant 1 : i32
        %swap3A_218 = arith.index_cast %swap3A_217 : i32 to index
        %swap3A_219 = arith.constant 48 : index
        %swap3A_220 = tpu.vector_load %arg12[%swap3A_218, %swap3A_219] {strides = array<i32>} : memref<2x128xi32, #tpu.memory_space<vmem>>, vector<1x16xi32>,
        %swap3A_221 = vector.shape_cast %swap3A_220 : vector<1x16xi32> to vector<16xi32>
        %swap3A_222 = vector.shape_cast %get3A_216 : vector<16xi32> to vector<1x16xi32>
        tpu.vector_store %arg12[%swap3A_218, %swap3A_219], %swap3A_222 {strides = array<i32>} : memref<2x128xi32, #tpu.memory_space<vmem>>, vector<1x16xi32>,
        %get3A_223 = arith.constant 1 : i32
        %get3A_224 = arith.index_cast %get3A_223 : i32 to index
        %get3A_225 = arith.constant 64 : index
        %get3A_226 = tpu.vector_load %arg11[%get3A_224, %get3A_225] {strides = array<i32>} : memref<2x128xi32, #tpu.memory_space<vmem>>, vector<1x16xi32>,
        %get3A_227 = vector.shape_cast %get3A_226 : vector<1x16xi32> to vector<16xi32>
        %swap3A_228 = arith.constant 1 : i32
        %swap3A_229 = arith.index_cast %swap3A_228 : i32 to index
        %swap3A_230 = arith.constant 64 : index
        %swap3A_231 = tpu.vector_load %arg12[%swap3A_229, %swap3A_230] {strides = array<i32>} : memref<2x128xi32, #tpu.memory_space<vmem>>, vector<1x16xi32>,
        %swap3A_232 = vector.shape_cast %swap3A_231 : vector<1x16xi32> to vector<16xi32>
        %swap3A_233 = vector.shape_cast %get3A_227 : vector<16xi32> to vector<1x16xi32>
        tpu.vector_store %arg12[%swap3A_229, %swap3A_230], %swap3A_233 {strides = array<i32>} : memref<2x128xi32, #tpu.memory_space<vmem>>, vector<1x16xi32>,
        %get3A_234 = arith.constant 1 : i32
        %get3A_235 = arith.index_cast %get3A_234 : i32 to index
        %get3A_236 = arith.constant 80 : index
        %get3A_237 = tpu.vector_load %arg11[%get3A_235, %get3A_236] {strides = array<i32>} : memref<2x128xi32, #tpu.memory_space<vmem>>, vector<1x16xi32>,
        %get3A_238 = vector.shape_cast %get3A_237 : vector<1x16xi32> to vector<16xi32>
        %swap3A_239 = arith.constant 1 : i32
        %swap3A_240 = arith.index_cast %swap3A_239 : i32 to index
        %swap3A_241 = arith.constant 80 : index
        %swap3A_242 = tpu.vector_load %arg12[%swap3A_240, %swap3A_241] {strides = array<i32>} : memref<2x128xi32, #tpu.memory_space<vmem>>, vector<1x16xi32>,
        %swap3A_243 = vector.shape_cast %swap3A_242 : vector<1x16xi32> to vector<16xi32>
        %swap3A_244 = vector.shape_cast %get3A_238 : vector<16xi32> to vector<1x16xi32>
        tpu.vector_store %arg12[%swap3A_240, %swap3A_241], %swap3A_244 {strides = array<i32>} : memref<2x128xi32, #tpu.memory_space<vmem>>, vector<1x16xi32>,
        %get3A_245 = arith.constant 1 : i32
        %get3A_246 = arith.index_cast %get3A_245 : i32 to index
        %get3A_247 = arith.constant 96 : index
        %get3A_248 = tpu.vector_load %arg11[%get3A_246, %get3A_247] {strides = array<i32>} : memref<2x128xi32, #tpu.memory_space<vmem>>, vector<1x16xi32>,
        %get3A_249 = vector.shape_cast %get3A_248 : vector<1x16xi32> to vector<16xi32>
        %swap3A_250 = arith.constant 1 : i32
        %swap3A_251 = arith.index_cast %swap3A_250 : i32 to index
        %swap3A_252 = arith.constant 96 : index
        %swap3A_253 = tpu.vector_load %arg12[%swap3A_251, %swap3A_252] {strides = array<i32>} : memref<2x128xi32, #tpu.memory_space<vmem>>, vector<1x16xi32>,
        %swap3A_254 = vector.shape_cast %swap3A_253 : vector<1x16xi32> to vector<16xi32>
        %swap3A_255 = vector.shape_cast %get3A_249 : vector<16xi32> to vector<1x16xi32>
        tpu.vector_store %arg12[%swap3A_251, %swap3A_252], %swap3A_255 {strides = array<i32>} : memref<2x128xi32, #tpu.memory_space<vmem>>, vector<1x16xi32>,
        %get3A_256 = arith.constant 1 : i32
        %get3A_257 = arith.index_cast %get3A_256 : i32 to index
        %get3A_258 = arith.constant 112 : index
        %get3A_259 = tpu.vector_load %arg11[%get3A_257, %get3A_258] {strides = array<i32>} : memref<2x128xi32, #tpu.memory_space<vmem>>, vector<1x16xi32>,
        %get3A_260 = vector.shape_cast %get3A_259 : vector<1x16xi32> to vector<16xi32>
        %swap3A_261 = arith.constant 1 : i32
        %swap3A_262 = arith.index_cast %swap3A_261 : i32 to index
        %swap3A_263 = arith.constant 112 : index
        %swap3A_264 = tpu.vector_load %arg12[%swap3A_262, %swap3A_263] {strides = array<i32>} : memref<2x128xi32, #tpu.memory_space<vmem>>, vector<1x16xi32>,
        %swap3A_265 = vector.shape_cast %swap3A_264 : vector<1x16xi32> to vector<16xi32>
        %swap3A_266 = vector.shape_cast %get3A_260 : vector<16xi32> to vector<1x16xi32>
        tpu.vector_store %arg12[%swap3A_262, %swap3A_263], %swap3A_266 {strides = array<i32>} : memref<2x128xi32, #tpu.memory_space<vmem>>, vector<1x16xi32>,
      } else {
      }
      %add3A_140 = arith.constant 2 : i32
      %add3A_141 = arith.addi %add3A_122, %add3A_140 : i32
      %lt3A_142 = arith.cmpi slt, %add3A_141, %min3A_4 : i32
      %convert_element_type3A_143 = arith.extui %lt3A_142 : i1 to i32
      %cond3A_144 = arith.constant 0 : i32
      %cond3A_145 = arith.cmpi ne, %convert_element_type3A_143, %cond3A_144 : i32
      scf.if %cond3A_145 {
        %add3A_151 = arith.constant 2 : i32
        %add3A_152 = arith.addi %add3A_122, %add3A_151 : i32
        %mul3A_153 = arith.constant 128 : i32
        %mul3A_154 = arith.muli %add3A_152, %mul3A_153 : i32
        %add3A_155 = arith.addi %add3A, %mul3A_154 : i32
        %dma_start3A = arith.constant 1 : i32
        %dma_start3A_156 = arith.constant 0 : i32
        %dma_start3A_157 = tpu.memref_slice %arg10[%dma_start3A, %dma_start3A_156] : memref<2x128xi32, #tpu.memory_space<vmem>> -> memref<1x128xi32, #tpu.memory_space<vmem>>
        %dma_start3A_158 = tpu.memref_squeeze %dma_start3A_157 : memref<1x128xi32, #tpu.memory_space<vmem>> -> memref<128xi32, #tpu.memory_space<vmem>>
        %dma_start3A_159 = tpu.memref_slice %arg2[%add3A_155] : memref<320000xi32, #tpu.memory_space<hbm>> -> memref<128xi32, #tpu.memory_space<hbm>>
        %dma_start3A_160 = arith.constant 0 : i32
        %dma_start3A_161 = tpu.memref_slice %arg10[%dma_start3A, %dma_start3A_160] : memref<2x128xi32, #tpu.memory_space<vmem>> -> memref<1x128xi32, #tpu.memory_space<vmem>>
        %dma_start3A_162 = tpu.memref_squeeze %dma_start3A_161 : memref<1x128xi32, #tpu.memory_space<vmem>> -> memref<128xi32, #tpu.memory_space<vmem>>
        %dma_start3A_163 = tpu.memref_slice %arg2[%add3A_155] : memref<320000xi32, #tpu.memory_space<hbm>> -> memref<128xi32, #tpu.memory_space<hbm>>
        tpu.enqueue_dma source(%dma_start3A_163 : memref<128xi32, #tpu.memory_space<hbm>>) target(%dma_start3A_162 : memref<128xi32, #tpu.memory_space<vmem>>) target_semaphore(%arg17 : memref<!tpu.dma_semaphore, #tpu.memory_space<semaphore_mem>>)
        %dma_start3A_164 = arith.constant 1 : i32
        %dma_start3A_165 = arith.constant 0 : i32
        %dma_start3A_166 = tpu.memref_slice %arg11[%dma_start3A_164, %dma_start3A_165] : memref<2x128xi32, #tpu.memory_space<vmem>> -> memref<1x128xi32, #tpu.memory_space<vmem>>
        %dma_start3A_167 = tpu.memref_squeeze %dma_start3A_166 : memref<1x128xi32, #tpu.memory_space<vmem>> -> memref<128xi32, #tpu.memory_space<vmem>>
        %dma_start3A_168 = tpu.memref_slice %arg3[%add3A_155] : memref<320000xi32, #tpu.memory_space<hbm>> -> memref<128xi32, #tpu.memory_space<hbm>>
        %dma_start3A_169 = arith.constant 0 : i32
        %dma_start3A_170 = tpu.memref_slice %arg11[%dma_start3A_164, %dma_start3A_169] : memref<2x128xi32, #tpu.memory_space<vmem>> -> memref<1x128xi32, #tpu.memory_space<vmem>>
        %dma_start3A_171 = tpu.memref_squeeze %dma_start3A_170 : memref<1x128xi32, #tpu.memory_space<vmem>> -> memref<128xi32, #tpu.memory_space<vmem>>
        %dma_start3A_172 = tpu.memref_slice %arg3[%add3A_155] : memref<320000xi32, #tpu.memory_space<hbm>> -> memref<128xi32, #tpu.memory_space<hbm>>
        tpu.enqueue_dma source(%dma_start3A_172 : memref<128xi32, #tpu.memory_space<hbm>>) target(%dma_start3A_171 : memref<128xi32, #tpu.memory_space<vmem>>) target_semaphore(%arg17 : memref<!tpu.dma_semaphore, #tpu.memory_space<semaphore_mem>>)
      } else {
      }
      %lt3A_146 = arith.cmpi slt, %add3A_122, %min3A_4 : i32
      %convert_element_type3A_147 = arith.extui %lt3A_146 : i1 to i32
      %cond3A_148 = arith.constant 0 : i32
      %cond3A_149 = arith.cmpi ne, %convert_element_type3A_147, %cond3A_148 : i32
      scf.if %cond3A_149 {
        %scan3A_151 = arith.constant 0 : i32
        %scan3A_152 = arith.constant 0 : i32
        %scan3A_153 = arith.constant 128 : i32
        %scan3A_154 = arith.addi %scan3A_152, %scan3A_153 : i32
        %scan3A_155 = arith.constant 1 : i32
        %scan3A_156 = scf.for %scan3A_169 = %scan3A_152 to %scan3A_154 step %scan3A_155 iter_args(%scan3A_170 = %scan3A_151) -> (i32)  : i32 {
          %get3A_171 = arith.constant 1 : i32
          %get3A_172 = arith.index_cast %get3A_171 : i32 to index
          %get3A_173 = arith.index_cast %scan3A_169 : i32 to index
          %get3A_174 = arith.constant 64 : index
          %get3A_175 = tpu.vector_load %arg8[%get3A_172, %get3A_173, %get3A_174] {strides = array<i32>} : memref<2x128x80xf32, #tpu.memory_space<vmem>>, vector<1x1x16xf32>,
          %get3A_176 = vector.shape_cast %get3A_175 : vector<1x1x16xf32> to vector<16xf32>
          %get3A_177 = arith.constant 1 : i32
          %get3A_178 = arith.index_cast %get3A_177 : i32 to index
          %get3A_179 = arith.index_cast %scan3A_169 : i32 to index
          %get3A_180 = arith.constant 0 : index
          %get3A_181 = tpu.vector_load %arg9[%get3A_178, %get3A_179, %get3A_180] {strides = array<i32>} : memref<2x128x16xf32, #tpu.memory_space<vmem>>, vector<1x1x16xf32>,
          %get3A_182 = vector.shape_cast %get3A_181 : vector<1x1x16xf32> to vector<16xf32>
          %add3A_183 = arith.addf %get3A_176, %get3A_182 : vector<16xf32>
          %gt3A_184 = arith.constant 0.000000e+00 : f32
          %gt3A_185 = vector.broadcast %gt3A_184 : f32 to vector<16xf32>
          %gt3A_186 = arith.cmpf ogt, %add3A_183, %gt3A_185 : vector<16xf32>
          %mul3A_187 = arith.constant 2.000000e-01 : f32
          %mul3A_188 = vector.broadcast %mul3A_187 : f32 to vector<16xf32>
          %mul3A_189 = arith.mulf %mul3A_188, %add3A_183 : vector<16xf32>
          %select_n3A = arith.select %gt3A_186, %add3A_183, %mul3A_189 : vector<16xi1>, vector<16xf32>
          %add3A_190 = arith.addf %get3A_19, %get3A_182 : vector<16xf32>
          %gt3A_191 = arith.constant 0.000000e+00 : f32
          %gt3A_192 = vector.broadcast %gt3A_191 : f32 to vector<16xf32>
          %gt3A_193 = arith.cmpf ogt, %add3A_190, %gt3A_192 : vector<16xf32>
          %mul3A_194 = arith.constant 2.000000e-01 : f32
          %mul3A_195 = vector.broadcast %mul3A_194 : f32 to vector<16xf32>
          %mul3A_196 = arith.mulf %mul3A_195, %add3A_190 : vector<16xf32>
          %select_n3A_197 = arith.select %gt3A_193, %add3A_190, %mul3A_196 : vector<16xi1>, vector<16xf32>
          %sub3A_198 = arith.subf %select_n3A, %select_n3A_197 : vector<16xf32>
          %exp3A = math.exp %sub3A_198 : vector<16xf32>
          %slice3A = vector.extract_strided_slice %exp3A {offsets = [0], sizes = [1], strides = [1]} : vector<16xf32> to vector<1xf32>
          %squeeze3A = vector.extract %slice3A[0] : f32 from vector<1xf32>
          %slice3A_199 = vector.extract_strided_slice %exp3A {offsets = [0], sizes = [1], strides = [1]} : vector<16xf32> to vector<1xf32>
          %squeeze3A_200 = vector.extract %slice3A_199[0] : f32 from vector<1xf32>
          %broadcast_in_dim3A = vector.broadcast %squeeze3A : f32 to vector<16xf32>
          %broadcast_in_dim3A_201 = vector.broadcast %squeeze3A_200 : f32 to vector<16xf32>
          %get3A_202 = arith.constant 1 : i32
          %get3A_203 = arith.index_cast %get3A_202 : i32 to index
          %get3A_204 = arith.index_cast %scan3A_169 : i32 to index
          %get3A_205 = arith.constant 0 : index
          %get3A_206 = tpu.vector_load %arg8[%get3A_203, %get3A_204, %get3A_205] {strides = array<i32>} : memref<2x128x80xf32, #tpu.memory_space<vmem>>, vector<1x1x16xf32>,
          %get3A_207 = vector.shape_cast %get3A_206 : vector<1x1x16xf32> to vector<16xf32>
          %mul3A_208 = arith.mulf %get3A_207, %broadcast_in_dim3A : vector<16xf32>
          %swap3A = arith.constant 1 : i32
          %swap3A_209 = arith.index_cast %swap3A : i32 to index
          %swap3A_210 = arith.index_cast %scan3A_169 : i32 to index
          %swap3A_211 = arith.constant 0 : index
          %swap3A_212 = tpu.vector_load %arg8[%swap3A_209, %swap3A_210, %swap3A_211] {strides = array<i32>} : memref<2x128x80xf32, #tpu.memory_space<vmem>>, vector<1x1x16xf32>,
          %swap3A_213 = vector.shape_cast %swap3A_212 : vector<1x1x16xf32> to vector<16xf32>
          %swap3A_214 = vector.shape_cast %mul3A_208 : vector<16xf32> to vector<1x1x16xf32>
          tpu.vector_store %arg8[%swap3A_209, %swap3A_210, %swap3A_211], %swap3A_214 {strides = array<i32>} : memref<2x128x80xf32, #tpu.memory_space<vmem>>, vector<1x1x16xf32>,
          %get3A_215 = arith.constant 1 : i32
          %get3A_216 = arith.index_cast %get3A_215 : i32 to index
          %get3A_217 = arith.index_cast %scan3A_169 : i32 to index
          %get3A_218 = arith.constant 16 : index
          %get3A_219 = tpu.vector_load %arg8[%get3A_216, %get3A_217, %get3A_218] {strides = array<i32>} : memref<2x128x80xf32, #tpu.memory_space<vmem>>, vector<1x1x16xf32>,
          %get3A_220 = vector.shape_cast %get3A_219 : vector<1x1x16xf32> to vector<16xf32>
          %mul3A_221 = arith.mulf %get3A_220, %broadcast_in_dim3A : vector<16xf32>
          %swap3A_222 = arith.constant 1 : i32
          %swap3A_223 = arith.index_cast %swap3A_222 : i32 to index
          %swap3A_224 = arith.index_cast %scan3A_169 : i32 to index
          %swap3A_225 = arith.constant 16 : index
          %swap3A_226 = tpu.vector_load %arg8[%swap3A_223, %swap3A_224, %swap3A_225] {strides = array<i32>} : memref<2x128x80xf32, #tpu.memory_space<vmem>>, vector<1x1x16xf32>,
          %swap3A_227 = vector.shape_cast %swap3A_226 : vector<1x1x16xf32> to vector<16xf32>
          %swap3A_228 = vector.shape_cast %mul3A_221 : vector<16xf32> to vector<1x1x16xf32>
          tpu.vector_store %arg8[%swap3A_223, %swap3A_224, %swap3A_225], %swap3A_228 {strides = array<i32>} : memref<2x128x80xf32, #tpu.memory_space<vmem>>, vector<1x1x16xf32>,
          %get3A_229 = arith.constant 1 : i32
          %get3A_230 = arith.index_cast %get3A_229 : i32 to index
          %get3A_231 = arith.index_cast %scan3A_169 : i32 to index
          %get3A_232 = arith.constant 32 : index
          %get3A_233 = tpu.vector_load %arg8[%get3A_230, %get3A_231, %get3A_232] {strides = array<i32>} : memref<2x128x80xf32, #tpu.memory_space<vmem>>, vector<1x1x16xf32>,
          %get3A_234 = vector.shape_cast %get3A_233 : vector<1x1x16xf32> to vector<16xf32>
          %mul3A_235 = arith.mulf %get3A_234, %broadcast_in_dim3A : vector<16xf32>
          %swap3A_236 = arith.constant 1 : i32
          %swap3A_237 = arith.index_cast %swap3A_236 : i32 to index
          %swap3A_238 = arith.index_cast %scan3A_169 : i32 to index
          %swap3A_239 = arith.constant 32 : index
          %swap3A_240 = tpu.vector_load %arg8[%swap3A_237, %swap3A_238, %swap3A_239] {strides = array<i32>} : memref<2x128x80xf32, #tpu.memory_space<vmem>>, vector<1x1x16xf32>,
          %swap3A_241 = vector.shape_cast %swap3A_240 : vector<1x1x16xf32> to vector<16xf32>
          %swap3A_242 = vector.shape_cast %mul3A_235 : vector<16xf32> to vector<1x1x16xf32>
          tpu.vector_store %arg8[%swap3A_237, %swap3A_238, %swap3A_239], %swap3A_242 {strides = array<i32>} : memref<2x128x80xf32, #tpu.memory_space<vmem>>, vector<1x1x16xf32>,
          %get3A_243 = arith.constant 1 : i32
          %get3A_244 = arith.index_cast %get3A_243 : i32 to index
          %get3A_245 = arith.index_cast %scan3A_169 : i32 to index
          %get3A_246 = arith.constant 48 : index
          %get3A_247 = tpu.vector_load %arg8[%get3A_244, %get3A_245, %get3A_246] {strides = array<i32>} : memref<2x128x80xf32, #tpu.memory_space<vmem>>, vector<1x1x16xf32>,
          %get3A_248 = vector.shape_cast %get3A_247 : vector<1x1x16xf32> to vector<16xf32>
          %mul3A_249 = arith.mulf %get3A_248, %broadcast_in_dim3A : vector<16xf32>
          %swap3A_250 = arith.constant 1 : i32
          %swap3A_251 = arith.index_cast %swap3A_250 : i32 to index
          %swap3A_252 = arith.index_cast %scan3A_169 : i32 to index
          %swap3A_253 = arith.constant 48 : index
          %swap3A_254 = tpu.vector_load %arg8[%swap3A_251, %swap3A_252, %swap3A_253] {strides = array<i32>} : memref<2x128x80xf32, #tpu.memory_space<vmem>>, vector<1x1x16xf32>,
          %swap3A_255 = vector.shape_cast %swap3A_254 : vector<1x1x16xf32> to vector<16xf32>
          %swap3A_256 = vector.shape_cast %mul3A_249 : vector<16xf32> to vector<1x1x16xf32>
          tpu.vector_store %arg8[%swap3A_251, %swap3A_252, %swap3A_253], %swap3A_256 {strides = array<i32>} : memref<2x128x80xf32, #tpu.memory_space<vmem>>, vector<1x1x16xf32>,
          %iota3A = tpu.iota {dimensions = array<i32: 0>} : vector<16xi32>
          %eq3A_257 = arith.constant 1 : i32
          %eq3A_258 = vector.broadcast %eq3A_257 : i32 to vector<16xi32>
          %eq3A_259 = arith.cmpi eq, %iota3A, %eq3A_258 : vector<16xi32>
          %eq3A_260 = arith.constant 1 : i32
          %eq3A_261 = vector.broadcast %eq3A_260 : i32 to vector<16xi32>
          %eq3A_262 = arith.cmpi eq, %iota3A, %eq3A_261 : vector<16xi32>
          %jit3A = arith.constant 0.000000e+00 : f32
          %broadcast_in_dim3A_263 = vector.broadcast %jit3A : f32 to vector<16xf32>
          %select_n3A_264 = arith.select %eq3A_262, %broadcast_in_dim3A_201, %broadcast_in_dim3A_263 : vector<16xi1>, vector<16xf32>
          %select_n3A_265 = arith.select %eq3A_259, %broadcast_in_dim3A, %select_n3A_264 : vector<16xi1>, vector<16xf32>
          %mul3A_266 = arith.mulf %get3A_176, %select_n3A_265 : vector<16xf32>
          %swap3A_267 = arith.constant 1 : i32
          %swap3A_268 = arith.index_cast %swap3A_267 : i32 to index
          %swap3A_269 = arith.index_cast %scan3A_169 : i32 to index
          %swap3A_270 = arith.constant 64 : index
          %swap3A_271 = tpu.vector_load %arg8[%swap3A_268, %swap3A_269, %swap3A_270] {strides = array<i32>} : memref<2x128x80xf32, #tpu.memory_space<vmem>>, vector<1x1x16xf32>,
          %swap3A_272 = vector.shape_cast %swap3A_271 : vector<1x1x16xf32> to vector<16xf32>
          %swap3A_273 = vector.shape_cast %mul3A_266 : vector<16xf32> to vector<1x1x16xf32>
          tpu.vector_store %arg8[%swap3A_268, %swap3A_269, %swap3A_270], %swap3A_273 {strides = array<i32>} : memref<2x128x80xf32, #tpu.memory_space<vmem>>, vector<1x1x16xf32>,
          %scan3A_274 = arith.constant 0 : i32
          scf.yield %scan3A_274 : i32
        }
        %scan3A_157 = arith.constant 128 : i32
        %dma_start3A = arith.constant 1 : i32
        %dma_start3A_158 = arith.constant 1 : i32
        %dma_start3A_159 = arith.constant 0 : i32
        %dma_start3A_160 = arith.constant 0 : i32
        %dma_start3A_161 = tpu.memref_slice %arg8[%dma_start3A, %dma_start3A_159, %dma_start3A_160] : memref<2x128x80xf32, #tpu.memory_space<vmem>> -> memref<1x128x80xf32, #tpu.memory_space<vmem>>
        %dma_start3A_162 = tpu.memref_squeeze %dma_start3A_161 : memref<1x128x80xf32, #tpu.memory_space<vmem>> -> memref<128x80xf32, #tpu.memory_space<vmem>>
        %dma_start3A_163 = arith.constant 0 : i32
        %dma_start3A_164 = tpu.memref_slice %arg12[%dma_start3A_158, %dma_start3A_163] : memref<2x128xi32, #tpu.memory_space<vmem>> -> memref<1x128xi32, #tpu.memory_space<vmem>>
        %dma_start3A_165 = tpu.memref_squeeze %dma_start3A_164 : memref<1x128xi32, #tpu.memory_space<vmem>> -> memref<128xi32, #tpu.memory_space<vmem>>
        %dma_start3A_166 = arith.constant 0 : i32
        %dma_start3A_167 = arith.constant 0 : i32
        %dma_start3A_168 = tpu.memref_slice %arg15[%dma_start3A_166, %dma_start3A_167] : memref<10240x80xf32, #tpu.memory_space<vmem_shared>> -> memref<10240x80xf32, #tpu.memory_space<vmem_shared>>
        tpu.enqueue_indirect_dma source(%dma_start3A_162 : memref<128x80xf32, #tpu.memory_space<vmem>>) target(%dma_start3A_168 : memref<10240x80xf32, #tpu.memory_space<vmem_shared>>) offsets(%dma_start3A_165 : memref<128xi32, #tpu.memory_space<vmem>>) semaphore(%arg21 : memref<!tpu.dma_semaphore, #tpu.memory_space<semaphore_mem>>) {add = true}
      } else {
      }
      %scan3A_150 = arith.constant 0 : i32
      scf.yield %scan3A_150 : i32
    }
    %scan3A_61 = arith.constant 40 : i32
    %ge3A = arith.constant 1 : i32
    %ge3A_62 = arith.cmpi sge, %min3A_4, %ge3A : i32
    %sub3A_63 = arith.constant 1 : i32
    %sub3A_64 = arith.subi %min3A_4, %sub3A_63 : i32
    %rem3A = arith.constant 2 : i32
    %rem3A_65 = arith.remsi %sub3A_64, %rem3A : i32
    %eq3A = arith.constant 0 : i32
    %eq3A_66 = arith.cmpi eq, %rem3A_65, %eq3A : i32
    %and3A = arith.andi %ge3A_62, %eq3A_66 : i1
    %convert_element_type3A_67 = arith.extui %and3A : i1 to i32
    %cond3A_68 = arith.constant 0 : i32
    %cond3A_69 = arith.cmpi ne, %convert_element_type3A_67, %cond3A_68 : i32
    scf.if %cond3A_69 {
      %dma_wait3A = arith.constant 0 : i32
      %dma_wait3A_87 = arith.constant 0 : i32
      %dma_wait3A_88 = arith.constant 0 : i32
      %dma_wait3A_89 = arith.constant 0 : i32
      %dma_wait3A_90 = tpu.memref_slice %arg8[%dma_wait3A, %dma_wait3A_88, %dma_wait3A_89] : memref<2x128x80xf32, #tpu.memory_space<vmem>> -> memref<1x128x80xf32, #tpu.memory_space<vmem>>
      %dma_wait3A_91 = tpu.memref_squeeze %dma_wait3A_90 : memref<1x128x80xf32, #tpu.memory_space<vmem>> -> memref<128x80xf32, #tpu.memory_space<vmem>>
      %dma_wait3A_92 = arith.constant 0 : i32
      %dma_wait3A_93 = tpu.memref_slice %arg12[%dma_wait3A_87, %dma_wait3A_92] : memref<2x128xi32, #tpu.memory_space<vmem>> -> memref<1x128xi32, #tpu.memory_space<vmem>>
      %dma_wait3A_94 = tpu.memref_squeeze %dma_wait3A_93 : memref<1x128xi32, #tpu.memory_space<vmem>> -> memref<128xi32, #tpu.memory_space<vmem>>
      %dma_wait3A_95 = arith.constant 0 : i32
      %dma_wait3A_96 = arith.constant 0 : i32
      %dma_wait3A_97 = tpu.memref_slice %arg15[%dma_wait3A_95, %dma_wait3A_96] : memref<10240x80xf32, #tpu.memory_space<vmem_shared>> -> memref<10240x80xf32, #tpu.memory_space<vmem_shared>>
      tpu.wait_indirect_dma semaphore(%arg20 : memref<!tpu.dma_semaphore, #tpu.memory_space<semaphore_mem>>) src(%dma_wait3A_91 : memref<128x80xf32, #tpu.memory_space<vmem>>) dst(%dma_wait3A_97 : memref<10240x80xf32, #tpu.memory_space<vmem_shared>>)
    } else {
    }
    %ge3A_70 = arith.constant 1 : i32
    %ge3A_71 = arith.cmpi sge, %min3A_4, %ge3A_70 : i32
    %sub3A_72 = arith.constant 1 : i32
    %sub3A_73 = arith.subi %min3A_4, %sub3A_72 : i32
    %rem3A_74 = arith.constant 2 : i32
    %rem3A_75 = arith.remsi %sub3A_73, %rem3A_74 : i32
    %eq3A_76 = arith.constant 1 : i32
    %eq3A_77 = arith.cmpi eq, %rem3A_75, %eq3A_76 : i32
    %and3A_78 = arith.andi %ge3A_71, %eq3A_77 : i1
    %convert_element_type3A_79 = arith.extui %and3A_78 : i1 to i32
    %cond3A_80 = arith.constant 0 : i32
    %cond3A_81 = arith.cmpi ne, %convert_element_type3A_79, %cond3A_80 : i32
    scf.if %cond3A_81 {
      %dma_wait3A = arith.constant 1 : i32
      %dma_wait3A_87 = arith.constant 1 : i32
      %dma_wait3A_88 = arith.constant 0 : i32
      %dma_wait3A_89 = arith.constant 0 : i32
      %dma_wait3A_90 = tpu.memref_slice %arg8[%dma_wait3A, %dma_wait3A_88, %dma_wait3A_89] : memref<2x128x80xf32, #tpu.memory_space<vmem>> -> memref<1x128x80xf32, #tpu.memory_space<vmem>>
      %dma_wait3A_91 = tpu.memref_squeeze %dma_wait3A_90 : memref<1x128x80xf32, #tpu.memory_space<vmem>> -> memref<128x80xf32, #tpu.memory_space<vmem>>
      %dma_wait3A_92 = arith.constant 0 : i32
      %dma_wait3A_93 = tpu.memref_slice %arg12[%dma_wait3A_87, %dma_wait3A_92] : memref<2x128xi32, #tpu.memory_space<vmem>> -> memref<1x128xi32, #tpu.memory_space<vmem>>
      %dma_wait3A_94 = tpu.memref_squeeze %dma_wait3A_93 : memref<1x128xi32, #tpu.memory_space<vmem>> -> memref<128xi32, #tpu.memory_space<vmem>>
      %dma_wait3A_95 = arith.constant 0 : i32
      %dma_wait3A_96 = arith.constant 0 : i32
      %dma_wait3A_97 = tpu.memref_slice %arg15[%dma_wait3A_95, %dma_wait3A_96] : memref<10240x80xf32, #tpu.memory_space<vmem_shared>> -> memref<10240x80xf32, #tpu.memory_space<vmem_shared>>
      tpu.wait_indirect_dma semaphore(%arg21 : memref<!tpu.dma_semaphore, #tpu.memory_space<semaphore_mem>>) src(%dma_wait3A_91 : memref<128x80xf32, #tpu.memory_space<vmem>>) dst(%dma_wait3A_97 : memref<10240x80xf32, #tpu.memory_space<vmem_shared>>)
    } else {
    }
    %barrier3A_82 = arith.constant 0 : index
    tpu.barrier barrier_id(%barrier3A_82)
    %mul3A_83 = arith.constant 640 : i32
    %mul3A_84 = arith.muli %arg1, %mul3A_83 : i32
    %mul3A_85 = arith.constant 640 : i32
    %mul3A_86 = arith.muli %arg1, %mul3A_85 : i32
    "tpu.region"() ({
      %run_scoped3A_87 = tpu.sem_alloc : memref<!tpu.dma_semaphore, #tpu.memory_space<semaphore_mem>>
      %dma_start3A = arith.constant 0 : i32
      %dma_start3A_88 = tpu.memref_slice %arg7[%arg0, %mul3A_86, %dma_start3A] : memref<2x10240x80xf32, #tpu.memory_space<hbm>> -> memref<1x640x80xf32, #tpu.memory_space<hbm>>
      %dma_start3A_89 = tpu.memref_squeeze %dma_start3A_88 : memref<1x640x80xf32, #tpu.memory_space<hbm>> -> memref<640x80xf32, #tpu.memory_space<hbm>>
      %dma_start3A_90 = arith.constant 0 : i32
      %dma_start3A_91 = tpu.memref_slice %arg15[%mul3A_84, %dma_start3A_90] : memref<10240x80xf32, #tpu.memory_space<vmem_shared>> -> memref<640x80xf32, #tpu.memory_space<vmem_shared>>
      tpu.enqueue_dma source(%dma_start3A_91 : memref<640x80xf32, #tpu.memory_space<vmem_shared>>) target(%dma_start3A_89 : memref<640x80xf32, #tpu.memory_space<hbm>>) target_semaphore(%run_scoped3A_87 : memref<!tpu.dma_semaphore, #tpu.memory_space<semaphore_mem>>)
      %dma_wait3A = arith.constant 0 : i32
      %dma_wait3A_92 = tpu.memref_slice %arg7[%arg0, %mul3A_86, %dma_wait3A] : memref<2x10240x80xf32, #tpu.memory_space<hbm>> -> memref<1x640x80xf32, #tpu.memory_space<hbm>>
      %dma_wait3A_93 = tpu.memref_squeeze %dma_wait3A_92 : memref<1x640x80xf32, #tpu.memory_space<hbm>> -> memref<640x80xf32, #tpu.memory_space<hbm>>
      %dma_wait3A_94 = arith.constant 0 : i32
      %dma_wait3A_95 = tpu.memref_slice %arg15[%mul3A_84, %dma_wait3A_94] : memref<10240x80xf32, #tpu.memory_space<vmem_shared>> -> memref<640x80xf32, #tpu.memory_space<vmem_shared>>
      tpu.wait_dma2 semaphore(%run_scoped3A_87 : memref<!tpu.dma_semaphore, #tpu.memory_space<semaphore_mem>>) src(%dma_wait3A_95 : memref<640x80xf32, #tpu.memory_space<vmem_shared>>) dst(%dma_wait3A_93 : memref<640x80xf32, #tpu.memory_space<hbm>>)
      tpu.yield
    }) : () -> ()
    return
  }
}

module attributes {stable_mosaic.version = 14 : i64} {
  func.func @_proj0_body(%arg0: i32, %arg1: memref<400x128xf32, #tpu.memory_space<vmem>>, %arg2: memref<128x64xf32, #tpu.memory_space<vmem>>, %arg3: memref<64xf32, #tpu.memory_space<vmem>>, %arg4: memref<64x256xf32, #tpu.memory_space<vmem>>, %arg5: memref<64x256xf32, #tpu.memory_space<vmem>>, %arg6: memref<4x64xf32, #tpu.memory_space<vmem>>, %arg7: memref<4x64xf32, #tpu.memory_space<vmem>>, %arg8: memref<2x400x144xf32, #tpu.memory_space<vmem>>, %arg9: memref<400x256xf32, #tpu.memory_space<vmem>>, %arg10: memref<400x16xf32, #tpu.memory_space<vmem>>, %arg11: memref<1x16xf32, #tpu.memory_space<vmem>>) attributes {dimension_semantics = [#tpu.dimension_semantics<arbitrary>], iteration_bounds = array<i64: 25>, scalar_prefetch = 0 : i64, scratch_operands = 0 : i64, tpu.core_type = #tpu.core_type<tc>, window_params = [{transform_indices = @transform_0, window_bounds = array<i64: 400, 128>}, {pipeline_mode = #tpu.pipeline_mode<synchronous>, transform_indices = @transform_1, window_bounds = array<i64: 128, 64>}, {pipeline_mode = #tpu.pipeline_mode<synchronous>, transform_indices = @transform_2, window_bounds = array<i64: 64>}, {pipeline_mode = #tpu.pipeline_mode<synchronous>, transform_indices = @transform_3, window_bounds = array<i64: 64, 256>}, {pipeline_mode = #tpu.pipeline_mode<synchronous>, transform_indices = @transform_4, window_bounds = array<i64: 64, 256>}, {pipeline_mode = #tpu.pipeline_mode<synchronous>, transform_indices = @transform_5, window_bounds = array<i64: 4, 64>}, {pipeline_mode = #tpu.pipeline_mode<synchronous>, transform_indices = @transform_6, window_bounds = array<i64: 4, 64>}, {transform_indices = @transform_7, window_bounds = array<i64: 2, 400, 144>}, {transform_indices = @transform_8, window_bounds = array<i64: 400, 256>}, {transform_indices = @transform_9, window_bounds = array<i64: 400, 16>}, {pipeline_mode = #tpu.pipeline_mode<synchronous>, transform_indices = @transform_10, window_bounds = array<i64: 1, 16>}]} {
    %get3A = arith.constant 0 : index
    %get3A_0 = arith.constant 0 : index
    %get3A_1 = vector.load %arg1[%get3A, %get3A_0] : memref<400x128xf32, #tpu.memory_space<vmem>>, vector<400x128xf32>
    %get3A_2 = arith.constant 0 : index
    %get3A_3 = arith.constant 0 : index
    %get3A_4 = vector.load %arg2[%get3A_2, %get3A_3] : memref<128x64xf32, #tpu.memory_space<vmem>>, vector<128x64xf32>
    %dot_general3A = arith.constant dense<0.000000e+00> : vector<400x64xf32>
    %dot_general3A_5 = tpu.matmul %get3A_1, %get3A_4, %dot_general3A {dimension_numbers = #tpu.dot_dimension_numbers<[1], [0], [0], [1], [0, 0, 1, 1], [], []>, transpose_lhs_hint = false} : vector<400x128xf32>, vector<128x64xf32>, vector<400x64xf32> -> vector<400x64xf32>
    %get3A_6 = arith.constant 0 : index
    %get3A_7 = vector.load %arg3[%get3A_6] : memref<64xf32, #tpu.memory_space<vmem>>, vector<64xf32>
    %broadcast_in_dim3A = vector.shape_cast %get3A_7 : vector<64xf32> to vector<1x64xf32>
    %add3A = vector.broadcast %broadcast_in_dim3A : vector<1x64xf32> to vector<400x64xf32>
    %add3A_8 = arith.addf %dot_general3A_5, %add3A : vector<400x64xf32>
    %get3A_9 = arith.constant 0 : index
    %get3A_10 = arith.constant 0 : index
    %get3A_11 = vector.load %arg4[%get3A_9, %get3A_10] : memref<64x256xf32, #tpu.memory_space<vmem>>, vector<64x256xf32>
    %dot_general3A_12 = arith.constant dense<0.000000e+00> : vector<400x256xf32>
    %dot_general3A_13 = tpu.matmul %add3A_8, %get3A_11, %dot_general3A_12 {dimension_numbers = #tpu.dot_dimension_numbers<[1], [0], [0], [1], [0, 0, 1, 1], [], []>, transpose_lhs_hint = false} : vector<400x64xf32>, vector<64x256xf32>, vector<400x256xf32> -> vector<400x256xf32>
    %get3A_14 = arith.constant 0 : index
    %get3A_15 = arith.constant 0 : index
    %get3A_16 = vector.load %arg5[%get3A_14, %get3A_15] : memref<64x256xf32, #tpu.memory_space<vmem>>, vector<64x256xf32>
    %dot_general3A_17 = arith.constant dense<0.000000e+00> : vector<400x256xf32>
    %dot_general3A_18 = tpu.matmul %add3A_8, %get3A_16, %dot_general3A_17 {dimension_numbers = #tpu.dot_dimension_numbers<[1], [0], [0], [1], [0, 0, 1, 1], [], []>, transpose_lhs_hint = false} : vector<400x64xf32>, vector<64x256xf32>, vector<400x256xf32> -> vector<400x256xf32>
    %swap3A = arith.constant 0 : index
    %swap3A_19 = arith.constant 0 : index
    %swap3A_20 = vector.load %arg9[%swap3A, %swap3A_19] : memref<400x256xf32, #tpu.memory_space<vmem>>, vector<400x256xf32>
    tpu.vector_store %arg9[%swap3A, %swap3A_19], %dot_general3A_18 {strides = array<i32>} : memref<400x256xf32, #tpu.memory_space<vmem>>, vector<400x256xf32>,
    %reshape3A = vector.shape_cast %dot_general3A_13 : vector<400x256xf32> to vector<400x4x64xf32>
    %get3A_21 = arith.constant 0 : index
    %get3A_22 = arith.constant 0 : index
    %get3A_23 = vector.load %arg6[%get3A_21, %get3A_22] : memref<4x64xf32, #tpu.memory_space<vmem>>, vector<4x64xf32>
    %broadcast_in_dim3A_24 = vector.shape_cast %get3A_23 : vector<4x64xf32> to vector<1x4x64xf32>
    %mul3A = vector.broadcast %broadcast_in_dim3A_24 : vector<1x4x64xf32> to vector<400x4x64xf32>
    %mul3A_25 = arith.mulf %reshape3A, %mul3A : vector<400x4x64xf32>
    %reduce_sum3A = arith.constant dense<0.000000e+00> : vector<400x4xf32>
    %reduce_sum3A_26 = vector.multi_reduction <add>, %mul3A_25, %reduce_sum3A [2] : vector<400x4x64xf32> to vector<400x4xf32>
    %get3A_27 = arith.constant 0 : index
    %get3A_28 = arith.constant 0 : index
    %get3A_29 = vector.load %arg7[%get3A_27, %get3A_28] : memref<4x64xf32, #tpu.memory_space<vmem>>, vector<4x64xf32>
    %broadcast_in_dim3A_30 = vector.shape_cast %get3A_29 : vector<4x64xf32> to vector<1x4x64xf32>
    %mul3A_31 = vector.broadcast %broadcast_in_dim3A_30 : vector<1x4x64xf32> to vector<400x4x64xf32>
    %mul3A_32 = arith.mulf %reshape3A, %mul3A_31 : vector<400x4x64xf32>
    %reduce_sum3A_33 = arith.constant dense<0.000000e+00> : vector<400x4xf32>
    %reduce_sum3A_34 = vector.multi_reduction <add>, %mul3A_32, %reduce_sum3A_33 [2] : vector<400x4x64xf32> to vector<400x4xf32>
    %broadcast_in_dim3A_35 = arith.constant 0.000000e+00 : f32
    %broadcast_in_dim3A_36 = vector.broadcast %broadcast_in_dim3A_35 : f32 to vector<400x12xf32>
    %concatenate3A = tpu.concatenate %reduce_sum3A_34, %broadcast_in_dim3A_36 in 1 : vector<400x4xf32>, vector<400x12xf32> -> vector<400x16xf32>
    %swap3A_37 = arith.constant 0 : index
    %swap3A_38 = arith.constant 0 : index
    %swap3A_39 = vector.load %arg10[%swap3A_37, %swap3A_38] : memref<400x16xf32, #tpu.memory_space<vmem>>, vector<400x16xf32>
    tpu.vector_store %arg10[%swap3A_37, %swap3A_38], %concatenate3A {strides = array<i32>} : memref<400x16xf32, #tpu.memory_space<vmem>>, vector<400x16xf32>,
    %eq3A = arith.constant 0 : i32
    %eq3A_40 = arith.cmpi eq, %arg0, %eq3A : i32
    %convert_element_type3A = arith.extui %eq3A_40 : i1 to i32
    %cond3A = arith.constant 0 : i32
    %cond3A_41 = arith.cmpi ne, %convert_element_type3A, %cond3A : i32
    scf.if %cond3A_41 {
      %broadcast_in_dim3A_72 = arith.constant -1.000000e+30 : f32
      %broadcast_in_dim3A_73 = vector.broadcast %broadcast_in_dim3A_72 : f32 to vector<1x16xf32>
      %swap3A_74 = arith.constant 0 : index
      %swap3A_75 = arith.constant 0 : index
      %swap3A_76 = vector.load %arg11[%swap3A_74, %swap3A_75] : memref<1x16xf32, #tpu.memory_space<vmem>>, vector<1x16xf32>
      tpu.vector_store %arg11[%swap3A_74, %swap3A_75], %broadcast_in_dim3A_73 {strides = array<i32>} : memref<1x16xf32, #tpu.memory_space<vmem>>, vector<1x16xf32>,
    } else {
    }
    %get3A_42 = arith.constant 0 : index
    %get3A_43 = arith.constant 0 : index
    %get3A_44 = vector.load %arg11[%get3A_42, %get3A_43] : memref<1x16xf32, #tpu.memory_space<vmem>>, vector<1x16xf32>
    %reduce_max3A = vector.shape_cast %reduce_sum3A_26 : vector<400x4xf32> to vector<1x400x4xf32>
    %reduce_max3A_45 = arith.constant dense<0xFF800000> : vector<1xf32>
    %reduce_max3A_46 = vector.multi_reduction <maximumf>, %reduce_max3A, %reduce_max3A_45 [1, 2] : vector<1x400x4xf32> to vector<1xf32>
    %reduce_max3A_47 = vector.shape_cast %reduce_max3A_46 : vector<1xf32> to vector<1x1x1xf32>
    %reduce_max3A_48 = vector.extract %reduce_max3A_47[0, 0, 0] : f32 from vector<1x1x1xf32>
    %max3A = vector.broadcast %reduce_max3A_48 : f32 to vector<1x16xf32>
    %max3A_49 = arith.maximumf %get3A_44, %max3A : vector<1x16xf32>
    %swap3A_50 = arith.constant 0 : index
    %swap3A_51 = arith.constant 0 : index
    %swap3A_52 = vector.load %arg11[%swap3A_50, %swap3A_51] : memref<1x16xf32, #tpu.memory_space<vmem>>, vector<1x16xf32>
    tpu.vector_store %arg11[%swap3A_50, %swap3A_51], %max3A_49 {strides = array<i32>} : memref<1x16xf32, #tpu.memory_space<vmem>>, vector<1x16xf32>,
    %broadcast_in_dim3A_53 = arith.constant 1.000000e+00 : f32
    %broadcast_in_dim3A_54 = vector.broadcast %broadcast_in_dim3A_53 : f32 to vector<400x2xf32>
    %broadcast_in_dim3A_55 = arith.constant 0.000000e+00 : f32
    %broadcast_in_dim3A_56 = vector.broadcast %broadcast_in_dim3A_55 : f32 to vector<400x10xf32>
    %slice3A = vector.extract_strided_slice %dot_general3A_13 {offsets = [0, 0], sizes = [400, 128], strides = [1, 1]} : vector<400x256xf32> to vector<400x128xf32>
    %concatenate3A_57 = tpu.concatenate %slice3A, %reduce_sum3A_26, %broadcast_in_dim3A_54, %broadcast_in_dim3A_56 in 1 : vector<400x128xf32>, vector<400x4xf32>, vector<400x2xf32>, vector<400x10xf32> -> vector<400x144xf32>
    %swap3A_58 = arith.constant 0 : index
    %swap3A_59 = arith.constant 0 : index
    %swap3A_60 = arith.constant 0 : index
    %swap3A_61 = vector.load %arg8[%swap3A_58, %swap3A_59, %swap3A_60] : memref<2x400x144xf32, #tpu.memory_space<vmem>>, vector<1x400x144xf32>
    %swap3A_62 = vector.shape_cast %swap3A_61 : vector<1x400x144xf32> to vector<400x144xf32>
    %swap3A_63 = vector.shape_cast %concatenate3A_57 : vector<400x144xf32> to vector<1x400x144xf32>
    tpu.vector_store %arg8[%swap3A_58, %swap3A_59, %swap3A_60], %swap3A_63 {strides = array<i32>} : memref<2x400x144xf32, #tpu.memory_space<vmem>>, vector<1x400x144xf32>,
    %slice3A_64 = vector.extract_strided_slice %dot_general3A_13 {offsets = [0, 128], sizes = [400, 128], strides = [1, 1]} : vector<400x256xf32> to vector<400x128xf32>
    %concatenate3A_65 = tpu.concatenate %slice3A_64, %reduce_sum3A_26, %broadcast_in_dim3A_54, %broadcast_in_dim3A_56 in 1 : vector<400x128xf32>, vector<400x4xf32>, vector<400x2xf32>, vector<400x10xf32> -> vector<400x144xf32>
    %swap3A_66 = arith.constant 1 : index
    %swap3A_67 = arith.constant 0 : index
    %swap3A_68 = arith.constant 0 : index
    %swap3A_69 = vector.load %arg8[%swap3A_66, %swap3A_67, %swap3A_68] : memref<2x400x144xf32, #tpu.memory_space<vmem>>, vector<1x400x144xf32>
    %swap3A_70 = vector.shape_cast %swap3A_69 : vector<1x400x144xf32> to vector<400x144xf32>
    %swap3A_71 = vector.shape_cast %concatenate3A_65 : vector<400x144xf32> to vector<1x400x144xf32>
    tpu.vector_store %arg8[%swap3A_66, %swap3A_67, %swap3A_68], %swap3A_71 {strides = array<i32>} : memref<2x400x144xf32, #tpu.memory_space<vmem>>, vector<1x400x144xf32>,
    return
  }
  func.func @transform_0(%arg0: i32) -> (i32, i32) {
    %c0_i32 = arith.constant 0 : i32
    %c0_i32_0 = arith.constant 0 : i32
    return %arg0, %c0_i32 : i32, i32
  }
  func.func @transform_1(%arg0: i32) -> (i32, i32) {
    %c0_i32 = arith.constant 0 : i32
    %c0_i32_0 = arith.constant 0 : i32
    %c0_i32_1 = arith.constant 0 : i32
    return %c0_i32, %c0_i32_0 : i32, i32
  }
  func.func @transform_2(%arg0: i32) -> i32 {
    %c0_i32 = arith.constant 0 : i32
    %c0_i32_0 = arith.constant 0 : i32
    return %c0_i32 : i32
  }
  func.func @transform_3(%arg0: i32) -> (i32, i32) {
    %c0_i32 = arith.constant 0 : i32
    %c0_i32_0 = arith.constant 0 : i32
    %c0_i32_1 = arith.constant 0 : i32
    return %c0_i32, %c0_i32_0 : i32, i32
  }
  func.func @transform_4(%arg0: i32) -> (i32, i32) {
    %c0_i32 = arith.constant 0 : i32
    %c0_i32_0 = arith.constant 0 : i32
    %c0_i32_1 = arith.constant 0 : i32
    return %c0_i32, %c0_i32_0 : i32, i32
  }
  func.func @transform_5(%arg0: i32) -> (i32, i32) {
    %c0_i32 = arith.constant 0 : i32
    %c0_i32_0 = arith.constant 0 : i32
    %c0_i32_1 = arith.constant 0 : i32
    return %c0_i32, %c0_i32_0 : i32, i32
  }
  func.func @transform_6(%arg0: i32) -> (i32, i32) {
    %c0_i32 = arith.constant 0 : i32
    %c0_i32_0 = arith.constant 0 : i32
    %c0_i32_1 = arith.constant 0 : i32
    return %c0_i32, %c0_i32_0 : i32, i32
  }
  func.func @transform_7(%arg0: i32) -> (i32, i32, i32) {
    %c0_i32 = arith.constant 0 : i32
    %c0_i32_0 = arith.constant 0 : i32
    %c0_i32_1 = arith.constant 0 : i32
    return %c0_i32, %arg0, %c0_i32_0 : i32, i32, i32
  }
  func.func @transform_8(%arg0: i32) -> (i32, i32) {
    %c0_i32 = arith.constant 0 : i32
    %c0_i32_0 = arith.constant 0 : i32
    return %arg0, %c0_i32 : i32, i32
  }
  func.func @transform_9(%arg0: i32) -> (i32, i32) {
    %c0_i32 = arith.constant 0 : i32
    %c0_i32_0 = arith.constant 0 : i32
    return %arg0, %c0_i32 : i32, i32
  }
  func.func @transform_10(%arg0: i32) -> (i32, i32) {
    %c0_i32 = arith.constant 0 : i32
    %c0_i32_0 = arith.constant 0 : i32
    %c0_i32_1 = arith.constant 0 : i32
    return %c0_i32, %c0_i32_0 : i32, i32
  }
}

module attributes {stable_mosaic.version = 14 : i64} {
  func.func @_mid_body(%arg0: i32, %arg1: memref<2x400x144xf32, #tpu.memory_space<vmem>>, %arg2: memref<400x256xf32, #tpu.memory_space<vmem>>, %arg3: memref<1x256xf32, #tpu.memory_space<vmem>>, %arg4: memref<1x256xf32, #tpu.memory_space<vmem>>, %arg5: memref<1x256xf32, #tpu.memory_space<vmem>>, %arg6: memref<256x64xf32, #tpu.memory_space<vmem>>, %arg7: memref<1x64xf32, #tpu.memory_space<vmem>>, %arg8: memref<1x64xf32, #tpu.memory_space<vmem>>, %arg9: memref<400x80xf32, #tpu.memory_space<vmem>>, %arg10: memref<400x16xf32, #tpu.memory_space<vmem>>, %arg11: memref<1x16xf32, #tpu.memory_space<vmem>>) attributes {dimension_semantics = [#tpu.dimension_semantics<arbitrary>], iteration_bounds = array<i64: 25>, scalar_prefetch = 0 : i64, scratch_operands = 0 : i64, tpu.core_type = #tpu.core_type<tc>, window_params = [{transform_indices = @transform_0, window_bounds = array<i64: 2, 400, 144>}, {transform_indices = @transform_1, window_bounds = array<i64: 400, 256>}, {pipeline_mode = #tpu.pipeline_mode<synchronous>, transform_indices = @transform_2, window_bounds = array<i64: 1, 256>}, {pipeline_mode = #tpu.pipeline_mode<synchronous>, transform_indices = @transform_3, window_bounds = array<i64: 1, 256>}, {pipeline_mode = #tpu.pipeline_mode<synchronous>, transform_indices = @transform_4, window_bounds = array<i64: 1, 256>}, {pipeline_mode = #tpu.pipeline_mode<synchronous>, transform_indices = @transform_5, window_bounds = array<i64: 256, 64>}, {pipeline_mode = #tpu.pipeline_mode<synchronous>, transform_indices = @transform_6, window_bounds = array<i64: 1, 64>}, {pipeline_mode = #tpu.pipeline_mode<synchronous>, transform_indices = @transform_7, window_bounds = array<i64: 1, 64>}, {transform_indices = @transform_8, window_bounds = array<i64: 400, 80>}, {transform_indices = @transform_9, window_bounds = array<i64: 400, 16>}, {pipeline_mode = #tpu.pipeline_mode<synchronous>, transform_indices = @transform_10, window_bounds = array<i64: 1, 16>}]} {
    %get3A = arith.constant 0 : index
    %get3A_0 = arith.constant 0 : index
    %get3A_1 = arith.constant 0 : index
    %get3A_2 = vector.load %arg1[%get3A, %get3A_0, %get3A_1] : memref<2x400x144xf32, #tpu.memory_space<vmem>>, vector<1x400x144xf32>
    %get3A_3 = vector.shape_cast %get3A_2 : vector<1x400x144xf32> to vector<400x144xf32>
    %get3A_4 = arith.constant 1 : index
    %get3A_5 = arith.constant 0 : index
    %get3A_6 = arith.constant 0 : index
    %get3A_7 = vector.load %arg1[%get3A_4, %get3A_5, %get3A_6] : memref<2x400x144xf32, #tpu.memory_space<vmem>>, vector<1x400x144xf32>
    %get3A_8 = vector.shape_cast %get3A_7 : vector<1x400x144xf32> to vector<400x144xf32>
    %slice3A = vector.extract_strided_slice %get3A_3 {offsets = [0, 132], sizes = [400, 2], strides = [1, 1]} : vector<400x144xf32> to vector<400x2xf32>
    %slice3A_9 = vector.extract_strided_slice %get3A_8 {offsets = [0, 132], sizes = [400, 2], strides = [1, 1]} : vector<400x144xf32> to vector<400x2xf32>
    %concatenate3A = tpu.concatenate %slice3A, %slice3A_9 in 1 : vector<400x2xf32>, vector<400x2xf32> -> vector<400x4xf32>
    %max3A = arith.constant 9.99999971E-10 : f32
    %max3A_10 = vector.broadcast %max3A : f32 to vector<400x4xf32>
    %max3A_11 = arith.maximumf %concatenate3A, %max3A_10 : vector<400x4xf32>
    %div3A = arith.constant 1.000000e+00 : f32
    %div3A_12 = vector.broadcast %div3A : f32 to vector<400x4xf32>
    %div3A_13 = arith.divf %div3A_12, %max3A_11 : vector<400x4xf32>
    %broadcast_in_dim3A = vector.shape_cast %div3A_13 : vector<400x4xf32> to vector<400x4x1xf32>
    %broadcast_in_dim3A_14 = vector.broadcast %broadcast_in_dim3A : vector<400x4x1xf32> to vector<400x4x64xf32>
    %reshape3A = vector.shape_cast %broadcast_in_dim3A_14 : vector<400x4x64xf32> to vector<400x256xf32>
    %slice3A_15 = vector.extract_strided_slice %get3A_3 {offsets = [0, 0], sizes = [400, 128], strides = [1, 1]} : vector<400x144xf32> to vector<400x128xf32>
    %slice3A_16 = vector.extract_strided_slice %get3A_8 {offsets = [0, 0], sizes = [400, 128], strides = [1, 1]} : vector<400x144xf32> to vector<400x128xf32>
    %concatenate3A_17 = tpu.concatenate %slice3A_15, %slice3A_16 in 1 : vector<400x128xf32>, vector<400x128xf32> -> vector<400x256xf32>
    %mul3A = arith.mulf %concatenate3A_17, %reshape3A : vector<400x256xf32>
    %get3A_18 = arith.constant 0 : index
    %get3A_19 = arith.constant 0 : index
    %get3A_20 = vector.load %arg2[%get3A_18, %get3A_19] : memref<400x256xf32, #tpu.memory_space<vmem>>, vector<400x256xf32>
    %add3A = arith.addf %mul3A, %get3A_20 : vector<400x256xf32>
    %get3A_21 = arith.constant 0 : index
    %get3A_22 = arith.constant 0 : index
    %get3A_23 = vector.load %arg3[%get3A_21, %get3A_22] : memref<1x256xf32, #tpu.memory_space<vmem>>, vector<1x256xf32>
    %add3A_24 = vector.broadcast %get3A_23 : vector<1x256xf32> to vector<400x256xf32>
    %add3A_25 = arith.addf %add3A, %add3A_24 : vector<400x256xf32>
    %reduce_sum3A = arith.constant dense<0.000000e+00> : vector<400xf32>
    %reduce_sum3A_26 = vector.multi_reduction <add>, %add3A_25, %reduce_sum3A [1] : vector<400x256xf32> to vector<400xf32>
    %broadcast_in_dim3A_27 = vector.shape_cast %reduce_sum3A_26 : vector<400xf32> to vector<400x1xf32>
    %div3A_28 = arith.constant 2.560000e+02 : f32
    %div3A_29 = vector.broadcast %div3A_28 : f32 to vector<400x1xf32>
    %div3A_30 = arith.divf %broadcast_in_dim3A_27, %div3A_29 : vector<400x1xf32>
    %sub3A = vector.broadcast %div3A_30 : vector<400x1xf32> to vector<400x256xf32>
    %sub3A_31 = arith.subf %add3A_25, %sub3A : vector<400x256xf32>
    %integer_pow3A = arith.mulf %sub3A_31, %sub3A_31 : vector<400x256xf32>
    %reduce_sum3A_32 = arith.constant dense<0.000000e+00> : vector<400xf32>
    %reduce_sum3A_33 = vector.multi_reduction <add>, %integer_pow3A, %reduce_sum3A_32 [1] : vector<400x256xf32> to vector<400xf32>
    %broadcast_in_dim3A_34 = vector.shape_cast %reduce_sum3A_33 : vector<400xf32> to vector<400x1xf32>
    %div3A_35 = arith.constant 2.560000e+02 : f32
    %div3A_36 = vector.broadcast %div3A_35 : f32 to vector<400x1xf32>
    %div3A_37 = arith.divf %broadcast_in_dim3A_34, %div3A_36 : vector<400x1xf32>
    %sub3A_38 = vector.broadcast %div3A_30 : vector<400x1xf32> to vector<400x256xf32>
    %sub3A_39 = arith.subf %add3A_25, %sub3A_38 : vector<400x256xf32>
    %add3A_40 = arith.constant 9.99999974E-6 : f32
    %add3A_41 = vector.broadcast %add3A_40 : f32 to vector<400x1xf32>
    %add3A_42 = arith.addf %div3A_37, %add3A_41 : vector<400x1xf32>
    %sqrt3A = math.sqrt %add3A_42 : vector<400x1xf32>
    %div3A_43 = vector.broadcast %sqrt3A : vector<400x1xf32> to vector<400x256xf32>
    %div3A_44 = arith.divf %sub3A_39, %div3A_43 : vector<400x256xf32>
    %get3A_45 = arith.constant 0 : index
    %get3A_46 = arith.constant 0 : index
    %get3A_47 = vector.load %arg4[%get3A_45, %get3A_46] : memref<1x256xf32, #tpu.memory_space<vmem>>, vector<1x256xf32>
    %mul3A_48 = vector.broadcast %get3A_47 : vector<1x256xf32> to vector<400x256xf32>
    %mul3A_49 = arith.mulf %div3A_44, %mul3A_48 : vector<400x256xf32>
    %get3A_50 = arith.constant 0 : index
    %get3A_51 = arith.constant 0 : index
    %get3A_52 = vector.load %arg5[%get3A_50, %get3A_51] : memref<1x256xf32, #tpu.memory_space<vmem>>, vector<1x256xf32>
    %add3A_53 = vector.broadcast %get3A_52 : vector<1x256xf32> to vector<400x256xf32>
    %add3A_54 = arith.addf %mul3A_49, %add3A_53 : vector<400x256xf32>
    %gt3A = arith.constant 0.000000e+00 : f32
    %gt3A_55 = vector.broadcast %gt3A : f32 to vector<400x256xf32>
    %gt3A_56 = arith.cmpf ogt, %add3A_54, %gt3A_55 : vector<400x256xf32>
    %min3A = arith.constant 0.000000e+00 : f32
    %min3A_57 = vector.broadcast %min3A : f32 to vector<400x256xf32>
    %min3A_58 = arith.minimumf %add3A_54, %min3A_57 : vector<400x256xf32>
    %exp3A = math.exp %min3A_58 : vector<400x256xf32>
    %sub3A_59 = arith.constant 1.000000e+00 : f32
    %sub3A_60 = vector.broadcast %sub3A_59 : f32 to vector<400x256xf32>
    %sub3A_61 = arith.subf %exp3A, %sub3A_60 : vector<400x256xf32>
    %select_n3A = arith.select %gt3A_56, %add3A_54, %sub3A_61 : vector<400x256xi1>, vector<400x256xf32>
    %get3A_62 = arith.constant 0 : index
    %get3A_63 = arith.constant 0 : index
    %get3A_64 = vector.load %arg6[%get3A_62, %get3A_63] : memref<256x64xf32, #tpu.memory_space<vmem>>, vector<256x64xf32>
    %dot_general3A = arith.constant dense<0.000000e+00> : vector<400x64xf32>
    %dot_general3A_65 = tpu.matmul %select_n3A, %get3A_64, %dot_general3A {dimension_numbers = #tpu.dot_dimension_numbers<[1], [0], [0], [1], [0, 0, 1, 1], [], []>, transpose_lhs_hint = false} : vector<400x256xf32>, vector<256x64xf32>, vector<400x64xf32> -> vector<400x64xf32>
    %get3A_66 = arith.constant 0 : index
    %get3A_67 = arith.constant 0 : index
    %get3A_68 = vector.load %arg7[%get3A_66, %get3A_67] : memref<1x64xf32, #tpu.memory_space<vmem>>, vector<1x64xf32>
    %mul3A_69 = vector.broadcast %get3A_68 : vector<1x64xf32> to vector<400x64xf32>
    %mul3A_70 = arith.mulf %dot_general3A_65, %mul3A_69 : vector<400x64xf32>
    %reduce_sum3A_71 = arith.constant dense<0.000000e+00> : vector<400xf32>
    %reduce_sum3A_72 = vector.multi_reduction <add>, %mul3A_70, %reduce_sum3A_71 [1] : vector<400x64xf32> to vector<400xf32>
    %broadcast_in_dim3A_73 = vector.shape_cast %reduce_sum3A_72 : vector<400xf32> to vector<400x1xf32>
    %get3A_74 = arith.constant 0 : index
    %get3A_75 = arith.constant 0 : index
    %get3A_76 = vector.load %arg8[%get3A_74, %get3A_75] : memref<1x64xf32, #tpu.memory_space<vmem>>, vector<1x64xf32>
    %mul3A_77 = vector.broadcast %get3A_76 : vector<1x64xf32> to vector<400x64xf32>
    %mul3A_78 = arith.mulf %dot_general3A_65, %mul3A_77 : vector<400x64xf32>
    %reduce_sum3A_79 = arith.constant dense<0.000000e+00> : vector<400xf32>
    %reduce_sum3A_80 = vector.multi_reduction <add>, %mul3A_78, %reduce_sum3A_79 [1] : vector<400x64xf32> to vector<400xf32>
    %broadcast_in_dim3A_81 = vector.shape_cast %reduce_sum3A_80 : vector<400xf32> to vector<400x1xf32>
    %broadcast_in_dim3A_82 = arith.constant 0.000000e+00 : f32
    %broadcast_in_dim3A_83 = vector.broadcast %broadcast_in_dim3A_82 : f32 to vector<400x15xf32>
    %concatenate3A_84 = tpu.concatenate %broadcast_in_dim3A_81, %broadcast_in_dim3A_83 in 1 : vector<400x1xf32>, vector<400x15xf32> -> vector<400x16xf32>
    %swap3A = arith.constant 0 : index
    %swap3A_85 = arith.constant 0 : index
    %swap3A_86 = vector.load %arg10[%swap3A, %swap3A_85] : memref<400x16xf32, #tpu.memory_space<vmem>>, vector<400x16xf32>
    tpu.vector_store %arg10[%swap3A, %swap3A_85], %concatenate3A_84 {strides = array<i32>} : memref<400x16xf32, #tpu.memory_space<vmem>>, vector<400x16xf32>,
    %eq3A = arith.constant 0 : i32
    %eq3A_87 = arith.cmpi eq, %arg0, %eq3A : i32
    %convert_element_type3A = arith.extui %eq3A_87 : i1 to i32
    %cond3A = arith.constant 0 : i32
    %cond3A_88 = arith.cmpi ne, %convert_element_type3A, %cond3A : i32
    scf.if %cond3A_88 {
      %broadcast_in_dim3A_109 = arith.constant -1.000000e+30 : f32
      %broadcast_in_dim3A_110 = vector.broadcast %broadcast_in_dim3A_109 : f32 to vector<1x16xf32>
      %swap3A_111 = arith.constant 0 : index
      %swap3A_112 = arith.constant 0 : index
      %swap3A_113 = vector.load %arg11[%swap3A_111, %swap3A_112] : memref<1x16xf32, #tpu.memory_space<vmem>>, vector<1x16xf32>
      tpu.vector_store %arg11[%swap3A_111, %swap3A_112], %broadcast_in_dim3A_110 {strides = array<i32>} : memref<1x16xf32, #tpu.memory_space<vmem>>, vector<1x16xf32>,
    } else {
    }
    %get3A_89 = arith.constant 0 : index
    %get3A_90 = arith.constant 0 : index
    %get3A_91 = vector.load %arg11[%get3A_89, %get3A_90] : memref<1x16xf32, #tpu.memory_space<vmem>>, vector<1x16xf32>
    %reduce_max3A = vector.shape_cast %broadcast_in_dim3A_73 : vector<400x1xf32> to vector<1x400x1xf32>
    %reduce_max3A_92 = arith.constant dense<0xFF800000> : vector<1xf32>
    %reduce_max3A_93 = vector.multi_reduction <maximumf>, %reduce_max3A, %reduce_max3A_92 [1, 2] : vector<1x400x1xf32> to vector<1xf32>
    %reduce_max3A_94 = vector.shape_cast %reduce_max3A_93 : vector<1xf32> to vector<1x1x1xf32>
    %reduce_max3A_95 = vector.extract %reduce_max3A_94[0, 0, 0] : f32 from vector<1x1x1xf32>
    %max3A_96 = vector.broadcast %reduce_max3A_95 : f32 to vector<1x16xf32>
    %max3A_97 = arith.maximumf %get3A_91, %max3A_96 : vector<1x16xf32>
    %swap3A_98 = arith.constant 0 : index
    %swap3A_99 = arith.constant 0 : index
    %swap3A_100 = vector.load %arg11[%swap3A_98, %swap3A_99] : memref<1x16xf32, #tpu.memory_space<vmem>>, vector<1x16xf32>
    tpu.vector_store %arg11[%swap3A_98, %swap3A_99], %max3A_97 {strides = array<i32>} : memref<1x16xf32, #tpu.memory_space<vmem>>, vector<1x16xf32>,
    %broadcast_in_dim3A_101 = arith.constant 1.000000e+00 : f32
    %broadcast_in_dim3A_102 = vector.broadcast %broadcast_in_dim3A_101 : f32 to vector<400x1xf32>
    %broadcast_in_dim3A_103 = arith.constant 0.000000e+00 : f32
    %broadcast_in_dim3A_104 = vector.broadcast %broadcast_in_dim3A_103 : f32 to vector<400x14xf32>
    %concatenate3A_105 = tpu.concatenate %dot_general3A_65, %broadcast_in_dim3A_73, %broadcast_in_dim3A_102, %broadcast_in_dim3A_104 in 1 : vector<400x64xf32>, vector<400x1xf32>, vector<400x1xf32>, vector<400x14xf32> -> vector<400x80xf32>
    %swap3A_106 = arith.constant 0 : index
    %swap3A_107 = arith.constant 0 : index
    %swap3A_108 = vector.load %arg9[%swap3A_106, %swap3A_107] : memref<400x80xf32, #tpu.memory_space<vmem>>, vector<400x80xf32>
    tpu.vector_store %arg9[%swap3A_106, %swap3A_107], %concatenate3A_105 {strides = array<i32>} : memref<400x80xf32, #tpu.memory_space<vmem>>, vector<400x80xf32>,
    return
  }
  func.func @transform_0(%arg0: i32) -> (i32, i32, i32) {
    %c0_i32 = arith.constant 0 : i32
    %c0_i32_0 = arith.constant 0 : i32
    %c0_i32_1 = arith.constant 0 : i32
    return %c0_i32, %arg0, %c0_i32_0 : i32, i32, i32
  }
  func.func @transform_1(%arg0: i32) -> (i32, i32) {
    %c0_i32 = arith.constant 0 : i32
    %c0_i32_0 = arith.constant 0 : i32
    return %arg0, %c0_i32 : i32, i32
  }
  func.func @transform_2(%arg0: i32) -> (i32, i32) {
    %c0_i32 = arith.constant 0 : i32
    %c0_i32_0 = arith.constant 0 : i32
    %c0_i32_1 = arith.constant 0 : i32
    return %c0_i32, %c0_i32_0 : i32, i32
  }
  func.func @transform_3(%arg0: i32) -> (i32, i32) {
    %c0_i32 = arith.constant 0 : i32
    %c0_i32_0 = arith.constant 0 : i32
    %c0_i32_1 = arith.constant 0 : i32
    return %c0_i32, %c0_i32_0 : i32, i32
  }
  func.func @transform_4(%arg0: i32) -> (i32, i32) {
    %c0_i32 = arith.constant 0 : i32
    %c0_i32_0 = arith.constant 0 : i32
    %c0_i32_1 = arith.constant 0 : i32
    return %c0_i32, %c0_i32_0 : i32, i32
  }
  func.func @transform_5(%arg0: i32) -> (i32, i32) {
    %c0_i32 = arith.constant 0 : i32
    %c0_i32_0 = arith.constant 0 : i32
    %c0_i32_1 = arith.constant 0 : i32
    return %c0_i32, %c0_i32_0 : i32, i32
  }
  func.func @transform_6(%arg0: i32) -> (i32, i32) {
    %c0_i32 = arith.constant 0 : i32
    %c0_i32_0 = arith.constant 0 : i32
    %c0_i32_1 = arith.constant 0 : i32
    return %c0_i32, %c0_i32_0 : i32, i32
  }
  func.func @transform_7(%arg0: i32) -> (i32, i32) {
    %c0_i32 = arith.constant 0 : i32
    %c0_i32_0 = arith.constant 0 : i32
    %c0_i32_1 = arith.constant 0 : i32
    return %c0_i32, %c0_i32_0 : i32, i32
  }
  func.func @transform_8(%arg0: i32) -> (i32, i32) {
    %c0_i32 = arith.constant 0 : i32
    %c0_i32_0 = arith.constant 0 : i32
    return %arg0, %c0_i32 : i32, i32
  }
  func.func @transform_9(%arg0: i32) -> (i32, i32) {
    %c0_i32 = arith.constant 0 : i32
    %c0_i32_0 = arith.constant 0 : i32
    return %arg0, %c0_i32 : i32, i32
  }
  func.func @transform_10(%arg0: i32) -> (i32, i32) {
    %c0_i32 = arith.constant 0 : i32
    %c0_i32_0 = arith.constant 0 : i32
    %c0_i32_1 = arith.constant 0 : i32
    return %c0_i32, %c0_i32_0 : i32, i32
  }
}

module attributes {stable_mosaic.version = 14 : i64} {
  func.func @_fin_body(%arg0: i32, %arg1: memref<2x400x80xf32, #tpu.memory_space<vmem>>, %arg2: memref<1x64xf32, #tpu.memory_space<vmem>>, %arg3: memref<400x64xf32, #tpu.memory_space<vmem>>) attributes {dimension_semantics = [#tpu.dimension_semantics<arbitrary>], iteration_bounds = array<i64: 25>, scalar_prefetch = 0 : i64, scratch_operands = 0 : i64, tpu.core_type = #tpu.core_type<tc>, window_params = [{transform_indices = @transform_0, window_bounds = array<i64: 2, 400, 80>}, {pipeline_mode = #tpu.pipeline_mode<synchronous>, transform_indices = @transform_1, window_bounds = array<i64: 1, 64>}, {transform_indices = @transform_2, window_bounds = array<i64: 400, 64>}]} {
    %get3A = arith.constant 0 : index
    %get3A_0 = arith.constant 0 : index
    %get3A_1 = arith.constant 0 : index
    %get3A_2 = vector.load %arg1[%get3A, %get3A_0, %get3A_1] : memref<2x400x80xf32, #tpu.memory_space<vmem>>, vector<1x400x80xf32>
    %get3A_3 = vector.shape_cast %get3A_2 : vector<1x400x80xf32> to vector<400x80xf32>
    %get3A_4 = arith.constant 1 : index
    %get3A_5 = arith.constant 0 : index
    %get3A_6 = arith.constant 0 : index
    %get3A_7 = vector.load %arg1[%get3A_4, %get3A_5, %get3A_6] : memref<2x400x80xf32, #tpu.memory_space<vmem>>, vector<1x400x80xf32>
    %get3A_8 = vector.shape_cast %get3A_7 : vector<1x400x80xf32> to vector<400x80xf32>
    %add3A = arith.addf %get3A_3, %get3A_8 : vector<400x80xf32>
    %slice3A = vector.extract_strided_slice %add3A {offsets = [0, 65], sizes = [400, 1], strides = [1, 1]} : vector<400x80xf32> to vector<400x1xf32>
    %max3A = arith.constant 9.99999971E-10 : f32
    %max3A_9 = vector.broadcast %max3A : f32 to vector<400x1xf32>
    %max3A_10 = arith.maximumf %slice3A, %max3A_9 : vector<400x1xf32>
    %slice3A_11 = vector.extract_strided_slice %add3A {offsets = [0, 0], sizes = [400, 64], strides = [1, 1]} : vector<400x80xf32> to vector<400x64xf32>
    %div3A = vector.broadcast %max3A_10 : vector<400x1xf32> to vector<400x64xf32>
    %div3A_12 = arith.divf %slice3A_11, %div3A : vector<400x64xf32>
    %get3A_13 = arith.constant 0 : index
    %get3A_14 = arith.constant 0 : index
    %get3A_15 = vector.load %arg2[%get3A_13, %get3A_14] : memref<1x64xf32, #tpu.memory_space<vmem>>, vector<1x64xf32>
    %add3A_16 = vector.broadcast %get3A_15 : vector<1x64xf32> to vector<400x64xf32>
    %add3A_17 = arith.addf %div3A_12, %add3A_16 : vector<400x64xf32>
    %swap3A = arith.constant 0 : index
    %swap3A_18 = arith.constant 0 : index
    %swap3A_19 = vector.load %arg3[%swap3A, %swap3A_18] : memref<400x64xf32, #tpu.memory_space<vmem>>, vector<400x64xf32>
    tpu.vector_store %arg3[%swap3A, %swap3A_18], %add3A_17 {strides = array<i32>} : memref<400x64xf32, #tpu.memory_space<vmem>>, vector<400x64xf32>,
    return
  }
  func.func @transform_0(%arg0: i32) -> (i32, i32, i32) {
    %c0_i32 = arith.constant 0 : i32
    %c0_i32_0 = arith.constant 0 : i32
    %c0_i32_1 = arith.constant 0 : i32
    return %c0_i32, %arg0, %c0_i32_0 : i32, i32, i32
  }
  func.func @transform_1(%arg0: i32) -> (i32, i32) {
    %c0_i32 = arith.constant 0 : i32
    %c0_i32_0 = arith.constant 0 : i32
    %c0_i32_1 = arith.constant 0 : i32
    return %c0_i32, %c0_i32_0 : i32, i32
  }
  func.func @transform_2(%arg0: i32) -> (i32, i32) {
    %c0_i32 = arith.constant 0 : i32
    %c0_i32_0 = arith.constant 0 : i32
    return %arg0, %c0_i32 : i32, i32
  }
}

</mosaic_0001>

<sc_bundles>
// kernel: kernel.10.cloned.1.call-start
scs
__scs_entry_jumppad:
0x0: {  	(pc) =	sbr.rel $0x88, $3  }
0x1: {  	(tag) =	ssettag $0x0;
	lr =	simm.s32 $0x1  }
0x2: {  	[smem:$0x3F91] =	sst lr;
	_ =	strace $0xD0000000  }
0x3: {  	_ = 	snop  }
0x4: {  	_ = 	snop  }
0x5: {  	_ = 	snop  }
0x6: {  	_ = 	snop  }
0x7: {  	_ = 	snop  }
__scs_overlays_trampoline_lowered:
0x8: {  	[smem:$0x3FA0] =	sst s0  }
0x9: {  	[smem:$0x3FA1] =	sst s1  }
0xa: {  	[smem:$0x3FA2] =	sst s2  }
0xb: {  	[smem:$0x3FA3] =	sst s3  }
0xc: {  	[smem:$0x3FA4] =	sst s4  }
0xd: {  	[smem:$0x3FA5] =	sst s5  }
0xe: {  	[smem:$0x3FA6] =	sst s6  }
0xf: {  	[smem:$0x3FA7] =	sst s7  }
0x10: {  	[smem:$0x3FA8] =	sst s8  }
0x11: {  	[smem:$0x3FA9] =	sst s9;
	s0 =	simm.s32 @!p0 $0x0  }
0x12: {  	s1 =	sld [smem:$0x3F8F];
	s0 =	simm.s32 @p0 $0x1  }
0x13: {  	[smem:$0x3FAA] =	sst s0;
	s0 =	simm.s32 @!p1 $0x0  }
0x14: {  	s2 =	sld [smem:$0x3F8E];
	s0 =	simm.s32 @p1 $0x1  }
0x15: {  	[smem:$0x3FAB] =	sst s0;
	s0 =	simm.s32 @!p2 $0x0  }
0x16: {  	s3 =	sld [smem:$0x3FDB];
	s0 =	simm.s32 @p2 $0x1  }
0x17: {  	s4 =	simm.s32 $0x1BF5;
	[smem:$0x3FAD] =	sst s0  }
0x18: {  	s0 =	sld [smem:$0x3F90];
	_ =	swait.ge [sflag:s4], $0x0  }
0x19: {  	s7 =	sld [smem:$0x3F91]  }
0x1a: {  	s8 =	sadd.s32 $0xFFFFE003, lr  }
0x1b: {  	s9 =	sadd.s32 $0xFFFFFEF7, lr;
	s5 =	simm.s32 $0xFFFFFFFF;
	p2 =	slt.u32 s8, $0xFFFFF086  }
0x1c: {  	p1 =	slt.u32 s9, $0xF7A;
	s5 =	simm.s32 @!p2 $0x0  }
0x1d: {  	s5 =	simm.s32 @p1 $0x1;
	p0 =	seq.s32 s7, s2  }
0x1e: {  	s7 =	smul.u32 @!p0 $0xF7A, s2;
	p2 =	seq.s32 @!p0 s5, $0x0  }
0x1f: {  	s9 =	smul.u32 $0xF7A, s1;
	s8 =	simm.s32 @!p0 $0x1BF5;
	p2 =	por !p2, p0  }
0x20: {  	[sflag:s8] =	ssyncset.s32 @!p0 $0xFFFFF086;
	s6 =	sadd.s32 @!p0 s3, s7;
	s7 =	simm.s32 @!p0 $0x108  }
0x21: {  	s3 =	sadd.s32 s3, s9;
	s6 =	sadd.s32 @!p0 $0x88, s6;
	s7 =	simm.s32 @p2 $0x1082  }
0x22: {  	[simem:s7], [sflag:s8] =	dma.local @!p0 [hbm:s6], $0xF7A  }
0x23: {  	s9 =	sor.u32 $0xD0000000, s2;
	s6 =	simm.s32 $0x108;
	_ =	swait.ge @!p0 [sflag:s8], $0x0  }
0x24: {  	s3 =	sadd.s32 $0x88, s3;
	s6 =	simm.s32 @!p1 $0x1082;
	[sflag:s4] =	ssyncset.s32 $0xFFFFF086  }
0x25: {  	[simem:s6], [sflag:s4] =	dma.local [hbm:s3], $0xF7A  }
0x26: {  	[smem:$0x3F91] =	sst s1;
	(tag) =	ssettag s2;
	_ =	strace s9  }
0x27: {  	s1 =	sld [smem:$0x3FA1]  }
0x28: {  	s2 =	sld [smem:$0x3FA2]  }
0x29: {  	s4 =	sld [smem:$0x3FA4]  }
0x2a: {  	p0 =	seq.s32 s5, $0x0;
	s5 =	sld [smem:$0x3FA5]  }
0x2b: {  	s6 =	sld [smem:$0x3FA6]  }
0x2c: {  	s7 =	sld [smem:$0x3FA7]  }
0x2d: {  	s3 =	simm.s32 $0x108;
	s8 =	sld [smem:$0x3FA8]  }
0x2e: {  	s3 =	simm.s32 @!p0 $0x1082;
	s9 =	sld [smem:$0x3FA9]  }
0x2f: {  	lr =	sadd.s32 s0, s3;
	s0 =	sld [smem:$0x3FA0]  }
0x30: {  	s3 =	sld [smem:$0x3FA3]  }
0x31: {  	[smem:$0x3FAC] =	sst s10  }
0x32: {  	s10 =	sld [smem:$0x3FAA];
	_ =	sdelay $0x3  }
0x33: {  	p0 =	seq.s32 s10, $0x1;
	s10 =	sld [smem:$0x3FAC];
	_ =	sdelay $0x3  }
0x34: {  	[smem:$0x3FAC] =	sst s10  }
0x35: {  	s10 =	sld [smem:$0x3FAB];
	_ =	sdelay $0x3  }
0x36: {  	p1 =	seq.s32 s10, $0x1;
	s10 =	sld [smem:$0x3FAC];
	_ =	sdelay $0x3  }
0x37: {  	[smem:$0x3FAC] =	sst s10  }
0x38: {  	s10 =	sld [smem:$0x3FAD]  }
0x39: {  	_ = 	snop;
	(pc) =	sbr.ind lr, $3  }
0x3a: {  	_ = 	snop  }
0x3b: {  	_ = 	snop  }
0x3c: {  	p2 =	seq.s32 s10, $0x1;
	s10 =	sld [smem:$0x3FAC]  }
0x3d: {  	_ =	shalt  }
0x3e: {  	_ =	shalt  }
0x3f: {  	_ =	shalt  }
0x40: {  	_ =	shalt  }
0x41: {  	_ =	shalt  }
0x42: {  	_ =	shalt  }
0x43: {  	_ =	shalt  }
0x44: {  	_ =	shalt  }
0x45: {  	_ =	shalt  }
0x46: {  	_ =	shalt  }
0x47: {  	_ =	shalt  }
0x48: {  	_ =	shalt  }
0x49: {  	_ =	shalt  }
0x4a: {  	_ =	shalt  }
0x4b: {  	_ =	shalt  }
0x4c: {  	_ =	shalt  }
0x4d: {  	_ =	shalt  }
0x4e: {  	_ =	shalt  }
0x4f: {  	_ =	shalt  }
0x50: {  	_ =	shalt  }
0x51: {  	_ =	shalt  }
0x52: {  	_ =	shalt  }
0x53: {  	_ =	shalt  }
0x54: {  	_ =	shalt  }
0x55: {  	_ =	shalt  }
0x56: {  	_ =	shalt  }
0x57: {  	_ =	shalt  }
0x58: {  	_ =	shalt  }
0x59: {  	_ =	shalt  }
0x5a: {  	_ =	shalt  }
0x5b: {  	_ =	shalt  }
0x5c: {  	_ =	shalt  }
0x5d: {  	_ =	shalt  }
0x5e: {  	_ =	shalt  }
0x5f: {  	_ =	shalt  }
0x60: {  	_ =	shalt  }
0x61: {  	_ =	shalt  }
0x62: {  	_ =	shalt  }
0x63: {  	_ =	shalt  }
0x64: {  	_ =	shalt  }
0x65: {  	_ =	shalt  }
0x66: {  	_ =	shalt  }
0x67: {  	_ =	shalt  }
0x68: {  	_ =	shalt  }
0x69: {  	_ =	shalt  }
0x6a: {  	_ =	shalt  }
0x6b: {  	_ =	shalt  }
0x6c: {  	_ =	shalt  }
0x6d: {  	_ =	shalt  }
0x6e: {  	_ =	shalt  }
0x6f: {  	_ =	shalt  }
0x70: {  	_ =	shalt  }
0x71: {  	_ =	shalt  }
0x72: {  	_ =	shalt  }
0x73: {  	_ =	shalt  }
0x74: {  	_ =	shalt  }
0x75: {  	_ =	shalt  }
0x76: {  	_ =	shalt  }
0x77: {  	_ =	shalt  }
0x78: {  	_ =	shalt  }
0x79: {  	_ =	shalt  }
0x7a: {  	_ =	shalt  }
0x7b: {  	_ =	shalt  }
0x7c: {  	_ =	shalt  }
0x7d: {  	_ =	shalt  }
0x7e: {  	_ =	shalt  }
0x7f: {  	_ =	shalt  }
0x80: {  	_ =	shalt  }
0x81: {  	_ =	shalt  }
0x82: {  	_ =	shalt  }
0x83: {  	_ =	shalt  }
0x84: {  	_ =	shalt  }
0x85: {  	_ =	shalt  }
0x86: {  	_ =	shalt  }
0x87: {  	_ =	shalt  }
.Lfunc_end0:
.L_simem_size_0:
called_computation.1_lowered:
.L_overlay_start_0:
0x88: {  	s2 =	sld [smem:$0x3FD9]  }
0x89: {  	s3 =	sld [smem:$0x3FFE];
	_ =	sdelay $0x1  }
0x8a: {  	s1 =	srdreg.scid  }
0x8b: {  	s0 =	sand.u32 $0x1, s1  }
0x8c: {  	s17 =	sshll.u32 s0, $0xA;
	s2 =	sadd.s32 s3, s2  }
0x8d: {  	s2 =	sadd.s32 s2, s17  }
0x8e: {  	[smem:$0x3FB8] =	sst s2  }
0x8f: {  	_ = 	snop  }
0x90: {  	s2 =	sld [smem:$0x3FD0];
	(tm) =	ssettm $0x1  }
0x91: {  	s18 =	sld [smem:$0x3FFB];
	_ =	sdelay $0x3  }
0x92: {  	_ =	strace s18  }
0x93: {  	s3 =	sld [smem:$0x3FFC];
	_ =	sdelay $0x3  }
0x94: {  	_ =	strace s3  }
0x95: {  	s3 =	sld [smem:$0x3FFD];
	_ =	sdelay $0x3  }
0x96: {  	_ =	strace s3  }
0x97: {  	_ =	strace $0x8FFFFFFF  }
0x98: {  	s19 =	sld [smem:$0x3FDB];
	_ =	sdelay $0x1  }
0x99: {  	s4 =	simm.s32 $_scs_section_size  }
0x9a: {  	s5 =	simm.s32 $_size__tile_overlayer_lowered;
	s6 =	simm.s32 $_tile_overlayer_lowered  }
0x9b: {  	s22 =	simm.s32 $0x1BFF;
	s21 =	sshll.u32 s6, $0x1;
	s3 =	sadd.s32 s4, s19  }
0x9c: {  	s7 =	simm.s32 $0x0;
	s20 =	sshll.u32 s5, $0x1;
	s5 =	sadd.s32 s21, s3  }
0x9d: {  	[timem:s7], [sflag:s22] =	dma.local [hbm:s5], s20  }
0x9e: {  	_ =	swait.ge [sflag:s22], s20  }
0x9f: {  	s4 =	ssub.s32 $0x0, s20;
	[sflag:s22] =	ssyncset.done $0x0  }
0xa0: {  	[sflag:s22] =	ssyncadd.s32 s4;
	_ =	sdelay $0x1  }
0xa1: {  	s23 =	simm.s32 $0x1B8B  }
0xa2: {  	_ =	swait.ge [sflag:s23], $0x1  }
0xa3: {  	[sflag:s23] =	ssyncset.done $0x0  }
0xa4: {  	s25 =	simm.s32 $0x1B8E;
	s24 =	sld [smem:$0x3FFE];
	[sflag:s23] =	ssyncadd.s32 $0xFFFFFFFF  }
0xa5: {  	s26 =	simm.s32 $execute0_lowered;
	[smem:$0x3FD2] =	sst s25  }
0xa6: {  	s5 =	sshll.u32 s26, $0x1;
	_ =	strace $0x80000049;
	[dreg:$0x1] =	wrdreg $0xFFFFFFFF  }
0xa7: {  	s28 =	simm.s32 $_size_execute0_lowered;
	s3 =	sadd.s32 s3, s5;
	[dreg:$0x0] =	wrdreg $0x0  }
0xa8: {  	s5 =	sshll.u32 s28, $0x1;
	[dreg:$0x2] =	wrdreg s3  }
0xa9: {  	[dreg:$0x3] =	wrdreg s5  }
0xaa: {  	[dreg:$0x4] =	wrdreg $0xC0  }
0xab: {  	_ =	task [dreg:s7], $0x5FFFF  }
0xac: {  	[dreg:$0x1] =	wrdreg $0xFFFFFFFF  }
0xad: {  	[dreg:$0x0] =	wrdreg $0x60  }
0xae: {  	[dreg:$0x2] =	wrdreg s24  }
0xaf: {  	[dreg:$0x3] =	wrdreg s2  }
0xb0: {  	[dreg:$0x4] =	wrdreg $0x63100  }
0xb1: {  	[dreg:$0x5] =	wrdreg $0x9  }
0xb2: {  	_ =	task.clear_ibuf [dreg:s7], $0x6FFFF;
	_ =	strace $0x90000049  }
0xb3: {  	s29 =	simm.s32 $0x9;
	_ =	strace $0x8000004B  }
0xb4: {  	_ =	swait.ge [sflag:s29], $0x1  }
0xb5: {  	[sflag:s29] =	ssyncadd.s32 $0xFFFFFFFF  }
0xb6: {  	_ =	strace $0x9000004B  }
0xb7: {  	_ =	sfence  }
0xb8: {  	s30 =	sld [smem:$0x0];
	_ =	sdelay $0x2  }
0xb9: {  	s31 =	sshll.u32 s1, $0xD;
	s1 =	sshrl.u32 s1, $0x2  }
0xba: {  	s3 =	sand.u32 $0x4000, s31;
	s1 =	sadd.s32 s1, s30  }
0xbb: {  	s0 =	sor.u32 s3, s0;
	s1 =	sshll.u32 s1, $0x11  }
0xbc: {  	s0 =	sor.u32 s1, s0  }
0xbd: {  	s0 =	sadd.s32 $0x8F2B, s0  }
0xbe: {  	[sflag:s0] =	ssyncadd.remote.s32 $0x1  }
0xbf: {  	_ =	sfence.sel $0xFFFF  }
0xc0: {  	[dreg:$0x0] =	wrdreg $0xFFFFFFFF;
	(pc) =	sbr.abs _section_cstart, $3  }
0xc1: {  	[dreg:$0x1] =	wrdreg $0xFFFFFFFF  }
0xc2: {  	_ =	task.clear_ibuf [dreg:s7], $0x2FFFF;
	_ =	strace $0x9FFFFFFF  }
0xc3: {  	(tm) =	ssettm $0x7FFFFFFF  }
tec
execute0_lowered:
.L_overlay_start_1:
0x0: {  	(tag) =	ssettag $0x1  }
0x1: {  	s0 =	rddreg [dreg:$0x0]  }
0x2: {  	s2 =	rddreg [dreg:$0x1]  }
0x3: {  	s3 =	rddreg [dreg:$0x2];
	s13 =	stileid.u32  }
0x4: {  	s1 =	srdreg.scid;
	s4 =	simm.s32 $0x0;
	s7 =	smul.u32 $0xC800, s13  }
0x5: {  	s29 =	simm.s32 $0x7;
	s30 =	simm.s32 $0x1;
	s11 =	smul.u32 $0xFFFFFFB1, s13  }
0x6: {  	s31 =	simm.s32 $0x80;
	s28 =	simm.s32 $0x6280;
	s12 =	smul.u32 $0x2780, s13  }
0x7: {  	s1 =	sand.u32 $0x1, s1;
	[smem:$0x7FF] =	sst s4;
	s13 =	smul.u32 $0x32000, s13  }
0x8: {  	s5 =	sadd.s32 $0x74800, s0;
	s6 =	sadd.s32 $0x1A600, s0;
	s8 =	smul.u32 $0xC8000, s1  }
0x9: {  	s10 =	sadd.s32 $0x1C00, s0;
	s9 =	smul.u32 $0x27100, s1;
	s1 =	ssub.s32 $0x2, s1  }
0xa: {  	_ =	strace $0x8000004A;
	[dreg:$0x4] =	wrdreg s10;
	s20 =	sshrl.u32 s1, $0x1  }
0xb: {  	p0 =	slt.s32 s11, $0xFFFFFB6D;
	s13 =	sshrl.u32 s13, $0x2;
	s15 =	sadd.s32 s7, s3  }
0xc: {  	s8 =	sadd.s32 s7, s8;
	s9 =	sadd.s32 s12, s9;
	s11 =	simm.s32 @!p0 $0xFFFFFB6D  }
0xd: {  	s1 =	ssub.s32 s1, s20;
	s23 =	sadd.s32 s13, s3;
	s19 =	sshrl.u32 s8, $0x3  }
0xe: {  	s8 =	sadd.s32 $0x1E00, s0;
	s12 =	sshrl.u32 s9, $0x3;
	s10 =	sadd.s32 $0x4E2, s11  }
0xf: {  	s24 =	sadd.s32 $0x2800, s23;
	s25 =	sadd.s32 $0x5000, s23;
	s18 =	sadd.s32 $0x7800, s23  }
0x10: {  	s26 =	sand.u32 $0x1, s11;
	s20 =	sadd.s32 $0x4E1, s11;
	s0 =	sadd.s32 s19, s0  }
0x11: {  	s14 =	sadd.s32 s5, s12;
	s21 =	sadd.s32 s2, s12;
	[dreg:$0x9] =	wrdreg s24  }
0x12: {  	s12 =	sadd.s32 $0x10, s12;
	[dreg:$0xa] =	wrdreg s25;
	s19 =	sadd.s32 $0xA000, s23  }
.Ltmp0:
0x13: {  	p0 =	seq.s32 s26, $0x1;
	s24 =	simm.s32 $0x6100;
	(pc) =	sbr.rel .LBB2_1-.Ltmp0, $4  }
0x14: {  	p1 =	sne.s32 s26, $0x0;
	s25 =	simm.s32 $0x2800;
	[dreg:$0x5] =	wrdreg s14  }
0x15: {  	s26 =	simm.s32 $0x6200;
	[dreg:$0x6] =	wrdreg s21;
	s22 =	sadd.s32 s5, s12  }
0x16: {  	s12 =	sadd.s32 s2, s12;
	s21 =	sadd.s32 $0x1F600, s0;
	[dreg:$0x7] =	wrdreg s22  }
0x17: {  	v0 =	vimm.f32 $0.0e+00;
	vm0 =	vcmask $0x704;
	s0 =	simm.s32 $0x0;
	[dreg:$0x8] =	wrdreg s12;
	s22 =	smax.u32 s1, $0x1  }
.LBB2_13:
0x18: {  	s1 =	simm.s32 @p0 $0x5  }
0x19: {  	_ =	swait.ge @p0 [sflag:s1], $0x2800  }
0x1a: {  	[sflag:s1] =	ssyncset.done @p0 $0x0  }
0x1b: {  	[sflag:s1] =	ssyncadd.s32 @p0 $0xFFFFD800;
	s1 =	simm.s32 @!p1 $0x6  }
0x1c: {  	s23 =	stileid.u32;
	_ =	swait.ge @!p1 [sflag:s1], $0x2800  }
0x1d: {  	s7 =	sshrl.u32 s15, $0x3;
	s0 =	sadd.s32 $0x1, s0;
	[sflag:s1] =	ssyncset.done @!p1 $0x0  }
0x1e: {  	p2 =	sne.s32 s0, s22;
	[sflag:s1] =	ssyncadd.s32 @!p1 $0xFFFFD800;
	s1 =	sshll.u32 s23, $0x6  }
.Ltmp1:
0x1f: {  	[bflag:$0x0] =	sbarrier.arrive $0xFFFF;
	s1 =	sor.u32 $0x1C07, s1;
	(pc) =	sbr.rel @!p2 .LBB2_14-.Ltmp1, $4  }
0x20: {  	[hbm:s21], [sflag:s1] =	dma.local [spmem:s7], $0x1900  }
0x21: {  	_ =	swait.ge [sflag:s29], $0x1900  }
0x22: {  	[sflag:s29] =	ssyncset.done $0x0  }
0x23: {  	[sflag:s29] =	ssyncadd.s32 $0xFFFFE700  }
.LBB2_1:
0x24: {  	s1 =	rddreg [dreg:$0x5];
	s7 =	simm.s32 $0x6000  }
0x25: {  	[tilespmem:s7], [sflag:$0x1] =	stream.linear.gather [hbm4b:s1+s4], $0x80, $0x38;
	[tilespmem:$0x12B10] =	vst v63  }
0x26: {  	s11 =	rddreg [dreg:$0x6]  }
0x27: {  	[tilespmem:s24], [sflag:$0x1] =	stream.linear.gather [hbm4b:s11+s4], $0x80, $0x38;
	[tilespmem:$0x12B10] =	vst v63  }
0x28: {  	s12 =	rddreg [dreg:$0x7];
	s11 =	simm.s32 $0x6080  }
0x29: {  	[tilespmem:s11], [sflag:$0x2] =	stream.linear.gather [hbm4b:s12+s4], $0x80, $0x38;
	[tilespmem:$0x12B10] =	vst v63  }
0x2a: {  	s13 =	rddreg [dreg:$0x8];
	s14 =	simm.s32 $0x6180  }
0x2b: {  	[tilespmem:s14], [sflag:$0x2] =	stream.linear.gather [hbm4b:s13+s4], $0x80, $0x38;
	[tilespmem:$0x12B10] =	vst v63  }
0x2c: {  	s16 =	rddreg [dreg:$0x4];
	s17 =	simm.s32 $0x6300  }
0x2d: {  	[tilespmem:s17], [sflag:$0x7] =	stream.linear.gather [hbm4b:s16+s4], $0x10, $0x38;
	[tilespmem:$0x12B10] =	vst v63  }
0x2e: {  	_ =	swait.ge [sflag:s29], $0x10  }
0x2f: {  	[sflag:s29] =	ssyncset.done $0x0  }
0x30: {  	[sflag:s29] =	ssyncadd.s32 $0xFFFFFFF0  }
0x31: {  	v1 =	vld [tilespmem:$0x6300];
	_ =	swait.ge [sflag:s30], $0x80  }
0x32: {  	[sflag:s30] =	ssyncset.done $0x0  }
0x33: {  	[sflag:s30] =	ssyncadd.s32 $0xFFFFFF80  }
0x34: {  	_ =	swait.ge [sflag:s30], $0x80  }
0x35: {  	[sflag:s30] =	ssyncset.done $0x0  }
0x36: {  	[sflag:s30] =	ssyncadd.s32 $0xFFFFFF80  }
0x37: {  	[tilespmem:s4], [sflag:$0x3] =	stream.indirect.gather [hbm4b:s8+s31], $0x50, s7, s31, $0xb8;
	[tilespmem:$0x12B10] =	vst v63  }
0x38: {  	s23 =	simm.s32 $0x5000;
	s1 =	simm.s32 $0x0;
	s7 =	simm.s32 $0x140  }
0x39: {  	[tilespmem:s23], [sflag:$0x3] =	stream.indirect.gather [hbm4b:s6+s31], $0x10, s24, s31, $0xb8;
	[tilespmem:$0x12B10] =	vst v63  }
.LBB2_2:
0x3a: {  	p2 =	sne.s32 s7, $0x9EC0;
	[tilespmem:s1+$0x2840] =	vst v0;
	s11 =	smov.u32 s7;
	s7 =	sadd.s32 $0x140, s7  }
.Ltmp2:
0x3b: {  	[tilespmem:s1+$0x2830] =	vst v0;
	(pc) =	sbr.rel @p2 .LBB2_2-.Ltmp2, $4  }
0x3c: {  	[tilespmem:s1+$0x2820] =	vst v0  }
0x3d: {  	[tilespmem:s1+$0x2800] =	vst v0  }
0x3e: {  	[tilespmem:s1+$0x2810] =	vst v0  }
0x3f: {  	s1 =	sshra.s32 s11, $0x2  }
0x40: {  	[tilespmem:s1+$0x2840] =	vst v0  }
0x41: {  	[tilespmem:s1+$0x2830] =	vst v0  }
0x42: {  	[tilespmem:s1+$0x2820] =	vst v0  }
0x43: {  	[tilespmem:s1+$0x2800] =	vst v0  }
0x44: {  	[tilespmem:s1+$0x2810] =	vst v0  }
0x45: {  	[spmem:s15] =	stream.linear.scatter [tilespmem:s25], [sflag:$0x7], $0x2800, $0x38;
	[tilespmem:$0x12B10] =	vst v63  }
0x46: {  	_ =	swait.ge [sflag:s29], $0x2800  }
0x47: {  	[sflag:s29] =	ssyncset.done $0x0  }
0x48: {  	s17 =	rddreg [dreg:$0x9];
	[sflag:s29] =	ssyncadd.s32 $0xFFFFD800  }
0x49: {  	[spmem:s17] =	stream.linear.scatter [tilespmem:s25], [sflag:$0x7], $0x2800, $0x38;
	[tilespmem:$0x12B10] =	vst v63  }
0x4a: {  	_ =	swait.ge [sflag:s29], $0x2800  }
0x4b: {  	[sflag:s29] =	ssyncset.done $0x0  }
0x4c: {  	s23 =	rddreg [dreg:$0xa];
	[sflag:s29] =	ssyncadd.s32 $0xFFFFD800  }
0x4d: {  	[spmem:s23] =	stream.linear.scatter [tilespmem:s25], [sflag:$0x7], $0x2800, $0x38;
	[tilespmem:$0x12B10] =	vst v63  }
0x4e: {  	_ =	swait.ge [sflag:s29], $0x2800  }
0x4f: {  	[sflag:s29] =	ssyncset.done $0x0  }
0x50: {  	[sflag:s29] =	ssyncadd.s32 $0xFFFFD800  }
0x51: {  	[spmem:s18] =	stream.linear.scatter [tilespmem:s25], [sflag:$0x7], $0x2800, $0x38;
	[tilespmem:$0x12B10] =	vst v63  }
0x52: {  	_ =	swait.ge [sflag:s29], $0x2800  }
0x53: {  	[sflag:s29] =	ssyncset.done $0x0  }
0x54: {  	[sflag:s29] =	ssyncadd.s32 $0xFFFFD800  }
0x55: {  	[spmem:s19] =	stream.linear.scatter [tilespmem:s25], [sflag:$0x7], $0x2800, $0x38;
	[tilespmem:$0x12B10] =	vst v63  }
.Ltmp3:
0x56: {  	_ =	swait.ge [sflag:s29], $0x2800;
	(pc) =	sbr.rel .LBB2_4-.Ltmp3, $4  }
0x57: {  	[sflag:s29] =	ssyncset.done $0x0  }
0x58: {  	[sflag:s29] =	ssyncadd.s32 $0xFFFFD800  }
0x59: {  	[bflag:$0x0] =	sbarrier.arrive $0xFFFF  }
0x5a: {  	s1 =	simm.s32 $0x0  }
.LBB2_12:
0x5b: {  	s1 =	sadd.s32 $0x1, s1  }
0x5c: {  	p2 =	sne.s32 s1, $0x28  }
.Ltmp4:
0x5d: {  	_ = 	snop;
	(pc) =	sbr.rel @!p2 .LBB2_13-.Ltmp4, $1  }
0x5e: {  	_ =	sdelay $0x3  }
.LBB2_4:
0x5f: {  	s7 =	sshll.u32 s1, $0x1;
	p2 =	seq.s32 s1, $0x0  }
0x60: {  	p3 =	sge.u32 @!p2 s7, s10  }
0x61: {  	p3 =	por p3, p2  }
0x62: {  	s11 =	simm.s32 @!p3 $0x6  }
0x63: {  	_ =	swait.ge @!p3 [sflag:s11], $0x2800  }
0x64: {  	p2 =	sge.u32 s7, s20;
	[sflag:s11] =	ssyncset.done @!p3 $0x0  }
0x65: {  	[sflag:s11] =	ssyncadd.s32 @!p3 $0xFFFFD800;
	s11 =	simm.s32 @!p2 $0x2  }
0x66: {  	_ =	swait.ge @!p2 [sflag:s11], $0x80  }
0x67: {  	[sflag:s11] =	ssyncset.done @!p2 $0x0  }
0x68: {  	[sflag:s11] =	ssyncadd.s32 @!p2 $0xFFFFFF80  }
0x69: {  	_ =	swait.ge @!p2 [sflag:s11], $0x80  }
0x6a: {  	s12 =	simm.s32 @!p2 $0x6080;
	[sflag:s11] =	ssyncset.done @!p2 $0x0  }
0x6b: {  	s13 =	simm.s32 @!p2 $0x2800;
	[sflag:s11] =	ssyncadd.s32 @!p2 $0xFFFFFF80;
	s11 =	simm.s32 @!p2 $0x80  }
0x6c: {  	[tilespmem:s13], [sflag:$0x4] =	stream.indirect.gather @!p2 [hbm4b:s8+s11], $0x50, s12, s11, $0xb8;
	[tilespmem:$0x12B10] =	vst v63  }
0x6d: {  	p4 =	sge.u32 s7, s10;
	s12 =	simm.s32 @!p2 $0x6180;
	s13 =	simm.s32 @!p2 $0x5800  }
0x6e: {  	[tilespmem:s13], [sflag:$0x4] =	stream.indirect.gather @!p2 [hbm4b:s6+s11], $0x10, s12, s11, $0xb8;
	[tilespmem:$0x12B10] =	vst v63  }
0x6f: {  	s11 =	simm.s32 @!p4 $0x3  }
0x70: {  	_ =	swait.ge @!p4 [sflag:s11], $0x2800  }
0x71: {  	[sflag:s11] =	ssyncset.done @!p4 $0x0  }
0x72: {  	[sflag:s11] =	ssyncadd.s32 @!p4 $0xFFFFD800  }
0x73: {  	_ =	swait.ge @!p4 [sflag:s11], $0x800  }
0x74: {  	[sflag:s11] =	ssyncset.done @!p4 $0x0  }
0x75: {  	[sflag:s11] =	ssyncadd.s32 @!p4 $0xFFFFF800  }
0x76: {  	v2 =	vld @!p4 [tilespmem:$0x6100]  }
0x77: {  	v3 =	vld @!p4 [tilespmem:$0x6110]  }
0x78: {  	v4 =	vld @!p4 [tilespmem:$0x6120]  }
0x79: {  	v5 =	vld @!p4 [tilespmem:$0x6130]  }
0x7a: {  	v6 =	vld @!p4 [tilespmem:$0x6140]  }
0x7b: {  	[tilespmem:$0x6200] =	vst @!p4 v2;
	v2 =	vld @!p4 [tilespmem:$0x6150]  }
0x7c: {  	[tilespmem:$0x6210] =	vst @!p4 v3;
	v3 =	vld @!p4 [tilespmem:$0x6160]  }
0x7d: {  	s11 =	sadd.s32 $0x2, s7;
	[tilespmem:$0x6220] =	vst @!p4 v4;
	v4 =	vld @!p4 [tilespmem:$0x6170]  }
0x7e: {  	p3 =	sge.u32 s11, s10;
	[tilespmem:$0x6230] =	vst @!p4 v5  }
0x7f: {  	s11 =	sshll.u32 @!p3 s11, $0x7;
	[tilespmem:$0x6240] =	vst @!p4 v6  }
0x80: {  	s11 =	sadd.s32 @!p3 s9, s11;
	[tilespmem:$0x6250] =	vst @!p4 v2  }
0x81: {  	s12 =	simm.s32 @!p3 $0x6000;
	s13 =	sshrl.u32 @!p3 s11, $0x3;
	[tilespmem:$0x6260] =	vst @!p4 v3  }
.Ltmp5:
0x82: {  	s11 =	simm.s32 @!p3 $0x0;
	s14 =	sadd.s32 @!p3 s5, s13;
	[tilespmem:$0x6270] =	vst @!p4 v4;
	(pc) =	sbr.rel @p4 .LBB2_8-.Ltmp5, $4  }
0x83: {  	[tilespmem:s12], [sflag:$0x1] =	stream.linear.gather @!p3 [hbm4b:s14+s11], $0x80, $0x38;
	[tilespmem:$0x12B10] =	vst v63  }
0x84: {  	s14 =	sadd.s32 @!p3 s2, s13;
	s13 =	simm.s32 @!p3 $0x6100  }
0x85: {  	[tilespmem:s13], [sflag:$0x1] =	stream.linear.gather @!p3 [hbm4b:s14+s11], $0x80, $0x38;
	[tilespmem:$0x12B10] =	vst v63  }
0x86: {  	s14 =	simm.s32 $0x20  }
0x87: {  	v2 =	vld [tilespmem:s14+$0x20];
	s23 =	simm.s32 $0x0;
	s17 =	simm.s32 $0x40;
	s16 =	simm.s32 $0x20  }
.LBB2_6:
0x88: {  	p4 =	sne.s32 s17, $0x1FC0;
	v3 =	vld [tilespmem:s23+$0x5000];
	_ =	sdelay $0x4  }
0x89: {  	v4 =	vadd.f32 v3, v2;
	v3 =	vadd.f32 v3, v1;
	_ =	sdelay $0x1  }
0x8a: {  	v5 =	vmul.f32 $2.000000030e-01, v4;
	v6 =	vmul.f32 $2.000000030e-01, v3  }
0x8b: {  	vm1 =	vgt.f32 v4, $0.0e+00;
	vm2 =	vgt.f32 v3, $0.0e+00  }
0x8c: {  	v4 =	vsel vm1, v4, v5;
	v3 =	vsel vm2, v3, v6  }
0x8d: {  	v3 =	vsub.f32 v4, v3;
	_ =	sdelay $0x1  }
0x8e: {  	v3 =	vmul.f32 $1.442695020e+00, v3;
	_ =	sdelay $0x1  }
0x8f: {  	(erf) = vpow2.f32 v3;
	_ =	sdelay $0x5  }
0x90: {  	v3 =	vld [tilespmem:s14+$0x10]  }
0x91: {  	v4 =	vld [tilespmem:s14+$0x0]  }
0x92: {  	v5 =	vld [tilespmem:s14+$0xFFFFFFF0]  }
0x93: {  	v6 =	vld [tilespmem:s14+$0xFFFFFFE0];
	v7 =	vpop (erf)  }
0x94: {  	v7 =	vbroadcast v7, $0x0;
	_ =	sdelay $0x1  }
0x95: {  	v4 =	vmul.f32 v7, v4;
	v3 =	vmul.f32 v7, v3;
	v8 =	vnsel vm0, $0x0, v7  }
0x96: {  	v5 =	vmul.f32 v7, v5;
	v2 =	vmul.f32 v8, v2  }
.Ltmp6:
0x97: {  	v6 =	vmul.f32 v7, v6;
	[tilespmem:s14+$0x10] =	vst v3;
	(pc) =	sbr.rel @p4 .LBB2_6-.Ltmp6, $4  }
0x98: {  	[tilespmem:s14+$0x20] =	vst v2  }
0x99: {  	[tilespmem:s14+$0x0] =	vst v4  }
0x9a: {  	s14 =	sadd.s32 $0x50, s14;
	[tilespmem:s16+$0xFFFFFFF0] =	vst v5  }
0x9b: {  	s23 =	sshra.s32 s17, $0x2;
	s17 =	sadd.s32 $0x40, s17;
	v2 =	vld [tilespmem:s14+$0x20];
	[tilespmem:s16+$0xFFFFFFE0] =	vst v6;
	s16 =	smov.u32 s14  }
0x9c: {  	v3 =	vld [tilespmem:s23+$0x5000];
	_ =	sdelay $0x4  }
0x9d: {  	v4 =	vadd.f32 v3, v2;
	v3 =	vadd.f32 v3, v1;
	_ =	sdelay $0x1  }
0x9e: {  	v5 =	vmul.f32 $2.000000030e-01, v4;
	v6 =	vmul.f32 $2.000000030e-01, v3  }
0x9f: {  	vm1 =	vgt.f32 v4, $0.0e+00;
	vm2 =	vgt.f32 v3, $0.0e+00  }
0xa0: {  	v4 =	vsel vm1, v4, v5;
	v3 =	vsel vm2, v3, v6  }
0xa1: {  	v3 =	vsub.f32 v4, v3;
	_ =	sdelay $0x1  }
0xa2: {  	v3 =	vmul.f32 $1.442695020e+00, v3;
	_ =	sdelay $0x1  }
0xa3: {  	(erf) = vpow2.f32 v3;
	_ =	sdelay $0x6  }
0xa4: {  	v3 =	vld [tilespmem:s14+$0x10]  }
0xa5: {  	v61 =	vld [tilespmem:s14+$0x0]  }
0xa6: {  	v62 =	vpop (erf)  }
0xa7: {  	v63 =	vld [tilespmem:s14+$0xFFFFFFF0];
	v5 =	vbroadcast v62, $0x0  }
0xa8: {  	v7 =	vld [tilespmem:s14+$0xFFFFFFE0]  }
0xa9: {  	v3 =	vmul.f32 v5, v3  }
0xaa: {  	v8 =	vnsel vm0, $0x0, v5;
	v4 =	vmul.f32 v5, v61  }
0xab: {  	v2 =	vmul.f32 v8, v2;
	[tilespmem:s14+$0x10] =	vst v3  }
0xac: {  	v3 =	vmul.f32 v5, v63;
	[tilespmem:s14+$0x0] =	vst v4  }
0xad: {  	[tilespmem:s14+$0x20] =	vst v2;
	v2 =	vmul.f32 v5, v7  }
0xae: {  	[tilespmem:s16+$0xFFFFFFF0] =	vst v3  }
0xaf: {  	[tilespmem:s16+$0xFFFFFFE0] =	vst v2  }
0xb0: {  	[spmem:s3] =	stream.indirect.scatter.add.f32 [tilespmem:s4], [sflag:$0x5], $0x50, s26, s31, $0xb8;
	[tilespmem:$0x12B10] =	vst v63  }
.LBB2_8:
0xb1: {  	s14 =	simm.s32 @!p2 $0x5  }
0xb2: {  	_ =	swait.ge @!p2 [sflag:s14], $0x2800  }
0xb3: {  	[sflag:s14] =	ssyncset.done @!p2 $0x0  }
0xb4: {  	[sflag:s14] =	ssyncadd.s32 @!p2 $0xFFFFD800;
	s14 =	simm.s32 @!p3 $0x1  }
0xb5: {  	_ =	swait.ge @!p3 [sflag:s14], $0x80  }
0xb6: {  	[sflag:s14] =	ssyncset.done @!p3 $0x0  }
0xb7: {  	[sflag:s14] =	ssyncadd.s32 @!p3 $0xFFFFFF80  }
0xb8: {  	_ =	swait.ge @!p3 [sflag:s14], $0x80  }
0xb9: {  	[sflag:s14] =	ssyncset.done @!p3 $0x0  }
0xba: {  	[sflag:s14] =	ssyncadd.s32 @!p3 $0xFFFFFF80;
	s14 =	simm.s32 @!p3 $0x80  }
0xbb: {  	[tilespmem:s11], [sflag:$0x3] =	stream.indirect.gather @!p3 [hbm4b:s8+s14], $0x50, s12, s14, $0xb8;
	[tilespmem:$0x12B10] =	vst v63  }
0xbc: {  	s11 =	simm.s32 @!p3 $0x5000  }
0xbd: {  	[tilespmem:s11], [sflag:$0x3] =	stream.indirect.gather @!p3 [hbm4b:s6+s14], $0x10, s13, s14, $0xb8;
	[tilespmem:$0x12B10] =	vst v63  }
0xbe: {  	s11 =	simm.s32 @!p2 $0x4  }
0xbf: {  	_ =	swait.ge @!p2 [sflag:s11], $0x2800  }
0xc0: {  	[sflag:s11] =	ssyncset.done @!p2 $0x0  }
0xc1: {  	[sflag:s11] =	ssyncadd.s32 @!p2 $0xFFFFD800  }
0xc2: {  	_ =	swait.ge @!p2 [sflag:s11], $0x800  }
0xc3: {  	[sflag:s11] =	ssyncset.done @!p2 $0x0  }
0xc4: {  	[sflag:s11] =	ssyncadd.s32 @!p2 $0xFFFFF800  }
0xc5: {  	v2 =	vld @!p2 [tilespmem:$0x6180]  }
0xc6: {  	v3 =	vld @!p2 [tilespmem:$0x6190]  }
0xc7: {  	v4 =	vld @!p2 [tilespmem:$0x61A0]  }
0xc8: {  	v5 =	vld @!p2 [tilespmem:$0x61B0]  }
0xc9: {  	v6 =	vld @!p2 [tilespmem:$0x61C0]  }
0xca: {  	[tilespmem:$0x6280] =	vst @!p2 v2;
	v2 =	vld @!p2 [tilespmem:$0x61D0]  }
0xcb: {  	[tilespmem:$0x6290] =	vst @!p2 v3;
	v3 =	vld @!p2 [tilespmem:$0x61E0]  }
0xcc: {  	s7 =	sadd.s32 $0x3, s7;
	[tilespmem:$0x62A0] =	vst @!p2 v4;
	v4 =	vld @!p2 [tilespmem:$0x61F0]  }
0xcd: {  	p3 =	sge.u32 s7, s10;
	[tilespmem:$0x62B0] =	vst @!p2 v5  }
0xce: {  	s7 =	sshll.u32 @!p3 s7, $0x7;
	[tilespmem:$0x62C0] =	vst @!p2 v6  }
0xcf: {  	s7 =	sadd.s32 @!p3 s9, s7;
	[tilespmem:$0x62D0] =	vst @!p2 v2  }
.Ltmp7:
0xd0: {  	s7 =	sshrl.u32 @!p3 s7, $0x3;
	[tilespmem:$0x62E0] =	vst @!p2 v3;
	(pc) =	sbr.rel @p2 .LBB2_12-.Ltmp7, $4  }
0xd1: {  	s12 =	simm.s32 @!p3 $0x0;
	s13 =	simm.s32 @!p3 $0x6080;
	s11 =	sadd.s32 @!p3 s5, s7;
	[tilespmem:$0x62F0] =	vst @!p2 v4  }
0xd2: {  	[tilespmem:s13], [sflag:$0x2] =	stream.linear.gather @!p3 [hbm4b:s11+s12], $0x80, $0x38;
	[tilespmem:$0x12B10] =	vst v63  }
0xd3: {  	s7 =	sadd.s32 @!p3 s2, s7;
	s11 =	simm.s32 @!p3 $0x6180  }
0xd4: {  	[tilespmem:s11], [sflag:$0x2] =	stream.linear.gather @!p3 [hbm4b:s7+s12], $0x80, $0x38;
	[tilespmem:$0x12B10] =	vst v63  }
0xd5: {  	s7 =	simm.s32 $0x2840  }
0xd6: {  	s13 =	simm.s32 $0x0;
	s12 =	simm.s32 $0x40;
	s11 =	simm.s32 $0x2840;
	v2 =	vld [tilespmem:s7+$0x0]  }
.LBB2_10:
0xd7: {  	p2 =	sne.s32 s12, $0x1FC0;
	v3 =	vld [tilespmem:s13+$0x5800];
	_ =	sdelay $0x4  }
0xd8: {  	v4 =	vadd.f32 v3, v2;
	v3 =	vadd.f32 v3, v1;
	_ =	sdelay $0x1  }
0xd9: {  	v5 =	vmul.f32 $2.000000030e-01, v4;
	v6 =	vmul.f32 $2.000000030e-01, v3  }
0xda: {  	vm1 =	vgt.f32 v4, $0.0e+00;
	vm2 =	vgt.f32 v3, $0.0e+00  }
0xdb: {  	v4 =	vsel vm1, v4, v5;
	v3 =	vsel vm2, v3, v6  }
0xdc: {  	v3 =	vsub.f32 v4, v3;
	_ =	sdelay $0x1  }
0xdd: {  	v3 =	vmul.f32 $1.442695020e+00, v3;
	_ =	sdelay $0x1  }
0xde: {  	(erf) = vpow2.f32 v3;
	_ =	sdelay $0x5  }
0xdf: {  	v3 =	vld [tilespmem:s7+$0xFFFFFFF0]  }
0xe0: {  	v4 =	vld [tilespmem:s7+$0xFFFFFFE0]  }
0xe1: {  	v5 =	vld [tilespmem:s7+$0xFFFFFFD0]  }
0xe2: {  	v6 =	vld [tilespmem:s7+$0xFFFFFFC0];
	v7 =	vpop (erf)  }
0xe3: {  	v7 =	vbroadcast v7, $0x0;
	_ =	sdelay $0x1  }
0xe4: {  	v4 =	vmul.f32 v7, v4;
	v3 =	vmul.f32 v7, v3;
	v8 =	vnsel vm0, $0x0, v7  }
0xe5: {  	v5 =	vmul.f32 v7, v5;
	v2 =	vmul.f32 v8, v2  }
.Ltmp8:
0xe6: {  	v6 =	vmul.f32 v7, v6;
	[tilespmem:s7+$0xFFFFFFF0] =	vst v3;
	(pc) =	sbr.rel @p2 .LBB2_10-.Ltmp8, $4  }
0xe7: {  	[tilespmem:s7+$0x0] =	vst v2  }
0xe8: {  	[tilespmem:s7+$0xFFFFFFE0] =	vst v4  }
0xe9: {  	s7 =	sadd.s32 $0x50, s7;
	[tilespmem:s11+$0xFFFFFFD0] =	vst v5  }
0xea: {  	s13 =	sshra.s32 s12, $0x2;
	s12 =	sadd.s32 $0x40, s12;
	v2 =	vld [tilespmem:s7+$0x0];
	[tilespmem:s11+$0xFFFFFFC0] =	vst v6;
	s11 =	smov.u32 s7  }
0xeb: {  	v3 =	vld [tilespmem:s13+$0x5800];
	_ =	sdelay $0x4  }
0xec: {  	v4 =	vadd.f32 v3, v2;
	v3 =	vadd.f32 v3, v1;
	_ =	sdelay $0x1  }
0xed: {  	v5 =	vmul.f32 $2.000000030e-01, v4;
	v6 =	vmul.f32 $2.000000030e-01, v3  }
0xee: {  	vm1 =	vgt.f32 v4, $0.0e+00;
	vm2 =	vgt.f32 v3, $0.0e+00  }
0xef: {  	v4 =	vsel vm1, v4, v5;
	v3 =	vsel vm2, v3, v6  }
0xf0: {  	v3 =	vsub.f32 v4, v3;
	_ =	sdelay $0x1  }
0xf1: {  	v3 =	vmul.f32 $1.442695020e+00, v3;
	_ =	sdelay $0x1  }
0xf2: {  	(erf) = vpow2.f32 v3;
	_ =	sdelay $0x6  }
0xf3: {  	v3 =	vld [tilespmem:s7+$0xFFFFFFF0]  }
0xf4: {  	v61 =	vld [tilespmem:s7+$0xFFFFFFE0]  }
0xf5: {  	v62 =	vpop (erf)  }
0xf6: {  	v63 =	vld [tilespmem:s7+$0xFFFFFFD0];
	v5 =	vbroadcast v62, $0x0  }
0xf7: {  	v7 =	vld [tilespmem:s7+$0xFFFFFFC0]  }
0xf8: {  	v3 =	vmul.f32 v5, v3  }
0xf9: {  	v8 =	vnsel vm0, $0x0, v5;
	v4 =	vmul.f32 v5, v61  }
0xfa: {  	v2 =	vmul.f32 v8, v2;
	[tilespmem:s7+$0xFFFFFFF0] =	vst v3  }
.Ltmp9:
0xfb: {  	v3 =	vmul.f32 v5, v63;
	[tilespmem:s7+$0xFFFFFFE0] =	vst v4;
	(pc) =	sbr.rel .LBB2_12-.Ltmp9, $4  }
0xfc: {  	[tilespmem:s7+$0x0] =	vst v2;
	v2 =	vmul.f32 v5, v7  }
0xfd: {  	[tilespmem:s11+$0xFFFFFFD0] =	vst v3  }
0xfe: {  	[tilespmem:s11+$0xFFFFFFC0] =	vst v2  }
0xff: {  	[spmem:s3] =	stream.indirect.scatter.add.f32 [tilespmem:s25], [sflag:$0x6], $0x50, s28, s31, $0xb8;
	[tilespmem:$0x12B10] =	vst v63  }
.LBB2_14:
0x100: {  	_ =	sfence.sel $0x180000  }
0x101: {  	[bflag:$0x0] =	sbarrier.arrive $0xFFFF  }
0x102: {  	_ =	strace $0x9000004A  }
0x103: {  	s0 =	stileid.u32;
	[bflag:$0x2] =	sbarrier.arrive $0xFFFF  }
0x104: {  	p0 =	sne.s32 s0, $0x0;
	s0 =	rddreg [dreg:$0x3]  }
0x105: {  	s0 =	sadd.s32 @!p0 $0x100000, s0  }
0x106: {  	[sflag:s0] =	ssyncadd.tile.s32 @!p0 $0x1;
	_ =	shalt  }
.Lfunc_end2:
_tile_overlayer_lowered:
.L_overlay_start_2:
0x107: {  	(tag) =	ssettag $0x2  }
0x108: {  	s0 =	rddreg [dreg:$0x0];
	s2 =	stileid.u32  }
0x109: {  	s1 =	rddreg [dreg:$0x1];
	p0 =	sne.s32 s2, $0x0  }
0x10a: {  	s3 =	rddreg [dreg:$0x2];
	[bflag:$0x3] =	sbarrier.arrive $0xFFFF;
	s2 =	simm.s32 @!p0 $0x1C07  }
0x10b: {  	[timem:s3], [sflag:s2] =	dma.local @!p0 [hbm:s0], s1  }
0x10c: {  	s0 =	simm.s32 @!p0 $0x7  }
0x10d: {  	_ =	swait.ge @!p0 [sflag:s0], s1  }
0x10e: {  	s1 =	ssub.s32 @!p0 $0x0, s1;
	[sflag:s0] =	ssyncset.done @!p0 $0x0  }
0x10f: {  	[sflag:s0] =	ssyncadd.s32 @!p0 s1  }
0x110: {  	[bflag:$0x3] =	sbarrier.arrive $0xFFFF  }
0x111: {  	_ =	shalt  }

// kernel: kernel.7.cloned.1.call-start
scs
__scs_entry_jumppad:
0x0: {  	(pc) =	sbr.rel $0x88, $3  }
0x1: {  	(tag) =	ssettag $0x0;
	lr =	simm.s32 $0x1  }
0x2: {  	[smem:$0x3F91] =	sst lr;
	_ =	strace $0xD0000000  }
0x3: {  	_ = 	snop  }
0x4: {  	_ = 	snop  }
0x5: {  	_ = 	snop  }
0x6: {  	_ = 	snop  }
0x7: {  	_ = 	snop  }
__scs_overlays_trampoline_lowered:
0x8: {  	[smem:$0x3FA0] =	sst s0  }
0x9: {  	[smem:$0x3FA1] =	sst s1  }
0xa: {  	[smem:$0x3FA2] =	sst s2  }
0xb: {  	[smem:$0x3FA3] =	sst s3  }
0xc: {  	[smem:$0x3FA4] =	sst s4  }
0xd: {  	[smem:$0x3FA5] =	sst s5  }
0xe: {  	[smem:$0x3FA6] =	sst s6  }
0xf: {  	[smem:$0x3FA7] =	sst s7  }
0x10: {  	[smem:$0x3FA8] =	sst s8  }
0x11: {  	[smem:$0x3FA9] =	sst s9;
	s0 =	simm.s32 @!p0 $0x0  }
0x12: {  	s1 =	sld [smem:$0x3F8F];
	s0 =	simm.s32 @p0 $0x1  }
0x13: {  	[smem:$0x3FAA] =	sst s0;
	s0 =	simm.s32 @!p1 $0x0  }
0x14: {  	s2 =	sld [smem:$0x3F8E];
	s0 =	simm.s32 @p1 $0x1  }
0x15: {  	[smem:$0x3FAB] =	sst s0;
	s0 =	simm.s32 @!p2 $0x0  }
0x16: {  	s3 =	sld [smem:$0x3FDB];
	s0 =	simm.s32 @p2 $0x1  }
0x17: {  	s4 =	simm.s32 $0x1BF5;
	[smem:$0x3FAD] =	sst s0  }
0x18: {  	s0 =	sld [smem:$0x3F90];
	_ =	swait.ge [sflag:s4], $0x0  }
0x19: {  	s7 =	sld [smem:$0x3F91]  }
0x1a: {  	s8 =	sadd.s32 $0xFFFFE003, lr  }
0x1b: {  	s9 =	sadd.s32 $0xFFFFFEF7, lr;
	s5 =	simm.s32 $0xFFFFFFFF;
	p2 =	slt.u32 s8, $0xFFFFF086  }
0x1c: {  	p1 =	slt.u32 s9, $0xF7A;
	s5 =	simm.s32 @!p2 $0x0  }
0x1d: {  	s5 =	simm.s32 @p1 $0x1;
	p0 =	seq.s32 s7, s2  }
0x1e: {  	s7 =	smul.u32 @!p0 $0xF7A, s2;
	p2 =	seq.s32 @!p0 s5, $0x0  }
0x1f: {  	s9 =	smul.u32 $0xF7A, s1;
	s8 =	simm.s32 @!p0 $0x1BF5;
	p2 =	por !p2, p0  }
0x20: {  	[sflag:s8] =	ssyncset.s32 @!p0 $0xFFFFF086;
	s6 =	sadd.s32 @!p0 s3, s7;
	s7 =	simm.s32 @!p0 $0x108  }
0x21: {  	s3 =	sadd.s32 s3, s9;
	s6 =	sadd.s32 @!p0 $0x88, s6;
	s7 =	simm.s32 @p2 $0x1082  }
0x22: {  	[simem:s7], [sflag:s8] =	dma.local @!p0 [hbm:s6], $0xF7A  }
0x23: {  	s9 =	sor.u32 $0xD0000000, s2;
	s6 =	simm.s32 $0x108;
	_ =	swait.ge @!p0 [sflag:s8], $0x0  }
0x24: {  	s3 =	sadd.s32 $0x88, s3;
	s6 =	simm.s32 @!p1 $0x1082;
	[sflag:s4] =	ssyncset.s32 $0xFFFFF086  }
0x25: {  	[simem:s6], [sflag:s4] =	dma.local [hbm:s3], $0xF7A  }
0x26: {  	[smem:$0x3F91] =	sst s1;
	(tag) =	ssettag s2;
	_ =	strace s9  }
0x27: {  	s1 =	sld [smem:$0x3FA1]  }
0x28: {  	s2 =	sld [smem:$0x3FA2]  }
0x29: {  	s4 =	sld [smem:$0x3FA4]  }
0x2a: {  	p0 =	seq.s32 s5, $0x0;
	s5 =	sld [smem:$0x3FA5]  }
0x2b: {  	s6 =	sld [smem:$0x3FA6]  }
0x2c: {  	s7 =	sld [smem:$0x3FA7]  }
0x2d: {  	s3 =	simm.s32 $0x108;
	s8 =	sld [smem:$0x3FA8]  }
0x2e: {  	s3 =	simm.s32 @!p0 $0x1082;
	s9 =	sld [smem:$0x3FA9]  }
0x2f: {  	lr =	sadd.s32 s0, s3;
	s0 =	sld [smem:$0x3FA0]  }
0x30: {  	s3 =	sld [smem:$0x3FA3]  }
0x31: {  	[smem:$0x3FAC] =	sst s10  }
0x32: {  	s10 =	sld [smem:$0x3FAA];
	_ =	sdelay $0x3  }
0x33: {  	p0 =	seq.s32 s10, $0x1;
	s10 =	sld [smem:$0x3FAC];
	_ =	sdelay $0x3  }
0x34: {  	[smem:$0x3FAC] =	sst s10  }
0x35: {  	s10 =	sld [smem:$0x3FAB];
	_ =	sdelay $0x3  }
0x36: {  	p1 =	seq.s32 s10, $0x1;
	s10 =	sld [smem:$0x3FAC];
	_ =	sdelay $0x3  }
0x37: {  	[smem:$0x3FAC] =	sst s10  }
0x38: {  	s10 =	sld [smem:$0x3FAD]  }
0x39: {  	_ = 	snop;
	(pc) =	sbr.ind lr, $3  }
0x3a: {  	_ = 	snop  }
0x3b: {  	_ = 	snop  }
0x3c: {  	p2 =	seq.s32 s10, $0x1;
	s10 =	sld [smem:$0x3FAC]  }
0x3d: {  	_ =	shalt  }
0x3e: {  	_ =	shalt  }
0x3f: {  	_ =	shalt  }
0x40: {  	_ =	shalt  }
0x41: {  	_ =	shalt  }
0x42: {  	_ =	shalt  }
0x43: {  	_ =	shalt  }
0x44: {  	_ =	shalt  }
0x45: {  	_ =	shalt  }
0x46: {  	_ =	shalt  }
0x47: {  	_ =	shalt  }
0x48: {  	_ =	shalt  }
0x49: {  	_ =	shalt  }
0x4a: {  	_ =	shalt  }
0x4b: {  	_ =	shalt  }
0x4c: {  	_ =	shalt  }
0x4d: {  	_ =	shalt  }
0x4e: {  	_ =	shalt  }
0x4f: {  	_ =	shalt  }
0x50: {  	_ =	shalt  }
0x51: {  	_ =	shalt  }
0x52: {  	_ =	shalt  }
0x53: {  	_ =	shalt  }
0x54: {  	_ =	shalt  }
0x55: {  	_ =	shalt  }
0x56: {  	_ =	shalt  }
0x57: {  	_ =	shalt  }
0x58: {  	_ =	shalt  }
0x59: {  	_ =	shalt  }
0x5a: {  	_ =	shalt  }
0x5b: {  	_ =	shalt  }
0x5c: {  	_ =	shalt  }
0x5d: {  	_ =	shalt  }
0x5e: {  	_ =	shalt  }
0x5f: {  	_ =	shalt  }
0x60: {  	_ =	shalt  }
0x61: {  	_ =	shalt  }
0x62: {  	_ =	shalt  }
0x63: {  	_ =	shalt  }
0x64: {  	_ =	shalt  }
0x65: {  	_ =	shalt  }
0x66: {  	_ =	shalt  }
0x67: {  	_ =	shalt  }
0x68: {  	_ =	shalt  }
0x69: {  	_ =	shalt  }
0x6a: {  	_ =	shalt  }
0x6b: {  	_ =	shalt  }
0x6c: {  	_ =	shalt  }
0x6d: {  	_ =	shalt  }
0x6e: {  	_ =	shalt  }
0x6f: {  	_ =	shalt  }
0x70: {  	_ =	shalt  }
0x71: {  	_ =	shalt  }
0x72: {  	_ =	shalt  }
0x73: {  	_ =	shalt  }
0x74: {  	_ =	shalt  }
0x75: {  	_ =	shalt  }
0x76: {  	_ =	shalt  }
0x77: {  	_ =	shalt  }
0x78: {  	_ =	shalt  }
0x79: {  	_ =	shalt  }
0x7a: {  	_ =	shalt  }
0x7b: {  	_ =	shalt  }
0x7c: {  	_ =	shalt  }
0x7d: {  	_ =	shalt  }
0x7e: {  	_ =	shalt  }
0x7f: {  	_ =	shalt  }
0x80: {  	_ =	shalt  }
0x81: {  	_ =	shalt  }
0x82: {  	_ =	shalt  }
0x83: {  	_ =	shalt  }
0x84: {  	_ =	shalt  }
0x85: {  	_ =	shalt  }
0x86: {  	_ =	shalt  }
0x87: {  	_ =	shalt  }
.Lfunc_end0:
.L_simem_size_0:
called_computation_lowered:
.L_overlay_start_0:
0x88: {  	s2 =	sld [smem:$0x3FD9]  }
0x89: {  	s3 =	sld [smem:$0x3FFE];
	_ =	sdelay $0x1  }
0x8a: {  	s1 =	srdreg.scid  }
0x8b: {  	s0 =	sand.u32 $0x1, s1  }
0x8c: {  	s16 =	sshll.u32 s0, $0xA;
	s2 =	sadd.s32 s3, s2  }
0x8d: {  	s2 =	sadd.s32 s2, s16  }
0x8e: {  	[smem:$0x3FB8] =	sst s2  }
0x8f: {  	_ = 	snop  }
0x90: {  	(tm) =	ssettm $0x1  }
0x91: {  	s17 =	sld [smem:$0x3FFB];
	_ =	sdelay $0x3  }
0x92: {  	_ =	strace s17  }
0x93: {  	s2 =	sld [smem:$0x3FFC];
	_ =	sdelay $0x3  }
0x94: {  	_ =	strace s2  }
0x95: {  	s2 =	sld [smem:$0x3FFD];
	_ =	sdelay $0x3  }
0x96: {  	_ =	strace s2  }
0x97: {  	_ =	strace $0x8FFFFFFF  }
0x98: {  	s18 =	sld [smem:$0x3FDB];
	_ =	sdelay $0x1  }
0x99: {  	s19 =	simm.s32 $_scs_section_size  }
0x9a: {  	s4 =	simm.s32 $_size__tile_overlayer_lowered;
	s5 =	simm.s32 $_tile_overlayer_lowered  }
0x9b: {  	s22 =	simm.s32 $0x1BFF;
	s21 =	sshll.u32 s5, $0x1;
	s2 =	sadd.s32 s19, s18  }
0x9c: {  	s6 =	simm.s32 $0x0;
	s20 =	sshll.u32 s4, $0x1;
	s4 =	sadd.s32 s21, s2  }
0x9d: {  	[timem:s6], [sflag:s22] =	dma.local [hbm:s4], s20  }
0x9e: {  	_ =	swait.ge [sflag:s22], s20  }
0x9f: {  	s3 =	ssub.s32 $0x0, s20;
	[sflag:s22] =	ssyncset.done $0x0  }
0xa0: {  	[sflag:s22] =	ssyncadd.s32 s3;
	_ =	sdelay $0x1  }
0xa1: {  	s23 =	simm.s32 $0x1B8B  }
0xa2: {  	_ =	swait.ge [sflag:s23], $0x1  }
0xa3: {  	[sflag:s23] =	ssyncset.done $0x0  }
0xa4: {  	s25 =	simm.s32 $0x1B8E;
	s24 =	sld [smem:$0x3FFE];
	[sflag:s23] =	ssyncadd.s32 $0xFFFFFFFF  }
0xa5: {  	s26 =	simm.s32 $execute0_lowered;
	[smem:$0x3FD2] =	sst s25  }
0xa6: {  	s4 =	sshll.u32 s26, $0x1;
	_ =	strace $0x80000046;
	[dreg:$0x1] =	wrdreg $0xFFFFFFFF  }
0xa7: {  	s28 =	simm.s32 $_size_execute0_lowered;
	s2 =	sadd.s32 s2, s4;
	[dreg:$0x0] =	wrdreg $0x0  }
0xa8: {  	s4 =	sshll.u32 s28, $0x1;
	[dreg:$0x2] =	wrdreg s2  }
0xa9: {  	[dreg:$0x3] =	wrdreg s4  }
0xaa: {  	[dreg:$0x4] =	wrdreg $0xC0  }
0xab: {  	_ =	task [dreg:s6], $0x5FFFF  }
0xac: {  	[dreg:$0x1] =	wrdreg $0xFFFFFFFF  }
0xad: {  	[dreg:$0x0] =	wrdreg $0x60  }
0xae: {  	[dreg:$0x2] =	wrdreg s24  }
0xaf: {  	[dreg:$0x3] =	wrdreg $0x66900  }
0xb0: {  	[dreg:$0x4] =	wrdreg $0x9  }
0xb1: {  	_ =	task.clear_ibuf [dreg:s6], $0x5FFFF;
	_ =	strace $0x90000046  }
0xb2: {  	s29 =	simm.s32 $0x9;
	_ =	strace $0x80000048  }
0xb3: {  	_ =	swait.ge [sflag:s29], $0x1  }
0xb4: {  	[sflag:s29] =	ssyncadd.s32 $0xFFFFFFFF  }
0xb5: {  	_ =	strace $0x90000048  }
0xb6: {  	_ =	sfence  }
0xb7: {  	s30 =	sld [smem:$0x0];
	_ =	sdelay $0x2  }
0xb8: {  	s31 =	sshll.u32 s1, $0xD;
	s1 =	sshrl.u32 s1, $0x2  }
0xb9: {  	s3 =	sand.u32 $0x4000, s31;
	s1 =	sadd.s32 s1, s30  }
0xba: {  	s0 =	sor.u32 s3, s0;
	s1 =	sshll.u32 s1, $0x11  }
0xbb: {  	s0 =	sor.u32 s1, s0  }
0xbc: {  	s0 =	sadd.s32 $0x8F2B, s0  }
0xbd: {  	[sflag:s0] =	ssyncadd.remote.s32 $0x1  }
0xbe: {  	_ =	sfence.sel $0xFFFF  }
0xbf: {  	[dreg:$0x0] =	wrdreg $0xFFFFFFFF;
	(pc) =	sbr.abs _section_cstart, $3  }
0xc0: {  	[dreg:$0x1] =	wrdreg $0xFFFFFFFF  }
0xc1: {  	_ =	task.clear_ibuf [dreg:s6], $0x2FFFF;
	_ =	strace $0x9FFFFFFF  }
0xc2: {  	(tm) =	ssettm $0x7FFFFFFF  }
0xc3: {  	_ =	shalt  }
tec
execute0_lowered:
.L_overlay_start_1:
0x0: {  	(tag) =	ssettag $0x1  }
0x1: {  	s0 =	rddreg [dreg:$0x0]  }
0x2: {  	s2 =	rddreg [dreg:$0x1]  }
0x3: {  	s1 =	srdreg.scid;
	s12 =	stileid.u32  }
0x4: {  	s3 =	simm.s32 $0x0;
	s29 =	simm.s32 $0x64F0;
	s31 =	simm.s32 $0x7  }
0x5: {  	s28 =	simm.s32 $0x2D00;
	s30 =	simm.s32 $0x2;
	s7 =	smul.u32 $0x16800, s12  }
0x6: {  	s1 =	sand.u32 $0x1, s1;
	[smem:$0x7FF] =	sst s3;
	s11 =	smul.u32 $0x4E20, s12  }
0x7: {  	s4 =	sadd.s32 $0x10A00, s0;
	s5 =	sadd.s32 $0x6C00, s0;
	s12 =	smul.u32 $0x5A000, s12  }
0x8: {  	s6 =	sadd.s32 $0x1C00, s0;
	s9 =	sadd.s32 $0x9E000, s0;
	s8 =	smul.u32 $0x168000, s1  }
0x9: {  	_ =	strace $0x80000047;
	[dreg:$0x3] =	wrdreg s9;
	s10 =	ssub.s32 $0x2, s1  }
0xa: {  	s19 =	smul.u32 $0x2710, s1;
	p0 =	seq.s32 s1, $0x0;
	s1 =	simm.s32 $0x6630  }
0xb: {  	s14 =	sshrl.u32 s10, $0x1;
	s15 =	sshrl.u32 s11, $0x3;
	s18 =	sshrl.u32 s12, $0x2  }
0xc: {  	s12 =	simm.s32 $0x4;
	s8 =	sadd.s32 s7, s8;
	s9 =	ssub.s32 s10, s14  }
0xd: {  	s16 =	sadd.s32 s5, s15;
	s10 =	sadd.s32 $0xA, s15;
	s20 =	sadd.s32 s18, s2  }
0xe: {  	s14 =	simm.s32 $0x6590;
	[dreg:$0x5] =	wrdreg s16;
	s17 =	sadd.s32 s4, s10  }
0xf: {  	s13 =	sshrl.u32 s8, $0x3;
	s10 =	sadd.s32 s5, s10;
	[dreg:$0x6] =	wrdreg s17  }
0x10: {  	s8 =	sadd.s32 $0x9E200, s0;
	s21 =	sadd.s32 $0x5A00, s20;
	[dreg:$0x7] =	wrdreg s10  }
0x11: {  	s22 =	sadd.s32 $0x8700, s20;
	s23 =	sadd.s32 $0xB400, s20;
	[dreg:$0x9] =	wrdreg s21  }
0x12: {  	s24 =	sadd.s32 $0xE100, s20;
	s25 =	sadd.s32 $0x10E00, s20;
	[dreg:$0xa] =	wrdreg s22  }
0x13: {  	s26 =	smax.u32 s9, $0x1;
	s9 =	simm.s32 $0x3;
	[dreg:$0xb] =	wrdreg s23  }
0x14: {  	s16 =	simm.s32 $0x0;
	s0 =	sadd.s32 s13, s0;
	[dreg:$0xc] =	wrdreg s24  }
0x15: {  	s13 =	sadd.s32 s4, s15;
	s10 =	sadd.s32 $0x2D00, s20;
	[dreg:$0xd] =	wrdreg s25  }
0x16: {  	s21 =	sadd.s32 $0xA0, s11;
	s22 =	sadd.s32 $0xF0, s11;
	[dreg:$0x10] =	wrdreg s26  }
0x17: {  	s25 =	simm.s32 $0x50;
	s11 =	simm.s32 $0x5;
	[dreg:$0x4] =	wrdreg s13  }
0x18: {  	s13 =	sadd.s32 s7, s2;
	[dreg:$0x8] =	wrdreg s10;
	s7 =	sadd.s32 $0x13B00, s20  }
0x19: {  	v1 =	vimm.f32 $0.0e+00;
	s0 =	sadd.s32 $0x1A800, s0;
	s10 =	simm.s32 $0x6540;
	[dreg:$0xe] =	wrdreg s7  }
0x1a: {  	vm0 =	vcmask $0x1714;
	vm1 =	vcmask $0xF14;
	v0 =	vmov s19;
	[dreg:$0xf] =	wrdreg s0;
	s0 =	simm.s32 $0x1;
	s7 =	simm.s32 $0x5F00  }
.LBB2_1:
0x1b: {  	s15 =	rddreg [dreg:$0x4];
	s17 =	simm.s32 $0x6400  }
0x1c: {  	[tilespmem:s17], [sflag:$0x1] =	stream.linear.gather [hbm4b:s15+s3], $0x50, $0x38;
	[tilespmem:$0x1CE90] =	vst v63  }
0x1d: {  	s24 =	rddreg [dreg:$0x5];
	s17 =	simm.s32 $0x64A0  }
0x1e: {  	[tilespmem:s17], [sflag:$0x1] =	stream.linear.gather [hbm4b:s24+s3], $0x50, $0x38;
	[tilespmem:$0x1CE90] =	vst v63  }
0x1f: {  	s26 =	rddreg [dreg:$0x6];
	s18 =	simm.s32 $0x6450  }
0x20: {  	[tilespmem:s18], [sflag:$0x2] =	stream.linear.gather [hbm4b:s26+s3], $0x50, $0x38;
	[tilespmem:$0x1CE90] =	vst v63  }
0x21: {  	s19 =	rddreg [dreg:$0x7]  }
0x22: {  	[tilespmem:s29], [sflag:$0x2] =	stream.linear.gather [hbm4b:s19+s3], $0x50, $0x38;
	[tilespmem:$0x1CE90] =	vst v63  }
0x23: {  	s20 =	rddreg [dreg:$0x3];
	s23 =	simm.s32 $0x6680  }
0x24: {  	[tilespmem:s23], [sflag:$0x7] =	stream.linear.gather [hbm4b:s20+s3], $0x10, $0x38;
	[tilespmem:$0x1CE90] =	vst v63  }
0x25: {  	_ =	swait.ge [sflag:s31], $0x10  }
0x26: {  	[sflag:s31] =	ssyncset.done $0x0  }
0x27: {  	[sflag:s31] =	ssyncadd.s32 $0xFFFFFFF0  }
0x28: {  	v2 =	vld [tilespmem:$0x6680];
	_ =	swait.ge [sflag:s0], $0x50  }
0x29: {  	[sflag:s0] =	ssyncset.done $0x0  }
0x2a: {  	[sflag:s0] =	ssyncadd.s32 $0xFFFFFFB0  }
0x2b: {  	_ =	swait.ge [sflag:s0], $0x50  }
0x2c: {  	[sflag:s0] =	ssyncset.done $0x0  }
0x2d: {  	[sflag:s0] =	ssyncadd.s32 $0xFFFFFFB0  }
0x2e: {  	v3 =	vld [tilespmem:$0x6400]  }
0x2f: {  	v4 =	vld [tilespmem:$0x6410]  }
0x30: {  	v5 =	vld [tilespmem:$0x6420]  }
0x31: {  	v6 =	vld [tilespmem:$0x6430]  }
0x32: {  	v7 =	vld [tilespmem:$0x6440]  }
0x33: {  	v3 =	vadd.s32 v0, v3  }
0x34: {  	[tilespmem:$0x65E0] =	vst v3;
	v3 =	vadd.s32 v0, v4  }
0x35: {  	[tilespmem:$0x65F0] =	vst v3;
	v3 =	vadd.s32 v0, v5  }
0x36: {  	[tilespmem:$0x6600] =	vst v3;
	v3 =	vadd.s32 v0, v6  }
0x37: {  	[tilespmem:$0x6610] =	vst v3;
	v3 =	vadd.s32 v0, v7  }
0x38: {  	s24 =	simm.s32 $0x65E0;
	[tilespmem:$0x6620] =	vst v3  }
0x39: {  	[tilespmem:s3], [sflag:$0x3] =	stream.indirect.gather [hbm4b:s8+s25], $0x90, s24, s25, $0xb8;
	[tilespmem:$0x1CE90] =	vst v63  }
0x3a: {  	s26 =	simm.s32 $0x5A00  }
0x3b: {  	[tilespmem:s26], [sflag:$0x3] =	stream.indirect.gather [hbm4b:s6+s25], $0x10, s17, s25, $0xb8;
	[tilespmem:$0x1CE90] =	vst v63  }
0x3c: {  	s18 =	simm.s32 $0x240;
	s17 =	simm.s32 $0x0  }
.LBB2_2:
0x3d: {  	p1 =	sne.s32 s18, $0xB1C0;
	[tilespmem:s17+$0x2D80] =	vst v1  }
0x3e: {  	[tilespmem:s17+$0x2D00] =	vst v1  }
0x3f: {  	[tilespmem:s17+$0x2D10] =	vst v1  }
0x40: {  	[tilespmem:s17+$0x2D20] =	vst v1  }
.Ltmp0:
0x41: {  	[tilespmem:s17+$0x2D30] =	vst v1;
	(pc) =	sbr.rel @p1 .LBB2_2-.Ltmp0, $4  }
0x42: {  	[tilespmem:s17+$0x2D40] =	vst v1  }
0x43: {  	[tilespmem:s17+$0x2D50] =	vst v1  }
0x44: {  	[tilespmem:s17+$0x2D60] =	vst v1  }
0x45: {  	[tilespmem:s17+$0x2D70] =	vst v1;
	s17 =	sshra.s32 s18, $0x2;
	s18 =	sadd.s32 $0x240, s18  }
0x46: {  	[tilespmem:s17+$0x2D80] =	vst v1  }
0x47: {  	[tilespmem:s17+$0x2D00] =	vst v1  }
0x48: {  	[tilespmem:s17+$0x2D10] =	vst v1  }
0x49: {  	[tilespmem:s17+$0x2D20] =	vst v1  }
0x4a: {  	[tilespmem:s17+$0x2D30] =	vst v1  }
0x4b: {  	[tilespmem:s17+$0x2D40] =	vst v1  }
0x4c: {  	[tilespmem:s17+$0x2D50] =	vst v1  }
0x4d: {  	[tilespmem:s17+$0x2D60] =	vst v1  }
0x4e: {  	[tilespmem:s17+$0x2D70] =	vst v1  }
0x4f: {  	[spmem:s13] =	stream.linear.scatter [tilespmem:s28], [sflag:$0x7], $0x2D00, $0x38;
	[tilespmem:$0x1CE90] =	vst v63  }
0x50: {  	_ =	swait.ge [sflag:s31], $0x2D00  }
0x51: {  	[sflag:s31] =	ssyncset.done $0x0  }
0x52: {  	s15 =	rddreg [dreg:$0x8];
	[sflag:s31] =	ssyncadd.s32 $0xFFFFD300  }
0x53: {  	[spmem:s15] =	stream.linear.scatter [tilespmem:s28], [sflag:$0x7], $0x2D00, $0x38;
	[tilespmem:$0x1CE90] =	vst v63  }
0x54: {  	_ =	swait.ge [sflag:s31], $0x2D00  }
0x55: {  	[sflag:s31] =	ssyncset.done $0x0  }
0x56: {  	s18 =	rddreg [dreg:$0x9];
	[sflag:s31] =	ssyncadd.s32 $0xFFFFD300  }
0x57: {  	[spmem:s18] =	stream.linear.scatter [tilespmem:s28], [sflag:$0x7], $0x2D00, $0x38;
	[tilespmem:$0x1CE90] =	vst v63  }
0x58: {  	_ =	swait.ge [sflag:s31], $0x2D00  }
0x59: {  	[sflag:s31] =	ssyncset.done $0x0  }
0x5a: {  	s19 =	rddreg [dreg:$0xa];
	[sflag:s31] =	ssyncadd.s32 $0xFFFFD300  }
0x5b: {  	[spmem:s19] =	stream.linear.scatter [tilespmem:s28], [sflag:$0x7], $0x2D00, $0x38;
	[tilespmem:$0x1CE90] =	vst v63  }
0x5c: {  	_ =	swait.ge [sflag:s31], $0x2D00  }
0x5d: {  	[sflag:s31] =	ssyncset.done $0x0  }
0x5e: {  	s20 =	rddreg [dreg:$0xb];
	[sflag:s31] =	ssyncadd.s32 $0xFFFFD300  }
0x5f: {  	[spmem:s20] =	stream.linear.scatter [tilespmem:s28], [sflag:$0x7], $0x2D00, $0x38;
	[tilespmem:$0x1CE90] =	vst v63  }
0x60: {  	_ =	swait.ge [sflag:s31], $0x2D00  }
0x61: {  	[sflag:s31] =	ssyncset.done $0x0  }
0x62: {  	s23 =	rddreg [dreg:$0xc];
	[sflag:s31] =	ssyncadd.s32 $0xFFFFD300  }
0x63: {  	[spmem:s23] =	stream.linear.scatter [tilespmem:s28], [sflag:$0x7], $0x2D00, $0x38;
	[tilespmem:$0x1CE90] =	vst v63  }
0x64: {  	_ =	swait.ge [sflag:s31], $0x2D00  }
0x65: {  	[sflag:s31] =	ssyncset.done $0x0  }
0x66: {  	s24 =	rddreg [dreg:$0xd];
	[sflag:s31] =	ssyncadd.s32 $0xFFFFD300  }
0x67: {  	[spmem:s24] =	stream.linear.scatter [tilespmem:s28], [sflag:$0x7], $0x2D00, $0x38;
	[tilespmem:$0x1CE90] =	vst v63  }
0x68: {  	_ =	swait.ge [sflag:s31], $0x2D00  }
0x69: {  	[sflag:s31] =	ssyncset.done $0x0  }
0x6a: {  	s26 =	rddreg [dreg:$0xe];
	[sflag:s31] =	ssyncadd.s32 $0xFFFFD300  }
0x6b: {  	[spmem:s26] =	stream.linear.scatter [tilespmem:s28], [sflag:$0x7], $0x2D00, $0x38;
	[tilespmem:$0x1CE90] =	vst v63  }
0x6c: {  	_ =	swait.ge [sflag:s31], $0x2D00  }
0x6d: {  	[sflag:s31] =	ssyncset.done $0x0  }
0x6e: {  	[sflag:s31] =	ssyncadd.s32 $0xFFFFD300  }
0x6f: {  	s17 =	simm.s32 $0x0;
	[bflag:$0x0] =	sbarrier.arrive $0xFFFF  }
.LBB2_4:
0x70: {  	p1 =	seq.s32 s17, $0x0  }
0x71: {  	s18 =	simm.s32 @!p1 $0x6  }
0x72: {  	_ =	swait.ge @!p1 [sflag:s18], $0x2D00  }
0x73: {  	[sflag:s18] =	ssyncset.done @!p1 $0x0  }
0x74: {  	[sflag:s18] =	ssyncadd.s32 @!p1 $0xFFFFD300  }
0x75: {  	_ =	swait.ge [sflag:s30], $0x50  }
0x76: {  	[sflag:s30] =	ssyncset.done $0x0  }
0x77: {  	[sflag:s30] =	ssyncadd.s32 $0xFFFFFFB0  }
0x78: {  	_ =	swait.ge [sflag:s30], $0x50  }
0x79: {  	[sflag:s30] =	ssyncset.done $0x0  }
0x7a: {  	[sflag:s30] =	ssyncadd.s32 $0xFFFFFFB0  }
0x7b: {  	v3 =	vld [tilespmem:$0x6450]  }
0x7c: {  	v4 =	vld [tilespmem:$0x6460]  }
0x7d: {  	v5 =	vld [tilespmem:$0x6470]  }
0x7e: {  	v6 =	vld [tilespmem:$0x6480]  }
0x7f: {  	v7 =	vld [tilespmem:$0x6490]  }
0x80: {  	v3 =	vadd.s32 v0, v3  }
0x81: {  	[tilespmem:$0x6630] =	vst v3;
	v3 =	vadd.s32 v0, v4  }
0x82: {  	[tilespmem:$0x6640] =	vst v3;
	v3 =	vadd.s32 v0, v5  }
0x83: {  	[tilespmem:$0x6650] =	vst v3;
	v3 =	vadd.s32 v0, v6  }
0x84: {  	[tilespmem:$0x6660] =	vst v3;
	v3 =	vadd.s32 v0, v7  }
0x85: {  	[tilespmem:$0x6670] =	vst v3  }
0x86: {  	[tilespmem:s28], [sflag:$0x4] =	stream.indirect.gather [hbm4b:s8+s25], $0x90, s1, s25, $0xb8;
	[tilespmem:$0x1CE90] =	vst v63  }
0x87: {  	_ = 	snop  }
0x88: {  	[tilespmem:s7], [sflag:$0x4] =	stream.indirect.gather [hbm4b:s6+s25], $0x10, s29, s25, $0xb8;
	[tilespmem:$0x1CE90] =	vst v63  }
0x89: {  	_ =	swait.ge [sflag:s9], $0x2D00  }
0x8a: {  	[sflag:s9] =	ssyncset.done $0x0  }
0x8b: {  	[sflag:s9] =	ssyncadd.s32 $0xFFFFD300  }
0x8c: {  	_ =	swait.ge [sflag:s9], $0x500  }
0x8d: {  	[sflag:s9] =	ssyncset.done $0x0  }
0x8e: {  	[sflag:s9] =	ssyncadd.s32 $0xFFFFFB00  }
0x8f: {  	v3 =	vld [tilespmem:$0x64A0]  }
0x90: {  	v4 =	vld [tilespmem:$0x64B0]  }
0x91: {  	v5 =	vld [tilespmem:$0x64C0]  }
0x92: {  	v6 =	vld [tilespmem:$0x64D0]  }
0x93: {  	p1 =	seq.s32 s17, $0x7C;
	v7 =	vld [tilespmem:$0x64E0]  }
0x94: {  	s26 =	smul.u32 @!p1 $0xA0, s17;
	[tilespmem:$0x6540] =	vst v3  }
0x95: {  	[tilespmem:$0x6550] =	vst v4  }
0x96: {  	s18 =	sadd.s32 @!p1 s26, s21;
	[tilespmem:$0x6560] =	vst v5  }
0x97: {  	s18 =	sshrl.u32 @!p1 s18, $0x3;
	[tilespmem:$0x6570] =	vst v6  }
0x98: {  	s20 =	simm.s32 @!p1 $0x0;
	s23 =	simm.s32 @!p1 $0x6400;
	s19 =	sadd.s32 @!p1 s4, s18;
	[tilespmem:$0x6580] =	vst v7  }
0x99: {  	[tilespmem:s23], [sflag:$0x1] =	stream.linear.gather @!p1 [hbm4b:s19+s20], $0x50, $0x38;
	[tilespmem:$0x1CE90] =	vst v63  }
0x9a: {  	s18 =	sadd.s32 @!p1 s5, s18;
	s19 =	simm.s32 @!p1 $0x64A0  }
0x9b: {  	[tilespmem:s19], [sflag:$0x1] =	stream.linear.gather @!p1 [hbm4b:s18+s20], $0x50, $0x38;
	[tilespmem:$0x1CE90] =	vst v63  }
0x9c: {  	s18 =	simm.s32 $0x40  }
0x9d: {  	s24 =	simm.s32 $0x0;
	v3 =	vld [tilespmem:s18+$0x40]  }
0x9e: {  	s20 =	simm.s32 $0x40;
	s19 =	simm.s32 $0x40;
	v4 =	vld [tilespmem:s24+$0x5A00]  }
.LBB2_5:
0x9f: {  	p2 =	sne.s32 s20, $0x13C0;
	_ =	sdelay $0x3  }
0xa0: {  	v5 =	vadd.f32 v4, v3;
	v4 =	vadd.f32 v4, v2;
	_ =	sdelay $0x1  }
0xa1: {  	v6 =	vmul.f32 $2.000000030e-01, v5;
	v7 =	vmul.f32 $2.000000030e-01, v4  }
0xa2: {  	vm2 =	vgt.f32 v5, $0.0e+00;
	vm3 =	vgt.f32 v4, $0.0e+00  }
0xa3: {  	v5 =	vsel vm2, v5, v6;
	v4 =	vsel vm3, v4, v7  }
0xa4: {  	v4 =	vsub.f32 v5, v4;
	_ =	sdelay $0x1  }
0xa5: {  	v4 =	vmul.f32 $1.442695020e+00, v4;
	_ =	sdelay $0x1  }
0xa6: {  	(erf) = vpow2.f32 v4;
	_ =	sdelay $0x8  }
0xa7: {  	v4 =	vpop (erf)  }
0xa8: {  	(v2sf) =	vpush v4, $0x1  }
0xa9: {  	(v2sf) =	vpush v4, $0x3  }
0xaa: {  	(v2sf) =	vpush v4, $0x0  }
0xab: {  	(v2sf) =	vpush v4, $0x2;
	_ =	sdelay $0x6  }
0xac: {  	v4 =	vld [tilespmem:s18+$0xFFFFFFF0]  }
0xad: {  	v5 =	vld [tilespmem:s18+$0x30]  }
0xae: {  	v6 =	vld [tilespmem:s18+$0x20]  }
0xaf: {  	v7 =	vld [tilespmem:s18+$0x10]  }
0xb0: {  	v8 =	vld [tilespmem:s18+$0x0]  }
0xb1: {  	v9 =	vld [tilespmem:s18+$0xFFFFFFE0];
	s23 =	spop (v2sf)  }
0xb2: {  	v10 =	vld [tilespmem:s18+$0xFFFFFFD0];
	s24 =	spop (v2sf)  }
0xb3: {  	s24 =	smov.u32 @p0 s23;
	v11 =	vld [tilespmem:s18+$0xFFFFFFC0];
	s23 =	spop (v2sf)  }
0xb4: {  	v12 =	vmov s24;
	v6 =	vmul.f32 s24, v6;
	v5 =	vmul.f32 s24, v5;
	s15 =	spop (v2sf)  }
0xb5: {  	v7 =	vmul.f32 s24, v7;
	s15 =	smov.u32 @p0 s23;
	v8 =	vmul.f32 s24, v8;
	v12 =	vnsel vm0, $0x0, v12  }
0xb6: {  	v9 =	vmul.f32 s15, v9;
	v4 =	vmul.f32 s15, v4;
	[tilespmem:s18+$0x30] =	vst v5;
	v5 =	vnsel vm1, s15, v12  }
0xb7: {  	v10 =	vmul.f32 s15, v10;
	[tilespmem:s18+$0x20] =	vst v6;
	v3 =	vmul.f32 v5, v3  }
0xb8: {  	v5 =	vmul.f32 s15, v11;
	[tilespmem:s18+$0xFFFFFFF0] =	vst v4  }
0xb9: {  	[tilespmem:s18+$0x40] =	vst v3  }
0xba: {  	[tilespmem:s18+$0xFFFFFFE0] =	vst v9  }
.Ltmp1:
0xbb: {  	[tilespmem:s18+$0xFFFFFFD0] =	vst v10;
	(pc) =	sbr.rel @p2 .LBB2_5-.Ltmp1, $4  }
0xbc: {  	[tilespmem:s18+$0xFFFFFFC0] =	vst v5  }
0xbd: {  	s18 =	sadd.s32 $0x90, s18;
	[tilespmem:s19+$0x10] =	vst v7  }
0xbe: {  	s15 =	sshra.s32 s20, $0x2;
	v3 =	vld [tilespmem:s18+$0x40];
	[tilespmem:s19+$0x0] =	vst v8;
	s19 =	smov.u32 s18  }
0xbf: {  	s20 =	sadd.s32 $0x40, s20;
	v4 =	vld [tilespmem:s15+$0x5A00]  }
0xc0: {  	_ =	sdelay $0x3  }
0xc1: {  	v5 =	vadd.f32 v4, v3;
	v4 =	vadd.f32 v4, v2;
	_ =	sdelay $0x1  }
0xc2: {  	v6 =	vmul.f32 $2.000000030e-01, v5;
	v7 =	vmul.f32 $2.000000030e-01, v4  }
0xc3: {  	vm2 =	vgt.f32 v5, $0.0e+00;
	vm3 =	vgt.f32 v4, $0.0e+00  }
0xc4: {  	v5 =	vsel vm2, v5, v6;
	v4 =	vsel vm3, v4, v7  }
0xc5: {  	v4 =	vsub.f32 v5, v4;
	_ =	sdelay $0x1  }
0xc6: {  	v4 =	vmul.f32 $1.442695020e+00, v4;
	_ =	sdelay $0x1  }
0xc7: {  	(erf) = vpow2.f32 v4;
	_ =	sdelay $0x8  }
0xc8: {  	v4 =	vpop (erf)  }
0xc9: {  	(v2sf) =	vpush v4, $0x1  }
0xca: {  	(v2sf) =	vpush v4, $0x3  }
0xcb: {  	(v2sf) =	vpush v4, $0x0  }
0xcc: {  	(v2sf) =	vpush v4, $0x2;
	_ =	sdelay $0x9  }
0xcd: {  	v5 =	vld [tilespmem:s18+$0x30]  }
0xce: {  	v6 =	vld [tilespmem:s18+$0x20]  }
0xcf: {  	v4 =	vld [tilespmem:s18+$0xFFFFFFF0];
	s15 =	spop (v2sf)  }
0xd0: {  	s20 =	spop (v2sf)  }
0xd1: {  	v9 =	vld [tilespmem:s18+$0xFFFFFFE0];
	s20 =	smov.u32 @p0 s15;
	s15 =	spop (v2sf)  }
0xd2: {  	v10 =	vld [tilespmem:s18+$0xFFFFFFD0];
	v11 =	vmov s20;
	v5 =	vmul.f32 s20, v5;
	s23 =	spop (v2sf)  }
0xd3: {  	v12 =	vld [tilespmem:s18+$0xFFFFFFC0];
	v6 =	vmul.f32 s20, v6;
	s23 =	smov.u32 @p0 s15;
	v11 =	vnsel vm0, $0x0, v11  }
0xd4: {  	v7 =	vld [tilespmem:s18+$0x10];
	v4 =	vmul.f32 s23, v4;
	[tilespmem:s18+$0x30] =	vst v5;
	v5 =	vnsel vm1, s23, v11  }
0xd5: {  	v8 =	vld [tilespmem:s18+$0x0];
	[tilespmem:s18+$0x20] =	vst v6;
	v3 =	vmul.f32 v5, v3  }
0xd6: {  	v5 =	vmul.f32 s23, v9;
	[tilespmem:s18+$0xFFFFFFF0] =	vst v4  }
0xd7: {  	v4 =	vmul.f32 s23, v10;
	[tilespmem:s18+$0x40] =	vst v3  }
0xd8: {  	v3 =	vmul.f32 s23, v12;
	[tilespmem:s18+$0xFFFFFFE0] =	vst v5  }
0xd9: {  	v5 =	vmul.f32 s20, v7;
	[tilespmem:s18+$0xFFFFFFD0] =	vst v4  }
0xda: {  	v4 =	vmul.f32 s20, v8;
	[tilespmem:s18+$0xFFFFFFC0] =	vst v3  }
0xdb: {  	[tilespmem:s19+$0x10] =	vst v5  }
0xdc: {  	[tilespmem:s19+$0x0] =	vst v4  }
0xdd: {  	[spmem:s2] =	stream.indirect.scatter.add.f32 [tilespmem:s3], [sflag:$0x5], $0x90, s10, s25, $0xb8;
	[tilespmem:$0x1CE90] =	vst v63  }
0xde: {  	_ =	swait.ge [sflag:s11], $0x2D00  }
0xdf: {  	[sflag:s11] =	ssyncset.done $0x0  }
0xe0: {  	s15 =	simm.s32 @!p1 $0x1;
	[sflag:s11] =	ssyncadd.s32 $0xFFFFD300  }
0xe1: {  	_ =	swait.ge @!p1 [sflag:s15], $0x50  }
0xe2: {  	[sflag:s15] =	ssyncset.done @!p1 $0x0  }
0xe3: {  	[sflag:s15] =	ssyncadd.s32 @!p1 $0xFFFFFFB0  }
0xe4: {  	_ =	swait.ge @!p1 [sflag:s15], $0x50  }
0xe5: {  	[sflag:s15] =	ssyncset.done @!p1 $0x0  }
0xe6: {  	[sflag:s15] =	ssyncadd.s32 @!p1 $0xFFFFFFB0  }
0xe7: {  	v3 =	vld @!p1 [tilespmem:$0x6400]  }
0xe8: {  	v4 =	vld @!p1 [tilespmem:$0x6410]  }
0xe9: {  	v5 =	vld @!p1 [tilespmem:$0x6420]  }
0xea: {  	v6 =	vld @!p1 [tilespmem:$0x6430]  }
0xeb: {  	v7 =	vld @!p1 [tilespmem:$0x6440]  }
0xec: {  	v3 =	vadd.s32 @!p1 v0, v3  }
0xed: {  	[tilespmem:$0x65E0] =	vst @!p1 v3;
	v3 =	vadd.s32 @!p1 v0, v4  }
0xee: {  	[tilespmem:$0x65F0] =	vst @!p1 v3;
	v3 =	vadd.s32 @!p1 v0, v5  }
0xef: {  	[tilespmem:$0x6600] =	vst @!p1 v3;
	v3 =	vadd.s32 @!p1 v0, v6  }
0xf0: {  	[tilespmem:$0x6610] =	vst @!p1 v3;
	v3 =	vadd.s32 @!p1 v0, v7  }
0xf1: {  	s18 =	simm.s32 @!p1 $0x65E0;
	s19 =	simm.s32 @!p1 $0x0;
	s15 =	simm.s32 @!p1 $0x50;
	[tilespmem:$0x6620] =	vst @!p1 v3  }
0xf2: {  	[tilespmem:s19], [sflag:$0x3] =	stream.indirect.gather @!p1 [hbm4b:s8+s15], $0x90, s18, s15, $0xb8;
	[tilespmem:$0x1CE90] =	vst v63  }
0xf3: {  	s20 =	simm.s32 @!p1 $0x5A00;
	s18 =	simm.s32 @!p1 $0x64A0  }
0xf4: {  	[tilespmem:s20], [sflag:$0x3] =	stream.indirect.gather @!p1 [hbm4b:s6+s15], $0x10, s18, s15, $0xb8;
	[tilespmem:$0x1CE90] =	vst v63  }
0xf5: {  	_ =	swait.ge [sflag:s12], $0x2D00  }
0xf6: {  	[sflag:s12] =	ssyncset.done $0x0  }
0xf7: {  	[sflag:s12] =	ssyncadd.s32 $0xFFFFD300  }
0xf8: {  	_ =	swait.ge [sflag:s12], $0x500  }
0xf9: {  	[sflag:s12] =	ssyncset.done $0x0  }
0xfa: {  	[sflag:s12] =	ssyncadd.s32 $0xFFFFFB00  }
0xfb: {  	v3 =	vld [tilespmem:$0x64F0]  }
0xfc: {  	v4 =	vld [tilespmem:$0x6500]  }
0xfd: {  	v5 =	vld [tilespmem:$0x6510]  }
0xfe: {  	v6 =	vld [tilespmem:$0x6520]  }
0xff: {  	v7 =	vld [tilespmem:$0x6530]  }
0x100: {  	[tilespmem:$0x6590] =	vst v3  }
0x101: {  	[tilespmem:$0x65A0] =	vst v4  }
0x102: {  	s15 =	sadd.s32 @!p1 s26, s22;
	[tilespmem:$0x65B0] =	vst v5  }
0x103: {  	s15 =	sshrl.u32 @!p1 s15, $0x3;
	[tilespmem:$0x65C0] =	vst v6  }
0x104: {  	s20 =	simm.s32 @!p1 $0x6450;
	s18 =	sadd.s32 @!p1 s4, s15;
	[tilespmem:$0x65D0] =	vst v7  }
0x105: {  	[tilespmem:s20], [sflag:$0x2] =	stream.linear.gather @!p1 [hbm4b:s18+s19], $0x50, $0x38;
	[tilespmem:$0x1CE90] =	vst v63  }
0x106: {  	s15 =	sadd.s32 @!p1 s5, s15;
	s18 =	simm.s32 @!p1 $0x64F0  }
0x107: {  	[tilespmem:s18], [sflag:$0x2] =	stream.linear.gather @!p1 [hbm4b:s15+s19], $0x50, $0x38;
	[tilespmem:$0x1CE90] =	vst v63  }
0x108: {  	s18 =	simm.s32 $0x2D80  }
0x109: {  	s26 =	simm.s32 $0x0;
	v3 =	vld [tilespmem:s18+$0x0]  }
0x10a: {  	s20 =	simm.s32 $0x40;
	s19 =	simm.s32 $0x2D80;
	v4 =	vld [tilespmem:s26+$0x5F00]  }
.LBB2_7:
0x10b: {  	p1 =	sne.s32 s20, $0x13C0;
	_ =	sdelay $0x3  }
0x10c: {  	v5 =	vadd.f32 v4, v3;
	v4 =	vadd.f32 v4, v2;
	_ =	sdelay $0x1  }
0x10d: {  	v6 =	vmul.f32 $2.000000030e-01, v5;
	v7 =	vmul.f32 $2.000000030e-01, v4  }
0x10e: {  	vm2 =	vgt.f32 v5, $0.0e+00;
	vm3 =	vgt.f32 v4, $0.0e+00  }
0x10f: {  	v5 =	vsel vm2, v5, v6;
	v4 =	vsel vm3, v4, v7  }
0x110: {  	v4 =	vsub.f32 v5, v4;
	_ =	sdelay $0x1  }
0x111: {  	v4 =	vmul.f32 $1.442695020e+00, v4;
	_ =	sdelay $0x1  }
0x112: {  	(erf) = vpow2.f32 v4;
	_ =	sdelay $0x8  }
0x113: {  	v4 =	vpop (erf)  }
0x114: {  	(v2sf) =	vpush v4, $0x1  }
0x115: {  	(v2sf) =	vpush v4, $0x3  }
0x116: {  	(v2sf) =	vpush v4, $0x0  }
0x117: {  	(v2sf) =	vpush v4, $0x2;
	_ =	sdelay $0x6  }
0x118: {  	v4 =	vld [tilespmem:s18+$0xFFFFFFF0]  }
0x119: {  	v5 =	vld [tilespmem:s18+$0xFFFFFFE0]  }
0x11a: {  	v6 =	vld [tilespmem:s18+$0xFFFFFFD0]  }
0x11b: {  	v7 =	vld [tilespmem:s18+$0xFFFFFFC0]  }
0x11c: {  	v8 =	vld [tilespmem:s18+$0xFFFFFFB0]  }
0x11d: {  	v9 =	vld [tilespmem:s18+$0xFFFFFFA0];
	s15 =	spop (v2sf)  }
0x11e: {  	v10 =	vld [tilespmem:s18+$0xFFFFFF90];
	s23 =	spop (v2sf)  }
0x11f: {  	s23 =	smov.u32 @p0 s15;
	v11 =	vld [tilespmem:s18+$0xFFFFFF80];
	s15 =	spop (v2sf)  }
0x120: {  	v12 =	vmov s23;
	v5 =	vmul.f32 s23, v5;
	v4 =	vmul.f32 s23, v4;
	s24 =	spop (v2sf)  }
0x121: {  	v7 =	vmul.f32 s23, v7;
	v6 =	vmul.f32 s23, v6;
	s24 =	smov.u32 @p0 s15;
	v12 =	vnsel vm0, $0x0, v12  }
0x122: {  	v9 =	vmul.f32 s24, v9;
	v8 =	vmul.f32 s24, v8;
	[tilespmem:s18+$0xFFFFFFF0] =	vst v4;
	v4 =	vnsel vm1, s24, v12  }
0x123: {  	v10 =	vmul.f32 s24, v10;
	[tilespmem:s18+$0xFFFFFFE0] =	vst v5;
	v3 =	vmul.f32 v4, v3  }
0x124: {  	v4 =	vmul.f32 s24, v11;
	[tilespmem:s18+$0xFFFFFFB0] =	vst v8  }
0x125: {  	[tilespmem:s18+$0x0] =	vst v3  }
0x126: {  	[tilespmem:s18+$0xFFFFFFA0] =	vst v9  }
.Ltmp2:
0x127: {  	[tilespmem:s18+$0xFFFFFF90] =	vst v10;
	(pc) =	sbr.rel @p1 .LBB2_7-.Ltmp2, $4  }
0x128: {  	[tilespmem:s18+$0xFFFFFF80] =	vst v4  }
0x129: {  	s18 =	sadd.s32 $0x90, s18;
	[tilespmem:s19+$0xFFFFFFD0] =	vst v6  }
0x12a: {  	s15 =	sshra.s32 s20, $0x2;
	v3 =	vld [tilespmem:s18+$0x0];
	[tilespmem:s19+$0xFFFFFFC0] =	vst v7;
	s19 =	smov.u32 s18  }
0x12b: {  	s20 =	sadd.s32 $0x40, s20;
	v4 =	vld [tilespmem:s15+$0x5F00]  }
0x12c: {  	_ =	sdelay $0x3  }
0x12d: {  	v5 =	vadd.f32 v4, v3;
	v54 =	vadd.f32 v4, v2;
	_ =	sdelay $0x1  }
0x12e: {  	v6 =	vmul.f32 $2.000000030e-01, v5;
	v7 =	vmul.f32 $2.000000030e-01, v54  }
0x12f: {  	vm2 =	vgt.f32 v5, $0.0e+00;
	vm3 =	vgt.f32 v54, $0.0e+00  }
0x130: {  	v5 =	vsel vm2, v5, v6;
	v4 =	vsel vm3, v54, v7  }
0x131: {  	v4 =	vsub.f32 v5, v4;
	_ =	sdelay $0x1  }
0x132: {  	v4 =	vmul.f32 $1.442695020e+00, v4;
	_ =	sdelay $0x1  }
0x133: {  	(erf) = vpow2.f32 v4;
	_ =	sdelay $0x8  }
0x134: {  	v4 =	vpop (erf)  }
0x135: {  	(v2sf) =	vpush v4, $0x1  }
0x136: {  	(v2sf) =	vpush v4, $0x3  }
0x137: {  	(v2sf) =	vpush v4, $0x0  }
0x138: {  	(v2sf) =	vpush v4, $0x2;
	_ =	sdelay $0x9  }
0x139: {  	v55 =	vld [tilespmem:s18+$0xFFFFFFF0]  }
0x13a: {  	v56 =	vld [tilespmem:s18+$0xFFFFFFE0]  }
0x13b: {  	v58 =	vld [tilespmem:s18+$0xFFFFFFB0];
	s15 =	spop (v2sf)  }
0x13c: {  	v9 =	vld [tilespmem:s18+$0xFFFFFFA0];
	s20 =	spop (v2sf)  }
0x13d: {  	v10 =	vld [tilespmem:s18+$0xFFFFFF90];
	s20 =	smov.u32 @p0 s15;
	s15 =	spop (v2sf)  }
0x13e: {  	v4 =	vmul.f32 s20, v55;
	s23 =	spop (v2sf)  }
0x13f: {  	v8 =	vld [tilespmem:s18+$0xFFFFFFC0];
	v5 =	vmul.f32 s20, v56;
	s23 =	smov.u32 @p0 s15  }
0x140: {  	v57 =	vld [tilespmem:s18+$0xFFFFFFD0];
	v11 =	vmov s20;
	v7 =	vmul.f32 s23, v58;
	[tilespmem:s18+$0xFFFFFFF0] =	vst v4  }
0x141: {  	v12 =	vld [tilespmem:s18+$0xFFFFFF80];
	v11 =	vnsel vm0, $0x0, v11;
	[tilespmem:s18+$0xFFFFFFE0] =	vst v5;
	v60 =	vmul.f32 s23, v9  }
0x142: {  	v59 =	vnsel vm1, s23, v11;
	v61 =	vmul.f32 s23, v10;
	[tilespmem:s18+$0xFFFFFFB0] =	vst v7  }
0x143: {  	s17 =	sadd.s32 $0x1, s17;
	v3 =	vmul.f32 v59, v3;
	[tilespmem:s18+$0xFFFFFFA0] =	vst v60  }
0x144: {  	p1 =	sne.s32 s17, $0x7D;
	v63 =	vmul.f32 s20, v8;
	[tilespmem:s18+$0xFFFFFF90] =	vst v61  }
.Ltmp3:
0x145: {  	v62 =	vmul.f32 s20, v57;
	[tilespmem:s18+$0x0] =	vst v3;
	(pc) =	sbr.rel @p1 .LBB2_4-.Ltmp3, $4  }
0x146: {  	v3 =	vmul.f32 s23, v12;
	[tilespmem:s19+$0xFFFFFFC0] =	vst v63  }
0x147: {  	[tilespmem:s19+$0xFFFFFFD0] =	vst v62  }
0x148: {  	[tilespmem:s18+$0xFFFFFF80] =	vst v3  }
0x149: {  	[spmem:s2] =	stream.indirect.scatter.add.f32 [tilespmem:s28], [sflag:$0x6], $0x90, s14, s25, $0xb8;
	[tilespmem:$0x1CE90] =	vst v63  }
0x14a: {  	s15 =	simm.s32 $0x6  }
0x14b: {  	_ =	swait.ge [sflag:s15], $0x2D00  }
0x14c: {  	[sflag:s15] =	ssyncset.done $0x0  }
0x14d: {  	s24 =	stileid.u32;
	[sflag:s15] =	ssyncadd.s32 $0xFFFFD300  }
0x14e: {  	s15 =	sshll.u32 s24, $0x6;
	[bflag:$0x0] =	sbarrier.arrive $0xFFFF  }
0x14f: {  	s17 =	sshrl.u32 s13, $0x3;
	s15 =	sor.u32 $0x1C07, s15;
	s18 =	rddreg [dreg:$0xf]  }
0x150: {  	[hbm:s18], [sflag:s15] =	dma.local [spmem:s17], $0x2D00  }
0x151: {  	_ =	swait.ge [sflag:s31], $0x2D00  }
0x152: {  	s16 =	sadd.s32 $0x1, s16;
	s26 =	rddreg [dreg:$0x10]  }
0x153: {  	p1 =	sne.s32 s16, s26  }
.Ltmp4:
0x154: {  	_ = 	snop;
	(pc) =	sbr.rel @p1 .LBB2_1-.Ltmp4, $3  }
0x155: {  	_ =	sdelay $0x1  }
0x156: {  	[sflag:s31] =	ssyncset.done $0x0  }
0x157: {  	[sflag:s31] =	ssyncadd.s32 $0xFFFFD300  }
0x158: {  	_ =	sfence.sel $0x180000  }
0x159: {  	[bflag:$0x0] =	sbarrier.arrive $0xFFFF  }
0x15a: {  	_ =	strace $0x90000047  }
0x15b: {  	s0 =	stileid.u32;
	[bflag:$0x2] =	sbarrier.arrive $0xFFFF  }
0x15c: {  	p0 =	sne.s32 s0, $0x0;
	s0 =	rddreg [dreg:$0x2]  }
0x15d: {  	s0 =	sadd.s32 @!p0 $0x100000, s0  }
0x15e: {  	[sflag:s0] =	ssyncadd.tile.s32 @!p0 $0x1;
	_ =	shalt  }
.Lfunc_end2:
_tile_overlayer_lowered:
.L_overlay_start_2:
0x15f: {  	(tag) =	ssettag $0x2  }
0x160: {  	s0 =	rddreg [dreg:$0x0];
	s2 =	stileid.u32  }
0x161: {  	s1 =	rddreg [dreg:$0x1];
	p0 =	sne.s32 s2, $0x0  }
0x162: {  	s3 =	rddreg [dreg:$0x2];
	[bflag:$0x3] =	sbarrier.arrive $0xFFFF;
	s2 =	simm.s32 @!p0 $0x1C07  }
0x163: {  	[timem:s3], [sflag:s2] =	dma.local @!p0 [hbm:s0], s1  }
0x164: {  	s0 =	simm.s32 @!p0 $0x7  }
0x165: {  	_ =	swait.ge @!p0 [sflag:s0], s1  }
0x166: {  	s1 =	ssub.s32 @!p0 $0x0, s1;
	[sflag:s0] =	ssyncset.done @!p0 $0x0  }
0x167: {  	[sflag:s0] =	ssyncadd.s32 @!p0 s1  }
0x168: {  	[bflag:$0x3] =	sbarrier.arrive $0xFFFF  }
0x169: {  	_ =	shalt  }

</sc_bundles>
